<compile_context>
chip_gen: v7x
topology: tpu7x:2x2x1
jax: 0.10.2.dev20260603
libtpu: 0.0.44.dev20260713+nightly
codegen_flags: <defaults>
</compile_context>

<pallas_src>
import functools

import jax
import jax.numpy as jnp
from jax import lax
from jax.experimental import pallas as pl
from jax.experimental.pallas import tpu as pltpu
from jax.experimental.pallas import tpu_sc as plsc

B = 8192
L = 4096
LANES = 16
RL = L // LANES
NL = B * RL
NW = 32
RW = B // NW
DRAIN_LINES = RW * (RL - 1)


def _sc_body(img_ref, pos_ref, zeros_ref, out_ref, pos_v, idx_v, sliv_v,
             sem_g, sem_c):
    w = lax.axis_index("s") * 2 + lax.axis_index("c")
    row0 = w * RW

    pltpu.sync_copy(pos_ref.at[pl.ds(row0 * 1, RW)], pos_v)

    for c in range(RW // LANES):
        pv = pos_v[pl.ds(c * LANES, LANES)]
        rows = lax.iota(jnp.int32, LANES) + (row0 + c * LANES)
        idx = rows * RL + (pv >> 4)
        idx_v[c // 8, pl.ds((c % 8) * LANES, LANES)] = idx

    g0 = pltpu.make_async_copy(img_ref.at[idx_v.at[0]], sliv_v.at[0], sem_g)
    g1 = pltpu.make_async_copy(img_ref.at[idx_v.at[1]], sliv_v.at[1], sem_g)
    g0.start()
    g1.start()

    def row_chunk(c, _):
        pv = pos_v[pl.ds(c * LANES, LANES)]
        for j in range(LANES):
            pos = pv[j]
            nf = pos >> 4
            base = (row0 + c * LANES + j) * RL
            nz = (RL - 1) - nf
            zbase = base + nf + 1
            for k in range(7, -1, -1):
                sz = 1 << k
                off = nf & ~((sz << 1) - 1)

                @pl.when(((nf >> k) & 1) == 1)
                def _():
                    pass

                zoff = nz & ~((sz << 1) - 1)

                @pl.when(((nz >> k) & 1) == 1)
                def _():
                    pass
        return 0
    lax.fori_loop(0, RW // LANES, row_chunk, 0)

    g0.wait()
    g1.wait()
    lanes = lax.iota(jnp.int32, LANES)

    def mask_body(c, _):
        pv0 = pos_v[pl.ds(c * LANES, LANES)]
        pv1 = pos_v[pl.ds(c * LANES + 128, LANES)]
        for j in range(LANES):
            i = c * LANES + j
            m0 = pv0[j] & 15
            sliv_v[0, i, :] = jnp.where(lanes < m0, sliv_v[0, i, :], 0.0)
            m1 = pv1[j] & 15
            sliv_v[1, i, :] = jnp.where(lanes < m1, sliv_v[1, i, :], 0.0)
        return 0
    lax.fori_loop(0, 128 // LANES, mask_body, 0)

    s0 = pltpu.make_async_copy(sliv_v.at[0], out_ref.at[idx_v.at[0]], sem_g)
    s1 = pltpu.make_async_copy(sliv_v.at[1], out_ref.at[idx_v.at[1]], sem_g)
    s0.start()
    s1.start()
    s0.wait()
    s1.wait()

    del sem_c


def kernel(images, position):
    img_lines = images.reshape(NL, LANES)
    fn = pl.kernel(
        _sc_body,
        out_type=jax.ShapeDtypeStruct((NL, LANES), jnp.float32),
        mesh=plsc.VectorSubcoreMesh(core_axis_name="c", subcore_axis_name="s"),
        scratch_types=[
            pltpu.VMEM((RW,), jnp.int32),
            pltpu.VMEM((2, 128), jnp.int32),
            pltpu.VMEM((2, 128, LANES), jnp.float32),
            pltpu.SemaphoreType.DMA,
            pltpu.SemaphoreType.DMA,
        ],
        compiler_params=pltpu.CompilerParams(use_tc_tiling_on_sc=False),
    )
    zeros_src = jnp.zeros((128, LANES), jnp.float32)
    out = fn(img_lines, position, zeros_src)
    return out.reshape(B, L)

# --- scband reference (transcript-rebuilt; emitter-appended) ---
"""Pipeline reference for scband-control-flow-scan-decomposition-151564-22445499089120 (READ-ONLY COPY).

The authoritative reference and input builder live on the scoring server;
editing this copy changes nothing except your own understanding.
"""

import jax, jax.numpy as jnp
import numpy as np

B = 8192
L = 4096

def setup_inputs(seed: int = 0) -> dict:
    key = jax.random.key(seed)
    k1, k2 = jax.random.split(key)
    images = jax.random.normal(k1, (B, L), dtype=jnp.float32)
    position = jax.random.randint(k2, (B,), 0, L, dtype=jnp.int64 if jax.config.jax_enable_x64 else jnp.int32).astype(jnp.int32)
    return {"images": images, "position": position}

def reference(images, position):
    # Equivalent of: for i in range(B): copy[i, :pos[i]] = padded[i, :pos[i]]
    # i.e. keep prefix of each row up to position[i], zero out the rest.
    col = jnp.arange(images.shape[1], dtype=position.dtype)
    mask = col[None, :] < position[:, None]
    out = jnp.where(mask, images, jnp.zeros((), dtype=images.dtype))
    return out

if __name__ == "__main__":
    import jax
    _d = setup_inputs()
    print(jax.jit(kernel)(*tuple(_d.values())))

</pallas_src>

<mosaic_0001>
#map = affine_map<(d0, d1) -> (0, 0)>
#map1 = affine_map<(d0, d1) -> (0)>
module attributes {stable_mosaic.version = 14 : i64} {
  func.func @_sc_body(%arg0: i32, %arg1: i32, %arg2: memref<2097152x16xf32, #tpu.memory_space<hbm>>, %arg3: memref<8192xi32, #tpu.memory_space<hbm>>, %arg4: memref<128x16xf32, #tpu.memory_space<hbm>>, %arg5: memref<2097152x16xf32, #tpu.memory_space<hbm>>, %arg6: memref<256xi32, #tpu.memory_space<vmem>>, %arg7: memref<2x128xi32, #tpu.memory_space<vmem>>, %arg8: memref<2x128x16xf32, #tpu.memory_space<vmem>>, %arg9: memref<!tpu.dma_semaphore, #tpu.memory_space<semaphore_mem>>, %arg10: memref<!tpu.dma_semaphore, #tpu.memory_space<semaphore_mem>>) attributes {dimension_semantics = [#tpu.dimension_semantics<core_parallel>, #tpu.dimension_semantics<subcore_parallel>], iteration_bounds = array<i64: 2, 16>, scalar_prefetch = 0 : i64, scratch_operands = 5 : i64, tpu.core_type = #tpu.core_type<sc_vector_subcore>, window_params = [{transform_indices = #map}, {transform_indices = #map1}, {transform_indices = #map}, {transform_indices = #map}]} {
    %mul3A = arith.constant 2 : i32
    %mul3A_0 = arith.muli %arg1, %mul3A : i32
    %add3A = arith.addi %mul3A_0, %arg0 : i32
    %mul3A_1 = arith.constant 256 : i32
    %mul3A_2 = arith.muli %add3A, %mul3A_1 : i32
    %mul3A_3 = arith.constant 1 : i32
    %mul3A_4 = arith.muli %mul3A_2, %mul3A_3 : i32
    "tpu.region"() ({
      %run_scoped3A = tpu.sem_alloc : memref<!tpu.dma_semaphore, #tpu.memory_space<semaphore_mem>>
      %dma_start3A_445 = tpu.memref_slice %arg3[%mul3A_4] : memref<8192xi32, #tpu.memory_space<hbm>> -> memref<256xi32, #tpu.memory_space<hbm>>
      %dma_start3A_446 = tpu.memref_slice %arg3[%mul3A_4] : memref<8192xi32, #tpu.memory_space<hbm>> -> memref<256xi32, #tpu.memory_space<hbm>>
      tpu.enqueue_dma source(%dma_start3A_446 : memref<256xi32, #tpu.memory_space<hbm>>) target(%arg6 : memref<256xi32, #tpu.memory_space<vmem>>) target_semaphore(%run_scoped3A : memref<!tpu.dma_semaphore, #tpu.memory_space<semaphore_mem>>)
      %dma_wait3A_447 = tpu.memref_slice %arg3[%mul3A_4] : memref<8192xi32, #tpu.memory_space<hbm>> -> memref<256xi32, #tpu.memory_space<hbm>>
      %dma_wait3A_448 = tpu.memref_slice %arg3[%mul3A_4] : memref<8192xi32, #tpu.memory_space<hbm>> -> memref<256xi32, #tpu.memory_space<hbm>>
      tpu.wait_dma2 semaphore(%run_scoped3A : memref<!tpu.dma_semaphore, #tpu.memory_space<semaphore_mem>>) src(%dma_wait3A_448 : memref<256xi32, #tpu.memory_space<hbm>>) dst(%arg6 : memref<256xi32, #tpu.memory_space<vmem>>)
      tpu.yield
    }) : () -> ()
    %get3A = arith.constant 0 : index
    %get3A_5 = tpu.vector_load %arg6[%get3A] {strides = array<i32>} : memref<256xi32, #tpu.memory_space<vmem>>, vector<16xi32>,
    %get3A_6 = vector.shape_cast %get3A_5 : vector<16xi32> to vector<16xi32>
    %iota3A = tpu.iota {dimensions = array<i32: 0>} : vector<16xi32>
    %add3A_7 = arith.constant 0 : i32
    %add3A_8 = arith.addi %mul3A_2, %add3A_7 : i32
    %add3A_9 = vector.broadcast %add3A_8 : i32 to vector<16xi32>
    %add3A_10 = arith.addi %iota3A, %add3A_9 : vector<16xi32>
    %mul3A_11 = arith.constant 256 : i32
    %mul3A_12 = vector.broadcast %mul3A_11 : i32 to vector<16xi32>
    %mul3A_13 = arith.muli %add3A_10, %mul3A_12 : vector<16xi32>
    %shift_right_arithmetic3A = arith.constant 4 : i32
    %shift_right_arithmetic3A_14 = vector.broadcast %shift_right_arithmetic3A : i32 to vector<16xi32>
    %shift_right_arithmetic3A_15 = arith.shrsi %get3A_6, %shift_right_arithmetic3A_14 : vector<16xi32>
    %add3A_16 = arith.addi %mul3A_13, %shift_right_arithmetic3A_15 : vector<16xi32>
    %swap3A = arith.constant 0 : i32
    %swap3A_17 = arith.index_cast %swap3A : i32 to index
    %swap3A_18 = arith.constant 0 : index
    %swap3A_19 = tpu.vector_load %arg7[%swap3A_17, %swap3A_18] {strides = array<i32>} : memref<2x128xi32, #tpu.memory_space<vmem>>, vector<1x16xi32>,
    %swap3A_20 = vector.shape_cast %swap3A_19 : vector<1x16xi32> to vector<16xi32>
    %swap3A_21 = vector.shape_cast %add3A_16 : vector<16xi32> to vector<1x16xi32>
    tpu.vector_store %arg7[%swap3A_17, %swap3A_18], %swap3A_21 {strides = array<i32>} : memref<2x128xi32, #tpu.memory_space<vmem>>, vector<1x16xi32>,
    %get3A_22 = arith.constant 16 : index
    %get3A_23 = tpu.vector_load %arg6[%get3A_22] {strides = array<i32>} : memref<256xi32, #tpu.memory_space<vmem>>, vector<16xi32>,
    %get3A_24 = vector.shape_cast %get3A_23 : vector<16xi32> to vector<16xi32>
    %iota3A_25 = tpu.iota {dimensions = array<i32: 0>} : vector<16xi32>
    %add3A_26 = arith.constant 16 : i32
    %add3A_27 = arith.addi %mul3A_2, %add3A_26 : i32
    %add3A_28 = vector.broadcast %add3A_27 : i32 to vector<16xi32>
    %add3A_29 = arith.addi %iota3A_25, %add3A_28 : vector<16xi32>
    %mul3A_30 = arith.constant 256 : i32
    %mul3A_31 = vector.broadcast %mul3A_30 : i32 to vector<16xi32>
    %mul3A_32 = arith.muli %add3A_29, %mul3A_31 : vector<16xi32>
    %shift_right_arithmetic3A_33 = arith.constant 4 : i32
    %shift_right_arithmetic3A_34 = vector.broadcast %shift_right_arithmetic3A_33 : i32 to vector<16xi32>
    %shift_right_arithmetic3A_35 = arith.shrsi %get3A_24, %shift_right_arithmetic3A_34 : vector<16xi32>
    %add3A_36 = arith.addi %mul3A_32, %shift_right_arithmetic3A_35 : vector<16xi32>
    %swap3A_37 = arith.constant 0 : i32
    %swap3A_38 = arith.index_cast %swap3A_37 : i32 to index
    %swap3A_39 = arith.constant 16 : index
    %swap3A_40 = tpu.vector_load %arg7[%swap3A_38, %swap3A_39] {strides = array<i32>} : memref<2x128xi32, #tpu.memory_space<vmem>>, vector<1x16xi32>,
    %swap3A_41 = vector.shape_cast %swap3A_40 : vector<1x16xi32> to vector<16xi32>
    %swap3A_42 = vector.shape_cast %add3A_36 : vector<16xi32> to vector<1x16xi32>
    tpu.vector_store %arg7[%swap3A_38, %swap3A_39], %swap3A_42 {strides = array<i32>} : memref<2x128xi32, #tpu.memory_space<vmem>>, vector<1x16xi32>,
    %get3A_43 = arith.constant 32 : index
    %get3A_44 = tpu.vector_load %arg6[%get3A_43] {strides = array<i32>} : memref<256xi32, #tpu.memory_space<vmem>>, vector<16xi32>,
    %get3A_45 = vector.shape_cast %get3A_44 : vector<16xi32> to vector<16xi32>
    %iota3A_46 = tpu.iota {dimensions = array<i32: 0>} : vector<16xi32>
    %add3A_47 = arith.constant 32 : i32
    %add3A_48 = arith.addi %mul3A_2, %add3A_47 : i32
    %add3A_49 = vector.broadcast %add3A_48 : i32 to vector<16xi32>
    %add3A_50 = arith.addi %iota3A_46, %add3A_49 : vector<16xi32>
    %mul3A_51 = arith.constant 256 : i32
    %mul3A_52 = vector.broadcast %mul3A_51 : i32 to vector<16xi32>
    %mul3A_53 = arith.muli %add3A_50, %mul3A_52 : vector<16xi32>
    %shift_right_arithmetic3A_54 = arith.constant 4 : i32
    %shift_right_arithmetic3A_55 = vector.broadcast %shift_right_arithmetic3A_54 : i32 to vector<16xi32>
    %shift_right_arithmetic3A_56 = arith.shrsi %get3A_45, %shift_right_arithmetic3A_55 : vector<16xi32>
    %add3A_57 = arith.addi %mul3A_53, %shift_right_arithmetic3A_56 : vector<16xi32>
    %swap3A_58 = arith.constant 0 : i32
    %swap3A_59 = arith.index_cast %swap3A_58 : i32 to index
    %swap3A_60 = arith.constant 32 : index
    %swap3A_61 = tpu.vector_load %arg7[%swap3A_59, %swap3A_60] {strides = array<i32>} : memref<2x128xi32, #tpu.memory_space<vmem>>, vector<1x16xi32>,
    %swap3A_62 = vector.shape_cast %swap3A_61 : vector<1x16xi32> to vector<16xi32>
    %swap3A_63 = vector.shape_cast %add3A_57 : vector<16xi32> to vector<1x16xi32>
    tpu.vector_store %arg7[%swap3A_59, %swap3A_60], %swap3A_63 {strides = array<i32>} : memref<2x128xi32, #tpu.memory_space<vmem>>, vector<1x16xi32>,
    %get3A_64 = arith.constant 48 : index
    %get3A_65 = tpu.vector_load %arg6[%get3A_64] {strides = array<i32>} : memref<256xi32, #tpu.memory_space<vmem>>, vector<16xi32>,
    %get3A_66 = vector.shape_cast %get3A_65 : vector<16xi32> to vector<16xi32>
    %iota3A_67 = tpu.iota {dimensions = array<i32: 0>} : vector<16xi32>
    %add3A_68 = arith.constant 48 : i32
    %add3A_69 = arith.addi %mul3A_2, %add3A_68 : i32
    %add3A_70 = vector.broadcast %add3A_69 : i32 to vector<16xi32>
    %add3A_71 = arith.addi %iota3A_67, %add3A_70 : vector<16xi32>
    %mul3A_72 = arith.constant 256 : i32
    %mul3A_73 = vector.broadcast %mul3A_72 : i32 to vector<16xi32>
    %mul3A_74 = arith.muli %add3A_71, %mul3A_73 : vector<16xi32>
    %shift_right_arithmetic3A_75 = arith.constant 4 : i32
    %shift_right_arithmetic3A_76 = vector.broadcast %shift_right_arithmetic3A_75 : i32 to vector<16xi32>
    %shift_right_arithmetic3A_77 = arith.shrsi %get3A_66, %shift_right_arithmetic3A_76 : vector<16xi32>
    %add3A_78 = arith.addi %mul3A_74, %shift_right_arithmetic3A_77 : vector<16xi32>
    %swap3A_79 = arith.constant 0 : i32
    %swap3A_80 = arith.index_cast %swap3A_79 : i32 to index
    %swap3A_81 = arith.constant 48 : index
    %swap3A_82 = tpu.vector_load %arg7[%swap3A_80, %swap3A_81] {strides = array<i32>} : memref<2x128xi32, #tpu.memory_space<vmem>>, vector<1x16xi32>,
    %swap3A_83 = vector.shape_cast %swap3A_82 : vector<1x16xi32> to vector<16xi32>
    %swap3A_84 = vector.shape_cast %add3A_78 : vector<16xi32> to vector<1x16xi32>
    tpu.vector_store %arg7[%swap3A_80, %swap3A_81], %swap3A_84 {strides = array<i32>} : memref<2x128xi32, #tpu.memory_space<vmem>>, vector<1x16xi32>,
    %get3A_85 = arith.constant 64 : index
    %get3A_86 = tpu.vector_load %arg6[%get3A_85] {strides = array<i32>} : memref<256xi32, #tpu.memory_space<vmem>>, vector<16xi32>,
    %get3A_87 = vector.shape_cast %get3A_86 : vector<16xi32> to vector<16xi32>
    %iota3A_88 = tpu.iota {dimensions = array<i32: 0>} : vector<16xi32>
    %add3A_89 = arith.constant 64 : i32
    %add3A_90 = arith.addi %mul3A_2, %add3A_89 : i32
    %add3A_91 = vector.broadcast %add3A_90 : i32 to vector<16xi32>
    %add3A_92 = arith.addi %iota3A_88, %add3A_91 : vector<16xi32>
    %mul3A_93 = arith.constant 256 : i32
    %mul3A_94 = vector.broadcast %mul3A_93 : i32 to vector<16xi32>
    %mul3A_95 = arith.muli %add3A_92, %mul3A_94 : vector<16xi32>
    %shift_right_arithmetic3A_96 = arith.constant 4 : i32
    %shift_right_arithmetic3A_97 = vector.broadcast %shift_right_arithmetic3A_96 : i32 to vector<16xi32>
    %shift_right_arithmetic3A_98 = arith.shrsi %get3A_87, %shift_right_arithmetic3A_97 : vector<16xi32>
    %add3A_99 = arith.addi %mul3A_95, %shift_right_arithmetic3A_98 : vector<16xi32>
    %swap3A_100 = arith.constant 0 : i32
    %swap3A_101 = arith.index_cast %swap3A_100 : i32 to index
    %swap3A_102 = arith.constant 64 : index
    %swap3A_103 = tpu.vector_load %arg7[%swap3A_101, %swap3A_102] {strides = array<i32>} : memref<2x128xi32, #tpu.memory_space<vmem>>, vector<1x16xi32>,
    %swap3A_104 = vector.shape_cast %swap3A_103 : vector<1x16xi32> to vector<16xi32>
    %swap3A_105 = vector.shape_cast %add3A_99 : vector<16xi32> to vector<1x16xi32>
    tpu.vector_store %arg7[%swap3A_101, %swap3A_102], %swap3A_105 {strides = array<i32>} : memref<2x128xi32, #tpu.memory_space<vmem>>, vector<1x16xi32>,
    %get3A_106 = arith.constant 80 : index
    %get3A_107 = tpu.vector_load %arg6[%get3A_106] {strides = array<i32>} : memref<256xi32, #tpu.memory_space<vmem>>, vector<16xi32>,
    %get3A_108 = vector.shape_cast %get3A_107 : vector<16xi32> to vector<16xi32>
    %iota3A_109 = tpu.iota {dimensions = array<i32: 0>} : vector<16xi32>
    %add3A_110 = arith.constant 80 : i32
    %add3A_111 = arith.addi %mul3A_2, %add3A_110 : i32
    %add3A_112 = vector.broadcast %add3A_111 : i32 to vector<16xi32>
    %add3A_113 = arith.addi %iota3A_109, %add3A_112 : vector<16xi32>
    %mul3A_114 = arith.constant 256 : i32
    %mul3A_115 = vector.broadcast %mul3A_114 : i32 to vector<16xi32>
    %mul3A_116 = arith.muli %add3A_113, %mul3A_115 : vector<16xi32>
    %shift_right_arithmetic3A_117 = arith.constant 4 : i32
    %shift_right_arithmetic3A_118 = vector.broadcast %shift_right_arithmetic3A_117 : i32 to vector<16xi32>
    %shift_right_arithmetic3A_119 = arith.shrsi %get3A_108, %shift_right_arithmetic3A_118 : vector<16xi32>
    %add3A_120 = arith.addi %mul3A_116, %shift_right_arithmetic3A_119 : vector<16xi32>
    %swap3A_121 = arith.constant 0 : i32
    %swap3A_122 = arith.index_cast %swap3A_121 : i32 to index
    %swap3A_123 = arith.constant 80 : index
    %swap3A_124 = tpu.vector_load %arg7[%swap3A_122, %swap3A_123] {strides = array<i32>} : memref<2x128xi32, #tpu.memory_space<vmem>>, vector<1x16xi32>,
    %swap3A_125 = vector.shape_cast %swap3A_124 : vector<1x16xi32> to vector<16xi32>
    %swap3A_126 = vector.shape_cast %add3A_120 : vector<16xi32> to vector<1x16xi32>
    tpu.vector_store %arg7[%swap3A_122, %swap3A_123], %swap3A_126 {strides = array<i32>} : memref<2x128xi32, #tpu.memory_space<vmem>>, vector<1x16xi32>,
    %get3A_127 = arith.constant 96 : index
    %get3A_128 = tpu.vector_load %arg6[%get3A_127] {strides = array<i32>} : memref<256xi32, #tpu.memory_space<vmem>>, vector<16xi32>,
    %get3A_129 = vector.shape_cast %get3A_128 : vector<16xi32> to vector<16xi32>
    %iota3A_130 = tpu.iota {dimensions = array<i32: 0>} : vector<16xi32>
    %add3A_131 = arith.constant 96 : i32
    %add3A_132 = arith.addi %mul3A_2, %add3A_131 : i32
    %add3A_133 = vector.broadcast %add3A_132 : i32 to vector<16xi32>
    %add3A_134 = arith.addi %iota3A_130, %add3A_133 : vector<16xi32>
    %mul3A_135 = arith.constant 256 : i32
    %mul3A_136 = vector.broadcast %mul3A_135 : i32 to vector<16xi32>
    %mul3A_137 = arith.muli %add3A_134, %mul3A_136 : vector<16xi32>
    %shift_right_arithmetic3A_138 = arith.constant 4 : i32
    %shift_right_arithmetic3A_139 = vector.broadcast %shift_right_arithmetic3A_138 : i32 to vector<16xi32>
    %shift_right_arithmetic3A_140 = arith.shrsi %get3A_129, %shift_right_arithmetic3A_139 : vector<16xi32>
    %add3A_141 = arith.addi %mul3A_137, %shift_right_arithmetic3A_140 : vector<16xi32>
    %swap3A_142 = arith.constant 0 : i32
    %swap3A_143 = arith.index_cast %swap3A_142 : i32 to index
    %swap3A_144 = arith.constant 96 : index
    %swap3A_145 = tpu.vector_load %arg7[%swap3A_143, %swap3A_144] {strides = array<i32>} : memref<2x128xi32, #tpu.memory_space<vmem>>, vector<1x16xi32>,
    %swap3A_146 = vector.shape_cast %swap3A_145 : vector<1x16xi32> to vector<16xi32>
    %swap3A_147 = vector.shape_cast %add3A_141 : vector<16xi32> to vector<1x16xi32>
    tpu.vector_store %arg7[%swap3A_143, %swap3A_144], %swap3A_147 {strides = array<i32>} : memref<2x128xi32, #tpu.memory_space<vmem>>, vector<1x16xi32>,
    %get3A_148 = arith.constant 112 : index
    %get3A_149 = tpu.vector_load %arg6[%get3A_148] {strides = array<i32>} : memref<256xi32, #tpu.memory_space<vmem>>, vector<16xi32>,
    %get3A_150 = vector.shape_cast %get3A_149 : vector<16xi32> to vector<16xi32>
    %iota3A_151 = tpu.iota {dimensions = array<i32: 0>} : vector<16xi32>
    %add3A_152 = arith.constant 112 : i32
    %add3A_153 = arith.addi %mul3A_2, %add3A_152 : i32
    %add3A_154 = vector.broadcast %add3A_153 : i32 to vector<16xi32>
    %add3A_155 = arith.addi %iota3A_151, %add3A_154 : vector<16xi32>
    %mul3A_156 = arith.constant 256 : i32
    %mul3A_157 = vector.broadcast %mul3A_156 : i32 to vector<16xi32>
    %mul3A_158 = arith.muli %add3A_155, %mul3A_157 : vector<16xi32>
    %shift_right_arithmetic3A_159 = arith.constant 4 : i32
    %shift_right_arithmetic3A_160 = vector.broadcast %shift_right_arithmetic3A_159 : i32 to vector<16xi32>
    %shift_right_arithmetic3A_161 = arith.shrsi %get3A_150, %shift_right_arithmetic3A_160 : vector<16xi32>
    %add3A_162 = arith.addi %mul3A_158, %shift_right_arithmetic3A_161 : vector<16xi32>
    %swap3A_163 = arith.constant 0 : i32
    %swap3A_164 = arith.index_cast %swap3A_163 : i32 to index
    %swap3A_165 = arith.constant 112 : index
    %swap3A_166 = tpu.vector_load %arg7[%swap3A_164, %swap3A_165] {strides = array<i32>} : memref<2x128xi32, #tpu.memory_space<vmem>>, vector<1x16xi32>,
    %swap3A_167 = vector.shape_cast %swap3A_166 : vector<1x16xi32> to vector<16xi32>
    %swap3A_168 = vector.shape_cast %add3A_162 : vector<16xi32> to vector<1x16xi32>
    tpu.vector_store %arg7[%swap3A_164, %swap3A_165], %swap3A_168 {strides = array<i32>} : memref<2x128xi32, #tpu.memory_space<vmem>>, vector<1x16xi32>,
    %get3A_169 = arith.constant 128 : index
    %get3A_170 = tpu.vector_load %arg6[%get3A_169] {strides = array<i32>} : memref<256xi32, #tpu.memory_space<vmem>>, vector<16xi32>,
    %get3A_171 = vector.shape_cast %get3A_170 : vector<16xi32> to vector<16xi32>
    %iota3A_172 = tpu.iota {dimensions = array<i32: 0>} : vector<16xi32>
    %add3A_173 = arith.constant 128 : i32
    %add3A_174 = arith.addi %mul3A_2, %add3A_173 : i32
    %add3A_175 = vector.broadcast %add3A_174 : i32 to vector<16xi32>
    %add3A_176 = arith.addi %iota3A_172, %add3A_175 : vector<16xi32>
    %mul3A_177 = arith.constant 256 : i32
    %mul3A_178 = vector.broadcast %mul3A_177 : i32 to vector<16xi32>
    %mul3A_179 = arith.muli %add3A_176, %mul3A_178 : vector<16xi32>
    %shift_right_arithmetic3A_180 = arith.constant 4 : i32
    %shift_right_arithmetic3A_181 = vector.broadcast %shift_right_arithmetic3A_180 : i32 to vector<16xi32>
    %shift_right_arithmetic3A_182 = arith.shrsi %get3A_171, %shift_right_arithmetic3A_181 : vector<16xi32>
    %add3A_183 = arith.addi %mul3A_179, %shift_right_arithmetic3A_182 : vector<16xi32>
    %swap3A_184 = arith.constant 1 : i32
    %swap3A_185 = arith.index_cast %swap3A_184 : i32 to index
    %swap3A_186 = arith.constant 0 : index
    %swap3A_187 = tpu.vector_load %arg7[%swap3A_185, %swap3A_186] {strides = array<i32>} : memref<2x128xi32, #tpu.memory_space<vmem>>, vector<1x16xi32>,
    %swap3A_188 = vector.shape_cast %swap3A_187 : vector<1x16xi32> to vector<16xi32>
    %swap3A_189 = vector.shape_cast %add3A_183 : vector<16xi32> to vector<1x16xi32>
    tpu.vector_store %arg7[%swap3A_185, %swap3A_186], %swap3A_189 {strides = array<i32>} : memref<2x128xi32, #tpu.memory_space<vmem>>, vector<1x16xi32>,
    %get3A_190 = arith.constant 144 : index
    %get3A_191 = tpu.vector_load %arg6[%get3A_190] {strides = array<i32>} : memref<256xi32, #tpu.memory_space<vmem>>, vector<16xi32>,
    %get3A_192 = vector.shape_cast %get3A_191 : vector<16xi32> to vector<16xi32>
    %iota3A_193 = tpu.iota {dimensions = array<i32: 0>} : vector<16xi32>
    %add3A_194 = arith.constant 144 : i32
    %add3A_195 = arith.addi %mul3A_2, %add3A_194 : i32
    %add3A_196 = vector.broadcast %add3A_195 : i32 to vector<16xi32>
    %add3A_197 = arith.addi %iota3A_193, %add3A_196 : vector<16xi32>
    %mul3A_198 = arith.constant 256 : i32
    %mul3A_199 = vector.broadcast %mul3A_198 : i32 to vector<16xi32>
    %mul3A_200 = arith.muli %add3A_197, %mul3A_199 : vector<16xi32>
    %shift_right_arithmetic3A_201 = arith.constant 4 : i32
    %shift_right_arithmetic3A_202 = vector.broadcast %shift_right_arithmetic3A_201 : i32 to vector<16xi32>
    %shift_right_arithmetic3A_203 = arith.shrsi %get3A_192, %shift_right_arithmetic3A_202 : vector<16xi32>
    %add3A_204 = arith.addi %mul3A_200, %shift_right_arithmetic3A_203 : vector<16xi32>
    %swap3A_205 = arith.constant 1 : i32
    %swap3A_206 = arith.index_cast %swap3A_205 : i32 to index
    %swap3A_207 = arith.constant 16 : index
    %swap3A_208 = tpu.vector_load %arg7[%swap3A_206, %swap3A_207] {strides = array<i32>} : memref<2x128xi32, #tpu.memory_space<vmem>>, vector<1x16xi32>,
    %swap3A_209 = vector.shape_cast %swap3A_208 : vector<1x16xi32> to vector<16xi32>
    %swap3A_210 = vector.shape_cast %add3A_204 : vector<16xi32> to vector<1x16xi32>
    tpu.vector_store %arg7[%swap3A_206, %swap3A_207], %swap3A_210 {strides = array<i32>} : memref<2x128xi32, #tpu.memory_space<vmem>>, vector<1x16xi32>,
    %get3A_211 = arith.constant 160 : index
    %get3A_212 = tpu.vector_load %arg6[%get3A_211] {strides = array<i32>} : memref<256xi32, #tpu.memory_space<vmem>>, vector<16xi32>,
    %get3A_213 = vector.shape_cast %get3A_212 : vector<16xi32> to vector<16xi32>
    %iota3A_214 = tpu.iota {dimensions = array<i32: 0>} : vector<16xi32>
    %add3A_215 = arith.constant 160 : i32
    %add3A_216 = arith.addi %mul3A_2, %add3A_215 : i32
    %add3A_217 = vector.broadcast %add3A_216 : i32 to vector<16xi32>
    %add3A_218 = arith.addi %iota3A_214, %add3A_217 : vector<16xi32>
    %mul3A_219 = arith.constant 256 : i32
    %mul3A_220 = vector.broadcast %mul3A_219 : i32 to vector<16xi32>
    %mul3A_221 = arith.muli %add3A_218, %mul3A_220 : vector<16xi32>
    %shift_right_arithmetic3A_222 = arith.constant 4 : i32
    %shift_right_arithmetic3A_223 = vector.broadcast %shift_right_arithmetic3A_222 : i32 to vector<16xi32>
    %shift_right_arithmetic3A_224 = arith.shrsi %get3A_213, %shift_right_arithmetic3A_223 : vector<16xi32>
    %add3A_225 = arith.addi %mul3A_221, %shift_right_arithmetic3A_224 : vector<16xi32>
    %swap3A_226 = arith.constant 1 : i32
    %swap3A_227 = arith.index_cast %swap3A_226 : i32 to index
    %swap3A_228 = arith.constant 32 : index
    %swap3A_229 = tpu.vector_load %arg7[%swap3A_227, %swap3A_228] {strides = array<i32>} : memref<2x128xi32, #tpu.memory_space<vmem>>, vector<1x16xi32>,
    %swap3A_230 = vector.shape_cast %swap3A_229 : vector<1x16xi32> to vector<16xi32>
    %swap3A_231 = vector.shape_cast %add3A_225 : vector<16xi32> to vector<1x16xi32>
    tpu.vector_store %arg7[%swap3A_227, %swap3A_228], %swap3A_231 {strides = array<i32>} : memref<2x128xi32, #tpu.memory_space<vmem>>, vector<1x16xi32>,
    %get3A_232 = arith.constant 176 : index
    %get3A_233 = tpu.vector_load %arg6[%get3A_232] {strides = array<i32>} : memref<256xi32, #tpu.memory_space<vmem>>, vector<16xi32>,
    %get3A_234 = vector.shape_cast %get3A_233 : vector<16xi32> to vector<16xi32>
    %iota3A_235 = tpu.iota {dimensions = array<i32: 0>} : vector<16xi32>
    %add3A_236 = arith.constant 176 : i32
    %add3A_237 = arith.addi %mul3A_2, %add3A_236 : i32
    %add3A_238 = vector.broadcast %add3A_237 : i32 to vector<16xi32>
    %add3A_239 = arith.addi %iota3A_235, %add3A_238 : vector<16xi32>
    %mul3A_240 = arith.constant 256 : i32
    %mul3A_241 = vector.broadcast %mul3A_240 : i32 to vector<16xi32>
    %mul3A_242 = arith.muli %add3A_239, %mul3A_241 : vector<16xi32>
    %shift_right_arithmetic3A_243 = arith.constant 4 : i32
    %shift_right_arithmetic3A_244 = vector.broadcast %shift_right_arithmetic3A_243 : i32 to vector<16xi32>
    %shift_right_arithmetic3A_245 = arith.shrsi %get3A_234, %shift_right_arithmetic3A_244 : vector<16xi32>
    %add3A_246 = arith.addi %mul3A_242, %shift_right_arithmetic3A_245 : vector<16xi32>
    %swap3A_247 = arith.constant 1 : i32
    %swap3A_248 = arith.index_cast %swap3A_247 : i32 to index
    %swap3A_249 = arith.constant 48 : index
    %swap3A_250 = tpu.vector_load %arg7[%swap3A_248, %swap3A_249] {strides = array<i32>} : memref<2x128xi32, #tpu.memory_space<vmem>>, vector<1x16xi32>,
    %swap3A_251 = vector.shape_cast %swap3A_250 : vector<1x16xi32> to vector<16xi32>
    %swap3A_252 = vector.shape_cast %add3A_246 : vector<16xi32> to vector<1x16xi32>
    tpu.vector_store %arg7[%swap3A_248, %swap3A_249], %swap3A_252 {strides = array<i32>} : memref<2x128xi32, #tpu.memory_space<vmem>>, vector<1x16xi32>,
    %get3A_253 = arith.constant 192 : index
    %get3A_254 = tpu.vector_load %arg6[%get3A_253] {strides = array<i32>} : memref<256xi32, #tpu.memory_space<vmem>>, vector<16xi32>,
    %get3A_255 = vector.shape_cast %get3A_254 : vector<16xi32> to vector<16xi32>
    %iota3A_256 = tpu.iota {dimensions = array<i32: 0>} : vector<16xi32>
    %add3A_257 = arith.constant 192 : i32
    %add3A_258 = arith.addi %mul3A_2, %add3A_257 : i32
    %add3A_259 = vector.broadcast %add3A_258 : i32 to vector<16xi32>
    %add3A_260 = arith.addi %iota3A_256, %add3A_259 : vector<16xi32>
    %mul3A_261 = arith.constant 256 : i32
    %mul3A_262 = vector.broadcast %mul3A_261 : i32 to vector<16xi32>
    %mul3A_263 = arith.muli %add3A_260, %mul3A_262 : vector<16xi32>
    %shift_right_arithmetic3A_264 = arith.constant 4 : i32
    %shift_right_arithmetic3A_265 = vector.broadcast %shift_right_arithmetic3A_264 : i32 to vector<16xi32>
    %shift_right_arithmetic3A_266 = arith.shrsi %get3A_255, %shift_right_arithmetic3A_265 : vector<16xi32>
    %add3A_267 = arith.addi %mul3A_263, %shift_right_arithmetic3A_266 : vector<16xi32>
    %swap3A_268 = arith.constant 1 : i32
    %swap3A_269 = arith.index_cast %swap3A_268 : i32 to index
    %swap3A_270 = arith.constant 64 : index
    %swap3A_271 = tpu.vector_load %arg7[%swap3A_269, %swap3A_270] {strides = array<i32>} : memref<2x128xi32, #tpu.memory_space<vmem>>, vector<1x16xi32>,
    %swap3A_272 = vector.shape_cast %swap3A_271 : vector<1x16xi32> to vector<16xi32>
    %swap3A_273 = vector.shape_cast %add3A_267 : vector<16xi32> to vector<1x16xi32>
    tpu.vector_store %arg7[%swap3A_269, %swap3A_270], %swap3A_273 {strides = array<i32>} : memref<2x128xi32, #tpu.memory_space<vmem>>, vector<1x16xi32>,
    %get3A_274 = arith.constant 208 : index
    %get3A_275 = tpu.vector_load %arg6[%get3A_274] {strides = array<i32>} : memref<256xi32, #tpu.memory_space<vmem>>, vector<16xi32>,
    %get3A_276 = vector.shape_cast %get3A_275 : vector<16xi32> to vector<16xi32>
    %iota3A_277 = tpu.iota {dimensions = array<i32: 0>} : vector<16xi32>
    %add3A_278 = arith.constant 208 : i32
    %add3A_279 = arith.addi %mul3A_2, %add3A_278 : i32
    %add3A_280 = vector.broadcast %add3A_279 : i32 to vector<16xi32>
    %add3A_281 = arith.addi %iota3A_277, %add3A_280 : vector<16xi32>
    %mul3A_282 = arith.constant 256 : i32
    %mul3A_283 = vector.broadcast %mul3A_282 : i32 to vector<16xi32>
    %mul3A_284 = arith.muli %add3A_281, %mul3A_283 : vector<16xi32>
    %shift_right_arithmetic3A_285 = arith.constant 4 : i32
    %shift_right_arithmetic3A_286 = vector.broadcast %shift_right_arithmetic3A_285 : i32 to vector<16xi32>
    %shift_right_arithmetic3A_287 = arith.shrsi %get3A_276, %shift_right_arithmetic3A_286 : vector<16xi32>
    %add3A_288 = arith.addi %mul3A_284, %shift_right_arithmetic3A_287 : vector<16xi32>
    %swap3A_289 = arith.constant 1 : i32
    %swap3A_290 = arith.index_cast %swap3A_289 : i32 to index
    %swap3A_291 = arith.constant 80 : index
    %swap3A_292 = tpu.vector_load %arg7[%swap3A_290, %swap3A_291] {strides = array<i32>} : memref<2x128xi32, #tpu.memory_space<vmem>>, vector<1x16xi32>,
    %swap3A_293 = vector.shape_cast %swap3A_292 : vector<1x16xi32> to vector<16xi32>
    %swap3A_294 = vector.shape_cast %add3A_288 : vector<16xi32> to vector<1x16xi32>
    tpu.vector_store %arg7[%swap3A_290, %swap3A_291], %swap3A_294 {strides = array<i32>} : memref<2x128xi32, #tpu.memory_space<vmem>>, vector<1x16xi32>,
    %get3A_295 = arith.constant 224 : index
    %get3A_296 = tpu.vector_load %arg6[%get3A_295] {strides = array<i32>} : memref<256xi32, #tpu.memory_space<vmem>>, vector<16xi32>,
    %get3A_297 = vector.shape_cast %get3A_296 : vector<16xi32> to vector<16xi32>
    %iota3A_298 = tpu.iota {dimensions = array<i32: 0>} : vector<16xi32>
    %add3A_299 = arith.constant 224 : i32
    %add3A_300 = arith.addi %mul3A_2, %add3A_299 : i32
    %add3A_301 = vector.broadcast %add3A_300 : i32 to vector<16xi32>
    %add3A_302 = arith.addi %iota3A_298, %add3A_301 : vector<16xi32>
    %mul3A_303 = arith.constant 256 : i32
    %mul3A_304 = vector.broadcast %mul3A_303 : i32 to vector<16xi32>
    %mul3A_305 = arith.muli %add3A_302, %mul3A_304 : vector<16xi32>
    %shift_right_arithmetic3A_306 = arith.constant 4 : i32
    %shift_right_arithmetic3A_307 = vector.broadcast %shift_right_arithmetic3A_306 : i32 to vector<16xi32>
    %shift_right_arithmetic3A_308 = arith.shrsi %get3A_297, %shift_right_arithmetic3A_307 : vector<16xi32>
    %add3A_309 = arith.addi %mul3A_305, %shift_right_arithmetic3A_308 : vector<16xi32>
    %swap3A_310 = arith.constant 1 : i32
    %swap3A_311 = arith.index_cast %swap3A_310 : i32 to index
    %swap3A_312 = arith.constant 96 : index
    %swap3A_313 = tpu.vector_load %arg7[%swap3A_311, %swap3A_312] {strides = array<i32>} : memref<2x128xi32, #tpu.memory_space<vmem>>, vector<1x16xi32>,
    %swap3A_314 = vector.shape_cast %swap3A_313 : vector<1x16xi32> to vector<16xi32>
    %swap3A_315 = vector.shape_cast %add3A_309 : vector<16xi32> to vector<1x16xi32>
    tpu.vector_store %arg7[%swap3A_311, %swap3A_312], %swap3A_315 {strides = array<i32>} : memref<2x128xi32, #tpu.memory_space<vmem>>, vector<1x16xi32>,
    %get3A_316 = arith.constant 240 : index
    %get3A_317 = tpu.vector_load %arg6[%get3A_316] {strides = array<i32>} : memref<256xi32, #tpu.memory_space<vmem>>, vector<16xi32>,
    %get3A_318 = vector.shape_cast %get3A_317 : vector<16xi32> to vector<16xi32>
    %iota3A_319 = tpu.iota {dimensions = array<i32: 0>} : vector<16xi32>
    %add3A_320 = arith.constant 240 : i32
    %add3A_321 = arith.addi %mul3A_2, %add3A_320 : i32
    %add3A_322 = vector.broadcast %add3A_321 : i32 to vector<16xi32>
    %add3A_323 = arith.addi %iota3A_319, %add3A_322 : vector<16xi32>
    %mul3A_324 = arith.constant 256 : i32
    %mul3A_325 = vector.broadcast %mul3A_324 : i32 to vector<16xi32>
    %mul3A_326 = arith.muli %add3A_323, %mul3A_325 : vector<16xi32>
    %shift_right_arithmetic3A_327 = arith.constant 4 : i32
    %shift_right_arithmetic3A_328 = vector.broadcast %shift_right_arithmetic3A_327 : i32 to vector<16xi32>
    %shift_right_arithmetic3A_329 = arith.shrsi %get3A_318, %shift_right_arithmetic3A_328 : vector<16xi32>
    %add3A_330 = arith.addi %mul3A_326, %shift_right_arithmetic3A_329 : vector<16xi32>
    %swap3A_331 = arith.constant 1 : i32
    %swap3A_332 = arith.index_cast %swap3A_331 : i32 to index
    %swap3A_333 = arith.constant 112 : index
    %swap3A_334 = tpu.vector_load %arg7[%swap3A_332, %swap3A_333] {strides = array<i32>} : memref<2x128xi32, #tpu.memory_space<vmem>>, vector<1x16xi32>,
    %swap3A_335 = vector.shape_cast %swap3A_334 : vector<1x16xi32> to vector<16xi32>
    %swap3A_336 = vector.shape_cast %add3A_330 : vector<16xi32> to vector<1x16xi32>
    tpu.vector_store %arg7[%swap3A_332, %swap3A_333], %swap3A_336 {strides = array<i32>} : memref<2x128xi32, #tpu.memory_space<vmem>>, vector<1x16xi32>,
    %dma_start3A = arith.constant 0 : i32
    %dma_start3A_337 = arith.constant 0 : i32
    %dma_start3A_338 = arith.constant 0 : i32
    %dma_start3A_339 = arith.constant 0 : i32
    %dma_start3A_340 = tpu.memref_slice %arg8[%dma_start3A_337, %dma_start3A_338, %dma_start3A_339] : memref<2x128x16xf32, #tpu.memory_space<vmem>> -> memref<1x128x16xf32, #tpu.memory_space<vmem>>
    %dma_start3A_341 = tpu.memref_squeeze %dma_start3A_340 : memref<1x128x16xf32, #tpu.memory_space<vmem>> -> memref<128x16xf32, #tpu.memory_space<vmem>>
    %dma_start3A_342 = arith.constant 0 : i32
    %dma_start3A_343 = tpu.memref_slice %arg7[%dma_start3A, %dma_start3A_342] : memref<2x128xi32, #tpu.memory_space<vmem>> -> memref<1x128xi32, #tpu.memory_space<vmem>>
    %dma_start3A_344 = tpu.memref_squeeze %dma_start3A_343 : memref<1x128xi32, #tpu.memory_space<vmem>> -> memref<128xi32, #tpu.memory_space<vmem>>
    %dma_start3A_345 = arith.constant 0 : i32
    %dma_start3A_346 = arith.constant 0 : i32
    %dma_start3A_347 = tpu.memref_slice %arg2[%dma_start3A_345, %dma_start3A_346] : memref<2097152x16xf32, #tpu.memory_space<hbm>> -> memref<2097152x16xf32, #tpu.memory_space<hbm>>
    tpu.enqueue_indirect_dma source(%dma_start3A_347 : memref<2097152x16xf32, #tpu.memory_space<hbm>>) target(%dma_start3A_341 : memref<128x16xf32, #tpu.memory_space<vmem>>) offsets(%dma_start3A_344 : memref<128xi32, #tpu.memory_space<vmem>>) semaphore(%arg9 : memref<!tpu.dma_semaphore, #tpu.memory_space<semaphore_mem>>)
    %dma_start3A_348 = arith.constant 1 : i32
    %dma_start3A_349 = arith.constant 1 : i32
    %dma_start3A_350 = arith.constant 0 : i32
    %dma_start3A_351 = arith.constant 0 : i32
    %dma_start3A_352 = tpu.memref_slice %arg8[%dma_start3A_349, %dma_start3A_350, %dma_start3A_351] : memref<2x128x16xf32, #tpu.memory_space<vmem>> -> memref<1x128x16xf32, #tpu.memory_space<vmem>>
    %dma_start3A_353 = tpu.memref_squeeze %dma_start3A_352 : memref<1x128x16xf32, #tpu.memory_space<vmem>> -> memref<128x16xf32, #tpu.memory_space<vmem>>
    %dma_start3A_354 = arith.constant 0 : i32
    %dma_start3A_355 = tpu.memref_slice %arg7[%dma_start3A_348, %dma_start3A_354] : memref<2x128xi32, #tpu.memory_space<vmem>> -> memref<1x128xi32, #tpu.memory_space<vmem>>
    %dma_start3A_356 = tpu.memref_squeeze %dma_start3A_355 : memref<1x128xi32, #tpu.memory_space<vmem>> -> memref<128xi32, #tpu.memory_space<vmem>>
    %dma_start3A_357 = arith.constant 0 : i32
    %dma_start3A_358 = arith.constant 0 : i32
    %dma_start3A_359 = tpu.memref_slice %arg2[%dma_start3A_357, %dma_start3A_358] : memref<2097152x16xf32, #tpu.memory_space<hbm>> -> memref<2097152x16xf32, #tpu.memory_space<hbm>>
    tpu.enqueue_indirect_dma source(%dma_start3A_359 : memref<2097152x16xf32, #tpu.memory_space<hbm>>) target(%dma_start3A_353 : memref<128x16xf32, #tpu.memory_space<vmem>>) offsets(%dma_start3A_356 : memref<128xi32, #tpu.memory_space<vmem>>) semaphore(%arg9 : memref<!tpu.dma_semaphore, #tpu.memory_space<semaphore_mem>>)
    %scan3A = arith.constant 0 : i32
    %scan3A_360 = arith.constant 0 : i32
    %scan3A_361 = arith.constant 16 : i32
    %scan3A_362 = arith.addi %scan3A_360, %scan3A_361 : i32
    %scan3A_363 = arith.constant 1 : i32
    %scan3A_364 = scf.for %scan3A_445 = %scan3A_360 to %scan3A_362 step %scan3A_363 iter_args(%scan3A_446 = %scan3A) -> (i32)  : i32 {
      %mul3A_447 = arith.constant 16 : i32
      %mul3A_448 = arith.muli %scan3A_445, %mul3A_447 : i32
      %get3A_449 = arith.index_cast %mul3A_448 : i32 to index
      %get3A_450 = tpu.vector_load %arg6[%get3A_449] {strides = array<i32>} : memref<256xi32, #tpu.memory_space<vmem>>, vector<16xi32>,
      %get3A_451 = vector.shape_cast %get3A_450 : vector<16xi32> to vector<16xi32>
      %slice3A = vector.extract_strided_slice %get3A_451 {offsets = [0], sizes = [1], strides = [1]} : vector<16xi32> to vector<1xi32>
      %squeeze3A = vector.extract %slice3A[0] : i32 from vector<1xi32>
      %shift_right_arithmetic3A_452 = arith.constant 4 : i32
      %shift_right_arithmetic3A_453 = arith.shrsi %squeeze3A, %shift_right_arithmetic3A_452 : i32
      %mul3A_454 = arith.constant 16 : i32
      %mul3A_455 = arith.muli %scan3A_445, %mul3A_454 : i32
      %add3A_456 = arith.addi %mul3A_2, %mul3A_455 : i32
      %add3A_457 = arith.constant 0 : i32
      %add3A_458 = arith.addi %add3A_456, %add3A_457 : i32
      %mul3A_459 = arith.constant 256 : i32
      %mul3A_460 = arith.muli %add3A_458, %mul3A_459 : i32
      %sub3A = arith.constant 255 : i32
      %sub3A_461 = arith.subi %sub3A, %shift_right_arithmetic3A_453 : i32
      %add3A_462 = arith.addi %mul3A_460, %shift_right_arithmetic3A_453 : i32
      %add3A_463 = arith.constant 1 : i32
      %add3A_464 = arith.addi %add3A_462, %add3A_463 : i32
      %and3A = arith.constant -256 : i32
      %and3A_465 = arith.andi %shift_right_arithmetic3A_453, %and3A : i32
      %shift_right_arithmetic3A_466 = arith.constant 7 : i32
      %shift_right_arithmetic3A_467 = arith.shrsi %shift_right_arithmetic3A_453, %shift_right_arithmetic3A_466 : i32
      %and3A_468 = arith.constant 1 : i32
      %and3A_469 = arith.andi %shift_right_arithmetic3A_467, %and3A_468 : i32
      %eq3A = arith.constant 1 : i32
      %eq3A_470 = arith.cmpi eq, %and3A_469, %eq3A : i32
      %convert_element_type3A = arith.extui %eq3A_470 : i1 to i32
      %cond3A = arith.constant 0 : i32
      %cond3A_471 = arith.cmpi ne, %convert_element_type3A, %cond3A : i32
      scf.if %cond3A_471 {
      } else {
      }
      %and3A_472 = arith.constant -256 : i32
      %and3A_473 = arith.andi %sub3A_461, %and3A_472 : i32
      %shift_right_arithmetic3A_474 = arith.constant 7 : i32
      %shift_right_arithmetic3A_475 = arith.shrsi %sub3A_461, %shift_right_arithmetic3A_474 : i32
      %and3A_476 = arith.constant 1 : i32
      %and3A_477 = arith.andi %shift_right_arithmetic3A_475, %and3A_476 : i32
      %eq3A_478 = arith.constant 1 : i32
      %eq3A_479 = arith.cmpi eq, %and3A_477, %eq3A_478 : i32
      %convert_element_type3A_480 = arith.extui %eq3A_479 : i1 to i32
      %cond3A_481 = arith.constant 0 : i32
      %cond3A_482 = arith.cmpi ne, %convert_element_type3A_480, %cond3A_481 : i32
      scf.if %cond3A_482 {
      } else {
      }
      %and3A_483 = arith.constant -128 : i32
      %and3A_484 = arith.andi %shift_right_arithmetic3A_453, %and3A_483 : i32
      %shift_right_arithmetic3A_485 = arith.constant 6 : i32
      %shift_right_arithmetic3A_486 = arith.shrsi %shift_right_arithmetic3A_453, %shift_right_arithmetic3A_485 : i32
      %and3A_487 = arith.constant 1 : i32
      %and3A_488 = arith.andi %shift_right_arithmetic3A_486, %and3A_487 : i32
      %eq3A_489 = arith.constant 1 : i32
      %eq3A_490 = arith.cmpi eq, %and3A_488, %eq3A_489 : i32
      %convert_element_type3A_491 = arith.extui %eq3A_490 : i1 to i32
      %cond3A_492 = arith.constant 0 : i32
      %cond3A_493 = arith.cmpi ne, %convert_element_type3A_491, %cond3A_492 : i32
      scf.if %cond3A_493 {
      } else {
      }
      %and3A_494 = arith.constant -128 : i32
      %and3A_495 = arith.andi %sub3A_461, %and3A_494 : i32
      %shift_right_arithmetic3A_496 = arith.constant 6 : i32
      %shift_right_arithmetic3A_497 = arith.shrsi %sub3A_461, %shift_right_arithmetic3A_496 : i32
      %and3A_498 = arith.constant 1 : i32
      %and3A_499 = arith.andi %shift_right_arithmetic3A_497, %and3A_498 : i32
      %eq3A_500 = arith.constant 1 : i32
      %eq3A_501 = arith.cmpi eq, %and3A_499, %eq3A_500 : i32
      %convert_element_type3A_502 = arith.extui %eq3A_501 : i1 to i32
      %cond3A_503 = arith.constant 0 : i32
      %cond3A_504 = arith.cmpi ne, %convert_element_type3A_502, %cond3A_503 : i32
      scf.if %cond3A_504 {
      } else {
      }
      %and3A_505 = arith.constant -64 : i32
      %and3A_506 = arith.andi %shift_right_arithmetic3A_453, %and3A_505 : i32
      %shift_right_arithmetic3A_507 = arith.constant 5 : i32
      %shift_right_arithmetic3A_508 = arith.shrsi %shift_right_arithmetic3A_453, %shift_right_arithmetic3A_507 : i32
      %and3A_509 = arith.constant 1 : i32
      %and3A_510 = arith.andi %shift_right_arithmetic3A_508, %and3A_509 : i32
      %eq3A_511 = arith.constant 1 : i32
      %eq3A_512 = arith.cmpi eq, %and3A_510, %eq3A_511 : i32
      %convert_element_type3A_513 = arith.extui %eq3A_512 : i1 to i32
      %cond3A_514 = arith.constant 0 : i32
      %cond3A_515 = arith.cmpi ne, %convert_element_type3A_513, %cond3A_514 : i32
      scf.if %cond3A_515 {
      } else {
      }
      %and3A_516 = arith.constant -64 : i32
      %and3A_517 = arith.andi %sub3A_461, %and3A_516 : i32
      %shift_right_arithmetic3A_518 = arith.constant 5 : i32
      %shift_right_arithmetic3A_519 = arith.shrsi %sub3A_461, %shift_right_arithmetic3A_518 : i32
      %and3A_520 = arith.constant 1 : i32
      %and3A_521 = arith.andi %shift_right_arithmetic3A_519, %and3A_520 : i32
      %eq3A_522 = arith.constant 1 : i32
      %eq3A_523 = arith.cmpi eq, %and3A_521, %eq3A_522 : i32
      %convert_element_type3A_524 = arith.extui %eq3A_523 : i1 to i32
      %cond3A_525 = arith.constant 0 : i32
      %cond3A_526 = arith.cmpi ne, %convert_element_type3A_524, %cond3A_525 : i32
      scf.if %cond3A_526 {
      } else {
      }
      %and3A_527 = arith.constant -32 : i32
      %and3A_528 = arith.andi %shift_right_arithmetic3A_453, %and3A_527 : i32
      %shift_right_arithmetic3A_529 = arith.constant 4 : i32
      %shift_right_arithmetic3A_530 = arith.shrsi %shift_right_arithmetic3A_453, %shift_right_arithmetic3A_529 : i32
      %and3A_531 = arith.constant 1 : i32
      %and3A_532 = arith.andi %shift_right_arithmetic3A_530, %and3A_531 : i32
      %eq3A_533 = arith.constant 1 : i32
      %eq3A_534 = arith.cmpi eq, %and3A_532, %eq3A_533 : i32
      %convert_element_type3A_535 = arith.extui %eq3A_534 : i1 to i32
      %cond3A_536 = arith.constant 0 : i32
      %cond3A_537 = arith.cmpi ne, %convert_element_type3A_535, %cond3A_536 : i32
      scf.if %cond3A_537 {
      } else {
      }
      %and3A_538 = arith.constant -32 : i32
      %and3A_539 = arith.andi %sub3A_461, %and3A_538 : i32
      %shift_right_arithmetic3A_540 = arith.constant 4 : i32
      %shift_right_arithmetic3A_541 = arith.shrsi %sub3A_461, %shift_right_arithmetic3A_540 : i32
      %and3A_542 = arith.constant 1 : i32
      %and3A_543 = arith.andi %shift_right_arithmetic3A_541, %and3A_542 : i32
      %eq3A_544 = arith.constant 1 : i32
      %eq3A_545 = arith.cmpi eq, %and3A_543, %eq3A_544 : i32
      %convert_element_type3A_546 = arith.extui %eq3A_545 : i1 to i32
      %cond3A_547 = arith.constant 0 : i32
      %cond3A_548 = arith.cmpi ne, %convert_element_type3A_546, %cond3A_547 : i32
      scf.if %cond3A_548 {
      } else {
      }
      %and3A_549 = arith.constant -16 : i32
      %and3A_550 = arith.andi %shift_right_arithmetic3A_453, %and3A_549 : i32
      %shift_right_arithmetic3A_551 = arith.constant 3 : i32
      %shift_right_arithmetic3A_552 = arith.shrsi %shift_right_arithmetic3A_453, %shift_right_arithmetic3A_551 : i32
      %and3A_553 = arith.constant 1 : i32
      %and3A_554 = arith.andi %shift_right_arithmetic3A_552, %and3A_553 : i32
      %eq3A_555 = arith.constant 1 : i32
      %eq3A_556 = arith.cmpi eq, %and3A_554, %eq3A_555 : i32
      %convert_element_type3A_557 = arith.extui %eq3A_556 : i1 to i32
      %cond3A_558 = arith.constant 0 : i32
      %cond3A_559 = arith.cmpi ne, %convert_element_type3A_557, %cond3A_558 : i32
      scf.if %cond3A_559 {
      } else {
      }
      %and3A_560 = arith.constant -16 : i32
      %and3A_561 = arith.andi %sub3A_461, %and3A_560 : i32
      %shift_right_arithmetic3A_562 = arith.constant 3 : i32
      %shift_right_arithmetic3A_563 = arith.shrsi %sub3A_461, %shift_right_arithmetic3A_562 : i32
      %and3A_564 = arith.constant 1 : i32
      %and3A_565 = arith.andi %shift_right_arithmetic3A_563, %and3A_564 : i32
      %eq3A_566 = arith.constant 1 : i32
      %eq3A_567 = arith.cmpi eq, %and3A_565, %eq3A_566 : i32
      %convert_element_type3A_568 = arith.extui %eq3A_567 : i1 to i32
      %cond3A_569 = arith.constant 0 : i32
      %cond3A_570 = arith.cmpi ne, %convert_element_type3A_568, %cond3A_569 : i32
      scf.if %cond3A_570 {
      } else {
      }
      %and3A_571 = arith.constant -8 : i32
      %and3A_572 = arith.andi %shift_right_arithmetic3A_453, %and3A_571 : i32
      %shift_right_arithmetic3A_573 = arith.constant 2 : i32
      %shift_right_arithmetic3A_574 = arith.shrsi %shift_right_arithmetic3A_453, %shift_right_arithmetic3A_573 : i32
      %and3A_575 = arith.constant 1 : i32
      %and3A_576 = arith.andi %shift_right_arithmetic3A_574, %and3A_575 : i32
      %eq3A_577 = arith.constant 1 : i32
      %eq3A_578 = arith.cmpi eq, %and3A_576, %eq3A_577 : i32
      %convert_element_type3A_579 = arith.extui %eq3A_578 : i1 to i32
      %cond3A_580 = arith.constant 0 : i32
      %cond3A_581 = arith.cmpi ne, %convert_element_type3A_579, %cond3A_580 : i32
      scf.if %cond3A_581 {
      } else {
      }
      %and3A_582 = arith.constant -8 : i32
      %and3A_583 = arith.andi %sub3A_461, %and3A_582 : i32
      %shift_right_arithmetic3A_584 = arith.constant 2 : i32
      %shift_right_arithmetic3A_585 = arith.shrsi %sub3A_461, %shift_right_arithmetic3A_584 : i32
      %and3A_586 = arith.constant 1 : i32
      %and3A_587 = arith.andi %shift_right_arithmetic3A_585, %and3A_586 : i32
      %eq3A_588 = arith.constant 1 : i32
      %eq3A_589 = arith.cmpi eq, %and3A_587, %eq3A_588 : i32
      %convert_element_type3A_590 = arith.extui %eq3A_589 : i1 to i32
      %cond3A_591 = arith.constant 0 : i32
      %cond3A_592 = arith.cmpi ne, %convert_element_type3A_590, %cond3A_591 : i32
      scf.if %cond3A_592 {
      } else {
      }
      %and3A_593 = arith.constant -4 : i32
      %and3A_594 = arith.andi %shift_right_arithmetic3A_453, %and3A_593 : i32
      %shift_right_arithmetic3A_595 = arith.constant 1 : i32
      %shift_right_arithmetic3A_596 = arith.shrsi %shift_right_arithmetic3A_453, %shift_right_arithmetic3A_595 : i32
      %and3A_597 = arith.constant 1 : i32
      %and3A_598 = arith.andi %shift_right_arithmetic3A_596, %and3A_597 : i32
      %eq3A_599 = arith.constant 1 : i32
      %eq3A_600 = arith.cmpi eq, %and3A_598, %eq3A_599 : i32
      %convert_element_type3A_601 = arith.extui %eq3A_600 : i1 to i32
      %cond3A_602 = arith.constant 0 : i32
      %cond3A_603 = arith.cmpi ne, %convert_element_type3A_601, %cond3A_602 : i32
      scf.if %cond3A_603 {
      } else {
      }
      %and3A_604 = arith.constant -4 : i32
      %and3A_605 = arith.andi %sub3A_461, %and3A_604 : i32
      %shift_right_arithmetic3A_606 = arith.constant 1 : i32
      %shift_right_arithmetic3A_607 = arith.shrsi %sub3A_461, %shift_right_arithmetic3A_606 : i32
      %and3A_608 = arith.constant 1 : i32
      %and3A_609 = arith.andi %shift_right_arithmetic3A_607, %and3A_608 : i32
      %eq3A_610 = arith.constant 1 : i32
      %eq3A_611 = arith.cmpi eq, %and3A_609, %eq3A_610 : i32
      %convert_element_type3A_612 = arith.extui %eq3A_611 : i1 to i32
      %cond3A_613 = arith.constant 0 : i32
      %cond3A_614 = arith.cmpi ne, %convert_element_type3A_612, %cond3A_613 : i32
      scf.if %cond3A_614 {
      } else {
      }
      %and3A_615 = arith.constant -2 : i32
      %and3A_616 = arith.andi %shift_right_arithmetic3A_453, %and3A_615 : i32
      %shift_right_arithmetic3A_617 = arith.constant 0 : i32
      %shift_right_arithmetic3A_618 = arith.shrsi %shift_right_arithmetic3A_453, %shift_right_arithmetic3A_617 : i32
      %and3A_619 = arith.constant 1 : i32
      %and3A_620 = arith.andi %shift_right_arithmetic3A_618, %and3A_619 : i32
      %eq3A_621 = arith.constant 1 : i32
      %eq3A_622 = arith.cmpi eq, %and3A_620, %eq3A_621 : i32
      %convert_element_type3A_623 = arith.extui %eq3A_622 : i1 to i32
      %cond3A_624 = arith.constant 0 : i32
      %cond3A_625 = arith.cmpi ne, %convert_element_type3A_623, %cond3A_624 : i32
      scf.if %cond3A_625 {
      } else {
      }
      %and3A_626 = arith.constant -2 : i32
      %and3A_627 = arith.andi %sub3A_461, %and3A_626 : i32
      %shift_right_arithmetic3A_628 = arith.constant 0 : i32
      %shift_right_arithmetic3A_629 = arith.shrsi %sub3A_461, %shift_right_arithmetic3A_628 : i32
      %and3A_630 = arith.constant 1 : i32
      %and3A_631 = arith.andi %shift_right_arithmetic3A_629, %and3A_630 : i32
      %eq3A_632 = arith.constant 1 : i32
      %eq3A_633 = arith.cmpi eq, %and3A_631, %eq3A_632 : i32
      %convert_element_type3A_634 = arith.extui %eq3A_633 : i1 to i32
      %cond3A_635 = arith.constant 0 : i32
      %cond3A_636 = arith.cmpi ne, %convert_element_type3A_634, %cond3A_635 : i32
      scf.if %cond3A_636 {
      } else {
      }
      %slice3A_637 = vector.extract_strided_slice %get3A_451 {offsets = [1], sizes = [1], strides = [1]} : vector<16xi32> to vector<1xi32>
      %squeeze3A_638 = vector.extract %slice3A_637[0] : i32 from vector<1xi32>
      %shift_right_arithmetic3A_639 = arith.constant 4 : i32
      %shift_right_arithmetic3A_640 = arith.shrsi %squeeze3A_638, %shift_right_arithmetic3A_639 : i32
      %mul3A_641 = arith.constant 16 : i32
      %mul3A_642 = arith.muli %scan3A_445, %mul3A_641 : i32
      %add3A_643 = arith.addi %mul3A_2, %mul3A_642 : i32
      %add3A_644 = arith.constant 1 : i32
      %add3A_645 = arith.addi %add3A_643, %add3A_644 : i32
      %mul3A_646 = arith.constant 256 : i32
      %mul3A_647 = arith.muli %add3A_645, %mul3A_646 : i32
      %sub3A_648 = arith.constant 255 : i32
      %sub3A_649 = arith.subi %sub3A_648, %shift_right_arithmetic3A_640 : i32
      %add3A_650 = arith.addi %mul3A_647, %shift_right_arithmetic3A_640 : i32
      %add3A_651 = arith.constant 1 : i32
      %add3A_652 = arith.addi %add3A_650, %add3A_651 : i32
      %and3A_653 = arith.constant -256 : i32
      %and3A_654 = arith.andi %shift_right_arithmetic3A_640, %and3A_653 : i32
      %shift_right_arithmetic3A_655 = arith.constant 7 : i32
      %shift_right_arithmetic3A_656 = arith.shrsi %shift_right_arithmetic3A_640, %shift_right_arithmetic3A_655 : i32
      %and3A_657 = arith.constant 1 : i32
      %and3A_658 = arith.andi %shift_right_arithmetic3A_656, %and3A_657 : i32
      %eq3A_659 = arith.constant 1 : i32
      %eq3A_660 = arith.cmpi eq, %and3A_658, %eq3A_659 : i32
      %convert_element_type3A_661 = arith.extui %eq3A_660 : i1 to i32
      %cond3A_662 = arith.constant 0 : i32
      %cond3A_663 = arith.cmpi ne, %convert_element_type3A_661, %cond3A_662 : i32
      scf.if %cond3A_663 {
      } else {
      }
      %and3A_664 = arith.constant -256 : i32
      %and3A_665 = arith.andi %sub3A_649, %and3A_664 : i32
      %shift_right_arithmetic3A_666 = arith.constant 7 : i32
      %shift_right_arithmetic3A_667 = arith.shrsi %sub3A_649, %shift_right_arithmetic3A_666 : i32
      %and3A_668 = arith.constant 1 : i32
      %and3A_669 = arith.andi %shift_right_arithmetic3A_667, %and3A_668 : i32
      %eq3A_670 = arith.constant 1 : i32
      %eq3A_671 = arith.cmpi eq, %and3A_669, %eq3A_670 : i32
      %convert_element_type3A_672 = arith.extui %eq3A_671 : i1 to i32
      %cond3A_673 = arith.constant 0 : i32
      %cond3A_674 = arith.cmpi ne, %convert_element_type3A_672, %cond3A_673 : i32
      scf.if %cond3A_674 {
      } else {
      }
      %and3A_675 = arith.constant -128 : i32
      %and3A_676 = arith.andi %shift_right_arithmetic3A_640, %and3A_675 : i32
      %shift_right_arithmetic3A_677 = arith.constant 6 : i32
      %shift_right_arithmetic3A_678 = arith.shrsi %shift_right_arithmetic3A_640, %shift_right_arithmetic3A_677 : i32
      %and3A_679 = arith.constant 1 : i32
      %and3A_680 = arith.andi %shift_right_arithmetic3A_678, %and3A_679 : i32
      %eq3A_681 = arith.constant 1 : i32
      %eq3A_682 = arith.cmpi eq, %and3A_680, %eq3A_681 : i32
      %convert_element_type3A_683 = arith.extui %eq3A_682 : i1 to i32
      %cond3A_684 = arith.constant 0 : i32
      %cond3A_685 = arith.cmpi ne, %convert_element_type3A_683, %cond3A_684 : i32
      scf.if %cond3A_685 {
      } else {
      }
      %and3A_686 = arith.constant -128 : i32
      %and3A_687 = arith.andi %sub3A_649, %and3A_686 : i32
      %shift_right_arithmetic3A_688 = arith.constant 6 : i32
      %shift_right_arithmetic3A_689 = arith.shrsi %sub3A_649, %shift_right_arithmetic3A_688 : i32
      %and3A_690 = arith.constant 1 : i32
      %and3A_691 = arith.andi %shift_right_arithmetic3A_689, %and3A_690 : i32
      %eq3A_692 = arith.constant 1 : i32
      %eq3A_693 = arith.cmpi eq, %and3A_691, %eq3A_692 : i32
      %convert_element_type3A_694 = arith.extui %eq3A_693 : i1 to i32
      %cond3A_695 = arith.constant 0 : i32
      %cond3A_696 = arith.cmpi ne, %convert_element_type3A_694, %cond3A_695 : i32
      scf.if %cond3A_696 {
      } else {
      }
      %and3A_697 = arith.constant -64 : i32
      %and3A_698 = arith.andi %shift_right_arithmetic3A_640, %and3A_697 : i32
      %shift_right_arithmetic3A_699 = arith.constant 5 : i32
      %shift_right_arithmetic3A_700 = arith.shrsi %shift_right_arithmetic3A_640, %shift_right_arithmetic3A_699 : i32
      %and3A_701 = arith.constant 1 : i32
      %and3A_702 = arith.andi %shift_right_arithmetic3A_700, %and3A_701 : i32
      %eq3A_703 = arith.constant 1 : i32
      %eq3A_704 = arith.cmpi eq, %and3A_702, %eq3A_703 : i32
      %convert_element_type3A_705 = arith.extui %eq3A_704 : i1 to i32
      %cond3A_706 = arith.constant 0 : i32
      %cond3A_707 = arith.cmpi ne, %convert_element_type3A_705, %cond3A_706 : i32
      scf.if %cond3A_707 {
      } else {
      }
      %and3A_708 = arith.constant -64 : i32
      %and3A_709 = arith.andi %sub3A_649, %and3A_708 : i32
      %shift_right_arithmetic3A_710 = arith.constant 5 : i32
      %shift_right_arithmetic3A_711 = arith.shrsi %sub3A_649, %shift_right_arithmetic3A_710 : i32
      %and3A_712 = arith.constant 1 : i32
      %and3A_713 = arith.andi %shift_right_arithmetic3A_711, %and3A_712 : i32
      %eq3A_714 = arith.constant 1 : i32
      %eq3A_715 = arith.cmpi eq, %and3A_713, %eq3A_714 : i32
      %convert_element_type3A_716 = arith.extui %eq3A_715 : i1 to i32
      %cond3A_717 = arith.constant 0 : i32
      %cond3A_718 = arith.cmpi ne, %convert_element_type3A_716, %cond3A_717 : i32
      scf.if %cond3A_718 {
      } else {
      }
      %and3A_719 = arith.constant -32 : i32
      %and3A_720 = arith.andi %shift_right_arithmetic3A_640, %and3A_719 : i32
      %shift_right_arithmetic3A_721 = arith.constant 4 : i32
      %shift_right_arithmetic3A_722 = arith.shrsi %shift_right_arithmetic3A_640, %shift_right_arithmetic3A_721 : i32
      %and3A_723 = arith.constant 1 : i32
      %and3A_724 = arith.andi %shift_right_arithmetic3A_722, %and3A_723 : i32
      %eq3A_725 = arith.constant 1 : i32
      %eq3A_726 = arith.cmpi eq, %and3A_724, %eq3A_725 : i32
      %convert_element_type3A_727 = arith.extui %eq3A_726 : i1 to i32
      %cond3A_728 = arith.constant 0 : i32
      %cond3A_729 = arith.cmpi ne, %convert_element_type3A_727, %cond3A_728 : i32
      scf.if %cond3A_729 {
      } else {
      }
      %and3A_730 = arith.constant -32 : i32
      %and3A_731 = arith.andi %sub3A_649, %and3A_730 : i32
      %shift_right_arithmetic3A_732 = arith.constant 4 : i32
      %shift_right_arithmetic3A_733 = arith.shrsi %sub3A_649, %shift_right_arithmetic3A_732 : i32
      %and3A_734 = arith.constant 1 : i32
      %and3A_735 = arith.andi %shift_right_arithmetic3A_733, %and3A_734 : i32
      %eq3A_736 = arith.constant 1 : i32
      %eq3A_737 = arith.cmpi eq, %and3A_735, %eq3A_736 : i32
      %convert_element_type3A_738 = arith.extui %eq3A_737 : i1 to i32
      %cond3A_739 = arith.constant 0 : i32
      %cond3A_740 = arith.cmpi ne, %convert_element_type3A_738, %cond3A_739 : i32
      scf.if %cond3A_740 {
      } else {
      }
      %and3A_741 = arith.constant -16 : i32
      %and3A_742 = arith.andi %shift_right_arithmetic3A_640, %and3A_741 : i32
      %shift_right_arithmetic3A_743 = arith.constant 3 : i32
      %shift_right_arithmetic3A_744 = arith.shrsi %shift_right_arithmetic3A_640, %shift_right_arithmetic3A_743 : i32
      %and3A_745 = arith.constant 1 : i32
      %and3A_746 = arith.andi %shift_right_arithmetic3A_744, %and3A_745 : i32
      %eq3A_747 = arith.constant 1 : i32
      %eq3A_748 = arith.cmpi eq, %and3A_746, %eq3A_747 : i32
      %convert_element_type3A_749 = arith.extui %eq3A_748 : i1 to i32
      %cond3A_750 = arith.constant 0 : i32
      %cond3A_751 = arith.cmpi ne, %convert_element_type3A_749, %cond3A_750 : i32
      scf.if %cond3A_751 {
      } else {
      }
      %and3A_752 = arith.constant -16 : i32
      %and3A_753 = arith.andi %sub3A_649, %and3A_752 : i32
      %shift_right_arithmetic3A_754 = arith.constant 3 : i32
      %shift_right_arithmetic3A_755 = arith.shrsi %sub3A_649, %shift_right_arithmetic3A_754 : i32
      %and3A_756 = arith.constant 1 : i32
      %and3A_757 = arith.andi %shift_right_arithmetic3A_755, %and3A_756 : i32
      %eq3A_758 = arith.constant 1 : i32
      %eq3A_759 = arith.cmpi eq, %and3A_757, %eq3A_758 : i32
      %convert_element_type3A_760 = arith.extui %eq3A_759 : i1 to i32
      %cond3A_761 = arith.constant 0 : i32
      %cond3A_762 = arith.cmpi ne, %convert_element_type3A_760, %cond3A_761 : i32
      scf.if %cond3A_762 {
      } else {
      }
      %and3A_763 = arith.constant -8 : i32
      %and3A_764 = arith.andi %shift_right_arithmetic3A_640, %and3A_763 : i32
      %shift_right_arithmetic3A_765 = arith.constant 2 : i32
      %shift_right_arithmetic3A_766 = arith.shrsi %shift_right_arithmetic3A_640, %shift_right_arithmetic3A_765 : i32
      %and3A_767 = arith.constant 1 : i32
      %and3A_768 = arith.andi %shift_right_arithmetic3A_766, %and3A_767 : i32
      %eq3A_769 = arith.constant 1 : i32
      %eq3A_770 = arith.cmpi eq, %and3A_768, %eq3A_769 : i32
      %convert_element_type3A_771 = arith.extui %eq3A_770 : i1 to i32
      %cond3A_772 = arith.constant 0 : i32
      %cond3A_773 = arith.cmpi ne, %convert_element_type3A_771, %cond3A_772 : i32
      scf.if %cond3A_773 {
      } else {
      }
      %and3A_774 = arith.constant -8 : i32
      %and3A_775 = arith.andi %sub3A_649, %and3A_774 : i32
      %shift_right_arithmetic3A_776 = arith.constant 2 : i32
      %shift_right_arithmetic3A_777 = arith.shrsi %sub3A_649, %shift_right_arithmetic3A_776 : i32
      %and3A_778 = arith.constant 1 : i32
      %and3A_779 = arith.andi %shift_right_arithmetic3A_777, %and3A_778 : i32
      %eq3A_780 = arith.constant 1 : i32
      %eq3A_781 = arith.cmpi eq, %and3A_779, %eq3A_780 : i32
      %convert_element_type3A_782 = arith.extui %eq3A_781 : i1 to i32
      %cond3A_783 = arith.constant 0 : i32
      %cond3A_784 = arith.cmpi ne, %convert_element_type3A_782, %cond3A_783 : i32
      scf.if %cond3A_784 {
      } else {
      }
      %and3A_785 = arith.constant -4 : i32
      %and3A_786 = arith.andi %shift_right_arithmetic3A_640, %and3A_785 : i32
      %shift_right_arithmetic3A_787 = arith.constant 1 : i32
      %shift_right_arithmetic3A_788 = arith.shrsi %shift_right_arithmetic3A_640, %shift_right_arithmetic3A_787 : i32
      %and3A_789 = arith.constant 1 : i32
      %and3A_790 = arith.andi %shift_right_arithmetic3A_788, %and3A_789 : i32
      %eq3A_791 = arith.constant 1 : i32
      %eq3A_792 = arith.cmpi eq, %and3A_790, %eq3A_791 : i32
      %convert_element_type3A_793 = arith.extui %eq3A_792 : i1 to i32
      %cond3A_794 = arith.constant 0 : i32
      %cond3A_795 = arith.cmpi ne, %convert_element_type3A_793, %cond3A_794 : i32
      scf.if %cond3A_795 {
      } else {
      }
      %and3A_796 = arith.constant -4 : i32
      %and3A_797 = arith.andi %sub3A_649, %and3A_796 : i32
      %shift_right_arithmetic3A_798 = arith.constant 1 : i32
      %shift_right_arithmetic3A_799 = arith.shrsi %sub3A_649, %shift_right_arithmetic3A_798 : i32
      %and3A_800 = arith.constant 1 : i32
      %and3A_801 = arith.andi %shift_right_arithmetic3A_799, %and3A_800 : i32
      %eq3A_802 = arith.constant 1 : i32
      %eq3A_803 = arith.cmpi eq, %and3A_801, %eq3A_802 : i32
      %convert_element_type3A_804 = arith.extui %eq3A_803 : i1 to i32
      %cond3A_805 = arith.constant 0 : i32
      %cond3A_806 = arith.cmpi ne, %convert_element_type3A_804, %cond3A_805 : i32
      scf.if %cond3A_806 {
      } else {
      }
      %and3A_807 = arith.constant -2 : i32
      %and3A_808 = arith.andi %shift_right_arithmetic3A_640, %and3A_807 : i32
      %shift_right_arithmetic3A_809 = arith.constant 0 : i32
      %shift_right_arithmetic3A_810 = arith.shrsi %shift_right_arithmetic3A_640, %shift_right_arithmetic3A_809 : i32
      %and3A_811 = arith.constant 1 : i32
      %and3A_812 = arith.andi %shift_right_arithmetic3A_810, %and3A_811 : i32
      %eq3A_813 = arith.constant 1 : i32
      %eq3A_814 = arith.cmpi eq, %and3A_812, %eq3A_813 : i32
      %convert_element_type3A_815 = arith.extui %eq3A_814 : i1 to i32
      %cond3A_816 = arith.constant 0 : i32
      %cond3A_817 = arith.cmpi ne, %convert_element_type3A_815, %cond3A_816 : i32
      scf.if %cond3A_817 {
      } else {
      }
      %and3A_818 = arith.constant -2 : i32
      %and3A_819 = arith.andi %sub3A_649, %and3A_818 : i32
      %shift_right_arithmetic3A_820 = arith.constant 0 : i32
      %shift_right_arithmetic3A_821 = arith.shrsi %sub3A_649, %shift_right_arithmetic3A_820 : i32
      %and3A_822 = arith.constant 1 : i32
      %and3A_823 = arith.andi %shift_right_arithmetic3A_821, %and3A_822 : i32
      %eq3A_824 = arith.constant 1 : i32
      %eq3A_825 = arith.cmpi eq, %and3A_823, %eq3A_824 : i32
      %convert_element_type3A_826 = arith.extui %eq3A_825 : i1 to i32
      %cond3A_827 = arith.constant 0 : i32
      %cond3A_828 = arith.cmpi ne, %convert_element_type3A_826, %cond3A_827 : i32
      scf.if %cond3A_828 {
      } else {
      }
      %slice3A_829 = vector.extract_strided_slice %get3A_451 {offsets = [2], sizes = [1], strides = [1]} : vector<16xi32> to vector<1xi32>
      %squeeze3A_830 = vector.extract %slice3A_829[0] : i32 from vector<1xi32>
      %shift_right_arithmetic3A_831 = arith.constant 4 : i32
      %shift_right_arithmetic3A_832 = arith.shrsi %squeeze3A_830, %shift_right_arithmetic3A_831 : i32
      %mul3A_833 = arith.constant 16 : i32
      %mul3A_834 = arith.muli %scan3A_445, %mul3A_833 : i32
      %add3A_835 = arith.addi %mul3A_2, %mul3A_834 : i32
      %add3A_836 = arith.constant 2 : i32
      %add3A_837 = arith.addi %add3A_835, %add3A_836 : i32
      %mul3A_838 = arith.constant 256 : i32
      %mul3A_839 = arith.muli %add3A_837, %mul3A_838 : i32
      %sub3A_840 = arith.constant 255 : i32
      %sub3A_841 = arith.subi %sub3A_840, %shift_right_arithmetic3A_832 : i32
      %add3A_842 = arith.addi %mul3A_839, %shift_right_arithmetic3A_832 : i32
      %add3A_843 = arith.constant 1 : i32
      %add3A_844 = arith.addi %add3A_842, %add3A_843 : i32
      %and3A_845 = arith.constant -256 : i32
      %and3A_846 = arith.andi %shift_right_arithmetic3A_832, %and3A_845 : i32
      %shift_right_arithmetic3A_847 = arith.constant 7 : i32
      %shift_right_arithmetic3A_848 = arith.shrsi %shift_right_arithmetic3A_832, %shift_right_arithmetic3A_847 : i32
      %and3A_849 = arith.constant 1 : i32
      %and3A_850 = arith.andi %shift_right_arithmetic3A_848, %and3A_849 : i32
      %eq3A_851 = arith.constant 1 : i32
      %eq3A_852 = arith.cmpi eq, %and3A_850, %eq3A_851 : i32
      %convert_element_type3A_853 = arith.extui %eq3A_852 : i1 to i32
      %cond3A_854 = arith.constant 0 : i32
      %cond3A_855 = arith.cmpi ne, %convert_element_type3A_853, %cond3A_854 : i32
      scf.if %cond3A_855 {
      } else {
      }
      %and3A_856 = arith.constant -256 : i32
      %and3A_857 = arith.andi %sub3A_841, %and3A_856 : i32
      %shift_right_arithmetic3A_858 = arith.constant 7 : i32
      %shift_right_arithmetic3A_859 = arith.shrsi %sub3A_841, %shift_right_arithmetic3A_858 : i32
      %and3A_860 = arith.constant 1 : i32
      %and3A_861 = arith.andi %shift_right_arithmetic3A_859, %and3A_860 : i32
      %eq3A_862 = arith.constant 1 : i32
      %eq3A_863 = arith.cmpi eq, %and3A_861, %eq3A_862 : i32
      %convert_element_type3A_864 = arith.extui %eq3A_863 : i1 to i32
      %cond3A_865 = arith.constant 0 : i32
      %cond3A_866 = arith.cmpi ne, %convert_element_type3A_864, %cond3A_865 : i32
      scf.if %cond3A_866 {
      } else {
      }
      %and3A_867 = arith.constant -128 : i32
      %and3A_868 = arith.andi %shift_right_arithmetic3A_832, %and3A_867 : i32
      %shift_right_arithmetic3A_869 = arith.constant 6 : i32
      %shift_right_arithmetic3A_870 = arith.shrsi %shift_right_arithmetic3A_832, %shift_right_arithmetic3A_869 : i32
      %and3A_871 = arith.constant 1 : i32
      %and3A_872 = arith.andi %shift_right_arithmetic3A_870, %and3A_871 : i32
      %eq3A_873 = arith.constant 1 : i32
      %eq3A_874 = arith.cmpi eq, %and3A_872, %eq3A_873 : i32
      %convert_element_type3A_875 = arith.extui %eq3A_874 : i1 to i32
      %cond3A_876 = arith.constant 0 : i32
      %cond3A_877 = arith.cmpi ne, %convert_element_type3A_875, %cond3A_876 : i32
      scf.if %cond3A_877 {
      } else {
      }
      %and3A_878 = arith.constant -128 : i32
      %and3A_879 = arith.andi %sub3A_841, %and3A_878 : i32
      %shift_right_arithmetic3A_880 = arith.constant 6 : i32
      %shift_right_arithmetic3A_881 = arith.shrsi %sub3A_841, %shift_right_arithmetic3A_880 : i32
      %and3A_882 = arith.constant 1 : i32
      %and3A_883 = arith.andi %shift_right_arithmetic3A_881, %and3A_882 : i32
      %eq3A_884 = arith.constant 1 : i32
      %eq3A_885 = arith.cmpi eq, %and3A_883, %eq3A_884 : i32
      %convert_element_type3A_886 = arith.extui %eq3A_885 : i1 to i32
      %cond3A_887 = arith.constant 0 : i32
      %cond3A_888 = arith.cmpi ne, %convert_element_type3A_886, %cond3A_887 : i32
      scf.if %cond3A_888 {
      } else {
      }
      %and3A_889 = arith.constant -64 : i32
      %and3A_890 = arith.andi %shift_right_arithmetic3A_832, %and3A_889 : i32
      %shift_right_arithmetic3A_891 = arith.constant 5 : i32
      %shift_right_arithmetic3A_892 = arith.shrsi %shift_right_arithmetic3A_832, %shift_right_arithmetic3A_891 : i32
      %and3A_893 = arith.constant 1 : i32
      %and3A_894 = arith.andi %shift_right_arithmetic3A_892, %and3A_893 : i32
      %eq3A_895 = arith.constant 1 : i32
      %eq3A_896 = arith.cmpi eq, %and3A_894, %eq3A_895 : i32
      %convert_element_type3A_897 = arith.extui %eq3A_896 : i1 to i32
      %cond3A_898 = arith.constant 0 : i32
      %cond3A_899 = arith.cmpi ne, %convert_element_type3A_897, %cond3A_898 : i32
      scf.if %cond3A_899 {
      } else {
      }
      %and3A_900 = arith.constant -64 : i32
      %and3A_901 = arith.andi %sub3A_841, %and3A_900 : i32
      %shift_right_arithmetic3A_902 = arith.constant 5 : i32
      %shift_right_arithmetic3A_903 = arith.shrsi %sub3A_841, %shift_right_arithmetic3A_902 : i32
      %and3A_904 = arith.constant 1 : i32
      %and3A_905 = arith.andi %shift_right_arithmetic3A_903, %and3A_904 : i32
      %eq3A_906 = arith.constant 1 : i32
      %eq3A_907 = arith.cmpi eq, %and3A_905, %eq3A_906 : i32
      %convert_element_type3A_908 = arith.extui %eq3A_907 : i1 to i32
      %cond3A_909 = arith.constant 0 : i32
      %cond3A_910 = arith.cmpi ne, %convert_element_type3A_908, %cond3A_909 : i32
      scf.if %cond3A_910 {
      } else {
      }
      %and3A_911 = arith.constant -32 : i32
      %and3A_912 = arith.andi %shift_right_arithmetic3A_832, %and3A_911 : i32
      %shift_right_arithmetic3A_913 = arith.constant 4 : i32
      %shift_right_arithmetic3A_914 = arith.shrsi %shift_right_arithmetic3A_832, %shift_right_arithmetic3A_913 : i32
      %and3A_915 = arith.constant 1 : i32
      %and3A_916 = arith.andi %shift_right_arithmetic3A_914, %and3A_915 : i32
      %eq3A_917 = arith.constant 1 : i32
      %eq3A_918 = arith.cmpi eq, %and3A_916, %eq3A_917 : i32
      %convert_element_type3A_919 = arith.extui %eq3A_918 : i1 to i32
      %cond3A_920 = arith.constant 0 : i32
      %cond3A_921 = arith.cmpi ne, %convert_element_type3A_919, %cond3A_920 : i32
      scf.if %cond3A_921 {
      } else {
      }
      %and3A_922 = arith.constant -32 : i32
      %and3A_923 = arith.andi %sub3A_841, %and3A_922 : i32
      %shift_right_arithmetic3A_924 = arith.constant 4 : i32
      %shift_right_arithmetic3A_925 = arith.shrsi %sub3A_841, %shift_right_arithmetic3A_924 : i32
      %and3A_926 = arith.constant 1 : i32
      %and3A_927 = arith.andi %shift_right_arithmetic3A_925, %and3A_926 : i32
      %eq3A_928 = arith.constant 1 : i32
      %eq3A_929 = arith.cmpi eq, %and3A_927, %eq3A_928 : i32
      %convert_element_type3A_930 = arith.extui %eq3A_929 : i1 to i32
      %cond3A_931 = arith.constant 0 : i32
      %cond3A_932 = arith.cmpi ne, %convert_element_type3A_930, %cond3A_931 : i32
      scf.if %cond3A_932 {
      } else {
      }
      %and3A_933 = arith.constant -16 : i32
      %and3A_934 = arith.andi %shift_right_arithmetic3A_832, %and3A_933 : i32
      %shift_right_arithmetic3A_935 = arith.constant 3 : i32
      %shift_right_arithmetic3A_936 = arith.shrsi %shift_right_arithmetic3A_832, %shift_right_arithmetic3A_935 : i32
      %and3A_937 = arith.constant 1 : i32
      %and3A_938 = arith.andi %shift_right_arithmetic3A_936, %and3A_937 : i32
      %eq3A_939 = arith.constant 1 : i32
      %eq3A_940 = arith.cmpi eq, %and3A_938, %eq3A_939 : i32
      %convert_element_type3A_941 = arith.extui %eq3A_940 : i1 to i32
      %cond3A_942 = arith.constant 0 : i32
      %cond3A_943 = arith.cmpi ne, %convert_element_type3A_941, %cond3A_942 : i32
      scf.if %cond3A_943 {
      } else {
      }
      %and3A_944 = arith.constant -16 : i32
      %and3A_945 = arith.andi %sub3A_841, %and3A_944 : i32
      %shift_right_arithmetic3A_946 = arith.constant 3 : i32
      %shift_right_arithmetic3A_947 = arith.shrsi %sub3A_841, %shift_right_arithmetic3A_946 : i32
      %and3A_948 = arith.constant 1 : i32
      %and3A_949 = arith.andi %shift_right_arithmetic3A_947, %and3A_948 : i32
      %eq3A_950 = arith.constant 1 : i32
      %eq3A_951 = arith.cmpi eq, %and3A_949, %eq3A_950 : i32
      %convert_element_type3A_952 = arith.extui %eq3A_951 : i1 to i32
      %cond3A_953 = arith.constant 0 : i32
      %cond3A_954 = arith.cmpi ne, %convert_element_type3A_952, %cond3A_953 : i32
      scf.if %cond3A_954 {
      } else {
      }
      %and3A_955 = arith.constant -8 : i32
      %and3A_956 = arith.andi %shift_right_arithmetic3A_832, %and3A_955 : i32
      %shift_right_arithmetic3A_957 = arith.constant 2 : i32
      %shift_right_arithmetic3A_958 = arith.shrsi %shift_right_arithmetic3A_832, %shift_right_arithmetic3A_957 : i32
      %and3A_959 = arith.constant 1 : i32
      %and3A_960 = arith.andi %shift_right_arithmetic3A_958, %and3A_959 : i32
      %eq3A_961 = arith.constant 1 : i32
      %eq3A_962 = arith.cmpi eq, %and3A_960, %eq3A_961 : i32
      %convert_element_type3A_963 = arith.extui %eq3A_962 : i1 to i32
      %cond3A_964 = arith.constant 0 : i32
      %cond3A_965 = arith.cmpi ne, %convert_element_type3A_963, %cond3A_964 : i32
      scf.if %cond3A_965 {
      } else {
      }
      %and3A_966 = arith.constant -8 : i32
      %and3A_967 = arith.andi %sub3A_841, %and3A_966 : i32
      %shift_right_arithmetic3A_968 = arith.constant 2 : i32
      %shift_right_arithmetic3A_969 = arith.shrsi %sub3A_841, %shift_right_arithmetic3A_968 : i32
      %and3A_970 = arith.constant 1 : i32
      %and3A_971 = arith.andi %shift_right_arithmetic3A_969, %and3A_970 : i32
      %eq3A_972 = arith.constant 1 : i32
      %eq3A_973 = arith.cmpi eq, %and3A_971, %eq3A_972 : i32
      %convert_element_type3A_974 = arith.extui %eq3A_973 : i1 to i32
      %cond3A_975 = arith.constant 0 : i32
      %cond3A_976 = arith.cmpi ne, %convert_element_type3A_974, %cond3A_975 : i32
      scf.if %cond3A_976 {
      } else {
      }
      %and3A_977 = arith.constant -4 : i32
      %and3A_978 = arith.andi %shift_right_arithmetic3A_832, %and3A_977 : i32
      %shift_right_arithmetic3A_979 = arith.constant 1 : i32
      %shift_right_arithmetic3A_980 = arith.shrsi %shift_right_arithmetic3A_832, %shift_right_arithmetic3A_979 : i32
      %and3A_981 = arith.constant 1 : i32
      %and3A_982 = arith.andi %shift_right_arithmetic3A_980, %and3A_981 : i32
      %eq3A_983 = arith.constant 1 : i32
      %eq3A_984 = arith.cmpi eq, %and3A_982, %eq3A_983 : i32
      %convert_element_type3A_985 = arith.extui %eq3A_984 : i1 to i32
      %cond3A_986 = arith.constant 0 : i32
      %cond3A_987 = arith.cmpi ne, %convert_element_type3A_985, %cond3A_986 : i32
      scf.if %cond3A_987 {
      } else {
      }
      %and3A_988 = arith.constant -4 : i32
      %and3A_989 = arith.andi %sub3A_841, %and3A_988 : i32
      %shift_right_arithmetic3A_990 = arith.constant 1 : i32
      %shift_right_arithmetic3A_991 = arith.shrsi %sub3A_841, %shift_right_arithmetic3A_990 : i32
      %and3A_992 = arith.constant 1 : i32
      %and3A_993 = arith.andi %shift_right_arithmetic3A_991, %and3A_992 : i32
      %eq3A_994 = arith.constant 1 : i32
      %eq3A_995 = arith.cmpi eq, %and3A_993, %eq3A_994 : i32
      %convert_element_type3A_996 = arith.extui %eq3A_995 : i1 to i32
      %cond3A_997 = arith.constant 0 : i32
      %cond3A_998 = arith.cmpi ne, %convert_element_type3A_996, %cond3A_997 : i32
      scf.if %cond3A_998 {
      } else {
      }
      %and3A_999 = arith.constant -2 : i32
      %and3A_1000 = arith.andi %shift_right_arithmetic3A_832, %and3A_999 : i32
      %shift_right_arithmetic3A_1001 = arith.constant 0 : i32
      %shift_right_arithmetic3A_1002 = arith.shrsi %shift_right_arithmetic3A_832, %shift_right_arithmetic3A_1001 : i32
      %and3A_1003 = arith.constant 1 : i32
      %and3A_1004 = arith.andi %shift_right_arithmetic3A_1002, %and3A_1003 : i32
      %eq3A_1005 = arith.constant 1 : i32
      %eq3A_1006 = arith.cmpi eq, %and3A_1004, %eq3A_1005 : i32
      %convert_element_type3A_1007 = arith.extui %eq3A_1006 : i1 to i32
      %cond3A_1008 = arith.constant 0 : i32
      %cond3A_1009 = arith.cmpi ne, %convert_element_type3A_1007, %cond3A_1008 : i32
      scf.if %cond3A_1009 {
      } else {
      }
      %and3A_1010 = arith.constant -2 : i32
      %and3A_1011 = arith.andi %sub3A_841, %and3A_1010 : i32
      %shift_right_arithmetic3A_1012 = arith.constant 0 : i32
      %shift_right_arithmetic3A_1013 = arith.shrsi %sub3A_841, %shift_right_arithmetic3A_1012 : i32
      %and3A_1014 = arith.constant 1 : i32
      %and3A_1015 = arith.andi %shift_right_arithmetic3A_1013, %and3A_1014 : i32
      %eq3A_1016 = arith.constant 1 : i32
      %eq3A_1017 = arith.cmpi eq, %and3A_1015, %eq3A_1016 : i32
      %convert_element_type3A_1018 = arith.extui %eq3A_1017 : i1 to i32
      %cond3A_1019 = arith.constant 0 : i32
      %cond3A_1020 = arith.cmpi ne, %convert_element_type3A_1018, %cond3A_1019 : i32
      scf.if %cond3A_1020 {
      } else {
      }
      %slice3A_1021 = vector.extract_strided_slice %get3A_451 {offsets = [3], sizes = [1], strides = [1]} : vector<16xi32> to vector<1xi32>
      %squeeze3A_1022 = vector.extract %slice3A_1021[0] : i32 from vector<1xi32>
      %shift_right_arithmetic3A_1023 = arith.constant 4 : i32
      %shift_right_arithmetic3A_1024 = arith.shrsi %squeeze3A_1022, %shift_right_arithmetic3A_1023 : i32
      %mul3A_1025 = arith.constant 16 : i32
      %mul3A_1026 = arith.muli %scan3A_445, %mul3A_1025 : i32
      %add3A_1027 = arith.addi %mul3A_2, %mul3A_1026 : i32
      %add3A_1028 = arith.constant 3 : i32
      %add3A_1029 = arith.addi %add3A_1027, %add3A_1028 : i32
      %mul3A_1030 = arith.constant 256 : i32
      %mul3A_1031 = arith.muli %add3A_1029, %mul3A_1030 : i32
      %sub3A_1032 = arith.constant 255 : i32
      %sub3A_1033 = arith.subi %sub3A_1032, %shift_right_arithmetic3A_1024 : i32
      %add3A_1034 = arith.addi %mul3A_1031, %shift_right_arithmetic3A_1024 : i32
      %add3A_1035 = arith.constant 1 : i32
      %add3A_1036 = arith.addi %add3A_1034, %add3A_1035 : i32
      %and3A_1037 = arith.constant -256 : i32
      %and3A_1038 = arith.andi %shift_right_arithmetic3A_1024, %and3A_1037 : i32
      %shift_right_arithmetic3A_1039 = arith.constant 7 : i32
      %shift_right_arithmetic3A_1040 = arith.shrsi %shift_right_arithmetic3A_1024, %shift_right_arithmetic3A_1039 : i32
      %and3A_1041 = arith.constant 1 : i32
      %and3A_1042 = arith.andi %shift_right_arithmetic3A_1040, %and3A_1041 : i32
      %eq3A_1043 = arith.constant 1 : i32
      %eq3A_1044 = arith.cmpi eq, %and3A_1042, %eq3A_1043 : i32
      %convert_element_type3A_1045 = arith.extui %eq3A_1044 : i1 to i32
      %cond3A_1046 = arith.constant 0 : i32
      %cond3A_1047 = arith.cmpi ne, %convert_element_type3A_1045, %cond3A_1046 : i32
      scf.if %cond3A_1047 {
      } else {
      }
      %and3A_1048 = arith.constant -256 : i32
      %and3A_1049 = arith.andi %sub3A_1033, %and3A_1048 : i32
      %shift_right_arithmetic3A_1050 = arith.constant 7 : i32
      %shift_right_arithmetic3A_1051 = arith.shrsi %sub3A_1033, %shift_right_arithmetic3A_1050 : i32
      %and3A_1052 = arith.constant 1 : i32
      %and3A_1053 = arith.andi %shift_right_arithmetic3A_1051, %and3A_1052 : i32
      %eq3A_1054 = arith.constant 1 : i32
      %eq3A_1055 = arith.cmpi eq, %and3A_1053, %eq3A_1054 : i32
      %convert_element_type3A_1056 = arith.extui %eq3A_1055 : i1 to i32
      %cond3A_1057 = arith.constant 0 : i32
      %cond3A_1058 = arith.cmpi ne, %convert_element_type3A_1056, %cond3A_1057 : i32
      scf.if %cond3A_1058 {
      } else {
      }
      %and3A_1059 = arith.constant -128 : i32
      %and3A_1060 = arith.andi %shift_right_arithmetic3A_1024, %and3A_1059 : i32
      %shift_right_arithmetic3A_1061 = arith.constant 6 : i32
      %shift_right_arithmetic3A_1062 = arith.shrsi %shift_right_arithmetic3A_1024, %shift_right_arithmetic3A_1061 : i32
      %and3A_1063 = arith.constant 1 : i32
      %and3A_1064 = arith.andi %shift_right_arithmetic3A_1062, %and3A_1063 : i32
      %eq3A_1065 = arith.constant 1 : i32
      %eq3A_1066 = arith.cmpi eq, %and3A_1064, %eq3A_1065 : i32
      %convert_element_type3A_1067 = arith.extui %eq3A_1066 : i1 to i32
      %cond3A_1068 = arith.constant 0 : i32
      %cond3A_1069 = arith.cmpi ne, %convert_element_type3A_1067, %cond3A_1068 : i32
      scf.if %cond3A_1069 {
      } else {
      }
      %and3A_1070 = arith.constant -128 : i32
      %and3A_1071 = arith.andi %sub3A_1033, %and3A_1070 : i32
      %shift_right_arithmetic3A_1072 = arith.constant 6 : i32
      %shift_right_arithmetic3A_1073 = arith.shrsi %sub3A_1033, %shift_right_arithmetic3A_1072 : i32
      %and3A_1074 = arith.constant 1 : i32
      %and3A_1075 = arith.andi %shift_right_arithmetic3A_1073, %and3A_1074 : i32
      %eq3A_1076 = arith.constant 1 : i32
      %eq3A_1077 = arith.cmpi eq, %and3A_1075, %eq3A_1076 : i32
      %convert_element_type3A_1078 = arith.extui %eq3A_1077 : i1 to i32
      %cond3A_1079 = arith.constant 0 : i32
      %cond3A_1080 = arith.cmpi ne, %convert_element_type3A_1078, %cond3A_1079 : i32
      scf.if %cond3A_1080 {
      } else {
      }
      %and3A_1081 = arith.constant -64 : i32
      %and3A_1082 = arith.andi %shift_right_arithmetic3A_1024, %and3A_1081 : i32
      %shift_right_arithmetic3A_1083 = arith.constant 5 : i32
      %shift_right_arithmetic3A_1084 = arith.shrsi %shift_right_arithmetic3A_1024, %shift_right_arithmetic3A_1083 : i32
      %and3A_1085 = arith.constant 1 : i32
      %and3A_1086 = arith.andi %shift_right_arithmetic3A_1084, %and3A_1085 : i32
      %eq3A_1087 = arith.constant 1 : i32
      %eq3A_1088 = arith.cmpi eq, %and3A_1086, %eq3A_1087 : i32
      %convert_element_type3A_1089 = arith.extui %eq3A_1088 : i1 to i32
      %cond3A_1090 = arith.constant 0 : i32
      %cond3A_1091 = arith.cmpi ne, %convert_element_type3A_1089, %cond3A_1090 : i32
      scf.if %cond3A_1091 {
      } else {
      }
      %and3A_1092 = arith.constant -64 : i32
      %and3A_1093 = arith.andi %sub3A_1033, %and3A_1092 : i32
      %shift_right_arithmetic3A_1094 = arith.constant 5 : i32
      %shift_right_arithmetic3A_1095 = arith.shrsi %sub3A_1033, %shift_right_arithmetic3A_1094 : i32
      %and3A_1096 = arith.constant 1 : i32
      %and3A_1097 = arith.andi %shift_right_arithmetic3A_1095, %and3A_1096 : i32
      %eq3A_1098 = arith.constant 1 : i32
      %eq3A_1099 = arith.cmpi eq, %and3A_1097, %eq3A_1098 : i32
      %convert_element_type3A_1100 = arith.extui %eq3A_1099 : i1 to i32
      %cond3A_1101 = arith.constant 0 : i32
      %cond3A_1102 = arith.cmpi ne, %convert_element_type3A_1100, %cond3A_1101 : i32
      scf.if %cond3A_1102 {
      } else {
      }
      %and3A_1103 = arith.constant -32 : i32
      %and3A_1104 = arith.andi %shift_right_arithmetic3A_1024, %and3A_1103 : i32
      %shift_right_arithmetic3A_1105 = arith.constant 4 : i32
      %shift_right_arithmetic3A_1106 = arith.shrsi %shift_right_arithmetic3A_1024, %shift_right_arithmetic3A_1105 : i32
      %and3A_1107 = arith.constant 1 : i32
      %and3A_1108 = arith.andi %shift_right_arithmetic3A_1106, %and3A_1107 : i32
      %eq3A_1109 = arith.constant 1 : i32
      %eq3A_1110 = arith.cmpi eq, %and3A_1108, %eq3A_1109 : i32
      %convert_element_type3A_1111 = arith.extui %eq3A_1110 : i1 to i32
      %cond3A_1112 = arith.constant 0 : i32
      %cond3A_1113 = arith.cmpi ne, %convert_element_type3A_1111, %cond3A_1112 : i32
      scf.if %cond3A_1113 {
      } else {
      }
      %and3A_1114 = arith.constant -32 : i32
      %and3A_1115 = arith.andi %sub3A_1033, %and3A_1114 : i32
      %shift_right_arithmetic3A_1116 = arith.constant 4 : i32
      %shift_right_arithmetic3A_1117 = arith.shrsi %sub3A_1033, %shift_right_arithmetic3A_1116 : i32
      %and3A_1118 = arith.constant 1 : i32
      %and3A_1119 = arith.andi %shift_right_arithmetic3A_1117, %and3A_1118 : i32
      %eq3A_1120 = arith.constant 1 : i32
      %eq3A_1121 = arith.cmpi eq, %and3A_1119, %eq3A_1120 : i32
      %convert_element_type3A_1122 = arith.extui %eq3A_1121 : i1 to i32
      %cond3A_1123 = arith.constant 0 : i32
      %cond3A_1124 = arith.cmpi ne, %convert_element_type3A_1122, %cond3A_1123 : i32
      scf.if %cond3A_1124 {
      } else {
      }
      %and3A_1125 = arith.constant -16 : i32
      %and3A_1126 = arith.andi %shift_right_arithmetic3A_1024, %and3A_1125 : i32
      %shift_right_arithmetic3A_1127 = arith.constant 3 : i32
      %shift_right_arithmetic3A_1128 = arith.shrsi %shift_right_arithmetic3A_1024, %shift_right_arithmetic3A_1127 : i32
      %and3A_1129 = arith.constant 1 : i32
      %and3A_1130 = arith.andi %shift_right_arithmetic3A_1128, %and3A_1129 : i32
      %eq3A_1131 = arith.constant 1 : i32
      %eq3A_1132 = arith.cmpi eq, %and3A_1130, %eq3A_1131 : i32
      %convert_element_type3A_1133 = arith.extui %eq3A_1132 : i1 to i32
      %cond3A_1134 = arith.constant 0 : i32
      %cond3A_1135 = arith.cmpi ne, %convert_element_type3A_1133, %cond3A_1134 : i32
      scf.if %cond3A_1135 {
      } else {
      }
      %and3A_1136 = arith.constant -16 : i32
      %and3A_1137 = arith.andi %sub3A_1033, %and3A_1136 : i32
      %shift_right_arithmetic3A_1138 = arith.constant 3 : i32
      %shift_right_arithmetic3A_1139 = arith.shrsi %sub3A_1033, %shift_right_arithmetic3A_1138 : i32
      %and3A_1140 = arith.constant 1 : i32
      %and3A_1141 = arith.andi %shift_right_arithmetic3A_1139, %and3A_1140 : i32
      %eq3A_1142 = arith.constant 1 : i32
      %eq3A_1143 = arith.cmpi eq, %and3A_1141, %eq3A_1142 : i32
      %convert_element_type3A_1144 = arith.extui %eq3A_1143 : i1 to i32
      %cond3A_1145 = arith.constant 0 : i32
      %cond3A_1146 = arith.cmpi ne, %convert_element_type3A_1144, %cond3A_1145 : i32
      scf.if %cond3A_1146 {
      } else {
      }
      %and3A_1147 = arith.constant -8 : i32
      %and3A_1148 = arith.andi %shift_right_arithmetic3A_1024, %and3A_1147 : i32
      %shift_right_arithmetic3A_1149 = arith.constant 2 : i32
      %shift_right_arithmetic3A_1150 = arith.shrsi %shift_right_arithmetic3A_1024, %shift_right_arithmetic3A_1149 : i32
      %and3A_1151 = arith.constant 1 : i32
      %and3A_1152 = arith.andi %shift_right_arithmetic3A_1150, %and3A_1151 : i32
      %eq3A_1153 = arith.constant 1 : i32
      %eq3A_1154 = arith.cmpi eq, %and3A_1152, %eq3A_1153 : i32
      %convert_element_type3A_1155 = arith.extui %eq3A_1154 : i1 to i32
      %cond3A_1156 = arith.constant 0 : i32
      %cond3A_1157 = arith.cmpi ne, %convert_element_type3A_1155, %cond3A_1156 : i32
      scf.if %cond3A_1157 {
      } else {
      }
      %and3A_1158 = arith.constant -8 : i32
      %and3A_1159 = arith.andi %sub3A_1033, %and3A_1158 : i32
      %shift_right_arithmetic3A_1160 = arith.constant 2 : i32
      %shift_right_arithmetic3A_1161 = arith.shrsi %sub3A_1033, %shift_right_arithmetic3A_1160 : i32
      %and3A_1162 = arith.constant 1 : i32
      %and3A_1163 = arith.andi %shift_right_arithmetic3A_1161, %and3A_1162 : i32
      %eq3A_1164 = arith.constant 1 : i32
      %eq3A_1165 = arith.cmpi eq, %and3A_1163, %eq3A_1164 : i32
      %convert_element_type3A_1166 = arith.extui %eq3A_1165 : i1 to i32
      %cond3A_1167 = arith.constant 0 : i32
      %cond3A_1168 = arith.cmpi ne, %convert_element_type3A_1166, %cond3A_1167 : i32
      scf.if %cond3A_1168 {
      } else {
      }
      %and3A_1169 = arith.constant -4 : i32
      %and3A_1170 = arith.andi %shift_right_arithmetic3A_1024, %and3A_1169 : i32
      %shift_right_arithmetic3A_1171 = arith.constant 1 : i32
      %shift_right_arithmetic3A_1172 = arith.shrsi %shift_right_arithmetic3A_1024, %shift_right_arithmetic3A_1171 : i32
      %and3A_1173 = arith.constant 1 : i32
      %and3A_1174 = arith.andi %shift_right_arithmetic3A_1172, %and3A_1173 : i32
      %eq3A_1175 = arith.constant 1 : i32
      %eq3A_1176 = arith.cmpi eq, %and3A_1174, %eq3A_1175 : i32
      %convert_element_type3A_1177 = arith.extui %eq3A_1176 : i1 to i32
      %cond3A_1178 = arith.constant 0 : i32
      %cond3A_1179 = arith.cmpi ne, %convert_element_type3A_1177, %cond3A_1178 : i32
      scf.if %cond3A_1179 {
      } else {
      }
      %and3A_1180 = arith.constant -4 : i32
      %and3A_1181 = arith.andi %sub3A_1033, %and3A_1180 : i32
      %shift_right_arithmetic3A_1182 = arith.constant 1 : i32
      %shift_right_arithmetic3A_1183 = arith.shrsi %sub3A_1033, %shift_right_arithmetic3A_1182 : i32
      %and3A_1184 = arith.constant 1 : i32
      %and3A_1185 = arith.andi %shift_right_arithmetic3A_1183, %and3A_1184 : i32
      %eq3A_1186 = arith.constant 1 : i32
      %eq3A_1187 = arith.cmpi eq, %and3A_1185, %eq3A_1186 : i32
      %convert_element_type3A_1188 = arith.extui %eq3A_1187 : i1 to i32
      %cond3A_1189 = arith.constant 0 : i32
      %cond3A_1190 = arith.cmpi ne, %convert_element_type3A_1188, %cond3A_1189 : i32
      scf.if %cond3A_1190 {
      } else {
      }
      %and3A_1191 = arith.constant -2 : i32
      %and3A_1192 = arith.andi %shift_right_arithmetic3A_1024, %and3A_1191 : i32
      %shift_right_arithmetic3A_1193 = arith.constant 0 : i32
      %shift_right_arithmetic3A_1194 = arith.shrsi %shift_right_arithmetic3A_1024, %shift_right_arithmetic3A_1193 : i32
      %and3A_1195 = arith.constant 1 : i32
      %and3A_1196 = arith.andi %shift_right_arithmetic3A_1194, %and3A_1195 : i32
      %eq3A_1197 = arith.constant 1 : i32
      %eq3A_1198 = arith.cmpi eq, %and3A_1196, %eq3A_1197 : i32
      %convert_element_type3A_1199 = arith.extui %eq3A_1198 : i1 to i32
      %cond3A_1200 = arith.constant 0 : i32
      %cond3A_1201 = arith.cmpi ne, %convert_element_type3A_1199, %cond3A_1200 : i32
      scf.if %cond3A_1201 {
      } else {
      }
      %and3A_1202 = arith.constant -2 : i32
      %and3A_1203 = arith.andi %sub3A_1033, %and3A_1202 : i32
      %shift_right_arithmetic3A_1204 = arith.constant 0 : i32
      %shift_right_arithmetic3A_1205 = arith.shrsi %sub3A_1033, %shift_right_arithmetic3A_1204 : i32
      %and3A_1206 = arith.constant 1 : i32
      %and3A_1207 = arith.andi %shift_right_arithmetic3A_1205, %and3A_1206 : i32
      %eq3A_1208 = arith.constant 1 : i32
      %eq3A_1209 = arith.cmpi eq, %and3A_1207, %eq3A_1208 : i32
      %convert_element_type3A_1210 = arith.extui %eq3A_1209 : i1 to i32
      %cond3A_1211 = arith.constant 0 : i32
      %cond3A_1212 = arith.cmpi ne, %convert_element_type3A_1210, %cond3A_1211 : i32
      scf.if %cond3A_1212 {
      } else {
      }
      %slice3A_1213 = vector.extract_strided_slice %get3A_451 {offsets = [4], sizes = [1], strides = [1]} : vector<16xi32> to vector<1xi32>
      %squeeze3A_1214 = vector.extract %slice3A_1213[0] : i32 from vector<1xi32>
      %shift_right_arithmetic3A_1215 = arith.constant 4 : i32
      %shift_right_arithmetic3A_1216 = arith.shrsi %squeeze3A_1214, %shift_right_arithmetic3A_1215 : i32
      %mul3A_1217 = arith.constant 16 : i32
      %mul3A_1218 = arith.muli %scan3A_445, %mul3A_1217 : i32
      %add3A_1219 = arith.addi %mul3A_2, %mul3A_1218 : i32
      %add3A_1220 = arith.constant 4 : i32
      %add3A_1221 = arith.addi %add3A_1219, %add3A_1220 : i32
      %mul3A_1222 = arith.constant 256 : i32
      %mul3A_1223 = arith.muli %add3A_1221, %mul3A_1222 : i32
      %sub3A_1224 = arith.constant 255 : i32
      %sub3A_1225 = arith.subi %sub3A_1224, %shift_right_arithmetic3A_1216 : i32
      %add3A_1226 = arith.addi %mul3A_1223, %shift_right_arithmetic3A_1216 : i32
      %add3A_1227 = arith.constant 1 : i32
      %add3A_1228 = arith.addi %add3A_1226, %add3A_1227 : i32
      %and3A_1229 = arith.constant -256 : i32
      %and3A_1230 = arith.andi %shift_right_arithmetic3A_1216, %and3A_1229 : i32
      %shift_right_arithmetic3A_1231 = arith.constant 7 : i32
      %shift_right_arithmetic3A_1232 = arith.shrsi %shift_right_arithmetic3A_1216, %shift_right_arithmetic3A_1231 : i32
      %and3A_1233 = arith.constant 1 : i32
      %and3A_1234 = arith.andi %shift_right_arithmetic3A_1232, %and3A_1233 : i32
      %eq3A_1235 = arith.constant 1 : i32
      %eq3A_1236 = arith.cmpi eq, %and3A_1234, %eq3A_1235 : i32
      %convert_element_type3A_1237 = arith.extui %eq3A_1236 : i1 to i32
      %cond3A_1238 = arith.constant 0 : i32
      %cond3A_1239 = arith.cmpi ne, %convert_element_type3A_1237, %cond3A_1238 : i32
      scf.if %cond3A_1239 {
      } else {
      }
      %and3A_1240 = arith.constant -256 : i32
      %and3A_1241 = arith.andi %sub3A_1225, %and3A_1240 : i32
      %shift_right_arithmetic3A_1242 = arith.constant 7 : i32
      %shift_right_arithmetic3A_1243 = arith.shrsi %sub3A_1225, %shift_right_arithmetic3A_1242 : i32
      %and3A_1244 = arith.constant 1 : i32
      %and3A_1245 = arith.andi %shift_right_arithmetic3A_1243, %and3A_1244 : i32
      %eq3A_1246 = arith.constant 1 : i32
      %eq3A_1247 = arith.cmpi eq, %and3A_1245, %eq3A_1246 : i32
      %convert_element_type3A_1248 = arith.extui %eq3A_1247 : i1 to i32
      %cond3A_1249 = arith.constant 0 : i32
      %cond3A_1250 = arith.cmpi ne, %convert_element_type3A_1248, %cond3A_1249 : i32
      scf.if %cond3A_1250 {
      } else {
      }
      %and3A_1251 = arith.constant -128 : i32
      %and3A_1252 = arith.andi %shift_right_arithmetic3A_1216, %and3A_1251 : i32
      %shift_right_arithmetic3A_1253 = arith.constant 6 : i32
      %shift_right_arithmetic3A_1254 = arith.shrsi %shift_right_arithmetic3A_1216, %shift_right_arithmetic3A_1253 : i32
      %and3A_1255 = arith.constant 1 : i32
      %and3A_1256 = arith.andi %shift_right_arithmetic3A_1254, %and3A_1255 : i32
      %eq3A_1257 = arith.constant 1 : i32
      %eq3A_1258 = arith.cmpi eq, %and3A_1256, %eq3A_1257 : i32
      %convert_element_type3A_1259 = arith.extui %eq3A_1258 : i1 to i32
      %cond3A_1260 = arith.constant 0 : i32
      %cond3A_1261 = arith.cmpi ne, %convert_element_type3A_1259, %cond3A_1260 : i32
      scf.if %cond3A_1261 {
      } else {
      }
      %and3A_1262 = arith.constant -128 : i32
      %and3A_1263 = arith.andi %sub3A_1225, %and3A_1262 : i32
      %shift_right_arithmetic3A_1264 = arith.constant 6 : i32
      %shift_right_arithmetic3A_1265 = arith.shrsi %sub3A_1225, %shift_right_arithmetic3A_1264 : i32
      %and3A_1266 = arith.constant 1 : i32
      %and3A_1267 = arith.andi %shift_right_arithmetic3A_1265, %and3A_1266 : i32
      %eq3A_1268 = arith.constant 1 : i32
      %eq3A_1269 = arith.cmpi eq, %and3A_1267, %eq3A_1268 : i32
      %convert_element_type3A_1270 = arith.extui %eq3A_1269 : i1 to i32
      %cond3A_1271 = arith.constant 0 : i32
      %cond3A_1272 = arith.cmpi ne, %convert_element_type3A_1270, %cond3A_1271 : i32
      scf.if %cond3A_1272 {
      } else {
      }
      %and3A_1273 = arith.constant -64 : i32
      %and3A_1274 = arith.andi %shift_right_arithmetic3A_1216, %and3A_1273 : i32
      %shift_right_arithmetic3A_1275 = arith.constant 5 : i32
      %shift_right_arithmetic3A_1276 = arith.shrsi %shift_right_arithmetic3A_1216, %shift_right_arithmetic3A_1275 : i32
      %and3A_1277 = arith.constant 1 : i32
      %and3A_1278 = arith.andi %shift_right_arithmetic3A_1276, %and3A_1277 : i32
      %eq3A_1279 = arith.constant 1 : i32
      %eq3A_1280 = arith.cmpi eq, %and3A_1278, %eq3A_1279 : i32
      %convert_element_type3A_1281 = arith.extui %eq3A_1280 : i1 to i32
      %cond3A_1282 = arith.constant 0 : i32
      %cond3A_1283 = arith.cmpi ne, %convert_element_type3A_1281, %cond3A_1282 : i32
      scf.if %cond3A_1283 {
      } else {
      }
      %and3A_1284 = arith.constant -64 : i32
      %and3A_1285 = arith.andi %sub3A_1225, %and3A_1284 : i32
      %shift_right_arithmetic3A_1286 = arith.constant 5 : i32
      %shift_right_arithmetic3A_1287 = arith.shrsi %sub3A_1225, %shift_right_arithmetic3A_1286 : i32
      %and3A_1288 = arith.constant 1 : i32
      %and3A_1289 = arith.andi %shift_right_arithmetic3A_1287, %and3A_1288 : i32
      %eq3A_1290 = arith.constant 1 : i32
      %eq3A_1291 = arith.cmpi eq, %and3A_1289, %eq3A_1290 : i32
      %convert_element_type3A_1292 = arith.extui %eq3A_1291 : i1 to i32
      %cond3A_1293 = arith.constant 0 : i32
      %cond3A_1294 = arith.cmpi ne, %convert_element_type3A_1292, %cond3A_1293 : i32
      scf.if %cond3A_1294 {
      } else {
      }
      %and3A_1295 = arith.constant -32 : i32
      %and3A_1296 = arith.andi %shift_right_arithmetic3A_1216, %and3A_1295 : i32
      %shift_right_arithmetic3A_1297 = arith.constant 4 : i32
      %shift_right_arithmetic3A_1298 = arith.shrsi %shift_right_arithmetic3A_1216, %shift_right_arithmetic3A_1297 : i32
      %and3A_1299 = arith.constant 1 : i32
      %and3A_1300 = arith.andi %shift_right_arithmetic3A_1298, %and3A_1299 : i32
      %eq3A_1301 = arith.constant 1 : i32
      %eq3A_1302 = arith.cmpi eq, %and3A_1300, %eq3A_1301 : i32
      %convert_element_type3A_1303 = arith.extui %eq3A_1302 : i1 to i32
      %cond3A_1304 = arith.constant 0 : i32
      %cond3A_1305 = arith.cmpi ne, %convert_element_type3A_1303, %cond3A_1304 : i32
      scf.if %cond3A_1305 {
      } else {
      }
      %and3A_1306 = arith.constant -32 : i32
      %and3A_1307 = arith.andi %sub3A_1225, %and3A_1306 : i32
      %shift_right_arithmetic3A_1308 = arith.constant 4 : i32
      %shift_right_arithmetic3A_1309 = arith.shrsi %sub3A_1225, %shift_right_arithmetic3A_1308 : i32
      %and3A_1310 = arith.constant 1 : i32
      %and3A_1311 = arith.andi %shift_right_arithmetic3A_1309, %and3A_1310 : i32
      %eq3A_1312 = arith.constant 1 : i32
      %eq3A_1313 = arith.cmpi eq, %and3A_1311, %eq3A_1312 : i32
      %convert_element_type3A_1314 = arith.extui %eq3A_1313 : i1 to i32
      %cond3A_1315 = arith.constant 0 : i32
      %cond3A_1316 = arith.cmpi ne, %convert_element_type3A_1314, %cond3A_1315 : i32
      scf.if %cond3A_1316 {
      } else {
      }
      %and3A_1317 = arith.constant -16 : i32
      %and3A_1318 = arith.andi %shift_right_arithmetic3A_1216, %and3A_1317 : i32
      %shift_right_arithmetic3A_1319 = arith.constant 3 : i32
      %shift_right_arithmetic3A_1320 = arith.shrsi %shift_right_arithmetic3A_1216, %shift_right_arithmetic3A_1319 : i32
      %and3A_1321 = arith.constant 1 : i32
      %and3A_1322 = arith.andi %shift_right_arithmetic3A_1320, %and3A_1321 : i32
      %eq3A_1323 = arith.constant 1 : i32
      %eq3A_1324 = arith.cmpi eq, %and3A_1322, %eq3A_1323 : i32
      %convert_element_type3A_1325 = arith.extui %eq3A_1324 : i1 to i32
      %cond3A_1326 = arith.constant 0 : i32
      %cond3A_1327 = arith.cmpi ne, %convert_element_type3A_1325, %cond3A_1326 : i32
      scf.if %cond3A_1327 {
      } else {
      }
      %and3A_1328 = arith.constant -16 : i32
      %and3A_1329 = arith.andi %sub3A_1225, %and3A_1328 : i32
      %shift_right_arithmetic3A_1330 = arith.constant 3 : i32
      %shift_right_arithmetic3A_1331 = arith.shrsi %sub3A_1225, %shift_right_arithmetic3A_1330 : i32
      %and3A_1332 = arith.constant 1 : i32
      %and3A_1333 = arith.andi %shift_right_arithmetic3A_1331, %and3A_1332 : i32
      %eq3A_1334 = arith.constant 1 : i32
      %eq3A_1335 = arith.cmpi eq, %and3A_1333, %eq3A_1334 : i32
      %convert_element_type3A_1336 = arith.extui %eq3A_1335 : i1 to i32
      %cond3A_1337 = arith.constant 0 : i32
      %cond3A_1338 = arith.cmpi ne, %convert_element_type3A_1336, %cond3A_1337 : i32
      scf.if %cond3A_1338 {
      } else {
      }
      %and3A_1339 = arith.constant -8 : i32
      %and3A_1340 = arith.andi %shift_right_arithmetic3A_1216, %and3A_1339 : i32
      %shift_right_arithmetic3A_1341 = arith.constant 2 : i32
      %shift_right_arithmetic3A_1342 = arith.shrsi %shift_right_arithmetic3A_1216, %shift_right_arithmetic3A_1341 : i32
      %and3A_1343 = arith.constant 1 : i32
      %and3A_1344 = arith.andi %shift_right_arithmetic3A_1342, %and3A_1343 : i32
      %eq3A_1345 = arith.constant 1 : i32
      %eq3A_1346 = arith.cmpi eq, %and3A_1344, %eq3A_1345 : i32
      %convert_element_type3A_1347 = arith.extui %eq3A_1346 : i1 to i32
      %cond3A_1348 = arith.constant 0 : i32
      %cond3A_1349 = arith.cmpi ne, %convert_element_type3A_1347, %cond3A_1348 : i32
      scf.if %cond3A_1349 {
      } else {
      }
      %and3A_1350 = arith.constant -8 : i32
      %and3A_1351 = arith.andi %sub3A_1225, %and3A_1350 : i32
      %shift_right_arithmetic3A_1352 = arith.constant 2 : i32
      %shift_right_arithmetic3A_1353 = arith.shrsi %sub3A_1225, %shift_right_arithmetic3A_1352 : i32
      %and3A_1354 = arith.constant 1 : i32
      %and3A_1355 = arith.andi %shift_right_arithmetic3A_1353, %and3A_1354 : i32
      %eq3A_1356 = arith.constant 1 : i32
      %eq3A_1357 = arith.cmpi eq, %and3A_1355, %eq3A_1356 : i32
      %convert_element_type3A_1358 = arith.extui %eq3A_1357 : i1 to i32
      %cond3A_1359 = arith.constant 0 : i32
      %cond3A_1360 = arith.cmpi ne, %convert_element_type3A_1358, %cond3A_1359 : i32
      scf.if %cond3A_1360 {
      } else {
      }
      %and3A_1361 = arith.constant -4 : i32
      %and3A_1362 = arith.andi %shift_right_arithmetic3A_1216, %and3A_1361 : i32
      %shift_right_arithmetic3A_1363 = arith.constant 1 : i32
      %shift_right_arithmetic3A_1364 = arith.shrsi %shift_right_arithmetic3A_1216, %shift_right_arithmetic3A_1363 : i32
      %and3A_1365 = arith.constant 1 : i32
      %and3A_1366 = arith.andi %shift_right_arithmetic3A_1364, %and3A_1365 : i32
      %eq3A_1367 = arith.constant 1 : i32
      %eq3A_1368 = arith.cmpi eq, %and3A_1366, %eq3A_1367 : i32
      %convert_element_type3A_1369 = arith.extui %eq3A_1368 : i1 to i32
      %cond3A_1370 = arith.constant 0 : i32
      %cond3A_1371 = arith.cmpi ne, %convert_element_type3A_1369, %cond3A_1370 : i32
      scf.if %cond3A_1371 {
      } else {
      }
      %and3A_1372 = arith.constant -4 : i32
      %and3A_1373 = arith.andi %sub3A_1225, %and3A_1372 : i32
      %shift_right_arithmetic3A_1374 = arith.constant 1 : i32
      %shift_right_arithmetic3A_1375 = arith.shrsi %sub3A_1225, %shift_right_arithmetic3A_1374 : i32
      %and3A_1376 = arith.constant 1 : i32
      %and3A_1377 = arith.andi %shift_right_arithmetic3A_1375, %and3A_1376 : i32
      %eq3A_1378 = arith.constant 1 : i32
      %eq3A_1379 = arith.cmpi eq, %and3A_1377, %eq3A_1378 : i32
      %convert_element_type3A_1380 = arith.extui %eq3A_1379 : i1 to i32
      %cond3A_1381 = arith.constant 0 : i32
      %cond3A_1382 = arith.cmpi ne, %convert_element_type3A_1380, %cond3A_1381 : i32
      scf.if %cond3A_1382 {
      } else {
      }
      %and3A_1383 = arith.constant -2 : i32
      %and3A_1384 = arith.andi %shift_right_arithmetic3A_1216, %and3A_1383 : i32
      %shift_right_arithmetic3A_1385 = arith.constant 0 : i32
      %shift_right_arithmetic3A_1386 = arith.shrsi %shift_right_arithmetic3A_1216, %shift_right_arithmetic3A_1385 : i32
      %and3A_1387 = arith.constant 1 : i32
      %and3A_1388 = arith.andi %shift_right_arithmetic3A_1386, %and3A_1387 : i32
      %eq3A_1389 = arith.constant 1 : i32
      %eq3A_1390 = arith.cmpi eq, %and3A_1388, %eq3A_1389 : i32
      %convert_element_type3A_1391 = arith.extui %eq3A_1390 : i1 to i32
      %cond3A_1392 = arith.constant 0 : i32
      %cond3A_1393 = arith.cmpi ne, %convert_element_type3A_1391, %cond3A_1392 : i32
      scf.if %cond3A_1393 {
      } else {
      }
      %and3A_1394 = arith.constant -2 : i32
      %and3A_1395 = arith.andi %sub3A_1225, %and3A_1394 : i32
      %shift_right_arithmetic3A_1396 = arith.constant 0 : i32
      %shift_right_arithmetic3A_1397 = arith.shrsi %sub3A_1225, %shift_right_arithmetic3A_1396 : i32
      %and3A_1398 = arith.constant 1 : i32
      %and3A_1399 = arith.andi %shift_right_arithmetic3A_1397, %and3A_1398 : i32
      %eq3A_1400 = arith.constant 1 : i32
      %eq3A_1401 = arith.cmpi eq, %and3A_1399, %eq3A_1400 : i32
      %convert_element_type3A_1402 = arith.extui %eq3A_1401 : i1 to i32
      %cond3A_1403 = arith.constant 0 : i32
      %cond3A_1404 = arith.cmpi ne, %convert_element_type3A_1402, %cond3A_1403 : i32
      scf.if %cond3A_1404 {
      } else {
      }
      %slice3A_1405 = vector.extract_strided_slice %get3A_451 {offsets = [5], sizes = [1], strides = [1]} : vector<16xi32> to vector<1xi32>
      %squeeze3A_1406 = vector.extract %slice3A_1405[0] : i32 from vector<1xi32>
      %shift_right_arithmetic3A_1407 = arith.constant 4 : i32
      %shift_right_arithmetic3A_1408 = arith.shrsi %squeeze3A_1406, %shift_right_arithmetic3A_1407 : i32
      %mul3A_1409 = arith.constant 16 : i32
      %mul3A_1410 = arith.muli %scan3A_445, %mul3A_1409 : i32
      %add3A_1411 = arith.addi %mul3A_2, %mul3A_1410 : i32
      %add3A_1412 = arith.constant 5 : i32
      %add3A_1413 = arith.addi %add3A_1411, %add3A_1412 : i32
      %mul3A_1414 = arith.constant 256 : i32
      %mul3A_1415 = arith.muli %add3A_1413, %mul3A_1414 : i32
      %sub3A_1416 = arith.constant 255 : i32
      %sub3A_1417 = arith.subi %sub3A_1416, %shift_right_arithmetic3A_1408 : i32
      %add3A_1418 = arith.addi %mul3A_1415, %shift_right_arithmetic3A_1408 : i32
      %add3A_1419 = arith.constant 1 : i32
      %add3A_1420 = arith.addi %add3A_1418, %add3A_1419 : i32
      %and3A_1421 = arith.constant -256 : i32
      %and3A_1422 = arith.andi %shift_right_arithmetic3A_1408, %and3A_1421 : i32
      %shift_right_arithmetic3A_1423 = arith.constant 7 : i32
      %shift_right_arithmetic3A_1424 = arith.shrsi %shift_right_arithmetic3A_1408, %shift_right_arithmetic3A_1423 : i32
      %and3A_1425 = arith.constant 1 : i32
      %and3A_1426 = arith.andi %shift_right_arithmetic3A_1424, %and3A_1425 : i32
      %eq3A_1427 = arith.constant 1 : i32
      %eq3A_1428 = arith.cmpi eq, %and3A_1426, %eq3A_1427 : i32
      %convert_element_type3A_1429 = arith.extui %eq3A_1428 : i1 to i32
      %cond3A_1430 = arith.constant 0 : i32
      %cond3A_1431 = arith.cmpi ne, %convert_element_type3A_1429, %cond3A_1430 : i32
      scf.if %cond3A_1431 {
      } else {
      }
      %and3A_1432 = arith.constant -256 : i32
      %and3A_1433 = arith.andi %sub3A_1417, %and3A_1432 : i32
      %shift_right_arithmetic3A_1434 = arith.constant 7 : i32
      %shift_right_arithmetic3A_1435 = arith.shrsi %sub3A_1417, %shift_right_arithmetic3A_1434 : i32
      %and3A_1436 = arith.constant 1 : i32
      %and3A_1437 = arith.andi %shift_right_arithmetic3A_1435, %and3A_1436 : i32
      %eq3A_1438 = arith.constant 1 : i32
      %eq3A_1439 = arith.cmpi eq, %and3A_1437, %eq3A_1438 : i32
      %convert_element_type3A_1440 = arith.extui %eq3A_1439 : i1 to i32
      %cond3A_1441 = arith.constant 0 : i32
      %cond3A_1442 = arith.cmpi ne, %convert_element_type3A_1440, %cond3A_1441 : i32
      scf.if %cond3A_1442 {
      } else {
      }
      %and3A_1443 = arith.constant -128 : i32
      %and3A_1444 = arith.andi %shift_right_arithmetic3A_1408, %and3A_1443 : i32
      %shift_right_arithmetic3A_1445 = arith.constant 6 : i32
      %shift_right_arithmetic3A_1446 = arith.shrsi %shift_right_arithmetic3A_1408, %shift_right_arithmetic3A_1445 : i32
      %and3A_1447 = arith.constant 1 : i32
      %and3A_1448 = arith.andi %shift_right_arithmetic3A_1446, %and3A_1447 : i32
      %eq3A_1449 = arith.constant 1 : i32
      %eq3A_1450 = arith.cmpi eq, %and3A_1448, %eq3A_1449 : i32
      %convert_element_type3A_1451 = arith.extui %eq3A_1450 : i1 to i32
      %cond3A_1452 = arith.constant 0 : i32
      %cond3A_1453 = arith.cmpi ne, %convert_element_type3A_1451, %cond3A_1452 : i32
      scf.if %cond3A_1453 {
      } else {
      }
      %and3A_1454 = arith.constant -128 : i32
      %and3A_1455 = arith.andi %sub3A_1417, %and3A_1454 : i32
      %shift_right_arithmetic3A_1456 = arith.constant 6 : i32
      %shift_right_arithmetic3A_1457 = arith.shrsi %sub3A_1417, %shift_right_arithmetic3A_1456 : i32
      %and3A_1458 = arith.constant 1 : i32
      %and3A_1459 = arith.andi %shift_right_arithmetic3A_1457, %and3A_1458 : i32
      %eq3A_1460 = arith.constant 1 : i32
      %eq3A_1461 = arith.cmpi eq, %and3A_1459, %eq3A_1460 : i32
      %convert_element_type3A_1462 = arith.extui %eq3A_1461 : i1 to i32
      %cond3A_1463 = arith.constant 0 : i32
      %cond3A_1464 = arith.cmpi ne, %convert_element_type3A_1462, %cond3A_1463 : i32
      scf.if %cond3A_1464 {
      } else {
      }
      %and3A_1465 = arith.constant -64 : i32
      %and3A_1466 = arith.andi %shift_right_arithmetic3A_1408, %and3A_1465 : i32
      %shift_right_arithmetic3A_1467 = arith.constant 5 : i32
      %shift_right_arithmetic3A_1468 = arith.shrsi %shift_right_arithmetic3A_1408, %shift_right_arithmetic3A_1467 : i32
      %and3A_1469 = arith.constant 1 : i32
      %and3A_1470 = arith.andi %shift_right_arithmetic3A_1468, %and3A_1469 : i32
      %eq3A_1471 = arith.constant 1 : i32
      %eq3A_1472 = arith.cmpi eq, %and3A_1470, %eq3A_1471 : i32
      %convert_element_type3A_1473 = arith.extui %eq3A_1472 : i1 to i32
      %cond3A_1474 = arith.constant 0 : i32
      %cond3A_1475 = arith.cmpi ne, %convert_element_type3A_1473, %cond3A_1474 : i32
      scf.if %cond3A_1475 {
      } else {
      }
      %and3A_1476 = arith.constant -64 : i32
      %and3A_1477 = arith.andi %sub3A_1417, %and3A_1476 : i32
      %shift_right_arithmetic3A_1478 = arith.constant 5 : i32
      %shift_right_arithmetic3A_1479 = arith.shrsi %sub3A_1417, %shift_right_arithmetic3A_1478 : i32
      %and3A_1480 = arith.constant 1 : i32
      %and3A_1481 = arith.andi %shift_right_arithmetic3A_1479, %and3A_1480 : i32
      %eq3A_1482 = arith.constant 1 : i32
      %eq3A_1483 = arith.cmpi eq, %and3A_1481, %eq3A_1482 : i32
      %convert_element_type3A_1484 = arith.extui %eq3A_1483 : i1 to i32
      %cond3A_1485 = arith.constant 0 : i32
      %cond3A_1486 = arith.cmpi ne, %convert_element_type3A_1484, %cond3A_1485 : i32
      scf.if %cond3A_1486 {
      } else {
      }
      %and3A_1487 = arith.constant -32 : i32
      %and3A_1488 = arith.andi %shift_right_arithmetic3A_1408, %and3A_1487 : i32
      %shift_right_arithmetic3A_1489 = arith.constant 4 : i32
      %shift_right_arithmetic3A_1490 = arith.shrsi %shift_right_arithmetic3A_1408, %shift_right_arithmetic3A_1489 : i32
      %and3A_1491 = arith.constant 1 : i32
      %and3A_1492 = arith.andi %shift_right_arithmetic3A_1490, %and3A_1491 : i32
      %eq3A_1493 = arith.constant 1 : i32
      %eq3A_1494 = arith.cmpi eq, %and3A_1492, %eq3A_1493 : i32
      %convert_element_type3A_1495 = arith.extui %eq3A_1494 : i1 to i32
      %cond3A_1496 = arith.constant 0 : i32
      %cond3A_1497 = arith.cmpi ne, %convert_element_type3A_1495, %cond3A_1496 : i32
      scf.if %cond3A_1497 {
      } else {
      }
      %and3A_1498 = arith.constant -32 : i32
      %and3A_1499 = arith.andi %sub3A_1417, %and3A_1498 : i32
      %shift_right_arithmetic3A_1500 = arith.constant 4 : i32
      %shift_right_arithmetic3A_1501 = arith.shrsi %sub3A_1417, %shift_right_arithmetic3A_1500 : i32
      %and3A_1502 = arith.constant 1 : i32
      %and3A_1503 = arith.andi %shift_right_arithmetic3A_1501, %and3A_1502 : i32
      %eq3A_1504 = arith.constant 1 : i32
      %eq3A_1505 = arith.cmpi eq, %and3A_1503, %eq3A_1504 : i32
      %convert_element_type3A_1506 = arith.extui %eq3A_1505 : i1 to i32
      %cond3A_1507 = arith.constant 0 : i32
      %cond3A_1508 = arith.cmpi ne, %convert_element_type3A_1506, %cond3A_1507 : i32
      scf.if %cond3A_1508 {
      } else {
      }
      %and3A_1509 = arith.constant -16 : i32
      %and3A_1510 = arith.andi %shift_right_arithmetic3A_1408, %and3A_1509 : i32
      %shift_right_arithmetic3A_1511 = arith.constant 3 : i32
      %shift_right_arithmetic3A_1512 = arith.shrsi %shift_right_arithmetic3A_1408, %shift_right_arithmetic3A_1511 : i32
      %and3A_1513 = arith.constant 1 : i32
      %and3A_1514 = arith.andi %shift_right_arithmetic3A_1512, %and3A_1513 : i32
      %eq3A_1515 = arith.constant 1 : i32
      %eq3A_1516 = arith.cmpi eq, %and3A_1514, %eq3A_1515 : i32
      %convert_element_type3A_1517 = arith.extui %eq3A_1516 : i1 to i32
      %cond3A_1518 = arith.constant 0 : i32
      %cond3A_1519 = arith.cmpi ne, %convert_element_type3A_1517, %cond3A_1518 : i32
      scf.if %cond3A_1519 {
      } else {
      }
      %and3A_1520 = arith.constant -16 : i32
      %and3A_1521 = arith.andi %sub3A_1417, %and3A_1520 : i32
      %shift_right_arithmetic3A_1522 = arith.constant 3 : i32
      %shift_right_arithmetic3A_1523 = arith.shrsi %sub3A_1417, %shift_right_arithmetic3A_1522 : i32
      %and3A_1524 = arith.constant 1 : i32
      %and3A_1525 = arith.andi %shift_right_arithmetic3A_1523, %and3A_1524 : i32
      %eq3A_1526 = arith.constant 1 : i32
      %eq3A_1527 = arith.cmpi eq, %and3A_1525, %eq3A_1526 : i32
      %convert_element_type3A_1528 = arith.extui %eq3A_1527 : i1 to i32
      %cond3A_1529 = arith.constant 0 : i32
      %cond3A_1530 = arith.cmpi ne, %convert_element_type3A_1528, %cond3A_1529 : i32
      scf.if %cond3A_1530 {
      } else {
      }
      %and3A_1531 = arith.constant -8 : i32
      %and3A_1532 = arith.andi %shift_right_arithmetic3A_1408, %and3A_1531 : i32
      %shift_right_arithmetic3A_1533 = arith.constant 2 : i32
      %shift_right_arithmetic3A_1534 = arith.shrsi %shift_right_arithmetic3A_1408, %shift_right_arithmetic3A_1533 : i32
      %and3A_1535 = arith.constant 1 : i32
      %and3A_1536 = arith.andi %shift_right_arithmetic3A_1534, %and3A_1535 : i32
      %eq3A_1537 = arith.constant 1 : i32
      %eq3A_1538 = arith.cmpi eq, %and3A_1536, %eq3A_1537 : i32
      %convert_element_type3A_1539 = arith.extui %eq3A_1538 : i1 to i32
      %cond3A_1540 = arith.constant 0 : i32
      %cond3A_1541 = arith.cmpi ne, %convert_element_type3A_1539, %cond3A_1540 : i32
      scf.if %cond3A_1541 {
      } else {
      }
      %and3A_1542 = arith.constant -8 : i32
      %and3A_1543 = arith.andi %sub3A_1417, %and3A_1542 : i32
      %shift_right_arithmetic3A_1544 = arith.constant 2 : i32
      %shift_right_arithmetic3A_1545 = arith.shrsi %sub3A_1417, %shift_right_arithmetic3A_1544 : i32
      %and3A_1546 = arith.constant 1 : i32
      %and3A_1547 = arith.andi %shift_right_arithmetic3A_1545, %and3A_1546 : i32
      %eq3A_1548 = arith.constant 1 : i32
      %eq3A_1549 = arith.cmpi eq, %and3A_1547, %eq3A_1548 : i32
      %convert_element_type3A_1550 = arith.extui %eq3A_1549 : i1 to i32
      %cond3A_1551 = arith.constant 0 : i32
      %cond3A_1552 = arith.cmpi ne, %convert_element_type3A_1550, %cond3A_1551 : i32
      scf.if %cond3A_1552 {
      } else {
      }
      %and3A_1553 = arith.constant -4 : i32
      %and3A_1554 = arith.andi %shift_right_arithmetic3A_1408, %and3A_1553 : i32
      %shift_right_arithmetic3A_1555 = arith.constant 1 : i32
      %shift_right_arithmetic3A_1556 = arith.shrsi %shift_right_arithmetic3A_1408, %shift_right_arithmetic3A_1555 : i32
      %and3A_1557 = arith.constant 1 : i32
      %and3A_1558 = arith.andi %shift_right_arithmetic3A_1556, %and3A_1557 : i32
      %eq3A_1559 = arith.constant 1 : i32
      %eq3A_1560 = arith.cmpi eq, %and3A_1558, %eq3A_1559 : i32
      %convert_element_type3A_1561 = arith.extui %eq3A_1560 : i1 to i32
      %cond3A_1562 = arith.constant 0 : i32
      %cond3A_1563 = arith.cmpi ne, %convert_element_type3A_1561, %cond3A_1562 : i32
      scf.if %cond3A_1563 {
      } else {
      }
      %and3A_1564 = arith.constant -4 : i32
      %and3A_1565 = arith.andi %sub3A_1417, %and3A_1564 : i32
      %shift_right_arithmetic3A_1566 = arith.constant 1 : i32
      %shift_right_arithmetic3A_1567 = arith.shrsi %sub3A_1417, %shift_right_arithmetic3A_1566 : i32
      %and3A_1568 = arith.constant 1 : i32
      %and3A_1569 = arith.andi %shift_right_arithmetic3A_1567, %and3A_1568 : i32
      %eq3A_1570 = arith.constant 1 : i32
      %eq3A_1571 = arith.cmpi eq, %and3A_1569, %eq3A_1570 : i32
      %convert_element_type3A_1572 = arith.extui %eq3A_1571 : i1 to i32
      %cond3A_1573 = arith.constant 0 : i32
      %cond3A_1574 = arith.cmpi ne, %convert_element_type3A_1572, %cond3A_1573 : i32
      scf.if %cond3A_1574 {
      } else {
      }
      %and3A_1575 = arith.constant -2 : i32
      %and3A_1576 = arith.andi %shift_right_arithmetic3A_1408, %and3A_1575 : i32
      %shift_right_arithmetic3A_1577 = arith.constant 0 : i32
      %shift_right_arithmetic3A_1578 = arith.shrsi %shift_right_arithmetic3A_1408, %shift_right_arithmetic3A_1577 : i32
      %and3A_1579 = arith.constant 1 : i32
      %and3A_1580 = arith.andi %shift_right_arithmetic3A_1578, %and3A_1579 : i32
      %eq3A_1581 = arith.constant 1 : i32
      %eq3A_1582 = arith.cmpi eq, %and3A_1580, %eq3A_1581 : i32
      %convert_element_type3A_1583 = arith.extui %eq3A_1582 : i1 to i32
      %cond3A_1584 = arith.constant 0 : i32
      %cond3A_1585 = arith.cmpi ne, %convert_element_type3A_1583, %cond3A_1584 : i32
      scf.if %cond3A_1585 {
      } else {
      }
      %and3A_1586 = arith.constant -2 : i32
      %and3A_1587 = arith.andi %sub3A_1417, %and3A_1586 : i32
      %shift_right_arithmetic3A_1588 = arith.constant 0 : i32
      %shift_right_arithmetic3A_1589 = arith.shrsi %sub3A_1417, %shift_right_arithmetic3A_1588 : i32
      %and3A_1590 = arith.constant 1 : i32
      %and3A_1591 = arith.andi %shift_right_arithmetic3A_1589, %and3A_1590 : i32
      %eq3A_1592 = arith.constant 1 : i32
      %eq3A_1593 = arith.cmpi eq, %and3A_1591, %eq3A_1592 : i32
      %convert_element_type3A_1594 = arith.extui %eq3A_1593 : i1 to i32
      %cond3A_1595 = arith.constant 0 : i32
      %cond3A_1596 = arith.cmpi ne, %convert_element_type3A_1594, %cond3A_1595 : i32
      scf.if %cond3A_1596 {
      } else {
      }
      %slice3A_1597 = vector.extract_strided_slice %get3A_451 {offsets = [6], sizes = [1], strides = [1]} : vector<16xi32> to vector<1xi32>
      %squeeze3A_1598 = vector.extract %slice3A_1597[0] : i32 from vector<1xi32>
      %shift_right_arithmetic3A_1599 = arith.constant 4 : i32
      %shift_right_arithmetic3A_1600 = arith.shrsi %squeeze3A_1598, %shift_right_arithmetic3A_1599 : i32
      %mul3A_1601 = arith.constant 16 : i32
      %mul3A_1602 = arith.muli %scan3A_445, %mul3A_1601 : i32
      %add3A_1603 = arith.addi %mul3A_2, %mul3A_1602 : i32
      %add3A_1604 = arith.constant 6 : i32
      %add3A_1605 = arith.addi %add3A_1603, %add3A_1604 : i32
      %mul3A_1606 = arith.constant 256 : i32
      %mul3A_1607 = arith.muli %add3A_1605, %mul3A_1606 : i32
      %sub3A_1608 = arith.constant 255 : i32
      %sub3A_1609 = arith.subi %sub3A_1608, %shift_right_arithmetic3A_1600 : i32
      %add3A_1610 = arith.addi %mul3A_1607, %shift_right_arithmetic3A_1600 : i32
      %add3A_1611 = arith.constant 1 : i32
      %add3A_1612 = arith.addi %add3A_1610, %add3A_1611 : i32
      %and3A_1613 = arith.constant -256 : i32
      %and3A_1614 = arith.andi %shift_right_arithmetic3A_1600, %and3A_1613 : i32
      %shift_right_arithmetic3A_1615 = arith.constant 7 : i32
      %shift_right_arithmetic3A_1616 = arith.shrsi %shift_right_arithmetic3A_1600, %shift_right_arithmetic3A_1615 : i32
      %and3A_1617 = arith.constant 1 : i32
      %and3A_1618 = arith.andi %shift_right_arithmetic3A_1616, %and3A_1617 : i32
      %eq3A_1619 = arith.constant 1 : i32
      %eq3A_1620 = arith.cmpi eq, %and3A_1618, %eq3A_1619 : i32
      %convert_element_type3A_1621 = arith.extui %eq3A_1620 : i1 to i32
      %cond3A_1622 = arith.constant 0 : i32
      %cond3A_1623 = arith.cmpi ne, %convert_element_type3A_1621, %cond3A_1622 : i32
      scf.if %cond3A_1623 {
      } else {
      }
      %and3A_1624 = arith.constant -256 : i32
      %and3A_1625 = arith.andi %sub3A_1609, %and3A_1624 : i32
      %shift_right_arithmetic3A_1626 = arith.constant 7 : i32
      %shift_right_arithmetic3A_1627 = arith.shrsi %sub3A_1609, %shift_right_arithmetic3A_1626 : i32
      %and3A_1628 = arith.constant 1 : i32
      %and3A_1629 = arith.andi %shift_right_arithmetic3A_1627, %and3A_1628 : i32
      %eq3A_1630 = arith.constant 1 : i32
      %eq3A_1631 = arith.cmpi eq, %and3A_1629, %eq3A_1630 : i32
      %convert_element_type3A_1632 = arith.extui %eq3A_1631 : i1 to i32
      %cond3A_1633 = arith.constant 0 : i32
      %cond3A_1634 = arith.cmpi ne, %convert_element_type3A_1632, %cond3A_1633 : i32
      scf.if %cond3A_1634 {
      } else {
      }
      %and3A_1635 = arith.constant -128 : i32
      %and3A_1636 = arith.andi %shift_right_arithmetic3A_1600, %and3A_1635 : i32
      %shift_right_arithmetic3A_1637 = arith.constant 6 : i32
      %shift_right_arithmetic3A_1638 = arith.shrsi %shift_right_arithmetic3A_1600, %shift_right_arithmetic3A_1637 : i32
      %and3A_1639 = arith.constant 1 : i32
      %and3A_1640 = arith.andi %shift_right_arithmetic3A_1638, %and3A_1639 : i32
      %eq3A_1641 = arith.constant 1 : i32
      %eq3A_1642 = arith.cmpi eq, %and3A_1640, %eq3A_1641 : i32
      %convert_element_type3A_1643 = arith.extui %eq3A_1642 : i1 to i32
      %cond3A_1644 = arith.constant 0 : i32
      %cond3A_1645 = arith.cmpi ne, %convert_element_type3A_1643, %cond3A_1644 : i32
      scf.if %cond3A_1645 {
      } else {
      }
      %and3A_1646 = arith.constant -128 : i32
      %and3A_1647 = arith.andi %sub3A_1609, %and3A_1646 : i32
      %shift_right_arithmetic3A_1648 = arith.constant 6 : i32
      %shift_right_arithmetic3A_1649 = arith.shrsi %sub3A_1609, %shift_right_arithmetic3A_1648 : i32
      %and3A_1650 = arith.constant 1 : i32
      %and3A_1651 = arith.andi %shift_right_arithmetic3A_1649, %and3A_1650 : i32
      %eq3A_1652 = arith.constant 1 : i32
      %eq3A_1653 = arith.cmpi eq, %and3A_1651, %eq3A_1652 : i32
      %convert_element_type3A_1654 = arith.extui %eq3A_1653 : i1 to i32
      %cond3A_1655 = arith.constant 0 : i32
      %cond3A_1656 = arith.cmpi ne, %convert_element_type3A_1654, %cond3A_1655 : i32
      scf.if %cond3A_1656 {
      } else {
      }
      %and3A_1657 = arith.constant -64 : i32
      %and3A_1658 = arith.andi %shift_right_arithmetic3A_1600, %and3A_1657 : i32
      %shift_right_arithmetic3A_1659 = arith.constant 5 : i32
      %shift_right_arithmetic3A_1660 = arith.shrsi %shift_right_arithmetic3A_1600, %shift_right_arithmetic3A_1659 : i32
      %and3A_1661 = arith.constant 1 : i32
      %and3A_1662 = arith.andi %shift_right_arithmetic3A_1660, %and3A_1661 : i32
      %eq3A_1663 = arith.constant 1 : i32
      %eq3A_1664 = arith.cmpi eq, %and3A_1662, %eq3A_1663 : i32
      %convert_element_type3A_1665 = arith.extui %eq3A_1664 : i1 to i32
      %cond3A_1666 = arith.constant 0 : i32
      %cond3A_1667 = arith.cmpi ne, %convert_element_type3A_1665, %cond3A_1666 : i32
      scf.if %cond3A_1667 {
      } else {
      }
      %and3A_1668 = arith.constant -64 : i32
      %and3A_1669 = arith.andi %sub3A_1609, %and3A_1668 : i32
      %shift_right_arithmetic3A_1670 = arith.constant 5 : i32
      %shift_right_arithmetic3A_1671 = arith.shrsi %sub3A_1609, %shift_right_arithmetic3A_1670 : i32
      %and3A_1672 = arith.constant 1 : i32
      %and3A_1673 = arith.andi %shift_right_arithmetic3A_1671, %and3A_1672 : i32
      %eq3A_1674 = arith.constant 1 : i32
      %eq3A_1675 = arith.cmpi eq, %and3A_1673, %eq3A_1674 : i32
      %convert_element_type3A_1676 = arith.extui %eq3A_1675 : i1 to i32
      %cond3A_1677 = arith.constant 0 : i32
      %cond3A_1678 = arith.cmpi ne, %convert_element_type3A_1676, %cond3A_1677 : i32
      scf.if %cond3A_1678 {
      } else {
      }
      %and3A_1679 = arith.constant -32 : i32
      %and3A_1680 = arith.andi %shift_right_arithmetic3A_1600, %and3A_1679 : i32
      %shift_right_arithmetic3A_1681 = arith.constant 4 : i32
      %shift_right_arithmetic3A_1682 = arith.shrsi %shift_right_arithmetic3A_1600, %shift_right_arithmetic3A_1681 : i32
      %and3A_1683 = arith.constant 1 : i32
      %and3A_1684 = arith.andi %shift_right_arithmetic3A_1682, %and3A_1683 : i32
      %eq3A_1685 = arith.constant 1 : i32
      %eq3A_1686 = arith.cmpi eq, %and3A_1684, %eq3A_1685 : i32
      %convert_element_type3A_1687 = arith.extui %eq3A_1686 : i1 to i32
      %cond3A_1688 = arith.constant 0 : i32
      %cond3A_1689 = arith.cmpi ne, %convert_element_type3A_1687, %cond3A_1688 : i32
      scf.if %cond3A_1689 {
      } else {
      }
      %and3A_1690 = arith.constant -32 : i32
      %and3A_1691 = arith.andi %sub3A_1609, %and3A_1690 : i32
      %shift_right_arithmetic3A_1692 = arith.constant 4 : i32
      %shift_right_arithmetic3A_1693 = arith.shrsi %sub3A_1609, %shift_right_arithmetic3A_1692 : i32
      %and3A_1694 = arith.constant 1 : i32
      %and3A_1695 = arith.andi %shift_right_arithmetic3A_1693, %and3A_1694 : i32
      %eq3A_1696 = arith.constant 1 : i32
      %eq3A_1697 = arith.cmpi eq, %and3A_1695, %eq3A_1696 : i32
      %convert_element_type3A_1698 = arith.extui %eq3A_1697 : i1 to i32
      %cond3A_1699 = arith.constant 0 : i32
      %cond3A_1700 = arith.cmpi ne, %convert_element_type3A_1698, %cond3A_1699 : i32
      scf.if %cond3A_1700 {
      } else {
      }
      %and3A_1701 = arith.constant -16 : i32
      %and3A_1702 = arith.andi %shift_right_arithmetic3A_1600, %and3A_1701 : i32
      %shift_right_arithmetic3A_1703 = arith.constant 3 : i32
      %shift_right_arithmetic3A_1704 = arith.shrsi %shift_right_arithmetic3A_1600, %shift_right_arithmetic3A_1703 : i32
      %and3A_1705 = arith.constant 1 : i32
      %and3A_1706 = arith.andi %shift_right_arithmetic3A_1704, %and3A_1705 : i32
      %eq3A_1707 = arith.constant 1 : i32
      %eq3A_1708 = arith.cmpi eq, %and3A_1706, %eq3A_1707 : i32
      %convert_element_type3A_1709 = arith.extui %eq3A_1708 : i1 to i32
      %cond3A_1710 = arith.constant 0 : i32
      %cond3A_1711 = arith.cmpi ne, %convert_element_type3A_1709, %cond3A_1710 : i32
      scf.if %cond3A_1711 {
      } else {
      }
      %and3A_1712 = arith.constant -16 : i32
      %and3A_1713 = arith.andi %sub3A_1609, %and3A_1712 : i32
      %shift_right_arithmetic3A_1714 = arith.constant 3 : i32
      %shift_right_arithmetic3A_1715 = arith.shrsi %sub3A_1609, %shift_right_arithmetic3A_1714 : i32
      %and3A_1716 = arith.constant 1 : i32
      %and3A_1717 = arith.andi %shift_right_arithmetic3A_1715, %and3A_1716 : i32
      %eq3A_1718 = arith.constant 1 : i32
      %eq3A_1719 = arith.cmpi eq, %and3A_1717, %eq3A_1718 : i32
      %convert_element_type3A_1720 = arith.extui %eq3A_1719 : i1 to i32
      %cond3A_1721 = arith.constant 0 : i32
      %cond3A_1722 = arith.cmpi ne, %convert_element_type3A_1720, %cond3A_1721 : i32
      scf.if %cond3A_1722 {
      } else {
      }
      %and3A_1723 = arith.constant -8 : i32
      %and3A_1724 = arith.andi %shift_right_arithmetic3A_1600, %and3A_1723 : i32
      %shift_right_arithmetic3A_1725 = arith.constant 2 : i32
      %shift_right_arithmetic3A_1726 = arith.shrsi %shift_right_arithmetic3A_1600, %shift_right_arithmetic3A_1725 : i32
      %and3A_1727 = arith.constant 1 : i32
      %and3A_1728 = arith.andi %shift_right_arithmetic3A_1726, %and3A_1727 : i32
      %eq3A_1729 = arith.constant 1 : i32
      %eq3A_1730 = arith.cmpi eq, %and3A_1728, %eq3A_1729 : i32
      %convert_element_type3A_1731 = arith.extui %eq3A_1730 : i1 to i32
      %cond3A_1732 = arith.constant 0 : i32
      %cond3A_1733 = arith.cmpi ne, %convert_element_type3A_1731, %cond3A_1732 : i32
      scf.if %cond3A_1733 {
      } else {
      }
      %and3A_1734 = arith.constant -8 : i32
      %and3A_1735 = arith.andi %sub3A_1609, %and3A_1734 : i32
      %shift_right_arithmetic3A_1736 = arith.constant 2 : i32
      %shift_right_arithmetic3A_1737 = arith.shrsi %sub3A_1609, %shift_right_arithmetic3A_1736 : i32
      %and3A_1738 = arith.constant 1 : i32
      %and3A_1739 = arith.andi %shift_right_arithmetic3A_1737, %and3A_1738 : i32
      %eq3A_1740 = arith.constant 1 : i32
      %eq3A_1741 = arith.cmpi eq, %and3A_1739, %eq3A_1740 : i32
      %convert_element_type3A_1742 = arith.extui %eq3A_1741 : i1 to i32
      %cond3A_1743 = arith.constant 0 : i32
      %cond3A_1744 = arith.cmpi ne, %convert_element_type3A_1742, %cond3A_1743 : i32
      scf.if %cond3A_1744 {
      } else {
      }
      %and3A_1745 = arith.constant -4 : i32
      %and3A_1746 = arith.andi %shift_right_arithmetic3A_1600, %and3A_1745 : i32
      %shift_right_arithmetic3A_1747 = arith.constant 1 : i32
      %shift_right_arithmetic3A_1748 = arith.shrsi %shift_right_arithmetic3A_1600, %shift_right_arithmetic3A_1747 : i32
      %and3A_1749 = arith.constant 1 : i32
      %and3A_1750 = arith.andi %shift_right_arithmetic3A_1748, %and3A_1749 : i32
      %eq3A_1751 = arith.constant 1 : i32
      %eq3A_1752 = arith.cmpi eq, %and3A_1750, %eq3A_1751 : i32
      %convert_element_type3A_1753 = arith.extui %eq3A_1752 : i1 to i32
      %cond3A_1754 = arith.constant 0 : i32
      %cond3A_1755 = arith.cmpi ne, %convert_element_type3A_1753, %cond3A_1754 : i32
      scf.if %cond3A_1755 {
      } else {
      }
      %and3A_1756 = arith.constant -4 : i32
      %and3A_1757 = arith.andi %sub3A_1609, %and3A_1756 : i32
      %shift_right_arithmetic3A_1758 = arith.constant 1 : i32
      %shift_right_arithmetic3A_1759 = arith.shrsi %sub3A_1609, %shift_right_arithmetic3A_1758 : i32
      %and3A_1760 = arith.constant 1 : i32
      %and3A_1761 = arith.andi %shift_right_arithmetic3A_1759, %and3A_1760 : i32
      %eq3A_1762 = arith.constant 1 : i32
      %eq3A_1763 = arith.cmpi eq, %and3A_1761, %eq3A_1762 : i32
      %convert_element_type3A_1764 = arith.extui %eq3A_1763 : i1 to i32
      %cond3A_1765 = arith.constant 0 : i32
      %cond3A_1766 = arith.cmpi ne, %convert_element_type3A_1764, %cond3A_1765 : i32
      scf.if %cond3A_1766 {
      } else {
      }
      %and3A_1767 = arith.constant -2 : i32
      %and3A_1768 = arith.andi %shift_right_arithmetic3A_1600, %and3A_1767 : i32
      %shift_right_arithmetic3A_1769 = arith.constant 0 : i32
      %shift_right_arithmetic3A_1770 = arith.shrsi %shift_right_arithmetic3A_1600, %shift_right_arithmetic3A_1769 : i32
      %and3A_1771 = arith.constant 1 : i32
      %and3A_1772 = arith.andi %shift_right_arithmetic3A_1770, %and3A_1771 : i32
      %eq3A_1773 = arith.constant 1 : i32
      %eq3A_1774 = arith.cmpi eq, %and3A_1772, %eq3A_1773 : i32
      %convert_element_type3A_1775 = arith.extui %eq3A_1774 : i1 to i32
      %cond3A_1776 = arith.constant 0 : i32
      %cond3A_1777 = arith.cmpi ne, %convert_element_type3A_1775, %cond3A_1776 : i32
      scf.if %cond3A_1777 {
      } else {
      }
      %and3A_1778 = arith.constant -2 : i32
      %and3A_1779 = arith.andi %sub3A_1609, %and3A_1778 : i32
      %shift_right_arithmetic3A_1780 = arith.constant 0 : i32
      %shift_right_arithmetic3A_1781 = arith.shrsi %sub3A_1609, %shift_right_arithmetic3A_1780 : i32
      %and3A_1782 = arith.constant 1 : i32
      %and3A_1783 = arith.andi %shift_right_arithmetic3A_1781, %and3A_1782 : i32
      %eq3A_1784 = arith.constant 1 : i32
      %eq3A_1785 = arith.cmpi eq, %and3A_1783, %eq3A_1784 : i32
      %convert_element_type3A_1786 = arith.extui %eq3A_1785 : i1 to i32
      %cond3A_1787 = arith.constant 0 : i32
      %cond3A_1788 = arith.cmpi ne, %convert_element_type3A_1786, %cond3A_1787 : i32
      scf.if %cond3A_1788 {
      } else {
      }
      %slice3A_1789 = vector.extract_strided_slice %get3A_451 {offsets = [7], sizes = [1], strides = [1]} : vector<16xi32> to vector<1xi32>
      %squeeze3A_1790 = vector.extract %slice3A_1789[0] : i32 from vector<1xi32>
      %shift_right_arithmetic3A_1791 = arith.constant 4 : i32
      %shift_right_arithmetic3A_1792 = arith.shrsi %squeeze3A_1790, %shift_right_arithmetic3A_1791 : i32
      %mul3A_1793 = arith.constant 16 : i32
      %mul3A_1794 = arith.muli %scan3A_445, %mul3A_1793 : i32
      %add3A_1795 = arith.addi %mul3A_2, %mul3A_1794 : i32
      %add3A_1796 = arith.constant 7 : i32
      %add3A_1797 = arith.addi %add3A_1795, %add3A_1796 : i32
      %mul3A_1798 = arith.constant 256 : i32
      %mul3A_1799 = arith.muli %add3A_1797, %mul3A_1798 : i32
      %sub3A_1800 = arith.constant 255 : i32
      %sub3A_1801 = arith.subi %sub3A_1800, %shift_right_arithmetic3A_1792 : i32
      %add3A_1802 = arith.addi %mul3A_1799, %shift_right_arithmetic3A_1792 : i32
      %add3A_1803 = arith.constant 1 : i32
      %add3A_1804 = arith.addi %add3A_1802, %add3A_1803 : i32
      %and3A_1805 = arith.constant -256 : i32
      %and3A_1806 = arith.andi %shift_right_arithmetic3A_1792, %and3A_1805 : i32
      %shift_right_arithmetic3A_1807 = arith.constant 7 : i32
      %shift_right_arithmetic3A_1808 = arith.shrsi %shift_right_arithmetic3A_1792, %shift_right_arithmetic3A_1807 : i32
      %and3A_1809 = arith.constant 1 : i32
      %and3A_1810 = arith.andi %shift_right_arithmetic3A_1808, %and3A_1809 : i32
      %eq3A_1811 = arith.constant 1 : i32
      %eq3A_1812 = arith.cmpi eq, %and3A_1810, %eq3A_1811 : i32
      %convert_element_type3A_1813 = arith.extui %eq3A_1812 : i1 to i32
      %cond3A_1814 = arith.constant 0 : i32
      %cond3A_1815 = arith.cmpi ne, %convert_element_type3A_1813, %cond3A_1814 : i32
      scf.if %cond3A_1815 {
      } else {
      }
      %and3A_1816 = arith.constant -256 : i32
      %and3A_1817 = arith.andi %sub3A_1801, %and3A_1816 : i32
      %shift_right_arithmetic3A_1818 = arith.constant 7 : i32
      %shift_right_arithmetic3A_1819 = arith.shrsi %sub3A_1801, %shift_right_arithmetic3A_1818 : i32
      %and3A_1820 = arith.constant 1 : i32
      %and3A_1821 = arith.andi %shift_right_arithmetic3A_1819, %and3A_1820 : i32
      %eq3A_1822 = arith.constant 1 : i32
      %eq3A_1823 = arith.cmpi eq, %and3A_1821, %eq3A_1822 : i32
      %convert_element_type3A_1824 = arith.extui %eq3A_1823 : i1 to i32
      %cond3A_1825 = arith.constant 0 : i32
      %cond3A_1826 = arith.cmpi ne, %convert_element_type3A_1824, %cond3A_1825 : i32
      scf.if %cond3A_1826 {
      } else {
      }
      %and3A_1827 = arith.constant -128 : i32
      %and3A_1828 = arith.andi %shift_right_arithmetic3A_1792, %and3A_1827 : i32
      %shift_right_arithmetic3A_1829 = arith.constant 6 : i32
      %shift_right_arithmetic3A_1830 = arith.shrsi %shift_right_arithmetic3A_1792, %shift_right_arithmetic3A_1829 : i32
      %and3A_1831 = arith.constant 1 : i32
      %and3A_1832 = arith.andi %shift_right_arithmetic3A_1830, %and3A_1831 : i32
      %eq3A_1833 = arith.constant 1 : i32
      %eq3A_1834 = arith.cmpi eq, %and3A_1832, %eq3A_1833 : i32
      %convert_element_type3A_1835 = arith.extui %eq3A_1834 : i1 to i32
      %cond3A_1836 = arith.constant 0 : i32
      %cond3A_1837 = arith.cmpi ne, %convert_element_type3A_1835, %cond3A_1836 : i32
      scf.if %cond3A_1837 {
      } else {
      }
      %and3A_1838 = arith.constant -128 : i32
      %and3A_1839 = arith.andi %sub3A_1801, %and3A_1838 : i32
      %shift_right_arithmetic3A_1840 = arith.constant 6 : i32
      %shift_right_arithmetic3A_1841 = arith.shrsi %sub3A_1801, %shift_right_arithmetic3A_1840 : i32
      %and3A_1842 = arith.constant 1 : i32
      %and3A_1843 = arith.andi %shift_right_arithmetic3A_1841, %and3A_1842 : i32
      %eq3A_1844 = arith.constant 1 : i32
      %eq3A_1845 = arith.cmpi eq, %and3A_1843, %eq3A_1844 : i32
      %convert_element_type3A_1846 = arith.extui %eq3A_1845 : i1 to i32
      %cond3A_1847 = arith.constant 0 : i32
      %cond3A_1848 = arith.cmpi ne, %convert_element_type3A_1846, %cond3A_1847 : i32
      scf.if %cond3A_1848 {
      } else {
      }
      %and3A_1849 = arith.constant -64 : i32
      %and3A_1850 = arith.andi %shift_right_arithmetic3A_1792, %and3A_1849 : i32
      %shift_right_arithmetic3A_1851 = arith.constant 5 : i32
      %shift_right_arithmetic3A_1852 = arith.shrsi %shift_right_arithmetic3A_1792, %shift_right_arithmetic3A_1851 : i32
      %and3A_1853 = arith.constant 1 : i32
      %and3A_1854 = arith.andi %shift_right_arithmetic3A_1852, %and3A_1853 : i32
      %eq3A_1855 = arith.constant 1 : i32
      %eq3A_1856 = arith.cmpi eq, %and3A_1854, %eq3A_1855 : i32
      %convert_element_type3A_1857 = arith.extui %eq3A_1856 : i1 to i32
      %cond3A_1858 = arith.constant 0 : i32
      %cond3A_1859 = arith.cmpi ne, %convert_element_type3A_1857, %cond3A_1858 : i32
      scf.if %cond3A_1859 {
      } else {
      }
      %and3A_1860 = arith.constant -64 : i32
      %and3A_1861 = arith.andi %sub3A_1801, %and3A_1860 : i32
      %shift_right_arithmetic3A_1862 = arith.constant 5 : i32
      %shift_right_arithmetic3A_1863 = arith.shrsi %sub3A_1801, %shift_right_arithmetic3A_1862 : i32
      %and3A_1864 = arith.constant 1 : i32
      %and3A_1865 = arith.andi %shift_right_arithmetic3A_1863, %and3A_1864 : i32
      %eq3A_1866 = arith.constant 1 : i32
      %eq3A_1867 = arith.cmpi eq, %and3A_1865, %eq3A_1866 : i32
      %convert_element_type3A_1868 = arith.extui %eq3A_1867 : i1 to i32
      %cond3A_1869 = arith.constant 0 : i32
      %cond3A_1870 = arith.cmpi ne, %convert_element_type3A_1868, %cond3A_1869 : i32
      scf.if %cond3A_1870 {
      } else {
      }
      %and3A_1871 = arith.constant -32 : i32
      %and3A_1872 = arith.andi %shift_right_arithmetic3A_1792, %and3A_1871 : i32
      %shift_right_arithmetic3A_1873 = arith.constant 4 : i32
      %shift_right_arithmetic3A_1874 = arith.shrsi %shift_right_arithmetic3A_1792, %shift_right_arithmetic3A_1873 : i32
      %and3A_1875 = arith.constant 1 : i32
      %and3A_1876 = arith.andi %shift_right_arithmetic3A_1874, %and3A_1875 : i32
      %eq3A_1877 = arith.constant 1 : i32
      %eq3A_1878 = arith.cmpi eq, %and3A_1876, %eq3A_1877 : i32
      %convert_element_type3A_1879 = arith.extui %eq3A_1878 : i1 to i32
      %cond3A_1880 = arith.constant 0 : i32
      %cond3A_1881 = arith.cmpi ne, %convert_element_type3A_1879, %cond3A_1880 : i32
      scf.if %cond3A_1881 {
      } else {
      }
      %and3A_1882 = arith.constant -32 : i32
      %and3A_1883 = arith.andi %sub3A_1801, %and3A_1882 : i32
      %shift_right_arithmetic3A_1884 = arith.constant 4 : i32
      %shift_right_arithmetic3A_1885 = arith.shrsi %sub3A_1801, %shift_right_arithmetic3A_1884 : i32
      %and3A_1886 = arith.constant 1 : i32
      %and3A_1887 = arith.andi %shift_right_arithmetic3A_1885, %and3A_1886 : i32
      %eq3A_1888 = arith.constant 1 : i32
      %eq3A_1889 = arith.cmpi eq, %and3A_1887, %eq3A_1888 : i32
      %convert_element_type3A_1890 = arith.extui %eq3A_1889 : i1 to i32
      %cond3A_1891 = arith.constant 0 : i32
      %cond3A_1892 = arith.cmpi ne, %convert_element_type3A_1890, %cond3A_1891 : i32
      scf.if %cond3A_1892 {
      } else {
      }
      %and3A_1893 = arith.constant -16 : i32
      %and3A_1894 = arith.andi %shift_right_arithmetic3A_1792, %and3A_1893 : i32
      %shift_right_arithmetic3A_1895 = arith.constant 3 : i32
      %shift_right_arithmetic3A_1896 = arith.shrsi %shift_right_arithmetic3A_1792, %shift_right_arithmetic3A_1895 : i32
      %and3A_1897 = arith.constant 1 : i32
      %and3A_1898 = arith.andi %shift_right_arithmetic3A_1896, %and3A_1897 : i32
      %eq3A_1899 = arith.constant 1 : i32
      %eq3A_1900 = arith.cmpi eq, %and3A_1898, %eq3A_1899 : i32
      %convert_element_type3A_1901 = arith.extui %eq3A_1900 : i1 to i32
      %cond3A_1902 = arith.constant 0 : i32
      %cond3A_1903 = arith.cmpi ne, %convert_element_type3A_1901, %cond3A_1902 : i32
      scf.if %cond3A_1903 {
      } else {
      }
      %and3A_1904 = arith.constant -16 : i32
      %and3A_1905 = arith.andi %sub3A_1801, %and3A_1904 : i32
      %shift_right_arithmetic3A_1906 = arith.constant 3 : i32
      %shift_right_arithmetic3A_1907 = arith.shrsi %sub3A_1801, %shift_right_arithmetic3A_1906 : i32
      %and3A_1908 = arith.constant 1 : i32
      %and3A_1909 = arith.andi %shift_right_arithmetic3A_1907, %and3A_1908 : i32
      %eq3A_1910 = arith.constant 1 : i32
      %eq3A_1911 = arith.cmpi eq, %and3A_1909, %eq3A_1910 : i32
      %convert_element_type3A_1912 = arith.extui %eq3A_1911 : i1 to i32
      %cond3A_1913 = arith.constant 0 : i32
      %cond3A_1914 = arith.cmpi ne, %convert_element_type3A_1912, %cond3A_1913 : i32
      scf.if %cond3A_1914 {
      } else {
      }
      %and3A_1915 = arith.constant -8 : i32
      %and3A_1916 = arith.andi %shift_right_arithmetic3A_1792, %and3A_1915 : i32
      %shift_right_arithmetic3A_1917 = arith.constant 2 : i32
      %shift_right_arithmetic3A_1918 = arith.shrsi %shift_right_arithmetic3A_1792, %shift_right_arithmetic3A_1917 : i32
      %and3A_1919 = arith.constant 1 : i32
      %and3A_1920 = arith.andi %shift_right_arithmetic3A_1918, %and3A_1919 : i32
      %eq3A_1921 = arith.constant 1 : i32
      %eq3A_1922 = arith.cmpi eq, %and3A_1920, %eq3A_1921 : i32
      %convert_element_type3A_1923 = arith.extui %eq3A_1922 : i1 to i32
      %cond3A_1924 = arith.constant 0 : i32
      %cond3A_1925 = arith.cmpi ne, %convert_element_type3A_1923, %cond3A_1924 : i32
      scf.if %cond3A_1925 {
      } else {
      }
      %and3A_1926 = arith.constant -8 : i32
      %and3A_1927 = arith.andi %sub3A_1801, %and3A_1926 : i32
      %shift_right_arithmetic3A_1928 = arith.constant 2 : i32
      %shift_right_arithmetic3A_1929 = arith.shrsi %sub3A_1801, %shift_right_arithmetic3A_1928 : i32
      %and3A_1930 = arith.constant 1 : i32
      %and3A_1931 = arith.andi %shift_right_arithmetic3A_1929, %and3A_1930 : i32
      %eq3A_1932 = arith.constant 1 : i32
      %eq3A_1933 = arith.cmpi eq, %and3A_1931, %eq3A_1932 : i32
      %convert_element_type3A_1934 = arith.extui %eq3A_1933 : i1 to i32
      %cond3A_1935 = arith.constant 0 : i32
      %cond3A_1936 = arith.cmpi ne, %convert_element_type3A_1934, %cond3A_1935 : i32
      scf.if %cond3A_1936 {
      } else {
      }
      %and3A_1937 = arith.constant -4 : i32
      %and3A_1938 = arith.andi %shift_right_arithmetic3A_1792, %and3A_1937 : i32
      %shift_right_arithmetic3A_1939 = arith.constant 1 : i32
      %shift_right_arithmetic3A_1940 = arith.shrsi %shift_right_arithmetic3A_1792, %shift_right_arithmetic3A_1939 : i32
      %and3A_1941 = arith.constant 1 : i32
      %and3A_1942 = arith.andi %shift_right_arithmetic3A_1940, %and3A_1941 : i32
      %eq3A_1943 = arith.constant 1 : i32
      %eq3A_1944 = arith.cmpi eq, %and3A_1942, %eq3A_1943 : i32
      %convert_element_type3A_1945 = arith.extui %eq3A_1944 : i1 to i32
      %cond3A_1946 = arith.constant 0 : i32
      %cond3A_1947 = arith.cmpi ne, %convert_element_type3A_1945, %cond3A_1946 : i32
      scf.if %cond3A_1947 {
      } else {
      }
      %and3A_1948 = arith.constant -4 : i32
      %and3A_1949 = arith.andi %sub3A_1801, %and3A_1948 : i32
      %shift_right_arithmetic3A_1950 = arith.constant 1 : i32
      %shift_right_arithmetic3A_1951 = arith.shrsi %sub3A_1801, %shift_right_arithmetic3A_1950 : i32
      %and3A_1952 = arith.constant 1 : i32
      %and3A_1953 = arith.andi %shift_right_arithmetic3A_1951, %and3A_1952 : i32
      %eq3A_1954 = arith.constant 1 : i32
      %eq3A_1955 = arith.cmpi eq, %and3A_1953, %eq3A_1954 : i32
      %convert_element_type3A_1956 = arith.extui %eq3A_1955 : i1 to i32
      %cond3A_1957 = arith.constant 0 : i32
      %cond3A_1958 = arith.cmpi ne, %convert_element_type3A_1956, %cond3A_1957 : i32
      scf.if %cond3A_1958 {
      } else {
      }
      %and3A_1959 = arith.constant -2 : i32
      %and3A_1960 = arith.andi %shift_right_arithmetic3A_1792, %and3A_1959 : i32
      %shift_right_arithmetic3A_1961 = arith.constant 0 : i32
      %shift_right_arithmetic3A_1962 = arith.shrsi %shift_right_arithmetic3A_1792, %shift_right_arithmetic3A_1961 : i32
      %and3A_1963 = arith.constant 1 : i32
      %and3A_1964 = arith.andi %shift_right_arithmetic3A_1962, %and3A_1963 : i32
      %eq3A_1965 = arith.constant 1 : i32
      %eq3A_1966 = arith.cmpi eq, %and3A_1964, %eq3A_1965 : i32
      %convert_element_type3A_1967 = arith.extui %eq3A_1966 : i1 to i32
      %cond3A_1968 = arith.constant 0 : i32
      %cond3A_1969 = arith.cmpi ne, %convert_element_type3A_1967, %cond3A_1968 : i32
      scf.if %cond3A_1969 {
      } else {
      }
      %and3A_1970 = arith.constant -2 : i32
      %and3A_1971 = arith.andi %sub3A_1801, %and3A_1970 : i32
      %shift_right_arithmetic3A_1972 = arith.constant 0 : i32
      %shift_right_arithmetic3A_1973 = arith.shrsi %sub3A_1801, %shift_right_arithmetic3A_1972 : i32
      %and3A_1974 = arith.constant 1 : i32
      %and3A_1975 = arith.andi %shift_right_arithmetic3A_1973, %and3A_1974 : i32
      %eq3A_1976 = arith.constant 1 : i32
      %eq3A_1977 = arith.cmpi eq, %and3A_1975, %eq3A_1976 : i32
      %convert_element_type3A_1978 = arith.extui %eq3A_1977 : i1 to i32
      %cond3A_1979 = arith.constant 0 : i32
      %cond3A_1980 = arith.cmpi ne, %convert_element_type3A_1978, %cond3A_1979 : i32
      scf.if %cond3A_1980 {
      } else {
      }
      %slice3A_1981 = vector.extract_strided_slice %get3A_451 {offsets = [8], sizes = [1], strides = [1]} : vector<16xi32> to vector<1xi32>
      %squeeze3A_1982 = vector.extract %slice3A_1981[0] : i32 from vector<1xi32>
      %shift_right_arithmetic3A_1983 = arith.constant 4 : i32
      %shift_right_arithmetic3A_1984 = arith.shrsi %squeeze3A_1982, %shift_right_arithmetic3A_1983 : i32
      %mul3A_1985 = arith.constant 16 : i32
      %mul3A_1986 = arith.muli %scan3A_445, %mul3A_1985 : i32
      %add3A_1987 = arith.addi %mul3A_2, %mul3A_1986 : i32
      %add3A_1988 = arith.constant 8 : i32
      %add3A_1989 = arith.addi %add3A_1987, %add3A_1988 : i32
      %mul3A_1990 = arith.constant 256 : i32
      %mul3A_1991 = arith.muli %add3A_1989, %mul3A_1990 : i32
      %sub3A_1992 = arith.constant 255 : i32
      %sub3A_1993 = arith.subi %sub3A_1992, %shift_right_arithmetic3A_1984 : i32
      %add3A_1994 = arith.addi %mul3A_1991, %shift_right_arithmetic3A_1984 : i32
      %add3A_1995 = arith.constant 1 : i32
      %add3A_1996 = arith.addi %add3A_1994, %add3A_1995 : i32
      %and3A_1997 = arith.constant -256 : i32
      %and3A_1998 = arith.andi %shift_right_arithmetic3A_1984, %and3A_1997 : i32
      %shift_right_arithmetic3A_1999 = arith.constant 7 : i32
      %shift_right_arithmetic3A_2000 = arith.shrsi %shift_right_arithmetic3A_1984, %shift_right_arithmetic3A_1999 : i32
      %and3A_2001 = arith.constant 1 : i32
      %and3A_2002 = arith.andi %shift_right_arithmetic3A_2000, %and3A_2001 : i32
      %eq3A_2003 = arith.constant 1 : i32
      %eq3A_2004 = arith.cmpi eq, %and3A_2002, %eq3A_2003 : i32
      %convert_element_type3A_2005 = arith.extui %eq3A_2004 : i1 to i32
      %cond3A_2006 = arith.constant 0 : i32
      %cond3A_2007 = arith.cmpi ne, %convert_element_type3A_2005, %cond3A_2006 : i32
      scf.if %cond3A_2007 {
      } else {
      }
      %and3A_2008 = arith.constant -256 : i32
      %and3A_2009 = arith.andi %sub3A_1993, %and3A_2008 : i32
      %shift_right_arithmetic3A_2010 = arith.constant 7 : i32
      %shift_right_arithmetic3A_2011 = arith.shrsi %sub3A_1993, %shift_right_arithmetic3A_2010 : i32
      %and3A_2012 = arith.constant 1 : i32
      %and3A_2013 = arith.andi %shift_right_arithmetic3A_2011, %and3A_2012 : i32
      %eq3A_2014 = arith.constant 1 : i32
      %eq3A_2015 = arith.cmpi eq, %and3A_2013, %eq3A_2014 : i32
      %convert_element_type3A_2016 = arith.extui %eq3A_2015 : i1 to i32
      %cond3A_2017 = arith.constant 0 : i32
      %cond3A_2018 = arith.cmpi ne, %convert_element_type3A_2016, %cond3A_2017 : i32
      scf.if %cond3A_2018 {
      } else {
      }
      %and3A_2019 = arith.constant -128 : i32
      %and3A_2020 = arith.andi %shift_right_arithmetic3A_1984, %and3A_2019 : i32
      %shift_right_arithmetic3A_2021 = arith.constant 6 : i32
      %shift_right_arithmetic3A_2022 = arith.shrsi %shift_right_arithmetic3A_1984, %shift_right_arithmetic3A_2021 : i32
      %and3A_2023 = arith.constant 1 : i32
      %and3A_2024 = arith.andi %shift_right_arithmetic3A_2022, %and3A_2023 : i32
      %eq3A_2025 = arith.constant 1 : i32
      %eq3A_2026 = arith.cmpi eq, %and3A_2024, %eq3A_2025 : i32
      %convert_element_type3A_2027 = arith.extui %eq3A_2026 : i1 to i32
      %cond3A_2028 = arith.constant 0 : i32
      %cond3A_2029 = arith.cmpi ne, %convert_element_type3A_2027, %cond3A_2028 : i32
      scf.if %cond3A_2029 {
      } else {
      }
      %and3A_2030 = arith.constant -128 : i32
      %and3A_2031 = arith.andi %sub3A_1993, %and3A_2030 : i32
      %shift_right_arithmetic3A_2032 = arith.constant 6 : i32
      %shift_right_arithmetic3A_2033 = arith.shrsi %sub3A_1993, %shift_right_arithmetic3A_2032 : i32
      %and3A_2034 = arith.constant 1 : i32
      %and3A_2035 = arith.andi %shift_right_arithmetic3A_2033, %and3A_2034 : i32
      %eq3A_2036 = arith.constant 1 : i32
      %eq3A_2037 = arith.cmpi eq, %and3A_2035, %eq3A_2036 : i32
      %convert_element_type3A_2038 = arith.extui %eq3A_2037 : i1 to i32
      %cond3A_2039 = arith.constant 0 : i32
      %cond3A_2040 = arith.cmpi ne, %convert_element_type3A_2038, %cond3A_2039 : i32
      scf.if %cond3A_2040 {
      } else {
      }
      %and3A_2041 = arith.constant -64 : i32
      %and3A_2042 = arith.andi %shift_right_arithmetic3A_1984, %and3A_2041 : i32
      %shift_right_arithmetic3A_2043 = arith.constant 5 : i32
      %shift_right_arithmetic3A_2044 = arith.shrsi %shift_right_arithmetic3A_1984, %shift_right_arithmetic3A_2043 : i32
      %and3A_2045 = arith.constant 1 : i32
      %and3A_2046 = arith.andi %shift_right_arithmetic3A_2044, %and3A_2045 : i32
      %eq3A_2047 = arith.constant 1 : i32
      %eq3A_2048 = arith.cmpi eq, %and3A_2046, %eq3A_2047 : i32
      %convert_element_type3A_2049 = arith.extui %eq3A_2048 : i1 to i32
      %cond3A_2050 = arith.constant 0 : i32
      %cond3A_2051 = arith.cmpi ne, %convert_element_type3A_2049, %cond3A_2050 : i32
      scf.if %cond3A_2051 {
      } else {
      }
      %and3A_2052 = arith.constant -64 : i32
      %and3A_2053 = arith.andi %sub3A_1993, %and3A_2052 : i32
      %shift_right_arithmetic3A_2054 = arith.constant 5 : i32
      %shift_right_arithmetic3A_2055 = arith.shrsi %sub3A_1993, %shift_right_arithmetic3A_2054 : i32
      %and3A_2056 = arith.constant 1 : i32
      %and3A_2057 = arith.andi %shift_right_arithmetic3A_2055, %and3A_2056 : i32
      %eq3A_2058 = arith.constant 1 : i32
      %eq3A_2059 = arith.cmpi eq, %and3A_2057, %eq3A_2058 : i32
      %convert_element_type3A_2060 = arith.extui %eq3A_2059 : i1 to i32
      %cond3A_2061 = arith.constant 0 : i32
      %cond3A_2062 = arith.cmpi ne, %convert_element_type3A_2060, %cond3A_2061 : i32
      scf.if %cond3A_2062 {
      } else {
      }
      %and3A_2063 = arith.constant -32 : i32
      %and3A_2064 = arith.andi %shift_right_arithmetic3A_1984, %and3A_2063 : i32
      %shift_right_arithmetic3A_2065 = arith.constant 4 : i32
      %shift_right_arithmetic3A_2066 = arith.shrsi %shift_right_arithmetic3A_1984, %shift_right_arithmetic3A_2065 : i32
      %and3A_2067 = arith.constant 1 : i32
      %and3A_2068 = arith.andi %shift_right_arithmetic3A_2066, %and3A_2067 : i32
      %eq3A_2069 = arith.constant 1 : i32
      %eq3A_2070 = arith.cmpi eq, %and3A_2068, %eq3A_2069 : i32
      %convert_element_type3A_2071 = arith.extui %eq3A_2070 : i1 to i32
      %cond3A_2072 = arith.constant 0 : i32
      %cond3A_2073 = arith.cmpi ne, %convert_element_type3A_2071, %cond3A_2072 : i32
      scf.if %cond3A_2073 {
      } else {
      }
      %and3A_2074 = arith.constant -32 : i32
      %and3A_2075 = arith.andi %sub3A_1993, %and3A_2074 : i32
      %shift_right_arithmetic3A_2076 = arith.constant 4 : i32
      %shift_right_arithmetic3A_2077 = arith.shrsi %sub3A_1993, %shift_right_arithmetic3A_2076 : i32
      %and3A_2078 = arith.constant 1 : i32
      %and3A_2079 = arith.andi %shift_right_arithmetic3A_2077, %and3A_2078 : i32
      %eq3A_2080 = arith.constant 1 : i32
      %eq3A_2081 = arith.cmpi eq, %and3A_2079, %eq3A_2080 : i32
      %convert_element_type3A_2082 = arith.extui %eq3A_2081 : i1 to i32
      %cond3A_2083 = arith.constant 0 : i32
      %cond3A_2084 = arith.cmpi ne, %convert_element_type3A_2082, %cond3A_2083 : i32
      scf.if %cond3A_2084 {
      } else {
      }
      %and3A_2085 = arith.constant -16 : i32
      %and3A_2086 = arith.andi %shift_right_arithmetic3A_1984, %and3A_2085 : i32
      %shift_right_arithmetic3A_2087 = arith.constant 3 : i32
      %shift_right_arithmetic3A_2088 = arith.shrsi %shift_right_arithmetic3A_1984, %shift_right_arithmetic3A_2087 : i32
      %and3A_2089 = arith.constant 1 : i32
      %and3A_2090 = arith.andi %shift_right_arithmetic3A_2088, %and3A_2089 : i32
      %eq3A_2091 = arith.constant 1 : i32
      %eq3A_2092 = arith.cmpi eq, %and3A_2090, %eq3A_2091 : i32
      %convert_element_type3A_2093 = arith.extui %eq3A_2092 : i1 to i32
      %cond3A_2094 = arith.constant 0 : i32
      %cond3A_2095 = arith.cmpi ne, %convert_element_type3A_2093, %cond3A_2094 : i32
      scf.if %cond3A_2095 {
      } else {
      }
      %and3A_2096 = arith.constant -16 : i32
      %and3A_2097 = arith.andi %sub3A_1993, %and3A_2096 : i32
      %shift_right_arithmetic3A_2098 = arith.constant 3 : i32
      %shift_right_arithmetic3A_2099 = arith.shrsi %sub3A_1993, %shift_right_arithmetic3A_2098 : i32
      %and3A_2100 = arith.constant 1 : i32
      %and3A_2101 = arith.andi %shift_right_arithmetic3A_2099, %and3A_2100 : i32
      %eq3A_2102 = arith.constant 1 : i32
      %eq3A_2103 = arith.cmpi eq, %and3A_2101, %eq3A_2102 : i32
      %convert_element_type3A_2104 = arith.extui %eq3A_2103 : i1 to i32
      %cond3A_2105 = arith.constant 0 : i32
      %cond3A_2106 = arith.cmpi ne, %convert_element_type3A_2104, %cond3A_2105 : i32
      scf.if %cond3A_2106 {
      } else {
      }
      %and3A_2107 = arith.constant -8 : i32
      %and3A_2108 = arith.andi %shift_right_arithmetic3A_1984, %and3A_2107 : i32
      %shift_right_arithmetic3A_2109 = arith.constant 2 : i32
      %shift_right_arithmetic3A_2110 = arith.shrsi %shift_right_arithmetic3A_1984, %shift_right_arithmetic3A_2109 : i32
      %and3A_2111 = arith.constant 1 : i32
      %and3A_2112 = arith.andi %shift_right_arithmetic3A_2110, %and3A_2111 : i32
      %eq3A_2113 = arith.constant 1 : i32
      %eq3A_2114 = arith.cmpi eq, %and3A_2112, %eq3A_2113 : i32
      %convert_element_type3A_2115 = arith.extui %eq3A_2114 : i1 to i32
      %cond3A_2116 = arith.constant 0 : i32
      %cond3A_2117 = arith.cmpi ne, %convert_element_type3A_2115, %cond3A_2116 : i32
      scf.if %cond3A_2117 {
      } else {
      }
      %and3A_2118 = arith.constant -8 : i32
      %and3A_2119 = arith.andi %sub3A_1993, %and3A_2118 : i32
      %shift_right_arithmetic3A_2120 = arith.constant 2 : i32
      %shift_right_arithmetic3A_2121 = arith.shrsi %sub3A_1993, %shift_right_arithmetic3A_2120 : i32
      %and3A_2122 = arith.constant 1 : i32
      %and3A_2123 = arith.andi %shift_right_arithmetic3A_2121, %and3A_2122 : i32
      %eq3A_2124 = arith.constant 1 : i32
      %eq3A_2125 = arith.cmpi eq, %and3A_2123, %eq3A_2124 : i32
      %convert_element_type3A_2126 = arith.extui %eq3A_2125 : i1 to i32
      %cond3A_2127 = arith.constant 0 : i32
      %cond3A_2128 = arith.cmpi ne, %convert_element_type3A_2126, %cond3A_2127 : i32
      scf.if %cond3A_2128 {
      } else {
      }
      %and3A_2129 = arith.constant -4 : i32
      %and3A_2130 = arith.andi %shift_right_arithmetic3A_1984, %and3A_2129 : i32
      %shift_right_arithmetic3A_2131 = arith.constant 1 : i32
      %shift_right_arithmetic3A_2132 = arith.shrsi %shift_right_arithmetic3A_1984, %shift_right_arithmetic3A_2131 : i32
      %and3A_2133 = arith.constant 1 : i32
      %and3A_2134 = arith.andi %shift_right_arithmetic3A_2132, %and3A_2133 : i32
      %eq3A_2135 = arith.constant 1 : i32
      %eq3A_2136 = arith.cmpi eq, %and3A_2134, %eq3A_2135 : i32
      %convert_element_type3A_2137 = arith.extui %eq3A_2136 : i1 to i32
      %cond3A_2138 = arith.constant 0 : i32
      %cond3A_2139 = arith.cmpi ne, %convert_element_type3A_2137, %cond3A_2138 : i32
      scf.if %cond3A_2139 {
      } else {
      }
      %and3A_2140 = arith.constant -4 : i32
      %and3A_2141 = arith.andi %sub3A_1993, %and3A_2140 : i32
      %shift_right_arithmetic3A_2142 = arith.constant 1 : i32
      %shift_right_arithmetic3A_2143 = arith.shrsi %sub3A_1993, %shift_right_arithmetic3A_2142 : i32
      %and3A_2144 = arith.constant 1 : i32
      %and3A_2145 = arith.andi %shift_right_arithmetic3A_2143, %and3A_2144 : i32
      %eq3A_2146 = arith.constant 1 : i32
      %eq3A_2147 = arith.cmpi eq, %and3A_2145, %eq3A_2146 : i32
      %convert_element_type3A_2148 = arith.extui %eq3A_2147 : i1 to i32
      %cond3A_2149 = arith.constant 0 : i32
      %cond3A_2150 = arith.cmpi ne, %convert_element_type3A_2148, %cond3A_2149 : i32
      scf.if %cond3A_2150 {
      } else {
      }
      %and3A_2151 = arith.constant -2 : i32
      %and3A_2152 = arith.andi %shift_right_arithmetic3A_1984, %and3A_2151 : i32
      %shift_right_arithmetic3A_2153 = arith.constant 0 : i32
      %shift_right_arithmetic3A_2154 = arith.shrsi %shift_right_arithmetic3A_1984, %shift_right_arithmetic3A_2153 : i32
      %and3A_2155 = arith.constant 1 : i32
      %and3A_2156 = arith.andi %shift_right_arithmetic3A_2154, %and3A_2155 : i32
      %eq3A_2157 = arith.constant 1 : i32
      %eq3A_2158 = arith.cmpi eq, %and3A_2156, %eq3A_2157 : i32
      %convert_element_type3A_2159 = arith.extui %eq3A_2158 : i1 to i32
      %cond3A_2160 = arith.constant 0 : i32
      %cond3A_2161 = arith.cmpi ne, %convert_element_type3A_2159, %cond3A_2160 : i32
      scf.if %cond3A_2161 {
      } else {
      }
      %and3A_2162 = arith.constant -2 : i32
      %and3A_2163 = arith.andi %sub3A_1993, %and3A_2162 : i32
      %shift_right_arithmetic3A_2164 = arith.constant 0 : i32
      %shift_right_arithmetic3A_2165 = arith.shrsi %sub3A_1993, %shift_right_arithmetic3A_2164 : i32
      %and3A_2166 = arith.constant 1 : i32
      %and3A_2167 = arith.andi %shift_right_arithmetic3A_2165, %and3A_2166 : i32
      %eq3A_2168 = arith.constant 1 : i32
      %eq3A_2169 = arith.cmpi eq, %and3A_2167, %eq3A_2168 : i32
      %convert_element_type3A_2170 = arith.extui %eq3A_2169 : i1 to i32
      %cond3A_2171 = arith.constant 0 : i32
      %cond3A_2172 = arith.cmpi ne, %convert_element_type3A_2170, %cond3A_2171 : i32
      scf.if %cond3A_2172 {
      } else {
      }
      %slice3A_2173 = vector.extract_strided_slice %get3A_451 {offsets = [9], sizes = [1], strides = [1]} : vector<16xi32> to vector<1xi32>
      %squeeze3A_2174 = vector.extract %slice3A_2173[0] : i32 from vector<1xi32>
      %shift_right_arithmetic3A_2175 = arith.constant 4 : i32
      %shift_right_arithmetic3A_2176 = arith.shrsi %squeeze3A_2174, %shift_right_arithmetic3A_2175 : i32
      %mul3A_2177 = arith.constant 16 : i32
      %mul3A_2178 = arith.muli %scan3A_445, %mul3A_2177 : i32
      %add3A_2179 = arith.addi %mul3A_2, %mul3A_2178 : i32
      %add3A_2180 = arith.constant 9 : i32
      %add3A_2181 = arith.addi %add3A_2179, %add3A_2180 : i32
      %mul3A_2182 = arith.constant 256 : i32
      %mul3A_2183 = arith.muli %add3A_2181, %mul3A_2182 : i32
      %sub3A_2184 = arith.constant 255 : i32
      %sub3A_2185 = arith.subi %sub3A_2184, %shift_right_arithmetic3A_2176 : i32
      %add3A_2186 = arith.addi %mul3A_2183, %shift_right_arithmetic3A_2176 : i32
      %add3A_2187 = arith.constant 1 : i32
      %add3A_2188 = arith.addi %add3A_2186, %add3A_2187 : i32
      %and3A_2189 = arith.constant -256 : i32
      %and3A_2190 = arith.andi %shift_right_arithmetic3A_2176, %and3A_2189 : i32
      %shift_right_arithmetic3A_2191 = arith.constant 7 : i32
      %shift_right_arithmetic3A_2192 = arith.shrsi %shift_right_arithmetic3A_2176, %shift_right_arithmetic3A_2191 : i32
      %and3A_2193 = arith.constant 1 : i32
      %and3A_2194 = arith.andi %shift_right_arithmetic3A_2192, %and3A_2193 : i32
      %eq3A_2195 = arith.constant 1 : i32
      %eq3A_2196 = arith.cmpi eq, %and3A_2194, %eq3A_2195 : i32
      %convert_element_type3A_2197 = arith.extui %eq3A_2196 : i1 to i32
      %cond3A_2198 = arith.constant 0 : i32
      %cond3A_2199 = arith.cmpi ne, %convert_element_type3A_2197, %cond3A_2198 : i32
      scf.if %cond3A_2199 {
      } else {
      }
      %and3A_2200 = arith.constant -256 : i32
      %and3A_2201 = arith.andi %sub3A_2185, %and3A_2200 : i32
      %shift_right_arithmetic3A_2202 = arith.constant 7 : i32
      %shift_right_arithmetic3A_2203 = arith.shrsi %sub3A_2185, %shift_right_arithmetic3A_2202 : i32
      %and3A_2204 = arith.constant 1 : i32
      %and3A_2205 = arith.andi %shift_right_arithmetic3A_2203, %and3A_2204 : i32
      %eq3A_2206 = arith.constant 1 : i32
      %eq3A_2207 = arith.cmpi eq, %and3A_2205, %eq3A_2206 : i32
      %convert_element_type3A_2208 = arith.extui %eq3A_2207 : i1 to i32
      %cond3A_2209 = arith.constant 0 : i32
      %cond3A_2210 = arith.cmpi ne, %convert_element_type3A_2208, %cond3A_2209 : i32
      scf.if %cond3A_2210 {
      } else {
      }
      %and3A_2211 = arith.constant -128 : i32
      %and3A_2212 = arith.andi %shift_right_arithmetic3A_2176, %and3A_2211 : i32
      %shift_right_arithmetic3A_2213 = arith.constant 6 : i32
      %shift_right_arithmetic3A_2214 = arith.shrsi %shift_right_arithmetic3A_2176, %shift_right_arithmetic3A_2213 : i32
      %and3A_2215 = arith.constant 1 : i32
      %and3A_2216 = arith.andi %shift_right_arithmetic3A_2214, %and3A_2215 : i32
      %eq3A_2217 = arith.constant 1 : i32
      %eq3A_2218 = arith.cmpi eq, %and3A_2216, %eq3A_2217 : i32
      %convert_element_type3A_2219 = arith.extui %eq3A_2218 : i1 to i32
      %cond3A_2220 = arith.constant 0 : i32
      %cond3A_2221 = arith.cmpi ne, %convert_element_type3A_2219, %cond3A_2220 : i32
      scf.if %cond3A_2221 {
      } else {
      }
      %and3A_2222 = arith.constant -128 : i32
      %and3A_2223 = arith.andi %sub3A_2185, %and3A_2222 : i32
      %shift_right_arithmetic3A_2224 = arith.constant 6 : i32
      %shift_right_arithmetic3A_2225 = arith.shrsi %sub3A_2185, %shift_right_arithmetic3A_2224 : i32
      %and3A_2226 = arith.constant 1 : i32
      %and3A_2227 = arith.andi %shift_right_arithmetic3A_2225, %and3A_2226 : i32
      %eq3A_2228 = arith.constant 1 : i32
      %eq3A_2229 = arith.cmpi eq, %and3A_2227, %eq3A_2228 : i32
      %convert_element_type3A_2230 = arith.extui %eq3A_2229 : i1 to i32
      %cond3A_2231 = arith.constant 0 : i32
      %cond3A_2232 = arith.cmpi ne, %convert_element_type3A_2230, %cond3A_2231 : i32
      scf.if %cond3A_2232 {
      } else {
      }
      %and3A_2233 = arith.constant -64 : i32
      %and3A_2234 = arith.andi %shift_right_arithmetic3A_2176, %and3A_2233 : i32
      %shift_right_arithmetic3A_2235 = arith.constant 5 : i32
      %shift_right_arithmetic3A_2236 = arith.shrsi %shift_right_arithmetic3A_2176, %shift_right_arithmetic3A_2235 : i32
      %and3A_2237 = arith.constant 1 : i32
      %and3A_2238 = arith.andi %shift_right_arithmetic3A_2236, %and3A_2237 : i32
      %eq3A_2239 = arith.constant 1 : i32
      %eq3A_2240 = arith.cmpi eq, %and3A_2238, %eq3A_2239 : i32
      %convert_element_type3A_2241 = arith.extui %eq3A_2240 : i1 to i32
      %cond3A_2242 = arith.constant 0 : i32
      %cond3A_2243 = arith.cmpi ne, %convert_element_type3A_2241, %cond3A_2242 : i32
      scf.if %cond3A_2243 {
      } else {
      }
      %and3A_2244 = arith.constant -64 : i32
      %and3A_2245 = arith.andi %sub3A_2185, %and3A_2244 : i32
      %shift_right_arithmetic3A_2246 = arith.constant 5 : i32
      %shift_right_arithmetic3A_2247 = arith.shrsi %sub3A_2185, %shift_right_arithmetic3A_2246 : i32
      %and3A_2248 = arith.constant 1 : i32
      %and3A_2249 = arith.andi %shift_right_arithmetic3A_2247, %and3A_2248 : i32
      %eq3A_2250 = arith.constant 1 : i32
      %eq3A_2251 = arith.cmpi eq, %and3A_2249, %eq3A_2250 : i32
      %convert_element_type3A_2252 = arith.extui %eq3A_2251 : i1 to i32
      %cond3A_2253 = arith.constant 0 : i32
      %cond3A_2254 = arith.cmpi ne, %convert_element_type3A_2252, %cond3A_2253 : i32
      scf.if %cond3A_2254 {
      } else {
      }
      %and3A_2255 = arith.constant -32 : i32
      %and3A_2256 = arith.andi %shift_right_arithmetic3A_2176, %and3A_2255 : i32
      %shift_right_arithmetic3A_2257 = arith.constant 4 : i32
      %shift_right_arithmetic3A_2258 = arith.shrsi %shift_right_arithmetic3A_2176, %shift_right_arithmetic3A_2257 : i32
      %and3A_2259 = arith.constant 1 : i32
      %and3A_2260 = arith.andi %shift_right_arithmetic3A_2258, %and3A_2259 : i32
      %eq3A_2261 = arith.constant 1 : i32
      %eq3A_2262 = arith.cmpi eq, %and3A_2260, %eq3A_2261 : i32
      %convert_element_type3A_2263 = arith.extui %eq3A_2262 : i1 to i32
      %cond3A_2264 = arith.constant 0 : i32
      %cond3A_2265 = arith.cmpi ne, %convert_element_type3A_2263, %cond3A_2264 : i32
      scf.if %cond3A_2265 {
      } else {
      }
      %and3A_2266 = arith.constant -32 : i32
      %and3A_2267 = arith.andi %sub3A_2185, %and3A_2266 : i32
      %shift_right_arithmetic3A_2268 = arith.constant 4 : i32
      %shift_right_arithmetic3A_2269 = arith.shrsi %sub3A_2185, %shift_right_arithmetic3A_2268 : i32
      %and3A_2270 = arith.constant 1 : i32
      %and3A_2271 = arith.andi %shift_right_arithmetic3A_2269, %and3A_2270 : i32
      %eq3A_2272 = arith.constant 1 : i32
      %eq3A_2273 = arith.cmpi eq, %and3A_2271, %eq3A_2272 : i32
      %convert_element_type3A_2274 = arith.extui %eq3A_2273 : i1 to i32
      %cond3A_2275 = arith.constant 0 : i32
      %cond3A_2276 = arith.cmpi ne, %convert_element_type3A_2274, %cond3A_2275 : i32
      scf.if %cond3A_2276 {
      } else {
      }
      %and3A_2277 = arith.constant -16 : i32
      %and3A_2278 = arith.andi %shift_right_arithmetic3A_2176, %and3A_2277 : i32
      %shift_right_arithmetic3A_2279 = arith.constant 3 : i32
      %shift_right_arithmetic3A_2280 = arith.shrsi %shift_right_arithmetic3A_2176, %shift_right_arithmetic3A_2279 : i32
      %and3A_2281 = arith.constant 1 : i32
      %and3A_2282 = arith.andi %shift_right_arithmetic3A_2280, %and3A_2281 : i32
      %eq3A_2283 = arith.constant 1 : i32
      %eq3A_2284 = arith.cmpi eq, %and3A_2282, %eq3A_2283 : i32
      %convert_element_type3A_2285 = arith.extui %eq3A_2284 : i1 to i32
      %cond3A_2286 = arith.constant 0 : i32
      %cond3A_2287 = arith.cmpi ne, %convert_element_type3A_2285, %cond3A_2286 : i32
      scf.if %cond3A_2287 {
      } else {
      }
      %and3A_2288 = arith.constant -16 : i32
      %and3A_2289 = arith.andi %sub3A_2185, %and3A_2288 : i32
      %shift_right_arithmetic3A_2290 = arith.constant 3 : i32
      %shift_right_arithmetic3A_2291 = arith.shrsi %sub3A_2185, %shift_right_arithmetic3A_2290 : i32
      %and3A_2292 = arith.constant 1 : i32
      %and3A_2293 = arith.andi %shift_right_arithmetic3A_2291, %and3A_2292 : i32
      %eq3A_2294 = arith.constant 1 : i32
      %eq3A_2295 = arith.cmpi eq, %and3A_2293, %eq3A_2294 : i32
      %convert_element_type3A_2296 = arith.extui %eq3A_2295 : i1 to i32
      %cond3A_2297 = arith.constant 0 : i32
      %cond3A_2298 = arith.cmpi ne, %convert_element_type3A_2296, %cond3A_2297 : i32
      scf.if %cond3A_2298 {
      } else {
      }
      %and3A_2299 = arith.constant -8 : i32
      %and3A_2300 = arith.andi %shift_right_arithmetic3A_2176, %and3A_2299 : i32
      %shift_right_arithmetic3A_2301 = arith.constant 2 : i32
      %shift_right_arithmetic3A_2302 = arith.shrsi %shift_right_arithmetic3A_2176, %shift_right_arithmetic3A_2301 : i32
      %and3A_2303 = arith.constant 1 : i32
      %and3A_2304 = arith.andi %shift_right_arithmetic3A_2302, %and3A_2303 : i32
      %eq3A_2305 = arith.constant 1 : i32
      %eq3A_2306 = arith.cmpi eq, %and3A_2304, %eq3A_2305 : i32
      %convert_element_type3A_2307 = arith.extui %eq3A_2306 : i1 to i32
      %cond3A_2308 = arith.constant 0 : i32
      %cond3A_2309 = arith.cmpi ne, %convert_element_type3A_2307, %cond3A_2308 : i32
      scf.if %cond3A_2309 {
      } else {
      }
      %and3A_2310 = arith.constant -8 : i32
      %and3A_2311 = arith.andi %sub3A_2185, %and3A_2310 : i32
      %shift_right_arithmetic3A_2312 = arith.constant 2 : i32
      %shift_right_arithmetic3A_2313 = arith.shrsi %sub3A_2185, %shift_right_arithmetic3A_2312 : i32
      %and3A_2314 = arith.constant 1 : i32
      %and3A_2315 = arith.andi %shift_right_arithmetic3A_2313, %and3A_2314 : i32
      %eq3A_2316 = arith.constant 1 : i32
      %eq3A_2317 = arith.cmpi eq, %and3A_2315, %eq3A_2316 : i32
      %convert_element_type3A_2318 = arith.extui %eq3A_2317 : i1 to i32
      %cond3A_2319 = arith.constant 0 : i32
      %cond3A_2320 = arith.cmpi ne, %convert_element_type3A_2318, %cond3A_2319 : i32
      scf.if %cond3A_2320 {
      } else {
      }
      %and3A_2321 = arith.constant -4 : i32
      %and3A_2322 = arith.andi %shift_right_arithmetic3A_2176, %and3A_2321 : i32
      %shift_right_arithmetic3A_2323 = arith.constant 1 : i32
      %shift_right_arithmetic3A_2324 = arith.shrsi %shift_right_arithmetic3A_2176, %shift_right_arithmetic3A_2323 : i32
      %and3A_2325 = arith.constant 1 : i32
      %and3A_2326 = arith.andi %shift_right_arithmetic3A_2324, %and3A_2325 : i32
      %eq3A_2327 = arith.constant 1 : i32
      %eq3A_2328 = arith.cmpi eq, %and3A_2326, %eq3A_2327 : i32
      %convert_element_type3A_2329 = arith.extui %eq3A_2328 : i1 to i32
      %cond3A_2330 = arith.constant 0 : i32
      %cond3A_2331 = arith.cmpi ne, %convert_element_type3A_2329, %cond3A_2330 : i32
      scf.if %cond3A_2331 {
      } else {
      }
      %and3A_2332 = arith.constant -4 : i32
      %and3A_2333 = arith.andi %sub3A_2185, %and3A_2332 : i32
      %shift_right_arithmetic3A_2334 = arith.constant 1 : i32
      %shift_right_arithmetic3A_2335 = arith.shrsi %sub3A_2185, %shift_right_arithmetic3A_2334 : i32
      %and3A_2336 = arith.constant 1 : i32
      %and3A_2337 = arith.andi %shift_right_arithmetic3A_2335, %and3A_2336 : i32
      %eq3A_2338 = arith.constant 1 : i32
      %eq3A_2339 = arith.cmpi eq, %and3A_2337, %eq3A_2338 : i32
      %convert_element_type3A_2340 = arith.extui %eq3A_2339 : i1 to i32
      %cond3A_2341 = arith.constant 0 : i32
      %cond3A_2342 = arith.cmpi ne, %convert_element_type3A_2340, %cond3A_2341 : i32
      scf.if %cond3A_2342 {
      } else {
      }
      %and3A_2343 = arith.constant -2 : i32
      %and3A_2344 = arith.andi %shift_right_arithmetic3A_2176, %and3A_2343 : i32
      %shift_right_arithmetic3A_2345 = arith.constant 0 : i32
      %shift_right_arithmetic3A_2346 = arith.shrsi %shift_right_arithmetic3A_2176, %shift_right_arithmetic3A_2345 : i32
      %and3A_2347 = arith.constant 1 : i32
      %and3A_2348 = arith.andi %shift_right_arithmetic3A_2346, %and3A_2347 : i32
      %eq3A_2349 = arith.constant 1 : i32
      %eq3A_2350 = arith.cmpi eq, %and3A_2348, %eq3A_2349 : i32
      %convert_element_type3A_2351 = arith.extui %eq3A_2350 : i1 to i32
      %cond3A_2352 = arith.constant 0 : i32
      %cond3A_2353 = arith.cmpi ne, %convert_element_type3A_2351, %cond3A_2352 : i32
      scf.if %cond3A_2353 {
      } else {
      }
      %and3A_2354 = arith.constant -2 : i32
      %and3A_2355 = arith.andi %sub3A_2185, %and3A_2354 : i32
      %shift_right_arithmetic3A_2356 = arith.constant 0 : i32
      %shift_right_arithmetic3A_2357 = arith.shrsi %sub3A_2185, %shift_right_arithmetic3A_2356 : i32
      %and3A_2358 = arith.constant 1 : i32
      %and3A_2359 = arith.andi %shift_right_arithmetic3A_2357, %and3A_2358 : i32
      %eq3A_2360 = arith.constant 1 : i32
      %eq3A_2361 = arith.cmpi eq, %and3A_2359, %eq3A_2360 : i32
      %convert_element_type3A_2362 = arith.extui %eq3A_2361 : i1 to i32
      %cond3A_2363 = arith.constant 0 : i32
      %cond3A_2364 = arith.cmpi ne, %convert_element_type3A_2362, %cond3A_2363 : i32
      scf.if %cond3A_2364 {
      } else {
      }
      %slice3A_2365 = vector.extract_strided_slice %get3A_451 {offsets = [10], sizes = [1], strides = [1]} : vector<16xi32> to vector<1xi32>
      %squeeze3A_2366 = vector.extract %slice3A_2365[0] : i32 from vector<1xi32>
      %shift_right_arithmetic3A_2367 = arith.constant 4 : i32
      %shift_right_arithmetic3A_2368 = arith.shrsi %squeeze3A_2366, %shift_right_arithmetic3A_2367 : i32
      %mul3A_2369 = arith.constant 16 : i32
      %mul3A_2370 = arith.muli %scan3A_445, %mul3A_2369 : i32
      %add3A_2371 = arith.addi %mul3A_2, %mul3A_2370 : i32
      %add3A_2372 = arith.constant 10 : i32
      %add3A_2373 = arith.addi %add3A_2371, %add3A_2372 : i32
      %mul3A_2374 = arith.constant 256 : i32
      %mul3A_2375 = arith.muli %add3A_2373, %mul3A_2374 : i32
      %sub3A_2376 = arith.constant 255 : i32
      %sub3A_2377 = arith.subi %sub3A_2376, %shift_right_arithmetic3A_2368 : i32
      %add3A_2378 = arith.addi %mul3A_2375, %shift_right_arithmetic3A_2368 : i32
      %add3A_2379 = arith.constant 1 : i32
      %add3A_2380 = arith.addi %add3A_2378, %add3A_2379 : i32
      %and3A_2381 = arith.constant -256 : i32
      %and3A_2382 = arith.andi %shift_right_arithmetic3A_2368, %and3A_2381 : i32
      %shift_right_arithmetic3A_2383 = arith.constant 7 : i32
      %shift_right_arithmetic3A_2384 = arith.shrsi %shift_right_arithmetic3A_2368, %shift_right_arithmetic3A_2383 : i32
      %and3A_2385 = arith.constant 1 : i32
      %and3A_2386 = arith.andi %shift_right_arithmetic3A_2384, %and3A_2385 : i32
      %eq3A_2387 = arith.constant 1 : i32
      %eq3A_2388 = arith.cmpi eq, %and3A_2386, %eq3A_2387 : i32
      %convert_element_type3A_2389 = arith.extui %eq3A_2388 : i1 to i32
      %cond3A_2390 = arith.constant 0 : i32
      %cond3A_2391 = arith.cmpi ne, %convert_element_type3A_2389, %cond3A_2390 : i32
      scf.if %cond3A_2391 {
      } else {
      }
      %and3A_2392 = arith.constant -256 : i32
      %and3A_2393 = arith.andi %sub3A_2377, %and3A_2392 : i32
      %shift_right_arithmetic3A_2394 = arith.constant 7 : i32
      %shift_right_arithmetic3A_2395 = arith.shrsi %sub3A_2377, %shift_right_arithmetic3A_2394 : i32
      %and3A_2396 = arith.constant 1 : i32
      %and3A_2397 = arith.andi %shift_right_arithmetic3A_2395, %and3A_2396 : i32
      %eq3A_2398 = arith.constant 1 : i32
      %eq3A_2399 = arith.cmpi eq, %and3A_2397, %eq3A_2398 : i32
      %convert_element_type3A_2400 = arith.extui %eq3A_2399 : i1 to i32
      %cond3A_2401 = arith.constant 0 : i32
      %cond3A_2402 = arith.cmpi ne, %convert_element_type3A_2400, %cond3A_2401 : i32
      scf.if %cond3A_2402 {
      } else {
      }
      %and3A_2403 = arith.constant -128 : i32
      %and3A_2404 = arith.andi %shift_right_arithmetic3A_2368, %and3A_2403 : i32
      %shift_right_arithmetic3A_2405 = arith.constant 6 : i32
      %shift_right_arithmetic3A_2406 = arith.shrsi %shift_right_arithmetic3A_2368, %shift_right_arithmetic3A_2405 : i32
      %and3A_2407 = arith.constant 1 : i32
      %and3A_2408 = arith.andi %shift_right_arithmetic3A_2406, %and3A_2407 : i32
      %eq3A_2409 = arith.constant 1 : i32
      %eq3A_2410 = arith.cmpi eq, %and3A_2408, %eq3A_2409 : i32
      %convert_element_type3A_2411 = arith.extui %eq3A_2410 : i1 to i32
      %cond3A_2412 = arith.constant 0 : i32
      %cond3A_2413 = arith.cmpi ne, %convert_element_type3A_2411, %cond3A_2412 : i32
      scf.if %cond3A_2413 {
      } else {
      }
      %and3A_2414 = arith.constant -128 : i32
      %and3A_2415 = arith.andi %sub3A_2377, %and3A_2414 : i32
      %shift_right_arithmetic3A_2416 = arith.constant 6 : i32
      %shift_right_arithmetic3A_2417 = arith.shrsi %sub3A_2377, %shift_right_arithmetic3A_2416 : i32
      %and3A_2418 = arith.constant 1 : i32
      %and3A_2419 = arith.andi %shift_right_arithmetic3A_2417, %and3A_2418 : i32
      %eq3A_2420 = arith.constant 1 : i32
      %eq3A_2421 = arith.cmpi eq, %and3A_2419, %eq3A_2420 : i32
      %convert_element_type3A_2422 = arith.extui %eq3A_2421 : i1 to i32
      %cond3A_2423 = arith.constant 0 : i32
      %cond3A_2424 = arith.cmpi ne, %convert_element_type3A_2422, %cond3A_2423 : i32
      scf.if %cond3A_2424 {
      } else {
      }
      %and3A_2425 = arith.constant -64 : i32
      %and3A_2426 = arith.andi %shift_right_arithmetic3A_2368, %and3A_2425 : i32
      %shift_right_arithmetic3A_2427 = arith.constant 5 : i32
      %shift_right_arithmetic3A_2428 = arith.shrsi %shift_right_arithmetic3A_2368, %shift_right_arithmetic3A_2427 : i32
      %and3A_2429 = arith.constant 1 : i32
      %and3A_2430 = arith.andi %shift_right_arithmetic3A_2428, %and3A_2429 : i32
      %eq3A_2431 = arith.constant 1 : i32
      %eq3A_2432 = arith.cmpi eq, %and3A_2430, %eq3A_2431 : i32
      %convert_element_type3A_2433 = arith.extui %eq3A_2432 : i1 to i32
      %cond3A_2434 = arith.constant 0 : i32
      %cond3A_2435 = arith.cmpi ne, %convert_element_type3A_2433, %cond3A_2434 : i32
      scf.if %cond3A_2435 {
      } else {
      }
      %and3A_2436 = arith.constant -64 : i32
      %and3A_2437 = arith.andi %sub3A_2377, %and3A_2436 : i32
      %shift_right_arithmetic3A_2438 = arith.constant 5 : i32
      %shift_right_arithmetic3A_2439 = arith.shrsi %sub3A_2377, %shift_right_arithmetic3A_2438 : i32
      %and3A_2440 = arith.constant 1 : i32
      %and3A_2441 = arith.andi %shift_right_arithmetic3A_2439, %and3A_2440 : i32
      %eq3A_2442 = arith.constant 1 : i32
      %eq3A_2443 = arith.cmpi eq, %and3A_2441, %eq3A_2442 : i32
      %convert_element_type3A_2444 = arith.extui %eq3A_2443 : i1 to i32
      %cond3A_2445 = arith.constant 0 : i32
      %cond3A_2446 = arith.cmpi ne, %convert_element_type3A_2444, %cond3A_2445 : i32
      scf.if %cond3A_2446 {
      } else {
      }
      %and3A_2447 = arith.constant -32 : i32
      %and3A_2448 = arith.andi %shift_right_arithmetic3A_2368, %and3A_2447 : i32
      %shift_right_arithmetic3A_2449 = arith.constant 4 : i32
      %shift_right_arithmetic3A_2450 = arith.shrsi %shift_right_arithmetic3A_2368, %shift_right_arithmetic3A_2449 : i32
      %and3A_2451 = arith.constant 1 : i32
      %and3A_2452 = arith.andi %shift_right_arithmetic3A_2450, %and3A_2451 : i32
      %eq3A_2453 = arith.constant 1 : i32
      %eq3A_2454 = arith.cmpi eq, %and3A_2452, %eq3A_2453 : i32
      %convert_element_type3A_2455 = arith.extui %eq3A_2454 : i1 to i32
      %cond3A_2456 = arith.constant 0 : i32
      %cond3A_2457 = arith.cmpi ne, %convert_element_type3A_2455, %cond3A_2456 : i32
      scf.if %cond3A_2457 {
      } else {
      }
      %and3A_2458 = arith.constant -32 : i32
      %and3A_2459 = arith.andi %sub3A_2377, %and3A_2458 : i32
      %shift_right_arithmetic3A_2460 = arith.constant 4 : i32
      %shift_right_arithmetic3A_2461 = arith.shrsi %sub3A_2377, %shift_right_arithmetic3A_2460 : i32
      %and3A_2462 = arith.constant 1 : i32
      %and3A_2463 = arith.andi %shift_right_arithmetic3A_2461, %and3A_2462 : i32
      %eq3A_2464 = arith.constant 1 : i32
      %eq3A_2465 = arith.cmpi eq, %and3A_2463, %eq3A_2464 : i32
      %convert_element_type3A_2466 = arith.extui %eq3A_2465 : i1 to i32
      %cond3A_2467 = arith.constant 0 : i32
      %cond3A_2468 = arith.cmpi ne, %convert_element_type3A_2466, %cond3A_2467 : i32
      scf.if %cond3A_2468 {
      } else {
      }
      %and3A_2469 = arith.constant -16 : i32
      %and3A_2470 = arith.andi %shift_right_arithmetic3A_2368, %and3A_2469 : i32
      %shift_right_arithmetic3A_2471 = arith.constant 3 : i32
      %shift_right_arithmetic3A_2472 = arith.shrsi %shift_right_arithmetic3A_2368, %shift_right_arithmetic3A_2471 : i32
      %and3A_2473 = arith.constant 1 : i32
      %and3A_2474 = arith.andi %shift_right_arithmetic3A_2472, %and3A_2473 : i32
      %eq3A_2475 = arith.constant 1 : i32
      %eq3A_2476 = arith.cmpi eq, %and3A_2474, %eq3A_2475 : i32
      %convert_element_type3A_2477 = arith.extui %eq3A_2476 : i1 to i32
      %cond3A_2478 = arith.constant 0 : i32
      %cond3A_2479 = arith.cmpi ne, %convert_element_type3A_2477, %cond3A_2478 : i32
      scf.if %cond3A_2479 {
      } else {
      }
      %and3A_2480 = arith.constant -16 : i32
      %and3A_2481 = arith.andi %sub3A_2377, %and3A_2480 : i32
      %shift_right_arithmetic3A_2482 = arith.constant 3 : i32
      %shift_right_arithmetic3A_2483 = arith.shrsi %sub3A_2377, %shift_right_arithmetic3A_2482 : i32
      %and3A_2484 = arith.constant 1 : i32
      %and3A_2485 = arith.andi %shift_right_arithmetic3A_2483, %and3A_2484 : i32
      %eq3A_2486 = arith.constant 1 : i32
      %eq3A_2487 = arith.cmpi eq, %and3A_2485, %eq3A_2486 : i32
      %convert_element_type3A_2488 = arith.extui %eq3A_2487 : i1 to i32
      %cond3A_2489 = arith.constant 0 : i32
      %cond3A_2490 = arith.cmpi ne, %convert_element_type3A_2488, %cond3A_2489 : i32
      scf.if %cond3A_2490 {
      } else {
      }
      %and3A_2491 = arith.constant -8 : i32
      %and3A_2492 = arith.andi %shift_right_arithmetic3A_2368, %and3A_2491 : i32
      %shift_right_arithmetic3A_2493 = arith.constant 2 : i32
      %shift_right_arithmetic3A_2494 = arith.shrsi %shift_right_arithmetic3A_2368, %shift_right_arithmetic3A_2493 : i32
      %and3A_2495 = arith.constant 1 : i32
      %and3A_2496 = arith.andi %shift_right_arithmetic3A_2494, %and3A_2495 : i32
      %eq3A_2497 = arith.constant 1 : i32
      %eq3A_2498 = arith.cmpi eq, %and3A_2496, %eq3A_2497 : i32
      %convert_element_type3A_2499 = arith.extui %eq3A_2498 : i1 to i32
      %cond3A_2500 = arith.constant 0 : i32
      %cond3A_2501 = arith.cmpi ne, %convert_element_type3A_2499, %cond3A_2500 : i32
      scf.if %cond3A_2501 {
      } else {
      }
      %and3A_2502 = arith.constant -8 : i32
      %and3A_2503 = arith.andi %sub3A_2377, %and3A_2502 : i32
      %shift_right_arithmetic3A_2504 = arith.constant 2 : i32
      %shift_right_arithmetic3A_2505 = arith.shrsi %sub3A_2377, %shift_right_arithmetic3A_2504 : i32
      %and3A_2506 = arith.constant 1 : i32
      %and3A_2507 = arith.andi %shift_right_arithmetic3A_2505, %and3A_2506 : i32
      %eq3A_2508 = arith.constant 1 : i32
      %eq3A_2509 = arith.cmpi eq, %and3A_2507, %eq3A_2508 : i32
      %convert_element_type3A_2510 = arith.extui %eq3A_2509 : i1 to i32
      %cond3A_2511 = arith.constant 0 : i32
      %cond3A_2512 = arith.cmpi ne, %convert_element_type3A_2510, %cond3A_2511 : i32
      scf.if %cond3A_2512 {
      } else {
      }
      %and3A_2513 = arith.constant -4 : i32
      %and3A_2514 = arith.andi %shift_right_arithmetic3A_2368, %and3A_2513 : i32
      %shift_right_arithmetic3A_2515 = arith.constant 1 : i32
      %shift_right_arithmetic3A_2516 = arith.shrsi %shift_right_arithmetic3A_2368, %shift_right_arithmetic3A_2515 : i32
      %and3A_2517 = arith.constant 1 : i32
      %and3A_2518 = arith.andi %shift_right_arithmetic3A_2516, %and3A_2517 : i32
      %eq3A_2519 = arith.constant 1 : i32
      %eq3A_2520 = arith.cmpi eq, %and3A_2518, %eq3A_2519 : i32
      %convert_element_type3A_2521 = arith.extui %eq3A_2520 : i1 to i32
      %cond3A_2522 = arith.constant 0 : i32
      %cond3A_2523 = arith.cmpi ne, %convert_element_type3A_2521, %cond3A_2522 : i32
      scf.if %cond3A_2523 {
      } else {
      }
      %and3A_2524 = arith.constant -4 : i32
      %and3A_2525 = arith.andi %sub3A_2377, %and3A_2524 : i32
      %shift_right_arithmetic3A_2526 = arith.constant 1 : i32
      %shift_right_arithmetic3A_2527 = arith.shrsi %sub3A_2377, %shift_right_arithmetic3A_2526 : i32
      %and3A_2528 = arith.constant 1 : i32
      %and3A_2529 = arith.andi %shift_right_arithmetic3A_2527, %and3A_2528 : i32
      %eq3A_2530 = arith.constant 1 : i32
      %eq3A_2531 = arith.cmpi eq, %and3A_2529, %eq3A_2530 : i32
      %convert_element_type3A_2532 = arith.extui %eq3A_2531 : i1 to i32
      %cond3A_2533 = arith.constant 0 : i32
      %cond3A_2534 = arith.cmpi ne, %convert_element_type3A_2532, %cond3A_2533 : i32
      scf.if %cond3A_2534 {
      } else {
      }
      %and3A_2535 = arith.constant -2 : i32
      %and3A_2536 = arith.andi %shift_right_arithmetic3A_2368, %and3A_2535 : i32
      %shift_right_arithmetic3A_2537 = arith.constant 0 : i32
      %shift_right_arithmetic3A_2538 = arith.shrsi %shift_right_arithmetic3A_2368, %shift_right_arithmetic3A_2537 : i32
      %and3A_2539 = arith.constant 1 : i32
      %and3A_2540 = arith.andi %shift_right_arithmetic3A_2538, %and3A_2539 : i32
      %eq3A_2541 = arith.constant 1 : i32
      %eq3A_2542 = arith.cmpi eq, %and3A_2540, %eq3A_2541 : i32
      %convert_element_type3A_2543 = arith.extui %eq3A_2542 : i1 to i32
      %cond3A_2544 = arith.constant 0 : i32
      %cond3A_2545 = arith.cmpi ne, %convert_element_type3A_2543, %cond3A_2544 : i32
      scf.if %cond3A_2545 {
      } else {
      }
      %and3A_2546 = arith.constant -2 : i32
      %and3A_2547 = arith.andi %sub3A_2377, %and3A_2546 : i32
      %shift_right_arithmetic3A_2548 = arith.constant 0 : i32
      %shift_right_arithmetic3A_2549 = arith.shrsi %sub3A_2377, %shift_right_arithmetic3A_2548 : i32
      %and3A_2550 = arith.constant 1 : i32
      %and3A_2551 = arith.andi %shift_right_arithmetic3A_2549, %and3A_2550 : i32
      %eq3A_2552 = arith.constant 1 : i32
      %eq3A_2553 = arith.cmpi eq, %and3A_2551, %eq3A_2552 : i32
      %convert_element_type3A_2554 = arith.extui %eq3A_2553 : i1 to i32
      %cond3A_2555 = arith.constant 0 : i32
      %cond3A_2556 = arith.cmpi ne, %convert_element_type3A_2554, %cond3A_2555 : i32
      scf.if %cond3A_2556 {
      } else {
      }
      %slice3A_2557 = vector.extract_strided_slice %get3A_451 {offsets = [11], sizes = [1], strides = [1]} : vector<16xi32> to vector<1xi32>
      %squeeze3A_2558 = vector.extract %slice3A_2557[0] : i32 from vector<1xi32>
      %shift_right_arithmetic3A_2559 = arith.constant 4 : i32
      %shift_right_arithmetic3A_2560 = arith.shrsi %squeeze3A_2558, %shift_right_arithmetic3A_2559 : i32
      %mul3A_2561 = arith.constant 16 : i32
      %mul3A_2562 = arith.muli %scan3A_445, %mul3A_2561 : i32
      %add3A_2563 = arith.addi %mul3A_2, %mul3A_2562 : i32
      %add3A_2564 = arith.constant 11 : i32
      %add3A_2565 = arith.addi %add3A_2563, %add3A_2564 : i32
      %mul3A_2566 = arith.constant 256 : i32
      %mul3A_2567 = arith.muli %add3A_2565, %mul3A_2566 : i32
      %sub3A_2568 = arith.constant 255 : i32
      %sub3A_2569 = arith.subi %sub3A_2568, %shift_right_arithmetic3A_2560 : i32
      %add3A_2570 = arith.addi %mul3A_2567, %shift_right_arithmetic3A_2560 : i32
      %add3A_2571 = arith.constant 1 : i32
      %add3A_2572 = arith.addi %add3A_2570, %add3A_2571 : i32
      %and3A_2573 = arith.constant -256 : i32
      %and3A_2574 = arith.andi %shift_right_arithmetic3A_2560, %and3A_2573 : i32
      %shift_right_arithmetic3A_2575 = arith.constant 7 : i32
      %shift_right_arithmetic3A_2576 = arith.shrsi %shift_right_arithmetic3A_2560, %shift_right_arithmetic3A_2575 : i32
      %and3A_2577 = arith.constant 1 : i32
      %and3A_2578 = arith.andi %shift_right_arithmetic3A_2576, %and3A_2577 : i32
      %eq3A_2579 = arith.constant 1 : i32
      %eq3A_2580 = arith.cmpi eq, %and3A_2578, %eq3A_2579 : i32
      %convert_element_type3A_2581 = arith.extui %eq3A_2580 : i1 to i32
      %cond3A_2582 = arith.constant 0 : i32
      %cond3A_2583 = arith.cmpi ne, %convert_element_type3A_2581, %cond3A_2582 : i32
      scf.if %cond3A_2583 {
      } else {
      }
      %and3A_2584 = arith.constant -256 : i32
      %and3A_2585 = arith.andi %sub3A_2569, %and3A_2584 : i32
      %shift_right_arithmetic3A_2586 = arith.constant 7 : i32
      %shift_right_arithmetic3A_2587 = arith.shrsi %sub3A_2569, %shift_right_arithmetic3A_2586 : i32
      %and3A_2588 = arith.constant 1 : i32
      %and3A_2589 = arith.andi %shift_right_arithmetic3A_2587, %and3A_2588 : i32
      %eq3A_2590 = arith.constant 1 : i32
      %eq3A_2591 = arith.cmpi eq, %and3A_2589, %eq3A_2590 : i32
      %convert_element_type3A_2592 = arith.extui %eq3A_2591 : i1 to i32
      %cond3A_2593 = arith.constant 0 : i32
      %cond3A_2594 = arith.cmpi ne, %convert_element_type3A_2592, %cond3A_2593 : i32
      scf.if %cond3A_2594 {
      } else {
      }
      %and3A_2595 = arith.constant -128 : i32
      %and3A_2596 = arith.andi %shift_right_arithmetic3A_2560, %and3A_2595 : i32
      %shift_right_arithmetic3A_2597 = arith.constant 6 : i32
      %shift_right_arithmetic3A_2598 = arith.shrsi %shift_right_arithmetic3A_2560, %shift_right_arithmetic3A_2597 : i32
      %and3A_2599 = arith.constant 1 : i32
      %and3A_2600 = arith.andi %shift_right_arithmetic3A_2598, %and3A_2599 : i32
      %eq3A_2601 = arith.constant 1 : i32
      %eq3A_2602 = arith.cmpi eq, %and3A_2600, %eq3A_2601 : i32
      %convert_element_type3A_2603 = arith.extui %eq3A_2602 : i1 to i32
      %cond3A_2604 = arith.constant 0 : i32
      %cond3A_2605 = arith.cmpi ne, %convert_element_type3A_2603, %cond3A_2604 : i32
      scf.if %cond3A_2605 {
      } else {
      }
      %and3A_2606 = arith.constant -128 : i32
      %and3A_2607 = arith.andi %sub3A_2569, %and3A_2606 : i32
      %shift_right_arithmetic3A_2608 = arith.constant 6 : i32
      %shift_right_arithmetic3A_2609 = arith.shrsi %sub3A_2569, %shift_right_arithmetic3A_2608 : i32
      %and3A_2610 = arith.constant 1 : i32
      %and3A_2611 = arith.andi %shift_right_arithmetic3A_2609, %and3A_2610 : i32
      %eq3A_2612 = arith.constant 1 : i32
      %eq3A_2613 = arith.cmpi eq, %and3A_2611, %eq3A_2612 : i32
      %convert_element_type3A_2614 = arith.extui %eq3A_2613 : i1 to i32
      %cond3A_2615 = arith.constant 0 : i32
      %cond3A_2616 = arith.cmpi ne, %convert_element_type3A_2614, %cond3A_2615 : i32
      scf.if %cond3A_2616 {
      } else {
      }
      %and3A_2617 = arith.constant -64 : i32
      %and3A_2618 = arith.andi %shift_right_arithmetic3A_2560, %and3A_2617 : i32
      %shift_right_arithmetic3A_2619 = arith.constant 5 : i32
      %shift_right_arithmetic3A_2620 = arith.shrsi %shift_right_arithmetic3A_2560, %shift_right_arithmetic3A_2619 : i32
      %and3A_2621 = arith.constant 1 : i32
      %and3A_2622 = arith.andi %shift_right_arithmetic3A_2620, %and3A_2621 : i32
      %eq3A_2623 = arith.constant 1 : i32
      %eq3A_2624 = arith.cmpi eq, %and3A_2622, %eq3A_2623 : i32
      %convert_element_type3A_2625 = arith.extui %eq3A_2624 : i1 to i32
      %cond3A_2626 = arith.constant 0 : i32
      %cond3A_2627 = arith.cmpi ne, %convert_element_type3A_2625, %cond3A_2626 : i32
      scf.if %cond3A_2627 {
      } else {
      }
      %and3A_2628 = arith.constant -64 : i32
      %and3A_2629 = arith.andi %sub3A_2569, %and3A_2628 : i32
      %shift_right_arithmetic3A_2630 = arith.constant 5 : i32
      %shift_right_arithmetic3A_2631 = arith.shrsi %sub3A_2569, %shift_right_arithmetic3A_2630 : i32
      %and3A_2632 = arith.constant 1 : i32
      %and3A_2633 = arith.andi %shift_right_arithmetic3A_2631, %and3A_2632 : i32
      %eq3A_2634 = arith.constant 1 : i32
      %eq3A_2635 = arith.cmpi eq, %and3A_2633, %eq3A_2634 : i32
      %convert_element_type3A_2636 = arith.extui %eq3A_2635 : i1 to i32
      %cond3A_2637 = arith.constant 0 : i32
      %cond3A_2638 = arith.cmpi ne, %convert_element_type3A_2636, %cond3A_2637 : i32
      scf.if %cond3A_2638 {
      } else {
      }
      %and3A_2639 = arith.constant -32 : i32
      %and3A_2640 = arith.andi %shift_right_arithmetic3A_2560, %and3A_2639 : i32
      %shift_right_arithmetic3A_2641 = arith.constant 4 : i32
      %shift_right_arithmetic3A_2642 = arith.shrsi %shift_right_arithmetic3A_2560, %shift_right_arithmetic3A_2641 : i32
      %and3A_2643 = arith.constant 1 : i32
      %and3A_2644 = arith.andi %shift_right_arithmetic3A_2642, %and3A_2643 : i32
      %eq3A_2645 = arith.constant 1 : i32
      %eq3A_2646 = arith.cmpi eq, %and3A_2644, %eq3A_2645 : i32
      %convert_element_type3A_2647 = arith.extui %eq3A_2646 : i1 to i32
      %cond3A_2648 = arith.constant 0 : i32
      %cond3A_2649 = arith.cmpi ne, %convert_element_type3A_2647, %cond3A_2648 : i32
      scf.if %cond3A_2649 {
      } else {
      }
      %and3A_2650 = arith.constant -32 : i32
      %and3A_2651 = arith.andi %sub3A_2569, %and3A_2650 : i32
      %shift_right_arithmetic3A_2652 = arith.constant 4 : i32
      %shift_right_arithmetic3A_2653 = arith.shrsi %sub3A_2569, %shift_right_arithmetic3A_2652 : i32
      %and3A_2654 = arith.constant 1 : i32
      %and3A_2655 = arith.andi %shift_right_arithmetic3A_2653, %and3A_2654 : i32
      %eq3A_2656 = arith.constant 1 : i32
      %eq3A_2657 = arith.cmpi eq, %and3A_2655, %eq3A_2656 : i32
      %convert_element_type3A_2658 = arith.extui %eq3A_2657 : i1 to i32
      %cond3A_2659 = arith.constant 0 : i32
      %cond3A_2660 = arith.cmpi ne, %convert_element_type3A_2658, %cond3A_2659 : i32
      scf.if %cond3A_2660 {
      } else {
      }
      %and3A_2661 = arith.constant -16 : i32
      %and3A_2662 = arith.andi %shift_right_arithmetic3A_2560, %and3A_2661 : i32
      %shift_right_arithmetic3A_2663 = arith.constant 3 : i32
      %shift_right_arithmetic3A_2664 = arith.shrsi %shift_right_arithmetic3A_2560, %shift_right_arithmetic3A_2663 : i32
      %and3A_2665 = arith.constant 1 : i32
      %and3A_2666 = arith.andi %shift_right_arithmetic3A_2664, %and3A_2665 : i32
      %eq3A_2667 = arith.constant 1 : i32
      %eq3A_2668 = arith.cmpi eq, %and3A_2666, %eq3A_2667 : i32
      %convert_element_type3A_2669 = arith.extui %eq3A_2668 : i1 to i32
      %cond3A_2670 = arith.constant 0 : i32
      %cond3A_2671 = arith.cmpi ne, %convert_element_type3A_2669, %cond3A_2670 : i32
      scf.if %cond3A_2671 {
      } else {
      }
      %and3A_2672 = arith.constant -16 : i32
      %and3A_2673 = arith.andi %sub3A_2569, %and3A_2672 : i32
      %shift_right_arithmetic3A_2674 = arith.constant 3 : i32
      %shift_right_arithmetic3A_2675 = arith.shrsi %sub3A_2569, %shift_right_arithmetic3A_2674 : i32
      %and3A_2676 = arith.constant 1 : i32
      %and3A_2677 = arith.andi %shift_right_arithmetic3A_2675, %and3A_2676 : i32
      %eq3A_2678 = arith.constant 1 : i32
      %eq3A_2679 = arith.cmpi eq, %and3A_2677, %eq3A_2678 : i32
      %convert_element_type3A_2680 = arith.extui %eq3A_2679 : i1 to i32
      %cond3A_2681 = arith.constant 0 : i32
      %cond3A_2682 = arith.cmpi ne, %convert_element_type3A_2680, %cond3A_2681 : i32
      scf.if %cond3A_2682 {
      } else {
      }
      %and3A_2683 = arith.constant -8 : i32
      %and3A_2684 = arith.andi %shift_right_arithmetic3A_2560, %and3A_2683 : i32
      %shift_right_arithmetic3A_2685 = arith.constant 2 : i32
      %shift_right_arithmetic3A_2686 = arith.shrsi %shift_right_arithmetic3A_2560, %shift_right_arithmetic3A_2685 : i32
      %and3A_2687 = arith.constant 1 : i32
      %and3A_2688 = arith.andi %shift_right_arithmetic3A_2686, %and3A_2687 : i32
      %eq3A_2689 = arith.constant 1 : i32
      %eq3A_2690 = arith.cmpi eq, %and3A_2688, %eq3A_2689 : i32
      %convert_element_type3A_2691 = arith.extui %eq3A_2690 : i1 to i32
      %cond3A_2692 = arith.constant 0 : i32
      %cond3A_2693 = arith.cmpi ne, %convert_element_type3A_2691, %cond3A_2692 : i32
      scf.if %cond3A_2693 {
      } else {
      }
      %and3A_2694 = arith.constant -8 : i32
      %and3A_2695 = arith.andi %sub3A_2569, %and3A_2694 : i32
      %shift_right_arithmetic3A_2696 = arith.constant 2 : i32
      %shift_right_arithmetic3A_2697 = arith.shrsi %sub3A_2569, %shift_right_arithmetic3A_2696 : i32
      %and3A_2698 = arith.constant 1 : i32
      %and3A_2699 = arith.andi %shift_right_arithmetic3A_2697, %and3A_2698 : i32
      %eq3A_2700 = arith.constant 1 : i32
      %eq3A_2701 = arith.cmpi eq, %and3A_2699, %eq3A_2700 : i32
      %convert_element_type3A_2702 = arith.extui %eq3A_2701 : i1 to i32
      %cond3A_2703 = arith.constant 0 : i32
      %cond3A_2704 = arith.cmpi ne, %convert_element_type3A_2702, %cond3A_2703 : i32
      scf.if %cond3A_2704 {
      } else {
      }
      %and3A_2705 = arith.constant -4 : i32
      %and3A_2706 = arith.andi %shift_right_arithmetic3A_2560, %and3A_2705 : i32
      %shift_right_arithmetic3A_2707 = arith.constant 1 : i32
      %shift_right_arithmetic3A_2708 = arith.shrsi %shift_right_arithmetic3A_2560, %shift_right_arithmetic3A_2707 : i32
      %and3A_2709 = arith.constant 1 : i32
      %and3A_2710 = arith.andi %shift_right_arithmetic3A_2708, %and3A_2709 : i32
      %eq3A_2711 = arith.constant 1 : i32
      %eq3A_2712 = arith.cmpi eq, %and3A_2710, %eq3A_2711 : i32
      %convert_element_type3A_2713 = arith.extui %eq3A_2712 : i1 to i32
      %cond3A_2714 = arith.constant 0 : i32
      %cond3A_2715 = arith.cmpi ne, %convert_element_type3A_2713, %cond3A_2714 : i32
      scf.if %cond3A_2715 {
      } else {
      }
      %and3A_2716 = arith.constant -4 : i32
      %and3A_2717 = arith.andi %sub3A_2569, %and3A_2716 : i32
      %shift_right_arithmetic3A_2718 = arith.constant 1 : i32
      %shift_right_arithmetic3A_2719 = arith.shrsi %sub3A_2569, %shift_right_arithmetic3A_2718 : i32
      %and3A_2720 = arith.constant 1 : i32
      %and3A_2721 = arith.andi %shift_right_arithmetic3A_2719, %and3A_2720 : i32
      %eq3A_2722 = arith.constant 1 : i32
      %eq3A_2723 = arith.cmpi eq, %and3A_2721, %eq3A_2722 : i32
      %convert_element_type3A_2724 = arith.extui %eq3A_2723 : i1 to i32
      %cond3A_2725 = arith.constant 0 : i32
      %cond3A_2726 = arith.cmpi ne, %convert_element_type3A_2724, %cond3A_2725 : i32
      scf.if %cond3A_2726 {
      } else {
      }
      %and3A_2727 = arith.constant -2 : i32
      %and3A_2728 = arith.andi %shift_right_arithmetic3A_2560, %and3A_2727 : i32
      %shift_right_arithmetic3A_2729 = arith.constant 0 : i32
      %shift_right_arithmetic3A_2730 = arith.shrsi %shift_right_arithmetic3A_2560, %shift_right_arithmetic3A_2729 : i32
      %and3A_2731 = arith.constant 1 : i32
      %and3A_2732 = arith.andi %shift_right_arithmetic3A_2730, %and3A_2731 : i32
      %eq3A_2733 = arith.constant 1 : i32
      %eq3A_2734 = arith.cmpi eq, %and3A_2732, %eq3A_2733 : i32
      %convert_element_type3A_2735 = arith.extui %eq3A_2734 : i1 to i32
      %cond3A_2736 = arith.constant 0 : i32
      %cond3A_2737 = arith.cmpi ne, %convert_element_type3A_2735, %cond3A_2736 : i32
      scf.if %cond3A_2737 {
      } else {
      }
      %and3A_2738 = arith.constant -2 : i32
      %and3A_2739 = arith.andi %sub3A_2569, %and3A_2738 : i32
      %shift_right_arithmetic3A_2740 = arith.constant 0 : i32
      %shift_right_arithmetic3A_2741 = arith.shrsi %sub3A_2569, %shift_right_arithmetic3A_2740 : i32
      %and3A_2742 = arith.constant 1 : i32
      %and3A_2743 = arith.andi %shift_right_arithmetic3A_2741, %and3A_2742 : i32
      %eq3A_2744 = arith.constant 1 : i32
      %eq3A_2745 = arith.cmpi eq, %and3A_2743, %eq3A_2744 : i32
      %convert_element_type3A_2746 = arith.extui %eq3A_2745 : i1 to i32
      %cond3A_2747 = arith.constant 0 : i32
      %cond3A_2748 = arith.cmpi ne, %convert_element_type3A_2746, %cond3A_2747 : i32
      scf.if %cond3A_2748 {
      } else {
      }
      %slice3A_2749 = vector.extract_strided_slice %get3A_451 {offsets = [12], sizes = [1], strides = [1]} : vector<16xi32> to vector<1xi32>
      %squeeze3A_2750 = vector.extract %slice3A_2749[0] : i32 from vector<1xi32>
      %shift_right_arithmetic3A_2751 = arith.constant 4 : i32
      %shift_right_arithmetic3A_2752 = arith.shrsi %squeeze3A_2750, %shift_right_arithmetic3A_2751 : i32
      %mul3A_2753 = arith.constant 16 : i32
      %mul3A_2754 = arith.muli %scan3A_445, %mul3A_2753 : i32
      %add3A_2755 = arith.addi %mul3A_2, %mul3A_2754 : i32
      %add3A_2756 = arith.constant 12 : i32
      %add3A_2757 = arith.addi %add3A_2755, %add3A_2756 : i32
      %mul3A_2758 = arith.constant 256 : i32
      %mul3A_2759 = arith.muli %add3A_2757, %mul3A_2758 : i32
      %sub3A_2760 = arith.constant 255 : i32
      %sub3A_2761 = arith.subi %sub3A_2760, %shift_right_arithmetic3A_2752 : i32
      %add3A_2762 = arith.addi %mul3A_2759, %shift_right_arithmetic3A_2752 : i32
      %add3A_2763 = arith.constant 1 : i32
      %add3A_2764 = arith.addi %add3A_2762, %add3A_2763 : i32
      %and3A_2765 = arith.constant -256 : i32
      %and3A_2766 = arith.andi %shift_right_arithmetic3A_2752, %and3A_2765 : i32
      %shift_right_arithmetic3A_2767 = arith.constant 7 : i32
      %shift_right_arithmetic3A_2768 = arith.shrsi %shift_right_arithmetic3A_2752, %shift_right_arithmetic3A_2767 : i32
      %and3A_2769 = arith.constant 1 : i32
      %and3A_2770 = arith.andi %shift_right_arithmetic3A_2768, %and3A_2769 : i32
      %eq3A_2771 = arith.constant 1 : i32
      %eq3A_2772 = arith.cmpi eq, %and3A_2770, %eq3A_2771 : i32
      %convert_element_type3A_2773 = arith.extui %eq3A_2772 : i1 to i32
      %cond3A_2774 = arith.constant 0 : i32
      %cond3A_2775 = arith.cmpi ne, %convert_element_type3A_2773, %cond3A_2774 : i32
      scf.if %cond3A_2775 {
      } else {
      }
      %and3A_2776 = arith.constant -256 : i32
      %and3A_2777 = arith.andi %sub3A_2761, %and3A_2776 : i32
      %shift_right_arithmetic3A_2778 = arith.constant 7 : i32
      %shift_right_arithmetic3A_2779 = arith.shrsi %sub3A_2761, %shift_right_arithmetic3A_2778 : i32
      %and3A_2780 = arith.constant 1 : i32
      %and3A_2781 = arith.andi %shift_right_arithmetic3A_2779, %and3A_2780 : i32
      %eq3A_2782 = arith.constant 1 : i32
      %eq3A_2783 = arith.cmpi eq, %and3A_2781, %eq3A_2782 : i32
      %convert_element_type3A_2784 = arith.extui %eq3A_2783 : i1 to i32
      %cond3A_2785 = arith.constant 0 : i32
      %cond3A_2786 = arith.cmpi ne, %convert_element_type3A_2784, %cond3A_2785 : i32
      scf.if %cond3A_2786 {
      } else {
      }
      %and3A_2787 = arith.constant -128 : i32
      %and3A_2788 = arith.andi %shift_right_arithmetic3A_2752, %and3A_2787 : i32
      %shift_right_arithmetic3A_2789 = arith.constant 6 : i32
      %shift_right_arithmetic3A_2790 = arith.shrsi %shift_right_arithmetic3A_2752, %shift_right_arithmetic3A_2789 : i32
      %and3A_2791 = arith.constant 1 : i32
      %and3A_2792 = arith.andi %shift_right_arithmetic3A_2790, %and3A_2791 : i32
      %eq3A_2793 = arith.constant 1 : i32
      %eq3A_2794 = arith.cmpi eq, %and3A_2792, %eq3A_2793 : i32
      %convert_element_type3A_2795 = arith.extui %eq3A_2794 : i1 to i32
      %cond3A_2796 = arith.constant 0 : i32
      %cond3A_2797 = arith.cmpi ne, %convert_element_type3A_2795, %cond3A_2796 : i32
      scf.if %cond3A_2797 {
      } else {
      }
      %and3A_2798 = arith.constant -128 : i32
      %and3A_2799 = arith.andi %sub3A_2761, %and3A_2798 : i32
      %shift_right_arithmetic3A_2800 = arith.constant 6 : i32
      %shift_right_arithmetic3A_2801 = arith.shrsi %sub3A_2761, %shift_right_arithmetic3A_2800 : i32
      %and3A_2802 = arith.constant 1 : i32
      %and3A_2803 = arith.andi %shift_right_arithmetic3A_2801, %and3A_2802 : i32
      %eq3A_2804 = arith.constant 1 : i32
      %eq3A_2805 = arith.cmpi eq, %and3A_2803, %eq3A_2804 : i32
      %convert_element_type3A_2806 = arith.extui %eq3A_2805 : i1 to i32
      %cond3A_2807 = arith.constant 0 : i32
      %cond3A_2808 = arith.cmpi ne, %convert_element_type3A_2806, %cond3A_2807 : i32
      scf.if %cond3A_2808 {
      } else {
      }
      %and3A_2809 = arith.constant -64 : i32
      %and3A_2810 = arith.andi %shift_right_arithmetic3A_2752, %and3A_2809 : i32
      %shift_right_arithmetic3A_2811 = arith.constant 5 : i32
      %shift_right_arithmetic3A_2812 = arith.shrsi %shift_right_arithmetic3A_2752, %shift_right_arithmetic3A_2811 : i32
      %and3A_2813 = arith.constant 1 : i32
      %and3A_2814 = arith.andi %shift_right_arithmetic3A_2812, %and3A_2813 : i32
      %eq3A_2815 = arith.constant 1 : i32
      %eq3A_2816 = arith.cmpi eq, %and3A_2814, %eq3A_2815 : i32
      %convert_element_type3A_2817 = arith.extui %eq3A_2816 : i1 to i32
      %cond3A_2818 = arith.constant 0 : i32
      %cond3A_2819 = arith.cmpi ne, %convert_element_type3A_2817, %cond3A_2818 : i32
      scf.if %cond3A_2819 {
      } else {
      }
      %and3A_2820 = arith.constant -64 : i32
      %and3A_2821 = arith.andi %sub3A_2761, %and3A_2820 : i32
      %shift_right_arithmetic3A_2822 = arith.constant 5 : i32
      %shift_right_arithmetic3A_2823 = arith.shrsi %sub3A_2761, %shift_right_arithmetic3A_2822 : i32
      %and3A_2824 = arith.constant 1 : i32
      %and3A_2825 = arith.andi %shift_right_arithmetic3A_2823, %and3A_2824 : i32
      %eq3A_2826 = arith.constant 1 : i32
      %eq3A_2827 = arith.cmpi eq, %and3A_2825, %eq3A_2826 : i32
      %convert_element_type3A_2828 = arith.extui %eq3A_2827 : i1 to i32
      %cond3A_2829 = arith.constant 0 : i32
      %cond3A_2830 = arith.cmpi ne, %convert_element_type3A_2828, %cond3A_2829 : i32
      scf.if %cond3A_2830 {
      } else {
      }
      %and3A_2831 = arith.constant -32 : i32
      %and3A_2832 = arith.andi %shift_right_arithmetic3A_2752, %and3A_2831 : i32
      %shift_right_arithmetic3A_2833 = arith.constant 4 : i32
      %shift_right_arithmetic3A_2834 = arith.shrsi %shift_right_arithmetic3A_2752, %shift_right_arithmetic3A_2833 : i32
      %and3A_2835 = arith.constant 1 : i32
      %and3A_2836 = arith.andi %shift_right_arithmetic3A_2834, %and3A_2835 : i32
      %eq3A_2837 = arith.constant 1 : i32
      %eq3A_2838 = arith.cmpi eq, %and3A_2836, %eq3A_2837 : i32
      %convert_element_type3A_2839 = arith.extui %eq3A_2838 : i1 to i32
      %cond3A_2840 = arith.constant 0 : i32
      %cond3A_2841 = arith.cmpi ne, %convert_element_type3A_2839, %cond3A_2840 : i32
      scf.if %cond3A_2841 {
      } else {
      }
      %and3A_2842 = arith.constant -32 : i32
      %and3A_2843 = arith.andi %sub3A_2761, %and3A_2842 : i32
      %shift_right_arithmetic3A_2844 = arith.constant 4 : i32
      %shift_right_arithmetic3A_2845 = arith.shrsi %sub3A_2761, %shift_right_arithmetic3A_2844 : i32
      %and3A_2846 = arith.constant 1 : i32
      %and3A_2847 = arith.andi %shift_right_arithmetic3A_2845, %and3A_2846 : i32
      %eq3A_2848 = arith.constant 1 : i32
      %eq3A_2849 = arith.cmpi eq, %and3A_2847, %eq3A_2848 : i32
      %convert_element_type3A_2850 = arith.extui %eq3A_2849 : i1 to i32
      %cond3A_2851 = arith.constant 0 : i32
      %cond3A_2852 = arith.cmpi ne, %convert_element_type3A_2850, %cond3A_2851 : i32
      scf.if %cond3A_2852 {
      } else {
      }
      %and3A_2853 = arith.constant -16 : i32
      %and3A_2854 = arith.andi %shift_right_arithmetic3A_2752, %and3A_2853 : i32
      %shift_right_arithmetic3A_2855 = arith.constant 3 : i32
      %shift_right_arithmetic3A_2856 = arith.shrsi %shift_right_arithmetic3A_2752, %shift_right_arithmetic3A_2855 : i32
      %and3A_2857 = arith.constant 1 : i32
      %and3A_2858 = arith.andi %shift_right_arithmetic3A_2856, %and3A_2857 : i32
      %eq3A_2859 = arith.constant 1 : i32
      %eq3A_2860 = arith.cmpi eq, %and3A_2858, %eq3A_2859 : i32
      %convert_element_type3A_2861 = arith.extui %eq3A_2860 : i1 to i32
      %cond3A_2862 = arith.constant 0 : i32
      %cond3A_2863 = arith.cmpi ne, %convert_element_type3A_2861, %cond3A_2862 : i32
      scf.if %cond3A_2863 {
      } else {
      }
      %and3A_2864 = arith.constant -16 : i32
      %and3A_2865 = arith.andi %sub3A_2761, %and3A_2864 : i32
      %shift_right_arithmetic3A_2866 = arith.constant 3 : i32
      %shift_right_arithmetic3A_2867 = arith.shrsi %sub3A_2761, %shift_right_arithmetic3A_2866 : i32
      %and3A_2868 = arith.constant 1 : i32
      %and3A_2869 = arith.andi %shift_right_arithmetic3A_2867, %and3A_2868 : i32
      %eq3A_2870 = arith.constant 1 : i32
      %eq3A_2871 = arith.cmpi eq, %and3A_2869, %eq3A_2870 : i32
      %convert_element_type3A_2872 = arith.extui %eq3A_2871 : i1 to i32
      %cond3A_2873 = arith.constant 0 : i32
      %cond3A_2874 = arith.cmpi ne, %convert_element_type3A_2872, %cond3A_2873 : i32
      scf.if %cond3A_2874 {
      } else {
      }
      %and3A_2875 = arith.constant -8 : i32
      %and3A_2876 = arith.andi %shift_right_arithmetic3A_2752, %and3A_2875 : i32
      %shift_right_arithmetic3A_2877 = arith.constant 2 : i32
      %shift_right_arithmetic3A_2878 = arith.shrsi %shift_right_arithmetic3A_2752, %shift_right_arithmetic3A_2877 : i32
      %and3A_2879 = arith.constant 1 : i32
      %and3A_2880 = arith.andi %shift_right_arithmetic3A_2878, %and3A_2879 : i32
      %eq3A_2881 = arith.constant 1 : i32
      %eq3A_2882 = arith.cmpi eq, %and3A_2880, %eq3A_2881 : i32
      %convert_element_type3A_2883 = arith.extui %eq3A_2882 : i1 to i32
      %cond3A_2884 = arith.constant 0 : i32
      %cond3A_2885 = arith.cmpi ne, %convert_element_type3A_2883, %cond3A_2884 : i32
      scf.if %cond3A_2885 {
      } else {
      }
      %and3A_2886 = arith.constant -8 : i32
      %and3A_2887 = arith.andi %sub3A_2761, %and3A_2886 : i32
      %shift_right_arithmetic3A_2888 = arith.constant 2 : i32
      %shift_right_arithmetic3A_2889 = arith.shrsi %sub3A_2761, %shift_right_arithmetic3A_2888 : i32
      %and3A_2890 = arith.constant 1 : i32
      %and3A_2891 = arith.andi %shift_right_arithmetic3A_2889, %and3A_2890 : i32
      %eq3A_2892 = arith.constant 1 : i32
      %eq3A_2893 = arith.cmpi eq, %and3A_2891, %eq3A_2892 : i32
      %convert_element_type3A_2894 = arith.extui %eq3A_2893 : i1 to i32
      %cond3A_2895 = arith.constant 0 : i32
      %cond3A_2896 = arith.cmpi ne, %convert_element_type3A_2894, %cond3A_2895 : i32
      scf.if %cond3A_2896 {
      } else {
      }
      %and3A_2897 = arith.constant -4 : i32
      %and3A_2898 = arith.andi %shift_right_arithmetic3A_2752, %and3A_2897 : i32
      %shift_right_arithmetic3A_2899 = arith.constant 1 : i32
      %shift_right_arithmetic3A_2900 = arith.shrsi %shift_right_arithmetic3A_2752, %shift_right_arithmetic3A_2899 : i32
      %and3A_2901 = arith.constant 1 : i32
      %and3A_2902 = arith.andi %shift_right_arithmetic3A_2900, %and3A_2901 : i32
      %eq3A_2903 = arith.constant 1 : i32
      %eq3A_2904 = arith.cmpi eq, %and3A_2902, %eq3A_2903 : i32
      %convert_element_type3A_2905 = arith.extui %eq3A_2904 : i1 to i32
      %cond3A_2906 = arith.constant 0 : i32
      %cond3A_2907 = arith.cmpi ne, %convert_element_type3A_2905, %cond3A_2906 : i32
      scf.if %cond3A_2907 {
      } else {
      }
      %and3A_2908 = arith.constant -4 : i32
      %and3A_2909 = arith.andi %sub3A_2761, %and3A_2908 : i32
      %shift_right_arithmetic3A_2910 = arith.constant 1 : i32
      %shift_right_arithmetic3A_2911 = arith.shrsi %sub3A_2761, %shift_right_arithmetic3A_2910 : i32
      %and3A_2912 = arith.constant 1 : i32
      %and3A_2913 = arith.andi %shift_right_arithmetic3A_2911, %and3A_2912 : i32
      %eq3A_2914 = arith.constant 1 : i32
      %eq3A_2915 = arith.cmpi eq, %and3A_2913, %eq3A_2914 : i32
      %convert_element_type3A_2916 = arith.extui %eq3A_2915 : i1 to i32
      %cond3A_2917 = arith.constant 0 : i32
      %cond3A_2918 = arith.cmpi ne, %convert_element_type3A_2916, %cond3A_2917 : i32
      scf.if %cond3A_2918 {
      } else {
      }
      %and3A_2919 = arith.constant -2 : i32
      %and3A_2920 = arith.andi %shift_right_arithmetic3A_2752, %and3A_2919 : i32
      %shift_right_arithmetic3A_2921 = arith.constant 0 : i32
      %shift_right_arithmetic3A_2922 = arith.shrsi %shift_right_arithmetic3A_2752, %shift_right_arithmetic3A_2921 : i32
      %and3A_2923 = arith.constant 1 : i32
      %and3A_2924 = arith.andi %shift_right_arithmetic3A_2922, %and3A_2923 : i32
      %eq3A_2925 = arith.constant 1 : i32
      %eq3A_2926 = arith.cmpi eq, %and3A_2924, %eq3A_2925 : i32
      %convert_element_type3A_2927 = arith.extui %eq3A_2926 : i1 to i32
      %cond3A_2928 = arith.constant 0 : i32
      %cond3A_2929 = arith.cmpi ne, %convert_element_type3A_2927, %cond3A_2928 : i32
      scf.if %cond3A_2929 {
      } else {
      }
      %and3A_2930 = arith.constant -2 : i32
      %and3A_2931 = arith.andi %sub3A_2761, %and3A_2930 : i32
      %shift_right_arithmetic3A_2932 = arith.constant 0 : i32
      %shift_right_arithmetic3A_2933 = arith.shrsi %sub3A_2761, %shift_right_arithmetic3A_2932 : i32
      %and3A_2934 = arith.constant 1 : i32
      %and3A_2935 = arith.andi %shift_right_arithmetic3A_2933, %and3A_2934 : i32
      %eq3A_2936 = arith.constant 1 : i32
      %eq3A_2937 = arith.cmpi eq, %and3A_2935, %eq3A_2936 : i32
      %convert_element_type3A_2938 = arith.extui %eq3A_2937 : i1 to i32
      %cond3A_2939 = arith.constant 0 : i32
      %cond3A_2940 = arith.cmpi ne, %convert_element_type3A_2938, %cond3A_2939 : i32
      scf.if %cond3A_2940 {
      } else {
      }
      %slice3A_2941 = vector.extract_strided_slice %get3A_451 {offsets = [13], sizes = [1], strides = [1]} : vector<16xi32> to vector<1xi32>
      %squeeze3A_2942 = vector.extract %slice3A_2941[0] : i32 from vector<1xi32>
      %shift_right_arithmetic3A_2943 = arith.constant 4 : i32
      %shift_right_arithmetic3A_2944 = arith.shrsi %squeeze3A_2942, %shift_right_arithmetic3A_2943 : i32
      %mul3A_2945 = arith.constant 16 : i32
      %mul3A_2946 = arith.muli %scan3A_445, %mul3A_2945 : i32
      %add3A_2947 = arith.addi %mul3A_2, %mul3A_2946 : i32
      %add3A_2948 = arith.constant 13 : i32
      %add3A_2949 = arith.addi %add3A_2947, %add3A_2948 : i32
      %mul3A_2950 = arith.constant 256 : i32
      %mul3A_2951 = arith.muli %add3A_2949, %mul3A_2950 : i32
      %sub3A_2952 = arith.constant 255 : i32
      %sub3A_2953 = arith.subi %sub3A_2952, %shift_right_arithmetic3A_2944 : i32
      %add3A_2954 = arith.addi %mul3A_2951, %shift_right_arithmetic3A_2944 : i32
      %add3A_2955 = arith.constant 1 : i32
      %add3A_2956 = arith.addi %add3A_2954, %add3A_2955 : i32
      %and3A_2957 = arith.constant -256 : i32
      %and3A_2958 = arith.andi %shift_right_arithmetic3A_2944, %and3A_2957 : i32
      %shift_right_arithmetic3A_2959 = arith.constant 7 : i32
      %shift_right_arithmetic3A_2960 = arith.shrsi %shift_right_arithmetic3A_2944, %shift_right_arithmetic3A_2959 : i32
      %and3A_2961 = arith.constant 1 : i32
      %and3A_2962 = arith.andi %shift_right_arithmetic3A_2960, %and3A_2961 : i32
      %eq3A_2963 = arith.constant 1 : i32
      %eq3A_2964 = arith.cmpi eq, %and3A_2962, %eq3A_2963 : i32
      %convert_element_type3A_2965 = arith.extui %eq3A_2964 : i1 to i32
      %cond3A_2966 = arith.constant 0 : i32
      %cond3A_2967 = arith.cmpi ne, %convert_element_type3A_2965, %cond3A_2966 : i32
      scf.if %cond3A_2967 {
      } else {
      }
      %and3A_2968 = arith.constant -256 : i32
      %and3A_2969 = arith.andi %sub3A_2953, %and3A_2968 : i32
      %shift_right_arithmetic3A_2970 = arith.constant 7 : i32
      %shift_right_arithmetic3A_2971 = arith.shrsi %sub3A_2953, %shift_right_arithmetic3A_2970 : i32
      %and3A_2972 = arith.constant 1 : i32
      %and3A_2973 = arith.andi %shift_right_arithmetic3A_2971, %and3A_2972 : i32
      %eq3A_2974 = arith.constant 1 : i32
      %eq3A_2975 = arith.cmpi eq, %and3A_2973, %eq3A_2974 : i32
      %convert_element_type3A_2976 = arith.extui %eq3A_2975 : i1 to i32
      %cond3A_2977 = arith.constant 0 : i32
      %cond3A_2978 = arith.cmpi ne, %convert_element_type3A_2976, %cond3A_2977 : i32
      scf.if %cond3A_2978 {
      } else {
      }
      %and3A_2979 = arith.constant -128 : i32
      %and3A_2980 = arith.andi %shift_right_arithmetic3A_2944, %and3A_2979 : i32
      %shift_right_arithmetic3A_2981 = arith.constant 6 : i32
      %shift_right_arithmetic3A_2982 = arith.shrsi %shift_right_arithmetic3A_2944, %shift_right_arithmetic3A_2981 : i32
      %and3A_2983 = arith.constant 1 : i32
      %and3A_2984 = arith.andi %shift_right_arithmetic3A_2982, %and3A_2983 : i32
      %eq3A_2985 = arith.constant 1 : i32
      %eq3A_2986 = arith.cmpi eq, %and3A_2984, %eq3A_2985 : i32
      %convert_element_type3A_2987 = arith.extui %eq3A_2986 : i1 to i32
      %cond3A_2988 = arith.constant 0 : i32
      %cond3A_2989 = arith.cmpi ne, %convert_element_type3A_2987, %cond3A_2988 : i32
      scf.if %cond3A_2989 {
      } else {
      }
      %and3A_2990 = arith.constant -128 : i32
      %and3A_2991 = arith.andi %sub3A_2953, %and3A_2990 : i32
      %shift_right_arithmetic3A_2992 = arith.constant 6 : i32
      %shift_right_arithmetic3A_2993 = arith.shrsi %sub3A_2953, %shift_right_arithmetic3A_2992 : i32
      %and3A_2994 = arith.constant 1 : i32
      %and3A_2995 = arith.andi %shift_right_arithmetic3A_2993, %and3A_2994 : i32
      %eq3A_2996 = arith.constant 1 : i32
      %eq3A_2997 = arith.cmpi eq, %and3A_2995, %eq3A_2996 : i32
      %convert_element_type3A_2998 = arith.extui %eq3A_2997 : i1 to i32
      %cond3A_2999 = arith.constant 0 : i32
      %cond3A_3000 = arith.cmpi ne, %convert_element_type3A_2998, %cond3A_2999 : i32
      scf.if %cond3A_3000 {
      } else {
      }
      %and3A_3001 = arith.constant -64 : i32
      %and3A_3002 = arith.andi %shift_right_arithmetic3A_2944, %and3A_3001 : i32
      %shift_right_arithmetic3A_3003 = arith.constant 5 : i32
      %shift_right_arithmetic3A_3004 = arith.shrsi %shift_right_arithmetic3A_2944, %shift_right_arithmetic3A_3003 : i32
      %and3A_3005 = arith.constant 1 : i32
      %and3A_3006 = arith.andi %shift_right_arithmetic3A_3004, %and3A_3005 : i32
      %eq3A_3007 = arith.constant 1 : i32
      %eq3A_3008 = arith.cmpi eq, %and3A_3006, %eq3A_3007 : i32
      %convert_element_type3A_3009 = arith.extui %eq3A_3008 : i1 to i32
      %cond3A_3010 = arith.constant 0 : i32
      %cond3A_3011 = arith.cmpi ne, %convert_element_type3A_3009, %cond3A_3010 : i32
      scf.if %cond3A_3011 {
      } else {
      }
      %and3A_3012 = arith.constant -64 : i32
      %and3A_3013 = arith.andi %sub3A_2953, %and3A_3012 : i32
      %shift_right_arithmetic3A_3014 = arith.constant 5 : i32
      %shift_right_arithmetic3A_3015 = arith.shrsi %sub3A_2953, %shift_right_arithmetic3A_3014 : i32
      %and3A_3016 = arith.constant 1 : i32
      %and3A_3017 = arith.andi %shift_right_arithmetic3A_3015, %and3A_3016 : i32
      %eq3A_3018 = arith.constant 1 : i32
      %eq3A_3019 = arith.cmpi eq, %and3A_3017, %eq3A_3018 : i32
      %convert_element_type3A_3020 = arith.extui %eq3A_3019 : i1 to i32
      %cond3A_3021 = arith.constant 0 : i32
      %cond3A_3022 = arith.cmpi ne, %convert_element_type3A_3020, %cond3A_3021 : i32
      scf.if %cond3A_3022 {
      } else {
      }
      %and3A_3023 = arith.constant -32 : i32
      %and3A_3024 = arith.andi %shift_right_arithmetic3A_2944, %and3A_3023 : i32
      %shift_right_arithmetic3A_3025 = arith.constant 4 : i32
      %shift_right_arithmetic3A_3026 = arith.shrsi %shift_right_arithmetic3A_2944, %shift_right_arithmetic3A_3025 : i32
      %and3A_3027 = arith.constant 1 : i32
      %and3A_3028 = arith.andi %shift_right_arithmetic3A_3026, %and3A_3027 : i32
      %eq3A_3029 = arith.constant 1 : i32
      %eq3A_3030 = arith.cmpi eq, %and3A_3028, %eq3A_3029 : i32
      %convert_element_type3A_3031 = arith.extui %eq3A_3030 : i1 to i32
      %cond3A_3032 = arith.constant 0 : i32
      %cond3A_3033 = arith.cmpi ne, %convert_element_type3A_3031, %cond3A_3032 : i32
      scf.if %cond3A_3033 {
      } else {
      }
      %and3A_3034 = arith.constant -32 : i32
      %and3A_3035 = arith.andi %sub3A_2953, %and3A_3034 : i32
      %shift_right_arithmetic3A_3036 = arith.constant 4 : i32
      %shift_right_arithmetic3A_3037 = arith.shrsi %sub3A_2953, %shift_right_arithmetic3A_3036 : i32
      %and3A_3038 = arith.constant 1 : i32
      %and3A_3039 = arith.andi %shift_right_arithmetic3A_3037, %and3A_3038 : i32
      %eq3A_3040 = arith.constant 1 : i32
      %eq3A_3041 = arith.cmpi eq, %and3A_3039, %eq3A_3040 : i32
      %convert_element_type3A_3042 = arith.extui %eq3A_3041 : i1 to i32
      %cond3A_3043 = arith.constant 0 : i32
      %cond3A_3044 = arith.cmpi ne, %convert_element_type3A_3042, %cond3A_3043 : i32
      scf.if %cond3A_3044 {
      } else {
      }
      %and3A_3045 = arith.constant -16 : i32
      %and3A_3046 = arith.andi %shift_right_arithmetic3A_2944, %and3A_3045 : i32
      %shift_right_arithmetic3A_3047 = arith.constant 3 : i32
      %shift_right_arithmetic3A_3048 = arith.shrsi %shift_right_arithmetic3A_2944, %shift_right_arithmetic3A_3047 : i32
      %and3A_3049 = arith.constant 1 : i32
      %and3A_3050 = arith.andi %shift_right_arithmetic3A_3048, %and3A_3049 : i32
      %eq3A_3051 = arith.constant 1 : i32
      %eq3A_3052 = arith.cmpi eq, %and3A_3050, %eq3A_3051 : i32
      %convert_element_type3A_3053 = arith.extui %eq3A_3052 : i1 to i32
      %cond3A_3054 = arith.constant 0 : i32
      %cond3A_3055 = arith.cmpi ne, %convert_element_type3A_3053, %cond3A_3054 : i32
      scf.if %cond3A_3055 {
      } else {
      }
      %and3A_3056 = arith.constant -16 : i32
      %and3A_3057 = arith.andi %sub3A_2953, %and3A_3056 : i32
      %shift_right_arithmetic3A_3058 = arith.constant 3 : i32
      %shift_right_arithmetic3A_3059 = arith.shrsi %sub3A_2953, %shift_right_arithmetic3A_3058 : i32
      %and3A_3060 = arith.constant 1 : i32
      %and3A_3061 = arith.andi %shift_right_arithmetic3A_3059, %and3A_3060 : i32
      %eq3A_3062 = arith.constant 1 : i32
      %eq3A_3063 = arith.cmpi eq, %and3A_3061, %eq3A_3062 : i32
      %convert_element_type3A_3064 = arith.extui %eq3A_3063 : i1 to i32
      %cond3A_3065 = arith.constant 0 : i32
      %cond3A_3066 = arith.cmpi ne, %convert_element_type3A_3064, %cond3A_3065 : i32
      scf.if %cond3A_3066 {
      } else {
      }
      %and3A_3067 = arith.constant -8 : i32
      %and3A_3068 = arith.andi %shift_right_arithmetic3A_2944, %and3A_3067 : i32
      %shift_right_arithmetic3A_3069 = arith.constant 2 : i32
      %shift_right_arithmetic3A_3070 = arith.shrsi %shift_right_arithmetic3A_2944, %shift_right_arithmetic3A_3069 : i32
      %and3A_3071 = arith.constant 1 : i32
      %and3A_3072 = arith.andi %shift_right_arithmetic3A_3070, %and3A_3071 : i32
      %eq3A_3073 = arith.constant 1 : i32
      %eq3A_3074 = arith.cmpi eq, %and3A_3072, %eq3A_3073 : i32
      %convert_element_type3A_3075 = arith.extui %eq3A_3074 : i1 to i32
      %cond3A_3076 = arith.constant 0 : i32
      %cond3A_3077 = arith.cmpi ne, %convert_element_type3A_3075, %cond3A_3076 : i32
      scf.if %cond3A_3077 {
      } else {
      }
      %and3A_3078 = arith.constant -8 : i32
      %and3A_3079 = arith.andi %sub3A_2953, %and3A_3078 : i32
      %shift_right_arithmetic3A_3080 = arith.constant 2 : i32
      %shift_right_arithmetic3A_3081 = arith.shrsi %sub3A_2953, %shift_right_arithmetic3A_3080 : i32
      %and3A_3082 = arith.constant 1 : i32
      %and3A_3083 = arith.andi %shift_right_arithmetic3A_3081, %and3A_3082 : i32
      %eq3A_3084 = arith.constant 1 : i32
      %eq3A_3085 = arith.cmpi eq, %and3A_3083, %eq3A_3084 : i32
      %convert_element_type3A_3086 = arith.extui %eq3A_3085 : i1 to i32
      %cond3A_3087 = arith.constant 0 : i32
      %cond3A_3088 = arith.cmpi ne, %convert_element_type3A_3086, %cond3A_3087 : i32
      scf.if %cond3A_3088 {
      } else {
      }
      %and3A_3089 = arith.constant -4 : i32
      %and3A_3090 = arith.andi %shift_right_arithmetic3A_2944, %and3A_3089 : i32
      %shift_right_arithmetic3A_3091 = arith.constant 1 : i32
      %shift_right_arithmetic3A_3092 = arith.shrsi %shift_right_arithmetic3A_2944, %shift_right_arithmetic3A_3091 : i32
      %and3A_3093 = arith.constant 1 : i32
      %and3A_3094 = arith.andi %shift_right_arithmetic3A_3092, %and3A_3093 : i32
      %eq3A_3095 = arith.constant 1 : i32
      %eq3A_3096 = arith.cmpi eq, %and3A_3094, %eq3A_3095 : i32
      %convert_element_type3A_3097 = arith.extui %eq3A_3096 : i1 to i32
      %cond3A_3098 = arith.constant 0 : i32
      %cond3A_3099 = arith.cmpi ne, %convert_element_type3A_3097, %cond3A_3098 : i32
      scf.if %cond3A_3099 {
      } else {
      }
      %and3A_3100 = arith.constant -4 : i32
      %and3A_3101 = arith.andi %sub3A_2953, %and3A_3100 : i32
      %shift_right_arithmetic3A_3102 = arith.constant 1 : i32
      %shift_right_arithmetic3A_3103 = arith.shrsi %sub3A_2953, %shift_right_arithmetic3A_3102 : i32
      %and3A_3104 = arith.constant 1 : i32
      %and3A_3105 = arith.andi %shift_right_arithmetic3A_3103, %and3A_3104 : i32
      %eq3A_3106 = arith.constant 1 : i32
      %eq3A_3107 = arith.cmpi eq, %and3A_3105, %eq3A_3106 : i32
      %convert_element_type3A_3108 = arith.extui %eq3A_3107 : i1 to i32
      %cond3A_3109 = arith.constant 0 : i32
      %cond3A_3110 = arith.cmpi ne, %convert_element_type3A_3108, %cond3A_3109 : i32
      scf.if %cond3A_3110 {
      } else {
      }
      %and3A_3111 = arith.constant -2 : i32
      %and3A_3112 = arith.andi %shift_right_arithmetic3A_2944, %and3A_3111 : i32
      %shift_right_arithmetic3A_3113 = arith.constant 0 : i32
      %shift_right_arithmetic3A_3114 = arith.shrsi %shift_right_arithmetic3A_2944, %shift_right_arithmetic3A_3113 : i32
      %and3A_3115 = arith.constant 1 : i32
      %and3A_3116 = arith.andi %shift_right_arithmetic3A_3114, %and3A_3115 : i32
      %eq3A_3117 = arith.constant 1 : i32
      %eq3A_3118 = arith.cmpi eq, %and3A_3116, %eq3A_3117 : i32
      %convert_element_type3A_3119 = arith.extui %eq3A_3118 : i1 to i32
      %cond3A_3120 = arith.constant 0 : i32
      %cond3A_3121 = arith.cmpi ne, %convert_element_type3A_3119, %cond3A_3120 : i32
      scf.if %cond3A_3121 {
      } else {
      }
      %and3A_3122 = arith.constant -2 : i32
      %and3A_3123 = arith.andi %sub3A_2953, %and3A_3122 : i32
      %shift_right_arithmetic3A_3124 = arith.constant 0 : i32
      %shift_right_arithmetic3A_3125 = arith.shrsi %sub3A_2953, %shift_right_arithmetic3A_3124 : i32
      %and3A_3126 = arith.constant 1 : i32
      %and3A_3127 = arith.andi %shift_right_arithmetic3A_3125, %and3A_3126 : i32
      %eq3A_3128 = arith.constant 1 : i32
      %eq3A_3129 = arith.cmpi eq, %and3A_3127, %eq3A_3128 : i32
      %convert_element_type3A_3130 = arith.extui %eq3A_3129 : i1 to i32
      %cond3A_3131 = arith.constant 0 : i32
      %cond3A_3132 = arith.cmpi ne, %convert_element_type3A_3130, %cond3A_3131 : i32
      scf.if %cond3A_3132 {
      } else {
      }
      %slice3A_3133 = vector.extract_strided_slice %get3A_451 {offsets = [14], sizes = [1], strides = [1]} : vector<16xi32> to vector<1xi32>
      %squeeze3A_3134 = vector.extract %slice3A_3133[0] : i32 from vector<1xi32>
      %shift_right_arithmetic3A_3135 = arith.constant 4 : i32
      %shift_right_arithmetic3A_3136 = arith.shrsi %squeeze3A_3134, %shift_right_arithmetic3A_3135 : i32
      %mul3A_3137 = arith.constant 16 : i32
      %mul3A_3138 = arith.muli %scan3A_445, %mul3A_3137 : i32
      %add3A_3139 = arith.addi %mul3A_2, %mul3A_3138 : i32
      %add3A_3140 = arith.constant 14 : i32
      %add3A_3141 = arith.addi %add3A_3139, %add3A_3140 : i32
      %mul3A_3142 = arith.constant 256 : i32
      %mul3A_3143 = arith.muli %add3A_3141, %mul3A_3142 : i32
      %sub3A_3144 = arith.constant 255 : i32
      %sub3A_3145 = arith.subi %sub3A_3144, %shift_right_arithmetic3A_3136 : i32
      %add3A_3146 = arith.addi %mul3A_3143, %shift_right_arithmetic3A_3136 : i32
      %add3A_3147 = arith.constant 1 : i32
      %add3A_3148 = arith.addi %add3A_3146, %add3A_3147 : i32
      %and3A_3149 = arith.constant -256 : i32
      %and3A_3150 = arith.andi %shift_right_arithmetic3A_3136, %and3A_3149 : i32
      %shift_right_arithmetic3A_3151 = arith.constant 7 : i32
      %shift_right_arithmetic3A_3152 = arith.shrsi %shift_right_arithmetic3A_3136, %shift_right_arithmetic3A_3151 : i32
      %and3A_3153 = arith.constant 1 : i32
      %and3A_3154 = arith.andi %shift_right_arithmetic3A_3152, %and3A_3153 : i32
      %eq3A_3155 = arith.constant 1 : i32
      %eq3A_3156 = arith.cmpi eq, %and3A_3154, %eq3A_3155 : i32
      %convert_element_type3A_3157 = arith.extui %eq3A_3156 : i1 to i32
      %cond3A_3158 = arith.constant 0 : i32
      %cond3A_3159 = arith.cmpi ne, %convert_element_type3A_3157, %cond3A_3158 : i32
      scf.if %cond3A_3159 {
      } else {
      }
      %and3A_3160 = arith.constant -256 : i32
      %and3A_3161 = arith.andi %sub3A_3145, %and3A_3160 : i32
      %shift_right_arithmetic3A_3162 = arith.constant 7 : i32
      %shift_right_arithmetic3A_3163 = arith.shrsi %sub3A_3145, %shift_right_arithmetic3A_3162 : i32
      %and3A_3164 = arith.constant 1 : i32
      %and3A_3165 = arith.andi %shift_right_arithmetic3A_3163, %and3A_3164 : i32
      %eq3A_3166 = arith.constant 1 : i32
      %eq3A_3167 = arith.cmpi eq, %and3A_3165, %eq3A_3166 : i32
      %convert_element_type3A_3168 = arith.extui %eq3A_3167 : i1 to i32
      %cond3A_3169 = arith.constant 0 : i32
      %cond3A_3170 = arith.cmpi ne, %convert_element_type3A_3168, %cond3A_3169 : i32
      scf.if %cond3A_3170 {
      } else {
      }
      %and3A_3171 = arith.constant -128 : i32
      %and3A_3172 = arith.andi %shift_right_arithmetic3A_3136, %and3A_3171 : i32
      %shift_right_arithmetic3A_3173 = arith.constant 6 : i32
      %shift_right_arithmetic3A_3174 = arith.shrsi %shift_right_arithmetic3A_3136, %shift_right_arithmetic3A_3173 : i32
      %and3A_3175 = arith.constant 1 : i32
      %and3A_3176 = arith.andi %shift_right_arithmetic3A_3174, %and3A_3175 : i32
      %eq3A_3177 = arith.constant 1 : i32
      %eq3A_3178 = arith.cmpi eq, %and3A_3176, %eq3A_3177 : i32
      %convert_element_type3A_3179 = arith.extui %eq3A_3178 : i1 to i32
      %cond3A_3180 = arith.constant 0 : i32
      %cond3A_3181 = arith.cmpi ne, %convert_element_type3A_3179, %cond3A_3180 : i32
      scf.if %cond3A_3181 {
      } else {
      }
      %and3A_3182 = arith.constant -128 : i32
      %and3A_3183 = arith.andi %sub3A_3145, %and3A_3182 : i32
      %shift_right_arithmetic3A_3184 = arith.constant 6 : i32
      %shift_right_arithmetic3A_3185 = arith.shrsi %sub3A_3145, %shift_right_arithmetic3A_3184 : i32
      %and3A_3186 = arith.constant 1 : i32
      %and3A_3187 = arith.andi %shift_right_arithmetic3A_3185, %and3A_3186 : i32
      %eq3A_3188 = arith.constant 1 : i32
      %eq3A_3189 = arith.cmpi eq, %and3A_3187, %eq3A_3188 : i32
      %convert_element_type3A_3190 = arith.extui %eq3A_3189 : i1 to i32
      %cond3A_3191 = arith.constant 0 : i32
      %cond3A_3192 = arith.cmpi ne, %convert_element_type3A_3190, %cond3A_3191 : i32
      scf.if %cond3A_3192 {
      } else {
      }
      %and3A_3193 = arith.constant -64 : i32
      %and3A_3194 = arith.andi %shift_right_arithmetic3A_3136, %and3A_3193 : i32
      %shift_right_arithmetic3A_3195 = arith.constant 5 : i32
      %shift_right_arithmetic3A_3196 = arith.shrsi %shift_right_arithmetic3A_3136, %shift_right_arithmetic3A_3195 : i32
      %and3A_3197 = arith.constant 1 : i32
      %and3A_3198 = arith.andi %shift_right_arithmetic3A_3196, %and3A_3197 : i32
      %eq3A_3199 = arith.constant 1 : i32
      %eq3A_3200 = arith.cmpi eq, %and3A_3198, %eq3A_3199 : i32
      %convert_element_type3A_3201 = arith.extui %eq3A_3200 : i1 to i32
      %cond3A_3202 = arith.constant 0 : i32
      %cond3A_3203 = arith.cmpi ne, %convert_element_type3A_3201, %cond3A_3202 : i32
      scf.if %cond3A_3203 {
      } else {
      }
      %and3A_3204 = arith.constant -64 : i32
      %and3A_3205 = arith.andi %sub3A_3145, %and3A_3204 : i32
      %shift_right_arithmetic3A_3206 = arith.constant 5 : i32
      %shift_right_arithmetic3A_3207 = arith.shrsi %sub3A_3145, %shift_right_arithmetic3A_3206 : i32
      %and3A_3208 = arith.constant 1 : i32
      %and3A_3209 = arith.andi %shift_right_arithmetic3A_3207, %and3A_3208 : i32
      %eq3A_3210 = arith.constant 1 : i32
      %eq3A_3211 = arith.cmpi eq, %and3A_3209, %eq3A_3210 : i32
      %convert_element_type3A_3212 = arith.extui %eq3A_3211 : i1 to i32
      %cond3A_3213 = arith.constant 0 : i32
      %cond3A_3214 = arith.cmpi ne, %convert_element_type3A_3212, %cond3A_3213 : i32
      scf.if %cond3A_3214 {
      } else {
      }
      %and3A_3215 = arith.constant -32 : i32
      %and3A_3216 = arith.andi %shift_right_arithmetic3A_3136, %and3A_3215 : i32
      %shift_right_arithmetic3A_3217 = arith.constant 4 : i32
      %shift_right_arithmetic3A_3218 = arith.shrsi %shift_right_arithmetic3A_3136, %shift_right_arithmetic3A_3217 : i32
      %and3A_3219 = arith.constant 1 : i32
      %and3A_3220 = arith.andi %shift_right_arithmetic3A_3218, %and3A_3219 : i32
      %eq3A_3221 = arith.constant 1 : i32
      %eq3A_3222 = arith.cmpi eq, %and3A_3220, %eq3A_3221 : i32
      %convert_element_type3A_3223 = arith.extui %eq3A_3222 : i1 to i32
      %cond3A_3224 = arith.constant 0 : i32
      %cond3A_3225 = arith.cmpi ne, %convert_element_type3A_3223, %cond3A_3224 : i32
      scf.if %cond3A_3225 {
      } else {
      }
      %and3A_3226 = arith.constant -32 : i32
      %and3A_3227 = arith.andi %sub3A_3145, %and3A_3226 : i32
      %shift_right_arithmetic3A_3228 = arith.constant 4 : i32
      %shift_right_arithmetic3A_3229 = arith.shrsi %sub3A_3145, %shift_right_arithmetic3A_3228 : i32
      %and3A_3230 = arith.constant 1 : i32
      %and3A_3231 = arith.andi %shift_right_arithmetic3A_3229, %and3A_3230 : i32
      %eq3A_3232 = arith.constant 1 : i32
      %eq3A_3233 = arith.cmpi eq, %and3A_3231, %eq3A_3232 : i32
      %convert_element_type3A_3234 = arith.extui %eq3A_3233 : i1 to i32
      %cond3A_3235 = arith.constant 0 : i32
      %cond3A_3236 = arith.cmpi ne, %convert_element_type3A_3234, %cond3A_3235 : i32
      scf.if %cond3A_3236 {
      } else {
      }
      %and3A_3237 = arith.constant -16 : i32
      %and3A_3238 = arith.andi %shift_right_arithmetic3A_3136, %and3A_3237 : i32
      %shift_right_arithmetic3A_3239 = arith.constant 3 : i32
      %shift_right_arithmetic3A_3240 = arith.shrsi %shift_right_arithmetic3A_3136, %shift_right_arithmetic3A_3239 : i32
      %and3A_3241 = arith.constant 1 : i32
      %and3A_3242 = arith.andi %shift_right_arithmetic3A_3240, %and3A_3241 : i32
      %eq3A_3243 = arith.constant 1 : i32
      %eq3A_3244 = arith.cmpi eq, %and3A_3242, %eq3A_3243 : i32
      %convert_element_type3A_3245 = arith.extui %eq3A_3244 : i1 to i32
      %cond3A_3246 = arith.constant 0 : i32
      %cond3A_3247 = arith.cmpi ne, %convert_element_type3A_3245, %cond3A_3246 : i32
      scf.if %cond3A_3247 {
      } else {
      }
      %and3A_3248 = arith.constant -16 : i32
      %and3A_3249 = arith.andi %sub3A_3145, %and3A_3248 : i32
      %shift_right_arithmetic3A_3250 = arith.constant 3 : i32
      %shift_right_arithmetic3A_3251 = arith.shrsi %sub3A_3145, %shift_right_arithmetic3A_3250 : i32
      %and3A_3252 = arith.constant 1 : i32
      %and3A_3253 = arith.andi %shift_right_arithmetic3A_3251, %and3A_3252 : i32
      %eq3A_3254 = arith.constant 1 : i32
      %eq3A_3255 = arith.cmpi eq, %and3A_3253, %eq3A_3254 : i32
      %convert_element_type3A_3256 = arith.extui %eq3A_3255 : i1 to i32
      %cond3A_3257 = arith.constant 0 : i32
      %cond3A_3258 = arith.cmpi ne, %convert_element_type3A_3256, %cond3A_3257 : i32
      scf.if %cond3A_3258 {
      } else {
      }
      %and3A_3259 = arith.constant -8 : i32
      %and3A_3260 = arith.andi %shift_right_arithmetic3A_3136, %and3A_3259 : i32
      %shift_right_arithmetic3A_3261 = arith.constant 2 : i32
      %shift_right_arithmetic3A_3262 = arith.shrsi %shift_right_arithmetic3A_3136, %shift_right_arithmetic3A_3261 : i32
      %and3A_3263 = arith.constant 1 : i32
      %and3A_3264 = arith.andi %shift_right_arithmetic3A_3262, %and3A_3263 : i32
      %eq3A_3265 = arith.constant 1 : i32
      %eq3A_3266 = arith.cmpi eq, %and3A_3264, %eq3A_3265 : i32
      %convert_element_type3A_3267 = arith.extui %eq3A_3266 : i1 to i32
      %cond3A_3268 = arith.constant 0 : i32
      %cond3A_3269 = arith.cmpi ne, %convert_element_type3A_3267, %cond3A_3268 : i32
      scf.if %cond3A_3269 {
      } else {
      }
      %and3A_3270 = arith.constant -8 : i32
      %and3A_3271 = arith.andi %sub3A_3145, %and3A_3270 : i32
      %shift_right_arithmetic3A_3272 = arith.constant 2 : i32
      %shift_right_arithmetic3A_3273 = arith.shrsi %sub3A_3145, %shift_right_arithmetic3A_3272 : i32
      %and3A_3274 = arith.constant 1 : i32
      %and3A_3275 = arith.andi %shift_right_arithmetic3A_3273, %and3A_3274 : i32
      %eq3A_3276 = arith.constant 1 : i32
      %eq3A_3277 = arith.cmpi eq, %and3A_3275, %eq3A_3276 : i32
      %convert_element_type3A_3278 = arith.extui %eq3A_3277 : i1 to i32
      %cond3A_3279 = arith.constant 0 : i32
      %cond3A_3280 = arith.cmpi ne, %convert_element_type3A_3278, %cond3A_3279 : i32
      scf.if %cond3A_3280 {
      } else {
      }
      %and3A_3281 = arith.constant -4 : i32
      %and3A_3282 = arith.andi %shift_right_arithmetic3A_3136, %and3A_3281 : i32
      %shift_right_arithmetic3A_3283 = arith.constant 1 : i32
      %shift_right_arithmetic3A_3284 = arith.shrsi %shift_right_arithmetic3A_3136, %shift_right_arithmetic3A_3283 : i32
      %and3A_3285 = arith.constant 1 : i32
      %and3A_3286 = arith.andi %shift_right_arithmetic3A_3284, %and3A_3285 : i32
      %eq3A_3287 = arith.constant 1 : i32
      %eq3A_3288 = arith.cmpi eq, %and3A_3286, %eq3A_3287 : i32
      %convert_element_type3A_3289 = arith.extui %eq3A_3288 : i1 to i32
      %cond3A_3290 = arith.constant 0 : i32
      %cond3A_3291 = arith.cmpi ne, %convert_element_type3A_3289, %cond3A_3290 : i32
      scf.if %cond3A_3291 {
      } else {
      }
      %and3A_3292 = arith.constant -4 : i32
      %and3A_3293 = arith.andi %sub3A_3145, %and3A_3292 : i32
      %shift_right_arithmetic3A_3294 = arith.constant 1 : i32
      %shift_right_arithmetic3A_3295 = arith.shrsi %sub3A_3145, %shift_right_arithmetic3A_3294 : i32
      %and3A_3296 = arith.constant 1 : i32
      %and3A_3297 = arith.andi %shift_right_arithmetic3A_3295, %and3A_3296 : i32
      %eq3A_3298 = arith.constant 1 : i32
      %eq3A_3299 = arith.cmpi eq, %and3A_3297, %eq3A_3298 : i32
      %convert_element_type3A_3300 = arith.extui %eq3A_3299 : i1 to i32
      %cond3A_3301 = arith.constant 0 : i32
      %cond3A_3302 = arith.cmpi ne, %convert_element_type3A_3300, %cond3A_3301 : i32
      scf.if %cond3A_3302 {
      } else {
      }
      %and3A_3303 = arith.constant -2 : i32
      %and3A_3304 = arith.andi %shift_right_arithmetic3A_3136, %and3A_3303 : i32
      %shift_right_arithmetic3A_3305 = arith.constant 0 : i32
      %shift_right_arithmetic3A_3306 = arith.shrsi %shift_right_arithmetic3A_3136, %shift_right_arithmetic3A_3305 : i32
      %and3A_3307 = arith.constant 1 : i32
      %and3A_3308 = arith.andi %shift_right_arithmetic3A_3306, %and3A_3307 : i32
      %eq3A_3309 = arith.constant 1 : i32
      %eq3A_3310 = arith.cmpi eq, %and3A_3308, %eq3A_3309 : i32
      %convert_element_type3A_3311 = arith.extui %eq3A_3310 : i1 to i32
      %cond3A_3312 = arith.constant 0 : i32
      %cond3A_3313 = arith.cmpi ne, %convert_element_type3A_3311, %cond3A_3312 : i32
      scf.if %cond3A_3313 {
      } else {
      }
      %and3A_3314 = arith.constant -2 : i32
      %and3A_3315 = arith.andi %sub3A_3145, %and3A_3314 : i32
      %shift_right_arithmetic3A_3316 = arith.constant 0 : i32
      %shift_right_arithmetic3A_3317 = arith.shrsi %sub3A_3145, %shift_right_arithmetic3A_3316 : i32
      %and3A_3318 = arith.constant 1 : i32
      %and3A_3319 = arith.andi %shift_right_arithmetic3A_3317, %and3A_3318 : i32
      %eq3A_3320 = arith.constant 1 : i32
      %eq3A_3321 = arith.cmpi eq, %and3A_3319, %eq3A_3320 : i32
      %convert_element_type3A_3322 = arith.extui %eq3A_3321 : i1 to i32
      %cond3A_3323 = arith.constant 0 : i32
      %cond3A_3324 = arith.cmpi ne, %convert_element_type3A_3322, %cond3A_3323 : i32
      scf.if %cond3A_3324 {
      } else {
      }
      %slice3A_3325 = vector.extract_strided_slice %get3A_451 {offsets = [15], sizes = [1], strides = [1]} : vector<16xi32> to vector<1xi32>
      %squeeze3A_3326 = vector.extract %slice3A_3325[0] : i32 from vector<1xi32>
      %shift_right_arithmetic3A_3327 = arith.constant 4 : i32
      %shift_right_arithmetic3A_3328 = arith.shrsi %squeeze3A_3326, %shift_right_arithmetic3A_3327 : i32
      %mul3A_3329 = arith.constant 16 : i32
      %mul3A_3330 = arith.muli %scan3A_445, %mul3A_3329 : i32
      %add3A_3331 = arith.addi %mul3A_2, %mul3A_3330 : i32
      %add3A_3332 = arith.constant 15 : i32
      %add3A_3333 = arith.addi %add3A_3331, %add3A_3332 : i32
      %mul3A_3334 = arith.constant 256 : i32
      %mul3A_3335 = arith.muli %add3A_3333, %mul3A_3334 : i32
      %sub3A_3336 = arith.constant 255 : i32
      %sub3A_3337 = arith.subi %sub3A_3336, %shift_right_arithmetic3A_3328 : i32
      %add3A_3338 = arith.addi %mul3A_3335, %shift_right_arithmetic3A_3328 : i32
      %add3A_3339 = arith.constant 1 : i32
      %add3A_3340 = arith.addi %add3A_3338, %add3A_3339 : i32
      %and3A_3341 = arith.constant -256 : i32
      %and3A_3342 = arith.andi %shift_right_arithmetic3A_3328, %and3A_3341 : i32
      %shift_right_arithmetic3A_3343 = arith.constant 7 : i32
      %shift_right_arithmetic3A_3344 = arith.shrsi %shift_right_arithmetic3A_3328, %shift_right_arithmetic3A_3343 : i32
      %and3A_3345 = arith.constant 1 : i32
      %and3A_3346 = arith.andi %shift_right_arithmetic3A_3344, %and3A_3345 : i32
      %eq3A_3347 = arith.constant 1 : i32
      %eq3A_3348 = arith.cmpi eq, %and3A_3346, %eq3A_3347 : i32
      %convert_element_type3A_3349 = arith.extui %eq3A_3348 : i1 to i32
      %cond3A_3350 = arith.constant 0 : i32
      %cond3A_3351 = arith.cmpi ne, %convert_element_type3A_3349, %cond3A_3350 : i32
      scf.if %cond3A_3351 {
      } else {
      }
      %and3A_3352 = arith.constant -256 : i32
      %and3A_3353 = arith.andi %sub3A_3337, %and3A_3352 : i32
      %shift_right_arithmetic3A_3354 = arith.constant 7 : i32
      %shift_right_arithmetic3A_3355 = arith.shrsi %sub3A_3337, %shift_right_arithmetic3A_3354 : i32
      %and3A_3356 = arith.constant 1 : i32
      %and3A_3357 = arith.andi %shift_right_arithmetic3A_3355, %and3A_3356 : i32
      %eq3A_3358 = arith.constant 1 : i32
      %eq3A_3359 = arith.cmpi eq, %and3A_3357, %eq3A_3358 : i32
      %convert_element_type3A_3360 = arith.extui %eq3A_3359 : i1 to i32
      %cond3A_3361 = arith.constant 0 : i32
      %cond3A_3362 = arith.cmpi ne, %convert_element_type3A_3360, %cond3A_3361 : i32
      scf.if %cond3A_3362 {
      } else {
      }
      %and3A_3363 = arith.constant -128 : i32
      %and3A_3364 = arith.andi %shift_right_arithmetic3A_3328, %and3A_3363 : i32
      %shift_right_arithmetic3A_3365 = arith.constant 6 : i32
      %shift_right_arithmetic3A_3366 = arith.shrsi %shift_right_arithmetic3A_3328, %shift_right_arithmetic3A_3365 : i32
      %and3A_3367 = arith.constant 1 : i32
      %and3A_3368 = arith.andi %shift_right_arithmetic3A_3366, %and3A_3367 : i32
      %eq3A_3369 = arith.constant 1 : i32
      %eq3A_3370 = arith.cmpi eq, %and3A_3368, %eq3A_3369 : i32
      %convert_element_type3A_3371 = arith.extui %eq3A_3370 : i1 to i32
      %cond3A_3372 = arith.constant 0 : i32
      %cond3A_3373 = arith.cmpi ne, %convert_element_type3A_3371, %cond3A_3372 : i32
      scf.if %cond3A_3373 {
      } else {
      }
      %and3A_3374 = arith.constant -128 : i32
      %and3A_3375 = arith.andi %sub3A_3337, %and3A_3374 : i32
      %shift_right_arithmetic3A_3376 = arith.constant 6 : i32
      %shift_right_arithmetic3A_3377 = arith.shrsi %sub3A_3337, %shift_right_arithmetic3A_3376 : i32
      %and3A_3378 = arith.constant 1 : i32
      %and3A_3379 = arith.andi %shift_right_arithmetic3A_3377, %and3A_3378 : i32
      %eq3A_3380 = arith.constant 1 : i32
      %eq3A_3381 = arith.cmpi eq, %and3A_3379, %eq3A_3380 : i32
      %convert_element_type3A_3382 = arith.extui %eq3A_3381 : i1 to i32
      %cond3A_3383 = arith.constant 0 : i32
      %cond3A_3384 = arith.cmpi ne, %convert_element_type3A_3382, %cond3A_3383 : i32
      scf.if %cond3A_3384 {
      } else {
      }
      %and3A_3385 = arith.constant -64 : i32
      %and3A_3386 = arith.andi %shift_right_arithmetic3A_3328, %and3A_3385 : i32
      %shift_right_arithmetic3A_3387 = arith.constant 5 : i32
      %shift_right_arithmetic3A_3388 = arith.shrsi %shift_right_arithmetic3A_3328, %shift_right_arithmetic3A_3387 : i32
      %and3A_3389 = arith.constant 1 : i32
      %and3A_3390 = arith.andi %shift_right_arithmetic3A_3388, %and3A_3389 : i32
      %eq3A_3391 = arith.constant 1 : i32
      %eq3A_3392 = arith.cmpi eq, %and3A_3390, %eq3A_3391 : i32
      %convert_element_type3A_3393 = arith.extui %eq3A_3392 : i1 to i32
      %cond3A_3394 = arith.constant 0 : i32
      %cond3A_3395 = arith.cmpi ne, %convert_element_type3A_3393, %cond3A_3394 : i32
      scf.if %cond3A_3395 {
      } else {
      }
      %and3A_3396 = arith.constant -64 : i32
      %and3A_3397 = arith.andi %sub3A_3337, %and3A_3396 : i32
      %shift_right_arithmetic3A_3398 = arith.constant 5 : i32
      %shift_right_arithmetic3A_3399 = arith.shrsi %sub3A_3337, %shift_right_arithmetic3A_3398 : i32
      %and3A_3400 = arith.constant 1 : i32
      %and3A_3401 = arith.andi %shift_right_arithmetic3A_3399, %and3A_3400 : i32
      %eq3A_3402 = arith.constant 1 : i32
      %eq3A_3403 = arith.cmpi eq, %and3A_3401, %eq3A_3402 : i32
      %convert_element_type3A_3404 = arith.extui %eq3A_3403 : i1 to i32
      %cond3A_3405 = arith.constant 0 : i32
      %cond3A_3406 = arith.cmpi ne, %convert_element_type3A_3404, %cond3A_3405 : i32
      scf.if %cond3A_3406 {
      } else {
      }
      %and3A_3407 = arith.constant -32 : i32
      %and3A_3408 = arith.andi %shift_right_arithmetic3A_3328, %and3A_3407 : i32
      %shift_right_arithmetic3A_3409 = arith.constant 4 : i32
      %shift_right_arithmetic3A_3410 = arith.shrsi %shift_right_arithmetic3A_3328, %shift_right_arithmetic3A_3409 : i32
      %and3A_3411 = arith.constant 1 : i32
      %and3A_3412 = arith.andi %shift_right_arithmetic3A_3410, %and3A_3411 : i32
      %eq3A_3413 = arith.constant 1 : i32
      %eq3A_3414 = arith.cmpi eq, %and3A_3412, %eq3A_3413 : i32
      %convert_element_type3A_3415 = arith.extui %eq3A_3414 : i1 to i32
      %cond3A_3416 = arith.constant 0 : i32
      %cond3A_3417 = arith.cmpi ne, %convert_element_type3A_3415, %cond3A_3416 : i32
      scf.if %cond3A_3417 {
      } else {
      }
      %and3A_3418 = arith.constant -32 : i32
      %and3A_3419 = arith.andi %sub3A_3337, %and3A_3418 : i32
      %shift_right_arithmetic3A_3420 = arith.constant 4 : i32
      %shift_right_arithmetic3A_3421 = arith.shrsi %sub3A_3337, %shift_right_arithmetic3A_3420 : i32
      %and3A_3422 = arith.constant 1 : i32
      %and3A_3423 = arith.andi %shift_right_arithmetic3A_3421, %and3A_3422 : i32
      %eq3A_3424 = arith.constant 1 : i32
      %eq3A_3425 = arith.cmpi eq, %and3A_3423, %eq3A_3424 : i32
      %convert_element_type3A_3426 = arith.extui %eq3A_3425 : i1 to i32
      %cond3A_3427 = arith.constant 0 : i32
      %cond3A_3428 = arith.cmpi ne, %convert_element_type3A_3426, %cond3A_3427 : i32
      scf.if %cond3A_3428 {
      } else {
      }
      %and3A_3429 = arith.constant -16 : i32
      %and3A_3430 = arith.andi %shift_right_arithmetic3A_3328, %and3A_3429 : i32
      %shift_right_arithmetic3A_3431 = arith.constant 3 : i32
      %shift_right_arithmetic3A_3432 = arith.shrsi %shift_right_arithmetic3A_3328, %shift_right_arithmetic3A_3431 : i32
      %and3A_3433 = arith.constant 1 : i32
      %and3A_3434 = arith.andi %shift_right_arithmetic3A_3432, %and3A_3433 : i32
      %eq3A_3435 = arith.constant 1 : i32
      %eq3A_3436 = arith.cmpi eq, %and3A_3434, %eq3A_3435 : i32
      %convert_element_type3A_3437 = arith.extui %eq3A_3436 : i1 to i32
      %cond3A_3438 = arith.constant 0 : i32
      %cond3A_3439 = arith.cmpi ne, %convert_element_type3A_3437, %cond3A_3438 : i32
      scf.if %cond3A_3439 {
      } else {
      }
      %and3A_3440 = arith.constant -16 : i32
      %and3A_3441 = arith.andi %sub3A_3337, %and3A_3440 : i32
      %shift_right_arithmetic3A_3442 = arith.constant 3 : i32
      %shift_right_arithmetic3A_3443 = arith.shrsi %sub3A_3337, %shift_right_arithmetic3A_3442 : i32
      %and3A_3444 = arith.constant 1 : i32
      %and3A_3445 = arith.andi %shift_right_arithmetic3A_3443, %and3A_3444 : i32
      %eq3A_3446 = arith.constant 1 : i32
      %eq3A_3447 = arith.cmpi eq, %and3A_3445, %eq3A_3446 : i32
      %convert_element_type3A_3448 = arith.extui %eq3A_3447 : i1 to i32
      %cond3A_3449 = arith.constant 0 : i32
      %cond3A_3450 = arith.cmpi ne, %convert_element_type3A_3448, %cond3A_3449 : i32
      scf.if %cond3A_3450 {
      } else {
      }
      %and3A_3451 = arith.constant -8 : i32
      %and3A_3452 = arith.andi %shift_right_arithmetic3A_3328, %and3A_3451 : i32
      %shift_right_arithmetic3A_3453 = arith.constant 2 : i32
      %shift_right_arithmetic3A_3454 = arith.shrsi %shift_right_arithmetic3A_3328, %shift_right_arithmetic3A_3453 : i32
      %and3A_3455 = arith.constant 1 : i32
      %and3A_3456 = arith.andi %shift_right_arithmetic3A_3454, %and3A_3455 : i32
      %eq3A_3457 = arith.constant 1 : i32
      %eq3A_3458 = arith.cmpi eq, %and3A_3456, %eq3A_3457 : i32
      %convert_element_type3A_3459 = arith.extui %eq3A_3458 : i1 to i32
      %cond3A_3460 = arith.constant 0 : i32
      %cond3A_3461 = arith.cmpi ne, %convert_element_type3A_3459, %cond3A_3460 : i32
      scf.if %cond3A_3461 {
      } else {
      }
      %and3A_3462 = arith.constant -8 : i32
      %and3A_3463 = arith.andi %sub3A_3337, %and3A_3462 : i32
      %shift_right_arithmetic3A_3464 = arith.constant 2 : i32
      %shift_right_arithmetic3A_3465 = arith.shrsi %sub3A_3337, %shift_right_arithmetic3A_3464 : i32
      %and3A_3466 = arith.constant 1 : i32
      %and3A_3467 = arith.andi %shift_right_arithmetic3A_3465, %and3A_3466 : i32
      %eq3A_3468 = arith.constant 1 : i32
      %eq3A_3469 = arith.cmpi eq, %and3A_3467, %eq3A_3468 : i32
      %convert_element_type3A_3470 = arith.extui %eq3A_3469 : i1 to i32
      %cond3A_3471 = arith.constant 0 : i32
      %cond3A_3472 = arith.cmpi ne, %convert_element_type3A_3470, %cond3A_3471 : i32
      scf.if %cond3A_3472 {
      } else {
      }
      %and3A_3473 = arith.constant -4 : i32
      %and3A_3474 = arith.andi %shift_right_arithmetic3A_3328, %and3A_3473 : i32
      %shift_right_arithmetic3A_3475 = arith.constant 1 : i32
      %shift_right_arithmetic3A_3476 = arith.shrsi %shift_right_arithmetic3A_3328, %shift_right_arithmetic3A_3475 : i32
      %and3A_3477 = arith.constant 1 : i32
      %and3A_3478 = arith.andi %shift_right_arithmetic3A_3476, %and3A_3477 : i32
      %eq3A_3479 = arith.constant 1 : i32
      %eq3A_3480 = arith.cmpi eq, %and3A_3478, %eq3A_3479 : i32
      %convert_element_type3A_3481 = arith.extui %eq3A_3480 : i1 to i32
      %cond3A_3482 = arith.constant 0 : i32
      %cond3A_3483 = arith.cmpi ne, %convert_element_type3A_3481, %cond3A_3482 : i32
      scf.if %cond3A_3483 {
      } else {
      }
      %and3A_3484 = arith.constant -4 : i32
      %and3A_3485 = arith.andi %sub3A_3337, %and3A_3484 : i32
      %shift_right_arithmetic3A_3486 = arith.constant 1 : i32
      %shift_right_arithmetic3A_3487 = arith.shrsi %sub3A_3337, %shift_right_arithmetic3A_3486 : i32
      %and3A_3488 = arith.constant 1 : i32
      %and3A_3489 = arith.andi %shift_right_arithmetic3A_3487, %and3A_3488 : i32
      %eq3A_3490 = arith.constant 1 : i32
      %eq3A_3491 = arith.cmpi eq, %and3A_3489, %eq3A_3490 : i32
      %convert_element_type3A_3492 = arith.extui %eq3A_3491 : i1 to i32
      %cond3A_3493 = arith.constant 0 : i32
      %cond3A_3494 = arith.cmpi ne, %convert_element_type3A_3492, %cond3A_3493 : i32
      scf.if %cond3A_3494 {
      } else {
      }
      %and3A_3495 = arith.constant -2 : i32
      %and3A_3496 = arith.andi %shift_right_arithmetic3A_3328, %and3A_3495 : i32
      %shift_right_arithmetic3A_3497 = arith.constant 0 : i32
      %shift_right_arithmetic3A_3498 = arith.shrsi %shift_right_arithmetic3A_3328, %shift_right_arithmetic3A_3497 : i32
      %and3A_3499 = arith.constant 1 : i32
      %and3A_3500 = arith.andi %shift_right_arithmetic3A_3498, %and3A_3499 : i32
      %eq3A_3501 = arith.constant 1 : i32
      %eq3A_3502 = arith.cmpi eq, %and3A_3500, %eq3A_3501 : i32
      %convert_element_type3A_3503 = arith.extui %eq3A_3502 : i1 to i32
      %cond3A_3504 = arith.constant 0 : i32
      %cond3A_3505 = arith.cmpi ne, %convert_element_type3A_3503, %cond3A_3504 : i32
      scf.if %cond3A_3505 {
      } else {
      }
      %and3A_3506 = arith.constant -2 : i32
      %and3A_3507 = arith.andi %sub3A_3337, %and3A_3506 : i32
      %shift_right_arithmetic3A_3508 = arith.constant 0 : i32
      %shift_right_arithmetic3A_3509 = arith.shrsi %sub3A_3337, %shift_right_arithmetic3A_3508 : i32
      %and3A_3510 = arith.constant 1 : i32
      %and3A_3511 = arith.andi %shift_right_arithmetic3A_3509, %and3A_3510 : i32
      %eq3A_3512 = arith.constant 1 : i32
      %eq3A_3513 = arith.cmpi eq, %and3A_3511, %eq3A_3512 : i32
      %convert_element_type3A_3514 = arith.extui %eq3A_3513 : i1 to i32
      %cond3A_3515 = arith.constant 0 : i32
      %cond3A_3516 = arith.cmpi ne, %convert_element_type3A_3514, %cond3A_3515 : i32
      scf.if %cond3A_3516 {
      } else {
      }
      %scan3A_3517 = arith.constant 0 : i32
      scf.yield %scan3A_3517 : i32
    }
    %scan3A_365 = arith.constant 16 : i32
    %dma_wait3A = arith.constant 0 : i32
    %dma_wait3A_366 = arith.constant 0 : i32
    %dma_wait3A_367 = arith.constant 0 : i32
    %dma_wait3A_368 = arith.constant 0 : i32
    %dma_wait3A_369 = tpu.memref_slice %arg8[%dma_wait3A_366, %dma_wait3A_367, %dma_wait3A_368] : memref<2x128x16xf32, #tpu.memory_space<vmem>> -> memref<1x128x16xf32, #tpu.memory_space<vmem>>
    %dma_wait3A_370 = tpu.memref_squeeze %dma_wait3A_369 : memref<1x128x16xf32, #tpu.memory_space<vmem>> -> memref<128x16xf32, #tpu.memory_space<vmem>>
    %dma_wait3A_371 = arith.constant 0 : i32
    %dma_wait3A_372 = tpu.memref_slice %arg7[%dma_wait3A, %dma_wait3A_371] : memref<2x128xi32, #tpu.memory_space<vmem>> -> memref<1x128xi32, #tpu.memory_space<vmem>>
    %dma_wait3A_373 = tpu.memref_squeeze %dma_wait3A_372 : memref<1x128xi32, #tpu.memory_space<vmem>> -> memref<128xi32, #tpu.memory_space<vmem>>
    %dma_wait3A_374 = arith.constant 0 : i32
    %dma_wait3A_375 = arith.constant 0 : i32
    %dma_wait3A_376 = tpu.memref_slice %arg2[%dma_wait3A_374, %dma_wait3A_375] : memref<2097152x16xf32, #tpu.memory_space<hbm>> -> memref<2097152x16xf32, #tpu.memory_space<hbm>>
    tpu.wait_indirect_dma semaphore(%arg9 : memref<!tpu.dma_semaphore, #tpu.memory_space<semaphore_mem>>) src(%dma_wait3A_376 : memref<2097152x16xf32, #tpu.memory_space<hbm>>) dst(%dma_wait3A_370 : memref<128x16xf32, #tpu.memory_space<vmem>>)
    %dma_wait3A_377 = arith.constant 1 : i32
    %dma_wait3A_378 = arith.constant 1 : i32
    %dma_wait3A_379 = arith.constant 0 : i32
    %dma_wait3A_380 = arith.constant 0 : i32
    %dma_wait3A_381 = tpu.memref_slice %arg8[%dma_wait3A_378, %dma_wait3A_379, %dma_wait3A_380] : memref<2x128x16xf32, #tpu.memory_space<vmem>> -> memref<1x128x16xf32, #tpu.memory_space<vmem>>
    %dma_wait3A_382 = tpu.memref_squeeze %dma_wait3A_381 : memref<1x128x16xf32, #tpu.memory_space<vmem>> -> memref<128x16xf32, #tpu.memory_space<vmem>>
    %dma_wait3A_383 = arith.constant 0 : i32
    %dma_wait3A_384 = tpu.memref_slice %arg7[%dma_wait3A_377, %dma_wait3A_383] : memref<2x128xi32, #tpu.memory_space<vmem>> -> memref<1x128xi32, #tpu.memory_space<vmem>>
    %dma_wait3A_385 = tpu.memref_squeeze %dma_wait3A_384 : memref<1x128xi32, #tpu.memory_space<vmem>> -> memref<128xi32, #tpu.memory_space<vmem>>
    %dma_wait3A_386 = arith.constant 0 : i32
    %dma_wait3A_387 = arith.constant 0 : i32
    %dma_wait3A_388 = tpu.memref_slice %arg2[%dma_wait3A_386, %dma_wait3A_387] : memref<2097152x16xf32, #tpu.memory_space<hbm>> -> memref<2097152x16xf32, #tpu.memory_space<hbm>>
    tpu.wait_indirect_dma semaphore(%arg9 : memref<!tpu.dma_semaphore, #tpu.memory_space<semaphore_mem>>) src(%dma_wait3A_388 : memref<2097152x16xf32, #tpu.memory_space<hbm>>) dst(%dma_wait3A_382 : memref<128x16xf32, #tpu.memory_space<vmem>>)
    %iota3A_389 = tpu.iota {dimensions = array<i32: 0>} : vector<16xi32>
    %scan3A_390 = arith.constant 0 : i32
    %scan3A_391 = arith.constant 0 : i32
    %scan3A_392 = arith.constant 8 : i32
    %scan3A_393 = arith.addi %scan3A_391, %scan3A_392 : i32
    %scan3A_394 = arith.constant 1 : i32
    %scan3A_395 = scf.for %scan3A_445 = %scan3A_391 to %scan3A_393 step %scan3A_394 iter_args(%scan3A_446 = %scan3A_390) -> (i32)  : i32 {
      %mul3A_447 = arith.constant 16 : i32
      %mul3A_448 = arith.muli %scan3A_445, %mul3A_447 : i32
      %get3A_449 = arith.index_cast %mul3A_448 : i32 to index
      %get3A_450 = tpu.vector_load %arg6[%get3A_449] {strides = array<i32>} : memref<256xi32, #tpu.memory_space<vmem>>, vector<16xi32>,
      %get3A_451 = vector.shape_cast %get3A_450 : vector<16xi32> to vector<16xi32>
      %mul3A_452 = arith.constant 16 : i32
      %mul3A_453 = arith.muli %scan3A_445, %mul3A_452 : i32
      %add3A_454 = arith.constant 128 : i32
      %add3A_455 = arith.addi %mul3A_453, %add3A_454 : i32
      %get3A_456 = arith.index_cast %add3A_455 : i32 to index
      %get3A_457 = tpu.vector_load %arg6[%get3A_456] {strides = array<i32>} : memref<256xi32, #tpu.memory_space<vmem>>, vector<16xi32>,
      %get3A_458 = vector.shape_cast %get3A_457 : vector<16xi32> to vector<16xi32>
      %mul3A_459 = arith.constant 16 : i32
      %mul3A_460 = arith.muli %scan3A_445, %mul3A_459 : i32
      %add3A_461 = arith.constant 0 : i32
      %add3A_462 = arith.addi %mul3A_460, %add3A_461 : i32
      %slice3A = vector.extract_strided_slice %get3A_451 {offsets = [0], sizes = [1], strides = [1]} : vector<16xi32> to vector<1xi32>
      %squeeze3A = vector.extract %slice3A[0] : i32 from vector<1xi32>
      %and3A = arith.constant 15 : i32
      %and3A_463 = arith.andi %squeeze3A, %and3A : i32
      %lt3A = vector.broadcast %and3A_463 : i32 to vector<16xi32>
      %lt3A_464 = arith.cmpi slt, %iota3A_389, %lt3A : vector<16xi32>
      %get3A_465 = arith.constant 0 : i32
      %get3A_466 = arith.index_cast %get3A_465 : i32 to index
      %get3A_467 = arith.index_cast %add3A_462 : i32 to index
      %get3A_468 = arith.constant 0 : index
      %get3A_469 = tpu.vector_load %arg8[%get3A_466, %get3A_467, %get3A_468] {strides = array<i32>} : memref<2x128x16xf32, #tpu.memory_space<vmem>>, vector<1x1x16xf32>,
      %get3A_470 = vector.shape_cast %get3A_469 : vector<1x1x16xf32> to vector<16xf32>
      %jit3A = arith.constant 0.000000e+00 : f32
      %broadcast_in_dim3A = vector.broadcast %jit3A : f32 to vector<16xf32>
      %select_n3A = arith.select %lt3A_464, %get3A_470, %broadcast_in_dim3A : vector<16xi1>, vector<16xf32>
      %swap3A_471 = arith.constant 0 : i32
      %swap3A_472 = arith.index_cast %swap3A_471 : i32 to index
      %swap3A_473 = arith.index_cast %add3A_462 : i32 to index
      %swap3A_474 = arith.constant 0 : index
      %swap3A_475 = tpu.vector_load %arg8[%swap3A_472, %swap3A_473, %swap3A_474] {strides = array<i32>} : memref<2x128x16xf32, #tpu.memory_space<vmem>>, vector<1x1x16xf32>,
      %swap3A_476 = vector.shape_cast %swap3A_475 : vector<1x1x16xf32> to vector<16xf32>
      %swap3A_477 = vector.shape_cast %select_n3A : vector<16xf32> to vector<1x1x16xf32>
      tpu.vector_store %arg8[%swap3A_472, %swap3A_473, %swap3A_474], %swap3A_477 {strides = array<i32>} : memref<2x128x16xf32, #tpu.memory_space<vmem>>, vector<1x1x16xf32>,
      %slice3A_478 = vector.extract_strided_slice %get3A_458 {offsets = [0], sizes = [1], strides = [1]} : vector<16xi32> to vector<1xi32>
      %squeeze3A_479 = vector.extract %slice3A_478[0] : i32 from vector<1xi32>
      %and3A_480 = arith.constant 15 : i32
      %and3A_481 = arith.andi %squeeze3A_479, %and3A_480 : i32
      %lt3A_482 = vector.broadcast %and3A_481 : i32 to vector<16xi32>
      %lt3A_483 = arith.cmpi slt, %iota3A_389, %lt3A_482 : vector<16xi32>
      %get3A_484 = arith.constant 1 : i32
      %get3A_485 = arith.index_cast %get3A_484 : i32 to index
      %get3A_486 = arith.index_cast %add3A_462 : i32 to index
      %get3A_487 = arith.constant 0 : index
      %get3A_488 = tpu.vector_load %arg8[%get3A_485, %get3A_486, %get3A_487] {strides = array<i32>} : memref<2x128x16xf32, #tpu.memory_space<vmem>>, vector<1x1x16xf32>,
      %get3A_489 = vector.shape_cast %get3A_488 : vector<1x1x16xf32> to vector<16xf32>
      %jit3A_490 = arith.constant 0.000000e+00 : f32
      %broadcast_in_dim3A_491 = vector.broadcast %jit3A_490 : f32 to vector<16xf32>
      %select_n3A_492 = arith.select %lt3A_483, %get3A_489, %broadcast_in_dim3A_491 : vector<16xi1>, vector<16xf32>
      %swap3A_493 = arith.constant 1 : i32
      %swap3A_494 = arith.index_cast %swap3A_493 : i32 to index
      %swap3A_495 = arith.index_cast %add3A_462 : i32 to index
      %swap3A_496 = arith.constant 0 : index
      %swap3A_497 = tpu.vector_load %arg8[%swap3A_494, %swap3A_495, %swap3A_496] {strides = array<i32>} : memref<2x128x16xf32, #tpu.memory_space<vmem>>, vector<1x1x16xf32>,
      %swap3A_498 = vector.shape_cast %swap3A_497 : vector<1x1x16xf32> to vector<16xf32>
      %swap3A_499 = vector.shape_cast %select_n3A_492 : vector<16xf32> to vector<1x1x16xf32>
      tpu.vector_store %arg8[%swap3A_494, %swap3A_495, %swap3A_496], %swap3A_499 {strides = array<i32>} : memref<2x128x16xf32, #tpu.memory_space<vmem>>, vector<1x1x16xf32>,
      %mul3A_500 = arith.constant 16 : i32
      %mul3A_501 = arith.muli %scan3A_445, %mul3A_500 : i32
      %add3A_502 = arith.constant 1 : i32
      %add3A_503 = arith.addi %mul3A_501, %add3A_502 : i32
      %slice3A_504 = vector.extract_strided_slice %get3A_451 {offsets = [1], sizes = [1], strides = [1]} : vector<16xi32> to vector<1xi32>
      %squeeze3A_505 = vector.extract %slice3A_504[0] : i32 from vector<1xi32>
      %and3A_506 = arith.constant 15 : i32
      %and3A_507 = arith.andi %squeeze3A_505, %and3A_506 : i32
      %lt3A_508 = vector.broadcast %and3A_507 : i32 to vector<16xi32>
      %lt3A_509 = arith.cmpi slt, %iota3A_389, %lt3A_508 : vector<16xi32>
      %get3A_510 = arith.constant 0 : i32
      %get3A_511 = arith.index_cast %get3A_510 : i32 to index
      %get3A_512 = arith.index_cast %add3A_503 : i32 to index
      %get3A_513 = arith.constant 0 : index
      %get3A_514 = tpu.vector_load %arg8[%get3A_511, %get3A_512, %get3A_513] {strides = array<i32>} : memref<2x128x16xf32, #tpu.memory_space<vmem>>, vector<1x1x16xf32>,
      %get3A_515 = vector.shape_cast %get3A_514 : vector<1x1x16xf32> to vector<16xf32>
      %jit3A_516 = arith.constant 0.000000e+00 : f32
      %broadcast_in_dim3A_517 = vector.broadcast %jit3A_516 : f32 to vector<16xf32>
      %select_n3A_518 = arith.select %lt3A_509, %get3A_515, %broadcast_in_dim3A_517 : vector<16xi1>, vector<16xf32>
      %swap3A_519 = arith.constant 0 : i32
      %swap3A_520 = arith.index_cast %swap3A_519 : i32 to index
      %swap3A_521 = arith.index_cast %add3A_503 : i32 to index
      %swap3A_522 = arith.constant 0 : index
      %swap3A_523 = tpu.vector_load %arg8[%swap3A_520, %swap3A_521, %swap3A_522] {strides = array<i32>} : memref<2x128x16xf32, #tpu.memory_space<vmem>>, vector<1x1x16xf32>,
      %swap3A_524 = vector.shape_cast %swap3A_523 : vector<1x1x16xf32> to vector<16xf32>
      %swap3A_525 = vector.shape_cast %select_n3A_518 : vector<16xf32> to vector<1x1x16xf32>
      tpu.vector_store %arg8[%swap3A_520, %swap3A_521, %swap3A_522], %swap3A_525 {strides = array<i32>} : memref<2x128x16xf32, #tpu.memory_space<vmem>>, vector<1x1x16xf32>,
      %slice3A_526 = vector.extract_strided_slice %get3A_458 {offsets = [1], sizes = [1], strides = [1]} : vector<16xi32> to vector<1xi32>
      %squeeze3A_527 = vector.extract %slice3A_526[0] : i32 from vector<1xi32>
      %and3A_528 = arith.constant 15 : i32
      %and3A_529 = arith.andi %squeeze3A_527, %and3A_528 : i32
      %lt3A_530 = vector.broadcast %and3A_529 : i32 to vector<16xi32>
      %lt3A_531 = arith.cmpi slt, %iota3A_389, %lt3A_530 : vector<16xi32>
      %get3A_532 = arith.constant 1 : i32
      %get3A_533 = arith.index_cast %get3A_532 : i32 to index
      %get3A_534 = arith.index_cast %add3A_503 : i32 to index
      %get3A_535 = arith.constant 0 : index
      %get3A_536 = tpu.vector_load %arg8[%get3A_533, %get3A_534, %get3A_535] {strides = array<i32>} : memref<2x128x16xf32, #tpu.memory_space<vmem>>, vector<1x1x16xf32>,
      %get3A_537 = vector.shape_cast %get3A_536 : vector<1x1x16xf32> to vector<16xf32>
      %jit3A_538 = arith.constant 0.000000e+00 : f32
      %broadcast_in_dim3A_539 = vector.broadcast %jit3A_538 : f32 to vector<16xf32>
      %select_n3A_540 = arith.select %lt3A_531, %get3A_537, %broadcast_in_dim3A_539 : vector<16xi1>, vector<16xf32>
      %swap3A_541 = arith.constant 1 : i32
      %swap3A_542 = arith.index_cast %swap3A_541 : i32 to index
      %swap3A_543 = arith.index_cast %add3A_503 : i32 to index
      %swap3A_544 = arith.constant 0 : index
      %swap3A_545 = tpu.vector_load %arg8[%swap3A_542, %swap3A_543, %swap3A_544] {strides = array<i32>} : memref<2x128x16xf32, #tpu.memory_space<vmem>>, vector<1x1x16xf32>,
      %swap3A_546 = vector.shape_cast %swap3A_545 : vector<1x1x16xf32> to vector<16xf32>
      %swap3A_547 = vector.shape_cast %select_n3A_540 : vector<16xf32> to vector<1x1x16xf32>
      tpu.vector_store %arg8[%swap3A_542, %swap3A_543, %swap3A_544], %swap3A_547 {strides = array<i32>} : memref<2x128x16xf32, #tpu.memory_space<vmem>>, vector<1x1x16xf32>,
      %mul3A_548 = arith.constant 16 : i32
      %mul3A_549 = arith.muli %scan3A_445, %mul3A_548 : i32
      %add3A_550 = arith.constant 2 : i32
      %add3A_551 = arith.addi %mul3A_549, %add3A_550 : i32
      %slice3A_552 = vector.extract_strided_slice %get3A_451 {offsets = [2], sizes = [1], strides = [1]} : vector<16xi32> to vector<1xi32>
      %squeeze3A_553 = vector.extract %slice3A_552[0] : i32 from vector<1xi32>
      %and3A_554 = arith.constant 15 : i32
      %and3A_555 = arith.andi %squeeze3A_553, %and3A_554 : i32
      %lt3A_556 = vector.broadcast %and3A_555 : i32 to vector<16xi32>
      %lt3A_557 = arith.cmpi slt, %iota3A_389, %lt3A_556 : vector<16xi32>
      %get3A_558 = arith.constant 0 : i32
      %get3A_559 = arith.index_cast %get3A_558 : i32 to index
      %get3A_560 = arith.index_cast %add3A_551 : i32 to index
      %get3A_561 = arith.constant 0 : index
      %get3A_562 = tpu.vector_load %arg8[%get3A_559, %get3A_560, %get3A_561] {strides = array<i32>} : memref<2x128x16xf32, #tpu.memory_space<vmem>>, vector<1x1x16xf32>,
      %get3A_563 = vector.shape_cast %get3A_562 : vector<1x1x16xf32> to vector<16xf32>
      %jit3A_564 = arith.constant 0.000000e+00 : f32
      %broadcast_in_dim3A_565 = vector.broadcast %jit3A_564 : f32 to vector<16xf32>
      %select_n3A_566 = arith.select %lt3A_557, %get3A_563, %broadcast_in_dim3A_565 : vector<16xi1>, vector<16xf32>
      %swap3A_567 = arith.constant 0 : i32
      %swap3A_568 = arith.index_cast %swap3A_567 : i32 to index
      %swap3A_569 = arith.index_cast %add3A_551 : i32 to index
      %swap3A_570 = arith.constant 0 : index
      %swap3A_571 = tpu.vector_load %arg8[%swap3A_568, %swap3A_569, %swap3A_570] {strides = array<i32>} : memref<2x128x16xf32, #tpu.memory_space<vmem>>, vector<1x1x16xf32>,
      %swap3A_572 = vector.shape_cast %swap3A_571 : vector<1x1x16xf32> to vector<16xf32>
      %swap3A_573 = vector.shape_cast %select_n3A_566 : vector<16xf32> to vector<1x1x16xf32>
      tpu.vector_store %arg8[%swap3A_568, %swap3A_569, %swap3A_570], %swap3A_573 {strides = array<i32>} : memref<2x128x16xf32, #tpu.memory_space<vmem>>, vector<1x1x16xf32>,
      %slice3A_574 = vector.extract_strided_slice %get3A_458 {offsets = [2], sizes = [1], strides = [1]} : vector<16xi32> to vector<1xi32>
      %squeeze3A_575 = vector.extract %slice3A_574[0] : i32 from vector<1xi32>
      %and3A_576 = arith.constant 15 : i32
      %and3A_577 = arith.andi %squeeze3A_575, %and3A_576 : i32
      %lt3A_578 = vector.broadcast %and3A_577 : i32 to vector<16xi32>
      %lt3A_579 = arith.cmpi slt, %iota3A_389, %lt3A_578 : vector<16xi32>
      %get3A_580 = arith.constant 1 : i32
      %get3A_581 = arith.index_cast %get3A_580 : i32 to index
      %get3A_582 = arith.index_cast %add3A_551 : i32 to index
      %get3A_583 = arith.constant 0 : index
      %get3A_584 = tpu.vector_load %arg8[%get3A_581, %get3A_582, %get3A_583] {strides = array<i32>} : memref<2x128x16xf32, #tpu.memory_space<vmem>>, vector<1x1x16xf32>,
      %get3A_585 = vector.shape_cast %get3A_584 : vector<1x1x16xf32> to vector<16xf32>
      %jit3A_586 = arith.constant 0.000000e+00 : f32
      %broadcast_in_dim3A_587 = vector.broadcast %jit3A_586 : f32 to vector<16xf32>
      %select_n3A_588 = arith.select %lt3A_579, %get3A_585, %broadcast_in_dim3A_587 : vector<16xi1>, vector<16xf32>
      %swap3A_589 = arith.constant 1 : i32
      %swap3A_590 = arith.index_cast %swap3A_589 : i32 to index
      %swap3A_591 = arith.index_cast %add3A_551 : i32 to index
      %swap3A_592 = arith.constant 0 : index
      %swap3A_593 = tpu.vector_load %arg8[%swap3A_590, %swap3A_591, %swap3A_592] {strides = array<i32>} : memref<2x128x16xf32, #tpu.memory_space<vmem>>, vector<1x1x16xf32>,
      %swap3A_594 = vector.shape_cast %swap3A_593 : vector<1x1x16xf32> to vector<16xf32>
      %swap3A_595 = vector.shape_cast %select_n3A_588 : vector<16xf32> to vector<1x1x16xf32>
      tpu.vector_store %arg8[%swap3A_590, %swap3A_591, %swap3A_592], %swap3A_595 {strides = array<i32>} : memref<2x128x16xf32, #tpu.memory_space<vmem>>, vector<1x1x16xf32>,
      %mul3A_596 = arith.constant 16 : i32
      %mul3A_597 = arith.muli %scan3A_445, %mul3A_596 : i32
      %add3A_598 = arith.constant 3 : i32
      %add3A_599 = arith.addi %mul3A_597, %add3A_598 : i32
      %slice3A_600 = vector.extract_strided_slice %get3A_451 {offsets = [3], sizes = [1], strides = [1]} : vector<16xi32> to vector<1xi32>
      %squeeze3A_601 = vector.extract %slice3A_600[0] : i32 from vector<1xi32>
      %and3A_602 = arith.constant 15 : i32
      %and3A_603 = arith.andi %squeeze3A_601, %and3A_602 : i32
      %lt3A_604 = vector.broadcast %and3A_603 : i32 to vector<16xi32>
      %lt3A_605 = arith.cmpi slt, %iota3A_389, %lt3A_604 : vector<16xi32>
      %get3A_606 = arith.constant 0 : i32
      %get3A_607 = arith.index_cast %get3A_606 : i32 to index
      %get3A_608 = arith.index_cast %add3A_599 : i32 to index
      %get3A_609 = arith.constant 0 : index
      %get3A_610 = tpu.vector_load %arg8[%get3A_607, %get3A_608, %get3A_609] {strides = array<i32>} : memref<2x128x16xf32, #tpu.memory_space<vmem>>, vector<1x1x16xf32>,
      %get3A_611 = vector.shape_cast %get3A_610 : vector<1x1x16xf32> to vector<16xf32>
      %jit3A_612 = arith.constant 0.000000e+00 : f32
      %broadcast_in_dim3A_613 = vector.broadcast %jit3A_612 : f32 to vector<16xf32>
      %select_n3A_614 = arith.select %lt3A_605, %get3A_611, %broadcast_in_dim3A_613 : vector<16xi1>, vector<16xf32>
      %swap3A_615 = arith.constant 0 : i32
      %swap3A_616 = arith.index_cast %swap3A_615 : i32 to index
      %swap3A_617 = arith.index_cast %add3A_599 : i32 to index
      %swap3A_618 = arith.constant 0 : index
      %swap3A_619 = tpu.vector_load %arg8[%swap3A_616, %swap3A_617, %swap3A_618] {strides = array<i32>} : memref<2x128x16xf32, #tpu.memory_space<vmem>>, vector<1x1x16xf32>,
      %swap3A_620 = vector.shape_cast %swap3A_619 : vector<1x1x16xf32> to vector<16xf32>
      %swap3A_621 = vector.shape_cast %select_n3A_614 : vector<16xf32> to vector<1x1x16xf32>
      tpu.vector_store %arg8[%swap3A_616, %swap3A_617, %swap3A_618], %swap3A_621 {strides = array<i32>} : memref<2x128x16xf32, #tpu.memory_space<vmem>>, vector<1x1x16xf32>,
      %slice3A_622 = vector.extract_strided_slice %get3A_458 {offsets = [3], sizes = [1], strides = [1]} : vector<16xi32> to vector<1xi32>
      %squeeze3A_623 = vector.extract %slice3A_622[0] : i32 from vector<1xi32>
      %and3A_624 = arith.constant 15 : i32
      %and3A_625 = arith.andi %squeeze3A_623, %and3A_624 : i32
      %lt3A_626 = vector.broadcast %and3A_625 : i32 to vector<16xi32>
      %lt3A_627 = arith.cmpi slt, %iota3A_389, %lt3A_626 : vector<16xi32>
      %get3A_628 = arith.constant 1 : i32
      %get3A_629 = arith.index_cast %get3A_628 : i32 to index
      %get3A_630 = arith.index_cast %add3A_599 : i32 to index
      %get3A_631 = arith.constant 0 : index
      %get3A_632 = tpu.vector_load %arg8[%get3A_629, %get3A_630, %get3A_631] {strides = array<i32>} : memref<2x128x16xf32, #tpu.memory_space<vmem>>, vector<1x1x16xf32>,
      %get3A_633 = vector.shape_cast %get3A_632 : vector<1x1x16xf32> to vector<16xf32>
      %jit3A_634 = arith.constant 0.000000e+00 : f32
      %broadcast_in_dim3A_635 = vector.broadcast %jit3A_634 : f32 to vector<16xf32>
      %select_n3A_636 = arith.select %lt3A_627, %get3A_633, %broadcast_in_dim3A_635 : vector<16xi1>, vector<16xf32>
      %swap3A_637 = arith.constant 1 : i32
      %swap3A_638 = arith.index_cast %swap3A_637 : i32 to index
      %swap3A_639 = arith.index_cast %add3A_599 : i32 to index
      %swap3A_640 = arith.constant 0 : index
      %swap3A_641 = tpu.vector_load %arg8[%swap3A_638, %swap3A_639, %swap3A_640] {strides = array<i32>} : memref<2x128x16xf32, #tpu.memory_space<vmem>>, vector<1x1x16xf32>,
      %swap3A_642 = vector.shape_cast %swap3A_641 : vector<1x1x16xf32> to vector<16xf32>
      %swap3A_643 = vector.shape_cast %select_n3A_636 : vector<16xf32> to vector<1x1x16xf32>
      tpu.vector_store %arg8[%swap3A_638, %swap3A_639, %swap3A_640], %swap3A_643 {strides = array<i32>} : memref<2x128x16xf32, #tpu.memory_space<vmem>>, vector<1x1x16xf32>,
      %mul3A_644 = arith.constant 16 : i32
      %mul3A_645 = arith.muli %scan3A_445, %mul3A_644 : i32
      %add3A_646 = arith.constant 4 : i32
      %add3A_647 = arith.addi %mul3A_645, %add3A_646 : i32
      %slice3A_648 = vector.extract_strided_slice %get3A_451 {offsets = [4], sizes = [1], strides = [1]} : vector<16xi32> to vector<1xi32>
      %squeeze3A_649 = vector.extract %slice3A_648[0] : i32 from vector<1xi32>
      %and3A_650 = arith.constant 15 : i32
      %and3A_651 = arith.andi %squeeze3A_649, %and3A_650 : i32
      %lt3A_652 = vector.broadcast %and3A_651 : i32 to vector<16xi32>
      %lt3A_653 = arith.cmpi slt, %iota3A_389, %lt3A_652 : vector<16xi32>
      %get3A_654 = arith.constant 0 : i32
      %get3A_655 = arith.index_cast %get3A_654 : i32 to index
      %get3A_656 = arith.index_cast %add3A_647 : i32 to index
      %get3A_657 = arith.constant 0 : index
      %get3A_658 = tpu.vector_load %arg8[%get3A_655, %get3A_656, %get3A_657] {strides = array<i32>} : memref<2x128x16xf32, #tpu.memory_space<vmem>>, vector<1x1x16xf32>,
      %get3A_659 = vector.shape_cast %get3A_658 : vector<1x1x16xf32> to vector<16xf32>
      %jit3A_660 = arith.constant 0.000000e+00 : f32
      %broadcast_in_dim3A_661 = vector.broadcast %jit3A_660 : f32 to vector<16xf32>
      %select_n3A_662 = arith.select %lt3A_653, %get3A_659, %broadcast_in_dim3A_661 : vector<16xi1>, vector<16xf32>
      %swap3A_663 = arith.constant 0 : i32
      %swap3A_664 = arith.index_cast %swap3A_663 : i32 to index
      %swap3A_665 = arith.index_cast %add3A_647 : i32 to index
      %swap3A_666 = arith.constant 0 : index
      %swap3A_667 = tpu.vector_load %arg8[%swap3A_664, %swap3A_665, %swap3A_666] {strides = array<i32>} : memref<2x128x16xf32, #tpu.memory_space<vmem>>, vector<1x1x16xf32>,
      %swap3A_668 = vector.shape_cast %swap3A_667 : vector<1x1x16xf32> to vector<16xf32>
      %swap3A_669 = vector.shape_cast %select_n3A_662 : vector<16xf32> to vector<1x1x16xf32>
      tpu.vector_store %arg8[%swap3A_664, %swap3A_665, %swap3A_666], %swap3A_669 {strides = array<i32>} : memref<2x128x16xf32, #tpu.memory_space<vmem>>, vector<1x1x16xf32>,
      %slice3A_670 = vector.extract_strided_slice %get3A_458 {offsets = [4], sizes = [1], strides = [1]} : vector<16xi32> to vector<1xi32>
      %squeeze3A_671 = vector.extract %slice3A_670[0] : i32 from vector<1xi32>
      %and3A_672 = arith.constant 15 : i32
      %and3A_673 = arith.andi %squeeze3A_671, %and3A_672 : i32
      %lt3A_674 = vector.broadcast %and3A_673 : i32 to vector<16xi32>
      %lt3A_675 = arith.cmpi slt, %iota3A_389, %lt3A_674 : vector<16xi32>
      %get3A_676 = arith.constant 1 : i32
      %get3A_677 = arith.index_cast %get3A_676 : i32 to index
      %get3A_678 = arith.index_cast %add3A_647 : i32 to index
      %get3A_679 = arith.constant 0 : index
      %get3A_680 = tpu.vector_load %arg8[%get3A_677, %get3A_678, %get3A_679] {strides = array<i32>} : memref<2x128x16xf32, #tpu.memory_space<vmem>>, vector<1x1x16xf32>,
      %get3A_681 = vector.shape_cast %get3A_680 : vector<1x1x16xf32> to vector<16xf32>
      %jit3A_682 = arith.constant 0.000000e+00 : f32
      %broadcast_in_dim3A_683 = vector.broadcast %jit3A_682 : f32 to vector<16xf32>
      %select_n3A_684 = arith.select %lt3A_675, %get3A_681, %broadcast_in_dim3A_683 : vector<16xi1>, vector<16xf32>
      %swap3A_685 = arith.constant 1 : i32
      %swap3A_686 = arith.index_cast %swap3A_685 : i32 to index
      %swap3A_687 = arith.index_cast %add3A_647 : i32 to index
      %swap3A_688 = arith.constant 0 : index
      %swap3A_689 = tpu.vector_load %arg8[%swap3A_686, %swap3A_687, %swap3A_688] {strides = array<i32>} : memref<2x128x16xf32, #tpu.memory_space<vmem>>, vector<1x1x16xf32>,
      %swap3A_690 = vector.shape_cast %swap3A_689 : vector<1x1x16xf32> to vector<16xf32>
      %swap3A_691 = vector.shape_cast %select_n3A_684 : vector<16xf32> to vector<1x1x16xf32>
      tpu.vector_store %arg8[%swap3A_686, %swap3A_687, %swap3A_688], %swap3A_691 {strides = array<i32>} : memref<2x128x16xf32, #tpu.memory_space<vmem>>, vector<1x1x16xf32>,
      %mul3A_692 = arith.constant 16 : i32
      %mul3A_693 = arith.muli %scan3A_445, %mul3A_692 : i32
      %add3A_694 = arith.constant 5 : i32
      %add3A_695 = arith.addi %mul3A_693, %add3A_694 : i32
      %slice3A_696 = vector.extract_strided_slice %get3A_451 {offsets = [5], sizes = [1], strides = [1]} : vector<16xi32> to vector<1xi32>
      %squeeze3A_697 = vector.extract %slice3A_696[0] : i32 from vector<1xi32>
      %and3A_698 = arith.constant 15 : i32
      %and3A_699 = arith.andi %squeeze3A_697, %and3A_698 : i32
      %lt3A_700 = vector.broadcast %and3A_699 : i32 to vector<16xi32>
      %lt3A_701 = arith.cmpi slt, %iota3A_389, %lt3A_700 : vector<16xi32>
      %get3A_702 = arith.constant 0 : i32
      %get3A_703 = arith.index_cast %get3A_702 : i32 to index
      %get3A_704 = arith.index_cast %add3A_695 : i32 to index
      %get3A_705 = arith.constant 0 : index
      %get3A_706 = tpu.vector_load %arg8[%get3A_703, %get3A_704, %get3A_705] {strides = array<i32>} : memref<2x128x16xf32, #tpu.memory_space<vmem>>, vector<1x1x16xf32>,
      %get3A_707 = vector.shape_cast %get3A_706 : vector<1x1x16xf32> to vector<16xf32>
      %jit3A_708 = arith.constant 0.000000e+00 : f32
      %broadcast_in_dim3A_709 = vector.broadcast %jit3A_708 : f32 to vector<16xf32>
      %select_n3A_710 = arith.select %lt3A_701, %get3A_707, %broadcast_in_dim3A_709 : vector<16xi1>, vector<16xf32>
      %swap3A_711 = arith.constant 0 : i32
      %swap3A_712 = arith.index_cast %swap3A_711 : i32 to index
      %swap3A_713 = arith.index_cast %add3A_695 : i32 to index
      %swap3A_714 = arith.constant 0 : index
      %swap3A_715 = tpu.vector_load %arg8[%swap3A_712, %swap3A_713, %swap3A_714] {strides = array<i32>} : memref<2x128x16xf32, #tpu.memory_space<vmem>>, vector<1x1x16xf32>,
      %swap3A_716 = vector.shape_cast %swap3A_715 : vector<1x1x16xf32> to vector<16xf32>
      %swap3A_717 = vector.shape_cast %select_n3A_710 : vector<16xf32> to vector<1x1x16xf32>
      tpu.vector_store %arg8[%swap3A_712, %swap3A_713, %swap3A_714], %swap3A_717 {strides = array<i32>} : memref<2x128x16xf32, #tpu.memory_space<vmem>>, vector<1x1x16xf32>,
      %slice3A_718 = vector.extract_strided_slice %get3A_458 {offsets = [5], sizes = [1], strides = [1]} : vector<16xi32> to vector<1xi32>
      %squeeze3A_719 = vector.extract %slice3A_718[0] : i32 from vector<1xi32>
      %and3A_720 = arith.constant 15 : i32
      %and3A_721 = arith.andi %squeeze3A_719, %and3A_720 : i32
      %lt3A_722 = vector.broadcast %and3A_721 : i32 to vector<16xi32>
      %lt3A_723 = arith.cmpi slt, %iota3A_389, %lt3A_722 : vector<16xi32>
      %get3A_724 = arith.constant 1 : i32
      %get3A_725 = arith.index_cast %get3A_724 : i32 to index
      %get3A_726 = arith.index_cast %add3A_695 : i32 to index
      %get3A_727 = arith.constant 0 : index
      %get3A_728 = tpu.vector_load %arg8[%get3A_725, %get3A_726, %get3A_727] {strides = array<i32>} : memref<2x128x16xf32, #tpu.memory_space<vmem>>, vector<1x1x16xf32>,
      %get3A_729 = vector.shape_cast %get3A_728 : vector<1x1x16xf32> to vector<16xf32>
      %jit3A_730 = arith.constant 0.000000e+00 : f32
      %broadcast_in_dim3A_731 = vector.broadcast %jit3A_730 : f32 to vector<16xf32>
      %select_n3A_732 = arith.select %lt3A_723, %get3A_729, %broadcast_in_dim3A_731 : vector<16xi1>, vector<16xf32>
      %swap3A_733 = arith.constant 1 : i32
      %swap3A_734 = arith.index_cast %swap3A_733 : i32 to index
      %swap3A_735 = arith.index_cast %add3A_695 : i32 to index
      %swap3A_736 = arith.constant 0 : index
      %swap3A_737 = tpu.vector_load %arg8[%swap3A_734, %swap3A_735, %swap3A_736] {strides = array<i32>} : memref<2x128x16xf32, #tpu.memory_space<vmem>>, vector<1x1x16xf32>,
      %swap3A_738 = vector.shape_cast %swap3A_737 : vector<1x1x16xf32> to vector<16xf32>
      %swap3A_739 = vector.shape_cast %select_n3A_732 : vector<16xf32> to vector<1x1x16xf32>
      tpu.vector_store %arg8[%swap3A_734, %swap3A_735, %swap3A_736], %swap3A_739 {strides = array<i32>} : memref<2x128x16xf32, #tpu.memory_space<vmem>>, vector<1x1x16xf32>,
      %mul3A_740 = arith.constant 16 : i32
      %mul3A_741 = arith.muli %scan3A_445, %mul3A_740 : i32
      %add3A_742 = arith.constant 6 : i32
      %add3A_743 = arith.addi %mul3A_741, %add3A_742 : i32
      %slice3A_744 = vector.extract_strided_slice %get3A_451 {offsets = [6], sizes = [1], strides = [1]} : vector<16xi32> to vector<1xi32>
      %squeeze3A_745 = vector.extract %slice3A_744[0] : i32 from vector<1xi32>
      %and3A_746 = arith.constant 15 : i32
      %and3A_747 = arith.andi %squeeze3A_745, %and3A_746 : i32
      %lt3A_748 = vector.broadcast %and3A_747 : i32 to vector<16xi32>
      %lt3A_749 = arith.cmpi slt, %iota3A_389, %lt3A_748 : vector<16xi32>
      %get3A_750 = arith.constant 0 : i32
      %get3A_751 = arith.index_cast %get3A_750 : i32 to index
      %get3A_752 = arith.index_cast %add3A_743 : i32 to index
      %get3A_753 = arith.constant 0 : index
      %get3A_754 = tpu.vector_load %arg8[%get3A_751, %get3A_752, %get3A_753] {strides = array<i32>} : memref<2x128x16xf32, #tpu.memory_space<vmem>>, vector<1x1x16xf32>,
      %get3A_755 = vector.shape_cast %get3A_754 : vector<1x1x16xf32> to vector<16xf32>
      %jit3A_756 = arith.constant 0.000000e+00 : f32
      %broadcast_in_dim3A_757 = vector.broadcast %jit3A_756 : f32 to vector<16xf32>
      %select_n3A_758 = arith.select %lt3A_749, %get3A_755, %broadcast_in_dim3A_757 : vector<16xi1>, vector<16xf32>
      %swap3A_759 = arith.constant 0 : i32
      %swap3A_760 = arith.index_cast %swap3A_759 : i32 to index
      %swap3A_761 = arith.index_cast %add3A_743 : i32 to index
      %swap3A_762 = arith.constant 0 : index
      %swap3A_763 = tpu.vector_load %arg8[%swap3A_760, %swap3A_761, %swap3A_762] {strides = array<i32>} : memref<2x128x16xf32, #tpu.memory_space<vmem>>, vector<1x1x16xf32>,
      %swap3A_764 = vector.shape_cast %swap3A_763 : vector<1x1x16xf32> to vector<16xf32>
      %swap3A_765 = vector.shape_cast %select_n3A_758 : vector<16xf32> to vector<1x1x16xf32>
      tpu.vector_store %arg8[%swap3A_760, %swap3A_761, %swap3A_762], %swap3A_765 {strides = array<i32>} : memref<2x128x16xf32, #tpu.memory_space<vmem>>, vector<1x1x16xf32>,
      %slice3A_766 = vector.extract_strided_slice %get3A_458 {offsets = [6], sizes = [1], strides = [1]} : vector<16xi32> to vector<1xi32>
      %squeeze3A_767 = vector.extract %slice3A_766[0] : i32 from vector<1xi32>
      %and3A_768 = arith.constant 15 : i32
      %and3A_769 = arith.andi %squeeze3A_767, %and3A_768 : i32
      %lt3A_770 = vector.broadcast %and3A_769 : i32 to vector<16xi32>
      %lt3A_771 = arith.cmpi slt, %iota3A_389, %lt3A_770 : vector<16xi32>
      %get3A_772 = arith.constant 1 : i32
      %get3A_773 = arith.index_cast %get3A_772 : i32 to index
      %get3A_774 = arith.index_cast %add3A_743 : i32 to index
      %get3A_775 = arith.constant 0 : index
      %get3A_776 = tpu.vector_load %arg8[%get3A_773, %get3A_774, %get3A_775] {strides = array<i32>} : memref<2x128x16xf32, #tpu.memory_space<vmem>>, vector<1x1x16xf32>,
      %get3A_777 = vector.shape_cast %get3A_776 : vector<1x1x16xf32> to vector<16xf32>
      %jit3A_778 = arith.constant 0.000000e+00 : f32
      %broadcast_in_dim3A_779 = vector.broadcast %jit3A_778 : f32 to vector<16xf32>
      %select_n3A_780 = arith.select %lt3A_771, %get3A_777, %broadcast_in_dim3A_779 : vector<16xi1>, vector<16xf32>
      %swap3A_781 = arith.constant 1 : i32
      %swap3A_782 = arith.index_cast %swap3A_781 : i32 to index
      %swap3A_783 = arith.index_cast %add3A_743 : i32 to index
      %swap3A_784 = arith.constant 0 : index
      %swap3A_785 = tpu.vector_load %arg8[%swap3A_782, %swap3A_783, %swap3A_784] {strides = array<i32>} : memref<2x128x16xf32, #tpu.memory_space<vmem>>, vector<1x1x16xf32>,
      %swap3A_786 = vector.shape_cast %swap3A_785 : vector<1x1x16xf32> to vector<16xf32>
      %swap3A_787 = vector.shape_cast %select_n3A_780 : vector<16xf32> to vector<1x1x16xf32>
      tpu.vector_store %arg8[%swap3A_782, %swap3A_783, %swap3A_784], %swap3A_787 {strides = array<i32>} : memref<2x128x16xf32, #tpu.memory_space<vmem>>, vector<1x1x16xf32>,
      %mul3A_788 = arith.constant 16 : i32
      %mul3A_789 = arith.muli %scan3A_445, %mul3A_788 : i32
      %add3A_790 = arith.constant 7 : i32
      %add3A_791 = arith.addi %mul3A_789, %add3A_790 : i32
      %slice3A_792 = vector.extract_strided_slice %get3A_451 {offsets = [7], sizes = [1], strides = [1]} : vector<16xi32> to vector<1xi32>
      %squeeze3A_793 = vector.extract %slice3A_792[0] : i32 from vector<1xi32>
      %and3A_794 = arith.constant 15 : i32
      %and3A_795 = arith.andi %squeeze3A_793, %and3A_794 : i32
      %lt3A_796 = vector.broadcast %and3A_795 : i32 to vector<16xi32>
      %lt3A_797 = arith.cmpi slt, %iota3A_389, %lt3A_796 : vector<16xi32>
      %get3A_798 = arith.constant 0 : i32
      %get3A_799 = arith.index_cast %get3A_798 : i32 to index
      %get3A_800 = arith.index_cast %add3A_791 : i32 to index
      %get3A_801 = arith.constant 0 : index
      %get3A_802 = tpu.vector_load %arg8[%get3A_799, %get3A_800, %get3A_801] {strides = array<i32>} : memref<2x128x16xf32, #tpu.memory_space<vmem>>, vector<1x1x16xf32>,
      %get3A_803 = vector.shape_cast %get3A_802 : vector<1x1x16xf32> to vector<16xf32>
      %jit3A_804 = arith.constant 0.000000e+00 : f32
      %broadcast_in_dim3A_805 = vector.broadcast %jit3A_804 : f32 to vector<16xf32>
      %select_n3A_806 = arith.select %lt3A_797, %get3A_803, %broadcast_in_dim3A_805 : vector<16xi1>, vector<16xf32>
      %swap3A_807 = arith.constant 0 : i32
      %swap3A_808 = arith.index_cast %swap3A_807 : i32 to index
      %swap3A_809 = arith.index_cast %add3A_791 : i32 to index
      %swap3A_810 = arith.constant 0 : index
      %swap3A_811 = tpu.vector_load %arg8[%swap3A_808, %swap3A_809, %swap3A_810] {strides = array<i32>} : memref<2x128x16xf32, #tpu.memory_space<vmem>>, vector<1x1x16xf32>,
      %swap3A_812 = vector.shape_cast %swap3A_811 : vector<1x1x16xf32> to vector<16xf32>
      %swap3A_813 = vector.shape_cast %select_n3A_806 : vector<16xf32> to vector<1x1x16xf32>
      tpu.vector_store %arg8[%swap3A_808, %swap3A_809, %swap3A_810], %swap3A_813 {strides = array<i32>} : memref<2x128x16xf32, #tpu.memory_space<vmem>>, vector<1x1x16xf32>,
      %slice3A_814 = vector.extract_strided_slice %get3A_458 {offsets = [7], sizes = [1], strides = [1]} : vector<16xi32> to vector<1xi32>
      %squeeze3A_815 = vector.extract %slice3A_814[0] : i32 from vector<1xi32>
      %and3A_816 = arith.constant 15 : i32
      %and3A_817 = arith.andi %squeeze3A_815, %and3A_816 : i32
      %lt3A_818 = vector.broadcast %and3A_817 : i32 to vector<16xi32>
      %lt3A_819 = arith.cmpi slt, %iota3A_389, %lt3A_818 : vector<16xi32>
      %get3A_820 = arith.constant 1 : i32
      %get3A_821 = arith.index_cast %get3A_820 : i32 to index
      %get3A_822 = arith.index_cast %add3A_791 : i32 to index
      %get3A_823 = arith.constant 0 : index
      %get3A_824 = tpu.vector_load %arg8[%get3A_821, %get3A_822, %get3A_823] {strides = array<i32>} : memref<2x128x16xf32, #tpu.memory_space<vmem>>, vector<1x1x16xf32>,
      %get3A_825 = vector.shape_cast %get3A_824 : vector<1x1x16xf32> to vector<16xf32>
      %jit3A_826 = arith.constant 0.000000e+00 : f32
      %broadcast_in_dim3A_827 = vector.broadcast %jit3A_826 : f32 to vector<16xf32>
      %select_n3A_828 = arith.select %lt3A_819, %get3A_825, %broadcast_in_dim3A_827 : vector<16xi1>, vector<16xf32>
      %swap3A_829 = arith.constant 1 : i32
      %swap3A_830 = arith.index_cast %swap3A_829 : i32 to index
      %swap3A_831 = arith.index_cast %add3A_791 : i32 to index
      %swap3A_832 = arith.constant 0 : index
      %swap3A_833 = tpu.vector_load %arg8[%swap3A_830, %swap3A_831, %swap3A_832] {strides = array<i32>} : memref<2x128x16xf32, #tpu.memory_space<vmem>>, vector<1x1x16xf32>,
      %swap3A_834 = vector.shape_cast %swap3A_833 : vector<1x1x16xf32> to vector<16xf32>
      %swap3A_835 = vector.shape_cast %select_n3A_828 : vector<16xf32> to vector<1x1x16xf32>
      tpu.vector_store %arg8[%swap3A_830, %swap3A_831, %swap3A_832], %swap3A_835 {strides = array<i32>} : memref<2x128x16xf32, #tpu.memory_space<vmem>>, vector<1x1x16xf32>,
      %mul3A_836 = arith.constant 16 : i32
      %mul3A_837 = arith.muli %scan3A_445, %mul3A_836 : i32
      %add3A_838 = arith.constant 8 : i32
      %add3A_839 = arith.addi %mul3A_837, %add3A_838 : i32
      %slice3A_840 = vector.extract_strided_slice %get3A_451 {offsets = [8], sizes = [1], strides = [1]} : vector<16xi32> to vector<1xi32>
      %squeeze3A_841 = vector.extract %slice3A_840[0] : i32 from vector<1xi32>
      %and3A_842 = arith.constant 15 : i32
      %and3A_843 = arith.andi %squeeze3A_841, %and3A_842 : i32
      %lt3A_844 = vector.broadcast %and3A_843 : i32 to vector<16xi32>
      %lt3A_845 = arith.cmpi slt, %iota3A_389, %lt3A_844 : vector<16xi32>
      %get3A_846 = arith.constant 0 : i32
      %get3A_847 = arith.index_cast %get3A_846 : i32 to index
      %get3A_848 = arith.index_cast %add3A_839 : i32 to index
      %get3A_849 = arith.constant 0 : index
      %get3A_850 = tpu.vector_load %arg8[%get3A_847, %get3A_848, %get3A_849] {strides = array<i32>} : memref<2x128x16xf32, #tpu.memory_space<vmem>>, vector<1x1x16xf32>,
      %get3A_851 = vector.shape_cast %get3A_850 : vector<1x1x16xf32> to vector<16xf32>
      %jit3A_852 = arith.constant 0.000000e+00 : f32
      %broadcast_in_dim3A_853 = vector.broadcast %jit3A_852 : f32 to vector<16xf32>
      %select_n3A_854 = arith.select %lt3A_845, %get3A_851, %broadcast_in_dim3A_853 : vector<16xi1>, vector<16xf32>
      %swap3A_855 = arith.constant 0 : i32
      %swap3A_856 = arith.index_cast %swap3A_855 : i32 to index
      %swap3A_857 = arith.index_cast %add3A_839 : i32 to index
      %swap3A_858 = arith.constant 0 : index
      %swap3A_859 = tpu.vector_load %arg8[%swap3A_856, %swap3A_857, %swap3A_858] {strides = array<i32>} : memref<2x128x16xf32, #tpu.memory_space<vmem>>, vector<1x1x16xf32>,
      %swap3A_860 = vector.shape_cast %swap3A_859 : vector<1x1x16xf32> to vector<16xf32>
      %swap3A_861 = vector.shape_cast %select_n3A_854 : vector<16xf32> to vector<1x1x16xf32>
      tpu.vector_store %arg8[%swap3A_856, %swap3A_857, %swap3A_858], %swap3A_861 {strides = array<i32>} : memref<2x128x16xf32, #tpu.memory_space<vmem>>, vector<1x1x16xf32>,
      %slice3A_862 = vector.extract_strided_slice %get3A_458 {offsets = [8], sizes = [1], strides = [1]} : vector<16xi32> to vector<1xi32>
      %squeeze3A_863 = vector.extract %slice3A_862[0] : i32 from vector<1xi32>
      %and3A_864 = arith.constant 15 : i32
      %and3A_865 = arith.andi %squeeze3A_863, %and3A_864 : i32
      %lt3A_866 = vector.broadcast %and3A_865 : i32 to vector<16xi32>
      %lt3A_867 = arith.cmpi slt, %iota3A_389, %lt3A_866 : vector<16xi32>
      %get3A_868 = arith.constant 1 : i32
      %get3A_869 = arith.index_cast %get3A_868 : i32 to index
      %get3A_870 = arith.index_cast %add3A_839 : i32 to index
      %get3A_871 = arith.constant 0 : index
      %get3A_872 = tpu.vector_load %arg8[%get3A_869, %get3A_870, %get3A_871] {strides = array<i32>} : memref<2x128x16xf32, #tpu.memory_space<vmem>>, vector<1x1x16xf32>,
      %get3A_873 = vector.shape_cast %get3A_872 : vector<1x1x16xf32> to vector<16xf32>
      %jit3A_874 = arith.constant 0.000000e+00 : f32
      %broadcast_in_dim3A_875 = vector.broadcast %jit3A_874 : f32 to vector<16xf32>
      %select_n3A_876 = arith.select %lt3A_867, %get3A_873, %broadcast_in_dim3A_875 : vector<16xi1>, vector<16xf32>
      %swap3A_877 = arith.constant 1 : i32
      %swap3A_878 = arith.index_cast %swap3A_877 : i32 to index
      %swap3A_879 = arith.index_cast %add3A_839 : i32 to index
      %swap3A_880 = arith.constant 0 : index
      %swap3A_881 = tpu.vector_load %arg8[%swap3A_878, %swap3A_879, %swap3A_880] {strides = array<i32>} : memref<2x128x16xf32, #tpu.memory_space<vmem>>, vector<1x1x16xf32>,
      %swap3A_882 = vector.shape_cast %swap3A_881 : vector<1x1x16xf32> to vector<16xf32>
      %swap3A_883 = vector.shape_cast %select_n3A_876 : vector<16xf32> to vector<1x1x16xf32>
      tpu.vector_store %arg8[%swap3A_878, %swap3A_879, %swap3A_880], %swap3A_883 {strides = array<i32>} : memref<2x128x16xf32, #tpu.memory_space<vmem>>, vector<1x1x16xf32>,
      %mul3A_884 = arith.constant 16 : i32
      %mul3A_885 = arith.muli %scan3A_445, %mul3A_884 : i32
      %add3A_886 = arith.constant 9 : i32
      %add3A_887 = arith.addi %mul3A_885, %add3A_886 : i32
      %slice3A_888 = vector.extract_strided_slice %get3A_451 {offsets = [9], sizes = [1], strides = [1]} : vector<16xi32> to vector<1xi32>
      %squeeze3A_889 = vector.extract %slice3A_888[0] : i32 from vector<1xi32>
      %and3A_890 = arith.constant 15 : i32
      %and3A_891 = arith.andi %squeeze3A_889, %and3A_890 : i32
      %lt3A_892 = vector.broadcast %and3A_891 : i32 to vector<16xi32>
      %lt3A_893 = arith.cmpi slt, %iota3A_389, %lt3A_892 : vector<16xi32>
      %get3A_894 = arith.constant 0 : i32
      %get3A_895 = arith.index_cast %get3A_894 : i32 to index
      %get3A_896 = arith.index_cast %add3A_887 : i32 to index
      %get3A_897 = arith.constant 0 : index
      %get3A_898 = tpu.vector_load %arg8[%get3A_895, %get3A_896, %get3A_897] {strides = array<i32>} : memref<2x128x16xf32, #tpu.memory_space<vmem>>, vector<1x1x16xf32>,
      %get3A_899 = vector.shape_cast %get3A_898 : vector<1x1x16xf32> to vector<16xf32>
      %jit3A_900 = arith.constant 0.000000e+00 : f32
      %broadcast_in_dim3A_901 = vector.broadcast %jit3A_900 : f32 to vector<16xf32>
      %select_n3A_902 = arith.select %lt3A_893, %get3A_899, %broadcast_in_dim3A_901 : vector<16xi1>, vector<16xf32>
      %swap3A_903 = arith.constant 0 : i32
      %swap3A_904 = arith.index_cast %swap3A_903 : i32 to index
      %swap3A_905 = arith.index_cast %add3A_887 : i32 to index
      %swap3A_906 = arith.constant 0 : index
      %swap3A_907 = tpu.vector_load %arg8[%swap3A_904, %swap3A_905, %swap3A_906] {strides = array<i32>} : memref<2x128x16xf32, #tpu.memory_space<vmem>>, vector<1x1x16xf32>,
      %swap3A_908 = vector.shape_cast %swap3A_907 : vector<1x1x16xf32> to vector<16xf32>
      %swap3A_909 = vector.shape_cast %select_n3A_902 : vector<16xf32> to vector<1x1x16xf32>
      tpu.vector_store %arg8[%swap3A_904, %swap3A_905, %swap3A_906], %swap3A_909 {strides = array<i32>} : memref<2x128x16xf32, #tpu.memory_space<vmem>>, vector<1x1x16xf32>,
      %slice3A_910 = vector.extract_strided_slice %get3A_458 {offsets = [9], sizes = [1], strides = [1]} : vector<16xi32> to vector<1xi32>
      %squeeze3A_911 = vector.extract %slice3A_910[0] : i32 from vector<1xi32>
      %and3A_912 = arith.constant 15 : i32
      %and3A_913 = arith.andi %squeeze3A_911, %and3A_912 : i32
      %lt3A_914 = vector.broadcast %and3A_913 : i32 to vector<16xi32>
      %lt3A_915 = arith.cmpi slt, %iota3A_389, %lt3A_914 : vector<16xi32>
      %get3A_916 = arith.constant 1 : i32
      %get3A_917 = arith.index_cast %get3A_916 : i32 to index
      %get3A_918 = arith.index_cast %add3A_887 : i32 to index
      %get3A_919 = arith.constant 0 : index
      %get3A_920 = tpu.vector_load %arg8[%get3A_917, %get3A_918, %get3A_919] {strides = array<i32>} : memref<2x128x16xf32, #tpu.memory_space<vmem>>, vector<1x1x16xf32>,
      %get3A_921 = vector.shape_cast %get3A_920 : vector<1x1x16xf32> to vector<16xf32>
      %jit3A_922 = arith.constant 0.000000e+00 : f32
      %broadcast_in_dim3A_923 = vector.broadcast %jit3A_922 : f32 to vector<16xf32>
      %select_n3A_924 = arith.select %lt3A_915, %get3A_921, %broadcast_in_dim3A_923 : vector<16xi1>, vector<16xf32>
      %swap3A_925 = arith.constant 1 : i32
      %swap3A_926 = arith.index_cast %swap3A_925 : i32 to index
      %swap3A_927 = arith.index_cast %add3A_887 : i32 to index
      %swap3A_928 = arith.constant 0 : index
      %swap3A_929 = tpu.vector_load %arg8[%swap3A_926, %swap3A_927, %swap3A_928] {strides = array<i32>} : memref<2x128x16xf32, #tpu.memory_space<vmem>>, vector<1x1x16xf32>,
      %swap3A_930 = vector.shape_cast %swap3A_929 : vector<1x1x16xf32> to vector<16xf32>
      %swap3A_931 = vector.shape_cast %select_n3A_924 : vector<16xf32> to vector<1x1x16xf32>
      tpu.vector_store %arg8[%swap3A_926, %swap3A_927, %swap3A_928], %swap3A_931 {strides = array<i32>} : memref<2x128x16xf32, #tpu.memory_space<vmem>>, vector<1x1x16xf32>,
      %mul3A_932 = arith.constant 16 : i32
      %mul3A_933 = arith.muli %scan3A_445, %mul3A_932 : i32
      %add3A_934 = arith.constant 10 : i32
      %add3A_935 = arith.addi %mul3A_933, %add3A_934 : i32
      %slice3A_936 = vector.extract_strided_slice %get3A_451 {offsets = [10], sizes = [1], strides = [1]} : vector<16xi32> to vector<1xi32>
      %squeeze3A_937 = vector.extract %slice3A_936[0] : i32 from vector<1xi32>
      %and3A_938 = arith.constant 15 : i32
      %and3A_939 = arith.andi %squeeze3A_937, %and3A_938 : i32
      %lt3A_940 = vector.broadcast %and3A_939 : i32 to vector<16xi32>
      %lt3A_941 = arith.cmpi slt, %iota3A_389, %lt3A_940 : vector<16xi32>
      %get3A_942 = arith.constant 0 : i32
      %get3A_943 = arith.index_cast %get3A_942 : i32 to index
      %get3A_944 = arith.index_cast %add3A_935 : i32 to index
      %get3A_945 = arith.constant 0 : index
      %get3A_946 = tpu.vector_load %arg8[%get3A_943, %get3A_944, %get3A_945] {strides = array<i32>} : memref<2x128x16xf32, #tpu.memory_space<vmem>>, vector<1x1x16xf32>,
      %get3A_947 = vector.shape_cast %get3A_946 : vector<1x1x16xf32> to vector<16xf32>
      %jit3A_948 = arith.constant 0.000000e+00 : f32
      %broadcast_in_dim3A_949 = vector.broadcast %jit3A_948 : f32 to vector<16xf32>
      %select_n3A_950 = arith.select %lt3A_941, %get3A_947, %broadcast_in_dim3A_949 : vector<16xi1>, vector<16xf32>
      %swap3A_951 = arith.constant 0 : i32
      %swap3A_952 = arith.index_cast %swap3A_951 : i32 to index
      %swap3A_953 = arith.index_cast %add3A_935 : i32 to index
      %swap3A_954 = arith.constant 0 : index
      %swap3A_955 = tpu.vector_load %arg8[%swap3A_952, %swap3A_953, %swap3A_954] {strides = array<i32>} : memref<2x128x16xf32, #tpu.memory_space<vmem>>, vector<1x1x16xf32>,
      %swap3A_956 = vector.shape_cast %swap3A_955 : vector<1x1x16xf32> to vector<16xf32>
      %swap3A_957 = vector.shape_cast %select_n3A_950 : vector<16xf32> to vector<1x1x16xf32>
      tpu.vector_store %arg8[%swap3A_952, %swap3A_953, %swap3A_954], %swap3A_957 {strides = array<i32>} : memref<2x128x16xf32, #tpu.memory_space<vmem>>, vector<1x1x16xf32>,
      %slice3A_958 = vector.extract_strided_slice %get3A_458 {offsets = [10], sizes = [1], strides = [1]} : vector<16xi32> to vector<1xi32>
      %squeeze3A_959 = vector.extract %slice3A_958[0] : i32 from vector<1xi32>
      %and3A_960 = arith.constant 15 : i32
      %and3A_961 = arith.andi %squeeze3A_959, %and3A_960 : i32
      %lt3A_962 = vector.broadcast %and3A_961 : i32 to vector<16xi32>
      %lt3A_963 = arith.cmpi slt, %iota3A_389, %lt3A_962 : vector<16xi32>
      %get3A_964 = arith.constant 1 : i32
      %get3A_965 = arith.index_cast %get3A_964 : i32 to index
      %get3A_966 = arith.index_cast %add3A_935 : i32 to index
      %get3A_967 = arith.constant 0 : index
      %get3A_968 = tpu.vector_load %arg8[%get3A_965, %get3A_966, %get3A_967] {strides = array<i32>} : memref<2x128x16xf32, #tpu.memory_space<vmem>>, vector<1x1x16xf32>,
      %get3A_969 = vector.shape_cast %get3A_968 : vector<1x1x16xf32> to vector<16xf32>
      %jit3A_970 = arith.constant 0.000000e+00 : f32
      %broadcast_in_dim3A_971 = vector.broadcast %jit3A_970 : f32 to vector<16xf32>
      %select_n3A_972 = arith.select %lt3A_963, %get3A_969, %broadcast_in_dim3A_971 : vector<16xi1>, vector<16xf32>
      %swap3A_973 = arith.constant 1 : i32
      %swap3A_974 = arith.index_cast %swap3A_973 : i32 to index
      %swap3A_975 = arith.index_cast %add3A_935 : i32 to index
      %swap3A_976 = arith.constant 0 : index
      %swap3A_977 = tpu.vector_load %arg8[%swap3A_974, %swap3A_975, %swap3A_976] {strides = array<i32>} : memref<2x128x16xf32, #tpu.memory_space<vmem>>, vector<1x1x16xf32>,
      %swap3A_978 = vector.shape_cast %swap3A_977 : vector<1x1x16xf32> to vector<16xf32>
      %swap3A_979 = vector.shape_cast %select_n3A_972 : vector<16xf32> to vector<1x1x16xf32>
      tpu.vector_store %arg8[%swap3A_974, %swap3A_975, %swap3A_976], %swap3A_979 {strides = array<i32>} : memref<2x128x16xf32, #tpu.memory_space<vmem>>, vector<1x1x16xf32>,
      %mul3A_980 = arith.constant 16 : i32
      %mul3A_981 = arith.muli %scan3A_445, %mul3A_980 : i32
      %add3A_982 = arith.constant 11 : i32
      %add3A_983 = arith.addi %mul3A_981, %add3A_982 : i32
      %slice3A_984 = vector.extract_strided_slice %get3A_451 {offsets = [11], sizes = [1], strides = [1]} : vector<16xi32> to vector<1xi32>
      %squeeze3A_985 = vector.extract %slice3A_984[0] : i32 from vector<1xi32>
      %and3A_986 = arith.constant 15 : i32
      %and3A_987 = arith.andi %squeeze3A_985, %and3A_986 : i32
      %lt3A_988 = vector.broadcast %and3A_987 : i32 to vector<16xi32>
      %lt3A_989 = arith.cmpi slt, %iota3A_389, %lt3A_988 : vector<16xi32>
      %get3A_990 = arith.constant 0 : i32
      %get3A_991 = arith.index_cast %get3A_990 : i32 to index
      %get3A_992 = arith.index_cast %add3A_983 : i32 to index
      %get3A_993 = arith.constant 0 : index
      %get3A_994 = tpu.vector_load %arg8[%get3A_991, %get3A_992, %get3A_993] {strides = array<i32>} : memref<2x128x16xf32, #tpu.memory_space<vmem>>, vector<1x1x16xf32>,
      %get3A_995 = vector.shape_cast %get3A_994 : vector<1x1x16xf32> to vector<16xf32>
      %jit3A_996 = arith.constant 0.000000e+00 : f32
      %broadcast_in_dim3A_997 = vector.broadcast %jit3A_996 : f32 to vector<16xf32>
      %select_n3A_998 = arith.select %lt3A_989, %get3A_995, %broadcast_in_dim3A_997 : vector<16xi1>, vector<16xf32>
      %swap3A_999 = arith.constant 0 : i32
      %swap3A_1000 = arith.index_cast %swap3A_999 : i32 to index
      %swap3A_1001 = arith.index_cast %add3A_983 : i32 to index
      %swap3A_1002 = arith.constant 0 : index
      %swap3A_1003 = tpu.vector_load %arg8[%swap3A_1000, %swap3A_1001, %swap3A_1002] {strides = array<i32>} : memref<2x128x16xf32, #tpu.memory_space<vmem>>, vector<1x1x16xf32>,
      %swap3A_1004 = vector.shape_cast %swap3A_1003 : vector<1x1x16xf32> to vector<16xf32>
      %swap3A_1005 = vector.shape_cast %select_n3A_998 : vector<16xf32> to vector<1x1x16xf32>
      tpu.vector_store %arg8[%swap3A_1000, %swap3A_1001, %swap3A_1002], %swap3A_1005 {strides = array<i32>} : memref<2x128x16xf32, #tpu.memory_space<vmem>>, vector<1x1x16xf32>,
      %slice3A_1006 = vector.extract_strided_slice %get3A_458 {offsets = [11], sizes = [1], strides = [1]} : vector<16xi32> to vector<1xi32>
      %squeeze3A_1007 = vector.extract %slice3A_1006[0] : i32 from vector<1xi32>
      %and3A_1008 = arith.constant 15 : i32
      %and3A_1009 = arith.andi %squeeze3A_1007, %and3A_1008 : i32
      %lt3A_1010 = vector.broadcast %and3A_1009 : i32 to vector<16xi32>
      %lt3A_1011 = arith.cmpi slt, %iota3A_389, %lt3A_1010 : vector<16xi32>
      %get3A_1012 = arith.constant 1 : i32
      %get3A_1013 = arith.index_cast %get3A_1012 : i32 to index
      %get3A_1014 = arith.index_cast %add3A_983 : i32 to index
      %get3A_1015 = arith.constant 0 : index
      %get3A_1016 = tpu.vector_load %arg8[%get3A_1013, %get3A_1014, %get3A_1015] {strides = array<i32>} : memref<2x128x16xf32, #tpu.memory_space<vmem>>, vector<1x1x16xf32>,
      %get3A_1017 = vector.shape_cast %get3A_1016 : vector<1x1x16xf32> to vector<16xf32>
      %jit3A_1018 = arith.constant 0.000000e+00 : f32
      %broadcast_in_dim3A_1019 = vector.broadcast %jit3A_1018 : f32 to vector<16xf32>
      %select_n3A_1020 = arith.select %lt3A_1011, %get3A_1017, %broadcast_in_dim3A_1019 : vector<16xi1>, vector<16xf32>
      %swap3A_1021 = arith.constant 1 : i32
      %swap3A_1022 = arith.index_cast %swap3A_1021 : i32 to index
      %swap3A_1023 = arith.index_cast %add3A_983 : i32 to index
      %swap3A_1024 = arith.constant 0 : index
      %swap3A_1025 = tpu.vector_load %arg8[%swap3A_1022, %swap3A_1023, %swap3A_1024] {strides = array<i32>} : memref<2x128x16xf32, #tpu.memory_space<vmem>>, vector<1x1x16xf32>,
      %swap3A_1026 = vector.shape_cast %swap3A_1025 : vector<1x1x16xf32> to vector<16xf32>
      %swap3A_1027 = vector.shape_cast %select_n3A_1020 : vector<16xf32> to vector<1x1x16xf32>
      tpu.vector_store %arg8[%swap3A_1022, %swap3A_1023, %swap3A_1024], %swap3A_1027 {strides = array<i32>} : memref<2x128x16xf32, #tpu.memory_space<vmem>>, vector<1x1x16xf32>,
      %mul3A_1028 = arith.constant 16 : i32
      %mul3A_1029 = arith.muli %scan3A_445, %mul3A_1028 : i32
      %add3A_1030 = arith.constant 12 : i32
      %add3A_1031 = arith.addi %mul3A_1029, %add3A_1030 : i32
      %slice3A_1032 = vector.extract_strided_slice %get3A_451 {offsets = [12], sizes = [1], strides = [1]} : vector<16xi32> to vector<1xi32>
      %squeeze3A_1033 = vector.extract %slice3A_1032[0] : i32 from vector<1xi32>
      %and3A_1034 = arith.constant 15 : i32
      %and3A_1035 = arith.andi %squeeze3A_1033, %and3A_1034 : i32
      %lt3A_1036 = vector.broadcast %and3A_1035 : i32 to vector<16xi32>
      %lt3A_1037 = arith.cmpi slt, %iota3A_389, %lt3A_1036 : vector<16xi32>
      %get3A_1038 = arith.constant 0 : i32
      %get3A_1039 = arith.index_cast %get3A_1038 : i32 to index
      %get3A_1040 = arith.index_cast %add3A_1031 : i32 to index
      %get3A_1041 = arith.constant 0 : index
      %get3A_1042 = tpu.vector_load %arg8[%get3A_1039, %get3A_1040, %get3A_1041] {strides = array<i32>} : memref<2x128x16xf32, #tpu.memory_space<vmem>>, vector<1x1x16xf32>,
      %get3A_1043 = vector.shape_cast %get3A_1042 : vector<1x1x16xf32> to vector<16xf32>
      %jit3A_1044 = arith.constant 0.000000e+00 : f32
      %broadcast_in_dim3A_1045 = vector.broadcast %jit3A_1044 : f32 to vector<16xf32>
      %select_n3A_1046 = arith.select %lt3A_1037, %get3A_1043, %broadcast_in_dim3A_1045 : vector<16xi1>, vector<16xf32>
      %swap3A_1047 = arith.constant 0 : i32
      %swap3A_1048 = arith.index_cast %swap3A_1047 : i32 to index
      %swap3A_1049 = arith.index_cast %add3A_1031 : i32 to index
      %swap3A_1050 = arith.constant 0 : index
      %swap3A_1051 = tpu.vector_load %arg8[%swap3A_1048, %swap3A_1049, %swap3A_1050] {strides = array<i32>} : memref<2x128x16xf32, #tpu.memory_space<vmem>>, vector<1x1x16xf32>,
      %swap3A_1052 = vector.shape_cast %swap3A_1051 : vector<1x1x16xf32> to vector<16xf32>
      %swap3A_1053 = vector.shape_cast %select_n3A_1046 : vector<16xf32> to vector<1x1x16xf32>
      tpu.vector_store %arg8[%swap3A_1048, %swap3A_1049, %swap3A_1050], %swap3A_1053 {strides = array<i32>} : memref<2x128x16xf32, #tpu.memory_space<vmem>>, vector<1x1x16xf32>,
      %slice3A_1054 = vector.extract_strided_slice %get3A_458 {offsets = [12], sizes = [1], strides = [1]} : vector<16xi32> to vector<1xi32>
      %squeeze3A_1055 = vector.extract %slice3A_1054[0] : i32 from vector<1xi32>
      %and3A_1056 = arith.constant 15 : i32
      %and3A_1057 = arith.andi %squeeze3A_1055, %and3A_1056 : i32
      %lt3A_1058 = vector.broadcast %and3A_1057 : i32 to vector<16xi32>
      %lt3A_1059 = arith.cmpi slt, %iota3A_389, %lt3A_1058 : vector<16xi32>
      %get3A_1060 = arith.constant 1 : i32
      %get3A_1061 = arith.index_cast %get3A_1060 : i32 to index
      %get3A_1062 = arith.index_cast %add3A_1031 : i32 to index
      %get3A_1063 = arith.constant 0 : index
      %get3A_1064 = tpu.vector_load %arg8[%get3A_1061, %get3A_1062, %get3A_1063] {strides = array<i32>} : memref<2x128x16xf32, #tpu.memory_space<vmem>>, vector<1x1x16xf32>,
      %get3A_1065 = vector.shape_cast %get3A_1064 : vector<1x1x16xf32> to vector<16xf32>
      %jit3A_1066 = arith.constant 0.000000e+00 : f32
      %broadcast_in_dim3A_1067 = vector.broadcast %jit3A_1066 : f32 to vector<16xf32>
      %select_n3A_1068 = arith.select %lt3A_1059, %get3A_1065, %broadcast_in_dim3A_1067 : vector<16xi1>, vector<16xf32>
      %swap3A_1069 = arith.constant 1 : i32
      %swap3A_1070 = arith.index_cast %swap3A_1069 : i32 to index
      %swap3A_1071 = arith.index_cast %add3A_1031 : i32 to index
      %swap3A_1072 = arith.constant 0 : index
      %swap3A_1073 = tpu.vector_load %arg8[%swap3A_1070, %swap3A_1071, %swap3A_1072] {strides = array<i32>} : memref<2x128x16xf32, #tpu.memory_space<vmem>>, vector<1x1x16xf32>,
      %swap3A_1074 = vector.shape_cast %swap3A_1073 : vector<1x1x16xf32> to vector<16xf32>
      %swap3A_1075 = vector.shape_cast %select_n3A_1068 : vector<16xf32> to vector<1x1x16xf32>
      tpu.vector_store %arg8[%swap3A_1070, %swap3A_1071, %swap3A_1072], %swap3A_1075 {strides = array<i32>} : memref<2x128x16xf32, #tpu.memory_space<vmem>>, vector<1x1x16xf32>,
      %mul3A_1076 = arith.constant 16 : i32
      %mul3A_1077 = arith.muli %scan3A_445, %mul3A_1076 : i32
      %add3A_1078 = arith.constant 13 : i32
      %add3A_1079 = arith.addi %mul3A_1077, %add3A_1078 : i32
      %slice3A_1080 = vector.extract_strided_slice %get3A_451 {offsets = [13], sizes = [1], strides = [1]} : vector<16xi32> to vector<1xi32>
      %squeeze3A_1081 = vector.extract %slice3A_1080[0] : i32 from vector<1xi32>
      %and3A_1082 = arith.constant 15 : i32
      %and3A_1083 = arith.andi %squeeze3A_1081, %and3A_1082 : i32
      %lt3A_1084 = vector.broadcast %and3A_1083 : i32 to vector<16xi32>
      %lt3A_1085 = arith.cmpi slt, %iota3A_389, %lt3A_1084 : vector<16xi32>
      %get3A_1086 = arith.constant 0 : i32
      %get3A_1087 = arith.index_cast %get3A_1086 : i32 to index
      %get3A_1088 = arith.index_cast %add3A_1079 : i32 to index
      %get3A_1089 = arith.constant 0 : index
      %get3A_1090 = tpu.vector_load %arg8[%get3A_1087, %get3A_1088, %get3A_1089] {strides = array<i32>} : memref<2x128x16xf32, #tpu.memory_space<vmem>>, vector<1x1x16xf32>,
      %get3A_1091 = vector.shape_cast %get3A_1090 : vector<1x1x16xf32> to vector<16xf32>
      %jit3A_1092 = arith.constant 0.000000e+00 : f32
      %broadcast_in_dim3A_1093 = vector.broadcast %jit3A_1092 : f32 to vector<16xf32>
      %select_n3A_1094 = arith.select %lt3A_1085, %get3A_1091, %broadcast_in_dim3A_1093 : vector<16xi1>, vector<16xf32>
      %swap3A_1095 = arith.constant 0 : i32
      %swap3A_1096 = arith.index_cast %swap3A_1095 : i32 to index
      %swap3A_1097 = arith.index_cast %add3A_1079 : i32 to index
      %swap3A_1098 = arith.constant 0 : index
      %swap3A_1099 = tpu.vector_load %arg8[%swap3A_1096, %swap3A_1097, %swap3A_1098] {strides = array<i32>} : memref<2x128x16xf32, #tpu.memory_space<vmem>>, vector<1x1x16xf32>,
      %swap3A_1100 = vector.shape_cast %swap3A_1099 : vector<1x1x16xf32> to vector<16xf32>
      %swap3A_1101 = vector.shape_cast %select_n3A_1094 : vector<16xf32> to vector<1x1x16xf32>
      tpu.vector_store %arg8[%swap3A_1096, %swap3A_1097, %swap3A_1098], %swap3A_1101 {strides = array<i32>} : memref<2x128x16xf32, #tpu.memory_space<vmem>>, vector<1x1x16xf32>,
      %slice3A_1102 = vector.extract_strided_slice %get3A_458 {offsets = [13], sizes = [1], strides = [1]} : vector<16xi32> to vector<1xi32>
      %squeeze3A_1103 = vector.extract %slice3A_1102[0] : i32 from vector<1xi32>
      %and3A_1104 = arith.constant 15 : i32
      %and3A_1105 = arith.andi %squeeze3A_1103, %and3A_1104 : i32
      %lt3A_1106 = vector.broadcast %and3A_1105 : i32 to vector<16xi32>
      %lt3A_1107 = arith.cmpi slt, %iota3A_389, %lt3A_1106 : vector<16xi32>
      %get3A_1108 = arith.constant 1 : i32
      %get3A_1109 = arith.index_cast %get3A_1108 : i32 to index
      %get3A_1110 = arith.index_cast %add3A_1079 : i32 to index
      %get3A_1111 = arith.constant 0 : index
      %get3A_1112 = tpu.vector_load %arg8[%get3A_1109, %get3A_1110, %get3A_1111] {strides = array<i32>} : memref<2x128x16xf32, #tpu.memory_space<vmem>>, vector<1x1x16xf32>,
      %get3A_1113 = vector.shape_cast %get3A_1112 : vector<1x1x16xf32> to vector<16xf32>
      %jit3A_1114 = arith.constant 0.000000e+00 : f32
      %broadcast_in_dim3A_1115 = vector.broadcast %jit3A_1114 : f32 to vector<16xf32>
      %select_n3A_1116 = arith.select %lt3A_1107, %get3A_1113, %broadcast_in_dim3A_1115 : vector<16xi1>, vector<16xf32>
      %swap3A_1117 = arith.constant 1 : i32
      %swap3A_1118 = arith.index_cast %swap3A_1117 : i32 to index
      %swap3A_1119 = arith.index_cast %add3A_1079 : i32 to index
      %swap3A_1120 = arith.constant 0 : index
      %swap3A_1121 = tpu.vector_load %arg8[%swap3A_1118, %swap3A_1119, %swap3A_1120] {strides = array<i32>} : memref<2x128x16xf32, #tpu.memory_space<vmem>>, vector<1x1x16xf32>,
      %swap3A_1122 = vector.shape_cast %swap3A_1121 : vector<1x1x16xf32> to vector<16xf32>
      %swap3A_1123 = vector.shape_cast %select_n3A_1116 : vector<16xf32> to vector<1x1x16xf32>
      tpu.vector_store %arg8[%swap3A_1118, %swap3A_1119, %swap3A_1120], %swap3A_1123 {strides = array<i32>} : memref<2x128x16xf32, #tpu.memory_space<vmem>>, vector<1x1x16xf32>,
      %mul3A_1124 = arith.constant 16 : i32
      %mul3A_1125 = arith.muli %scan3A_445, %mul3A_1124 : i32
      %add3A_1126 = arith.constant 14 : i32
      %add3A_1127 = arith.addi %mul3A_1125, %add3A_1126 : i32
      %slice3A_1128 = vector.extract_strided_slice %get3A_451 {offsets = [14], sizes = [1], strides = [1]} : vector<16xi32> to vector<1xi32>
      %squeeze3A_1129 = vector.extract %slice3A_1128[0] : i32 from vector<1xi32>
      %and3A_1130 = arith.constant 15 : i32
      %and3A_1131 = arith.andi %squeeze3A_1129, %and3A_1130 : i32
      %lt3A_1132 = vector.broadcast %and3A_1131 : i32 to vector<16xi32>
      %lt3A_1133 = arith.cmpi slt, %iota3A_389, %lt3A_1132 : vector<16xi32>
      %get3A_1134 = arith.constant 0 : i32
      %get3A_1135 = arith.index_cast %get3A_1134 : i32 to index
      %get3A_1136 = arith.index_cast %add3A_1127 : i32 to index
      %get3A_1137 = arith.constant 0 : index
      %get3A_1138 = tpu.vector_load %arg8[%get3A_1135, %get3A_1136, %get3A_1137] {strides = array<i32>} : memref<2x128x16xf32, #tpu.memory_space<vmem>>, vector<1x1x16xf32>,
      %get3A_1139 = vector.shape_cast %get3A_1138 : vector<1x1x16xf32> to vector<16xf32>
      %jit3A_1140 = arith.constant 0.000000e+00 : f32
      %broadcast_in_dim3A_1141 = vector.broadcast %jit3A_1140 : f32 to vector<16xf32>
      %select_n3A_1142 = arith.select %lt3A_1133, %get3A_1139, %broadcast_in_dim3A_1141 : vector<16xi1>, vector<16xf32>
      %swap3A_1143 = arith.constant 0 : i32
      %swap3A_1144 = arith.index_cast %swap3A_1143 : i32 to index
      %swap3A_1145 = arith.index_cast %add3A_1127 : i32 to index
      %swap3A_1146 = arith.constant 0 : index
      %swap3A_1147 = tpu.vector_load %arg8[%swap3A_1144, %swap3A_1145, %swap3A_1146] {strides = array<i32>} : memref<2x128x16xf32, #tpu.memory_space<vmem>>, vector<1x1x16xf32>,
      %swap3A_1148 = vector.shape_cast %swap3A_1147 : vector<1x1x16xf32> to vector<16xf32>
      %swap3A_1149 = vector.shape_cast %select_n3A_1142 : vector<16xf32> to vector<1x1x16xf32>
      tpu.vector_store %arg8[%swap3A_1144, %swap3A_1145, %swap3A_1146], %swap3A_1149 {strides = array<i32>} : memref<2x128x16xf32, #tpu.memory_space<vmem>>, vector<1x1x16xf32>,
      %slice3A_1150 = vector.extract_strided_slice %get3A_458 {offsets = [14], sizes = [1], strides = [1]} : vector<16xi32> to vector<1xi32>
      %squeeze3A_1151 = vector.extract %slice3A_1150[0] : i32 from vector<1xi32>
      %and3A_1152 = arith.constant 15 : i32
      %and3A_1153 = arith.andi %squeeze3A_1151, %and3A_1152 : i32
      %lt3A_1154 = vector.broadcast %and3A_1153 : i32 to vector<16xi32>
      %lt3A_1155 = arith.cmpi slt, %iota3A_389, %lt3A_1154 : vector<16xi32>
      %get3A_1156 = arith.constant 1 : i32
      %get3A_1157 = arith.index_cast %get3A_1156 : i32 to index
      %get3A_1158 = arith.index_cast %add3A_1127 : i32 to index
      %get3A_1159 = arith.constant 0 : index
      %get3A_1160 = tpu.vector_load %arg8[%get3A_1157, %get3A_1158, %get3A_1159] {strides = array<i32>} : memref<2x128x16xf32, #tpu.memory_space<vmem>>, vector<1x1x16xf32>,
      %get3A_1161 = vector.shape_cast %get3A_1160 : vector<1x1x16xf32> to vector<16xf32>
      %jit3A_1162 = arith.constant 0.000000e+00 : f32
      %broadcast_in_dim3A_1163 = vector.broadcast %jit3A_1162 : f32 to vector<16xf32>
      %select_n3A_1164 = arith.select %lt3A_1155, %get3A_1161, %broadcast_in_dim3A_1163 : vector<16xi1>, vector<16xf32>
      %swap3A_1165 = arith.constant 1 : i32
      %swap3A_1166 = arith.index_cast %swap3A_1165 : i32 to index
      %swap3A_1167 = arith.index_cast %add3A_1127 : i32 to index
      %swap3A_1168 = arith.constant 0 : index
      %swap3A_1169 = tpu.vector_load %arg8[%swap3A_1166, %swap3A_1167, %swap3A_1168] {strides = array<i32>} : memref<2x128x16xf32, #tpu.memory_space<vmem>>, vector<1x1x16xf32>,
      %swap3A_1170 = vector.shape_cast %swap3A_1169 : vector<1x1x16xf32> to vector<16xf32>
      %swap3A_1171 = vector.shape_cast %select_n3A_1164 : vector<16xf32> to vector<1x1x16xf32>
      tpu.vector_store %arg8[%swap3A_1166, %swap3A_1167, %swap3A_1168], %swap3A_1171 {strides = array<i32>} : memref<2x128x16xf32, #tpu.memory_space<vmem>>, vector<1x1x16xf32>,
      %mul3A_1172 = arith.constant 16 : i32
      %mul3A_1173 = arith.muli %scan3A_445, %mul3A_1172 : i32
      %add3A_1174 = arith.constant 15 : i32
      %add3A_1175 = arith.addi %mul3A_1173, %add3A_1174 : i32
      %slice3A_1176 = vector.extract_strided_slice %get3A_451 {offsets = [15], sizes = [1], strides = [1]} : vector<16xi32> to vector<1xi32>
      %squeeze3A_1177 = vector.extract %slice3A_1176[0] : i32 from vector<1xi32>
      %and3A_1178 = arith.constant 15 : i32
      %and3A_1179 = arith.andi %squeeze3A_1177, %and3A_1178 : i32
      %lt3A_1180 = vector.broadcast %and3A_1179 : i32 to vector<16xi32>
      %lt3A_1181 = arith.cmpi slt, %iota3A_389, %lt3A_1180 : vector<16xi32>
      %get3A_1182 = arith.constant 0 : i32
      %get3A_1183 = arith.index_cast %get3A_1182 : i32 to index
      %get3A_1184 = arith.index_cast %add3A_1175 : i32 to index
      %get3A_1185 = arith.constant 0 : index
      %get3A_1186 = tpu.vector_load %arg8[%get3A_1183, %get3A_1184, %get3A_1185] {strides = array<i32>} : memref<2x128x16xf32, #tpu.memory_space<vmem>>, vector<1x1x16xf32>,
      %get3A_1187 = vector.shape_cast %get3A_1186 : vector<1x1x16xf32> to vector<16xf32>
      %jit3A_1188 = arith.constant 0.000000e+00 : f32
      %broadcast_in_dim3A_1189 = vector.broadcast %jit3A_1188 : f32 to vector<16xf32>
      %select_n3A_1190 = arith.select %lt3A_1181, %get3A_1187, %broadcast_in_dim3A_1189 : vector<16xi1>, vector<16xf32>
      %swap3A_1191 = arith.constant 0 : i32
      %swap3A_1192 = arith.index_cast %swap3A_1191 : i32 to index
      %swap3A_1193 = arith.index_cast %add3A_1175 : i32 to index
      %swap3A_1194 = arith.constant 0 : index
      %swap3A_1195 = tpu.vector_load %arg8[%swap3A_1192, %swap3A_1193, %swap3A_1194] {strides = array<i32>} : memref<2x128x16xf32, #tpu.memory_space<vmem>>, vector<1x1x16xf32>,
      %swap3A_1196 = vector.shape_cast %swap3A_1195 : vector<1x1x16xf32> to vector<16xf32>
      %swap3A_1197 = vector.shape_cast %select_n3A_1190 : vector<16xf32> to vector<1x1x16xf32>
      tpu.vector_store %arg8[%swap3A_1192, %swap3A_1193, %swap3A_1194], %swap3A_1197 {strides = array<i32>} : memref<2x128x16xf32, #tpu.memory_space<vmem>>, vector<1x1x16xf32>,
      %slice3A_1198 = vector.extract_strided_slice %get3A_458 {offsets = [15], sizes = [1], strides = [1]} : vector<16xi32> to vector<1xi32>
      %squeeze3A_1199 = vector.extract %slice3A_1198[0] : i32 from vector<1xi32>
      %and3A_1200 = arith.constant 15 : i32
      %and3A_1201 = arith.andi %squeeze3A_1199, %and3A_1200 : i32
      %lt3A_1202 = vector.broadcast %and3A_1201 : i32 to vector<16xi32>
      %lt3A_1203 = arith.cmpi slt, %iota3A_389, %lt3A_1202 : vector<16xi32>
      %get3A_1204 = arith.constant 1 : i32
      %get3A_1205 = arith.index_cast %get3A_1204 : i32 to index
      %get3A_1206 = arith.index_cast %add3A_1175 : i32 to index
      %get3A_1207 = arith.constant 0 : index
      %get3A_1208 = tpu.vector_load %arg8[%get3A_1205, %get3A_1206, %get3A_1207] {strides = array<i32>} : memref<2x128x16xf32, #tpu.memory_space<vmem>>, vector<1x1x16xf32>,
      %get3A_1209 = vector.shape_cast %get3A_1208 : vector<1x1x16xf32> to vector<16xf32>
      %jit3A_1210 = arith.constant 0.000000e+00 : f32
      %broadcast_in_dim3A_1211 = vector.broadcast %jit3A_1210 : f32 to vector<16xf32>
      %select_n3A_1212 = arith.select %lt3A_1203, %get3A_1209, %broadcast_in_dim3A_1211 : vector<16xi1>, vector<16xf32>
      %swap3A_1213 = arith.constant 1 : i32
      %swap3A_1214 = arith.index_cast %swap3A_1213 : i32 to index
      %swap3A_1215 = arith.index_cast %add3A_1175 : i32 to index
      %swap3A_1216 = arith.constant 0 : index
      %swap3A_1217 = tpu.vector_load %arg8[%swap3A_1214, %swap3A_1215, %swap3A_1216] {strides = array<i32>} : memref<2x128x16xf32, #tpu.memory_space<vmem>>, vector<1x1x16xf32>,
      %swap3A_1218 = vector.shape_cast %swap3A_1217 : vector<1x1x16xf32> to vector<16xf32>
      %swap3A_1219 = vector.shape_cast %select_n3A_1212 : vector<16xf32> to vector<1x1x16xf32>
      tpu.vector_store %arg8[%swap3A_1214, %swap3A_1215, %swap3A_1216], %swap3A_1219 {strides = array<i32>} : memref<2x128x16xf32, #tpu.memory_space<vmem>>, vector<1x1x16xf32>,
      %scan3A_1220 = arith.constant 0 : i32
      scf.yield %scan3A_1220 : i32
    }
    %scan3A_396 = arith.constant 8 : i32
    %dma_start3A_397 = arith.constant 0 : i32
    %dma_start3A_398 = arith.constant 0 : i32
    %dma_start3A_399 = arith.constant 0 : i32
    %dma_start3A_400 = arith.constant 0 : i32
    %dma_start3A_401 = tpu.memref_slice %arg8[%dma_start3A_397, %dma_start3A_399, %dma_start3A_400] : memref<2x128x16xf32, #tpu.memory_space<vmem>> -> memref<1x128x16xf32, #tpu.memory_space<vmem>>
    %dma_start3A_402 = tpu.memref_squeeze %dma_start3A_401 : memref<1x128x16xf32, #tpu.memory_space<vmem>> -> memref<128x16xf32, #tpu.memory_space<vmem>>
    %dma_start3A_403 = arith.constant 0 : i32
    %dma_start3A_404 = tpu.memref_slice %arg7[%dma_start3A_398, %dma_start3A_403] : memref<2x128xi32, #tpu.memory_space<vmem>> -> memref<1x128xi32, #tpu.memory_space<vmem>>
    %dma_start3A_405 = tpu.memref_squeeze %dma_start3A_404 : memref<1x128xi32, #tpu.memory_space<vmem>> -> memref<128xi32, #tpu.memory_space<vmem>>
    %dma_start3A_406 = arith.constant 0 : i32
    %dma_start3A_407 = arith.constant 0 : i32
    %dma_start3A_408 = tpu.memref_slice %arg5[%dma_start3A_406, %dma_start3A_407] : memref<2097152x16xf32, #tpu.memory_space<hbm>> -> memref<2097152x16xf32, #tpu.memory_space<hbm>>
    tpu.enqueue_indirect_dma source(%dma_start3A_402 : memref<128x16xf32, #tpu.memory_space<vmem>>) target(%dma_start3A_408 : memref<2097152x16xf32, #tpu.memory_space<hbm>>) offsets(%dma_start3A_405 : memref<128xi32, #tpu.memory_space<vmem>>) semaphore(%arg9 : memref<!tpu.dma_semaphore, #tpu.memory_space<semaphore_mem>>)
    %dma_start3A_409 = arith.constant 1 : i32
    %dma_start3A_410 = arith.constant 1 : i32
    %dma_start3A_411 = arith.constant 0 : i32
    %dma_start3A_412 = arith.constant 0 : i32
    %dma_start3A_413 = tpu.memref_slice %arg8[%dma_start3A_409, %dma_start3A_411, %dma_start3A_412] : memref<2x128x16xf32, #tpu.memory_space<vmem>> -> memref<1x128x16xf32, #tpu.memory_space<vmem>>
    %dma_start3A_414 = tpu.memref_squeeze %dma_start3A_413 : memref<1x128x16xf32, #tpu.memory_space<vmem>> -> memref<128x16xf32, #tpu.memory_space<vmem>>
    %dma_start3A_415 = arith.constant 0 : i32
    %dma_start3A_416 = tpu.memref_slice %arg7[%dma_start3A_410, %dma_start3A_415] : memref<2x128xi32, #tpu.memory_space<vmem>> -> memref<1x128xi32, #tpu.memory_space<vmem>>
    %dma_start3A_417 = tpu.memref_squeeze %dma_start3A_416 : memref<1x128xi32, #tpu.memory_space<vmem>> -> memref<128xi32, #tpu.memory_space<vmem>>
    %dma_start3A_418 = arith.constant 0 : i32
    %dma_start3A_419 = arith.constant 0 : i32
    %dma_start3A_420 = tpu.memref_slice %arg5[%dma_start3A_418, %dma_start3A_419] : memref<2097152x16xf32, #tpu.memory_space<hbm>> -> memref<2097152x16xf32, #tpu.memory_space<hbm>>
    tpu.enqueue_indirect_dma source(%dma_start3A_414 : memref<128x16xf32, #tpu.memory_space<vmem>>) target(%dma_start3A_420 : memref<2097152x16xf32, #tpu.memory_space<hbm>>) offsets(%dma_start3A_417 : memref<128xi32, #tpu.memory_space<vmem>>) semaphore(%arg9 : memref<!tpu.dma_semaphore, #tpu.memory_space<semaphore_mem>>)
    %dma_wait3A_421 = arith.constant 0 : i32
    %dma_wait3A_422 = arith.constant 0 : i32
    %dma_wait3A_423 = arith.constant 0 : i32
    %dma_wait3A_424 = arith.constant 0 : i32
    %dma_wait3A_425 = tpu.memref_slice %arg8[%dma_wait3A_421, %dma_wait3A_423, %dma_wait3A_424] : memref<2x128x16xf32, #tpu.memory_space<vmem>> -> memref<1x128x16xf32, #tpu.memory_space<vmem>>
    %dma_wait3A_426 = tpu.memref_squeeze %dma_wait3A_425 : memref<1x128x16xf32, #tpu.memory_space<vmem>> -> memref<128x16xf32, #tpu.memory_space<vmem>>
    %dma_wait3A_427 = arith.constant 0 : i32
    %dma_wait3A_428 = tpu.memref_slice %arg7[%dma_wait3A_422, %dma_wait3A_427] : memref<2x128xi32, #tpu.memory_space<vmem>> -> memref<1x128xi32, #tpu.memory_space<vmem>>
    %dma_wait3A_429 = tpu.memref_squeeze %dma_wait3A_428 : memref<1x128xi32, #tpu.memory_space<vmem>> -> memref<128xi32, #tpu.memory_space<vmem>>
    %dma_wait3A_430 = arith.constant 0 : i32
    %dma_wait3A_431 = arith.constant 0 : i32
    %dma_wait3A_432 = tpu.memref_slice %arg5[%dma_wait3A_430, %dma_wait3A_431] : memref<2097152x16xf32, #tpu.memory_space<hbm>> -> memref<2097152x16xf32, #tpu.memory_space<hbm>>
    tpu.wait_indirect_dma semaphore(%arg9 : memref<!tpu.dma_semaphore, #tpu.memory_space<semaphore_mem>>) src(%dma_wait3A_426 : memref<128x16xf32, #tpu.memory_space<vmem>>) dst(%dma_wait3A_432 : memref<2097152x16xf32, #tpu.memory_space<hbm>>)
    %dma_wait3A_433 = arith.constant 1 : i32
    %dma_wait3A_434 = arith.constant 1 : i32
    %dma_wait3A_435 = arith.constant 0 : i32
    %dma_wait3A_436 = arith.constant 0 : i32
    %dma_wait3A_437 = tpu.memref_slice %arg8[%dma_wait3A_433, %dma_wait3A_435, %dma_wait3A_436] : memref<2x128x16xf32, #tpu.memory_space<vmem>> -> memref<1x128x16xf32, #tpu.memory_space<vmem>>
    %dma_wait3A_438 = tpu.memref_squeeze %dma_wait3A_437 : memref<1x128x16xf32, #tpu.memory_space<vmem>> -> memref<128x16xf32, #tpu.memory_space<vmem>>
    %dma_wait3A_439 = arith.constant 0 : i32
    %dma_wait3A_440 = tpu.memref_slice %arg7[%dma_wait3A_434, %dma_wait3A_439] : memref<2x128xi32, #tpu.memory_space<vmem>> -> memref<1x128xi32, #tpu.memory_space<vmem>>
    %dma_wait3A_441 = tpu.memref_squeeze %dma_wait3A_440 : memref<1x128xi32, #tpu.memory_space<vmem>> -> memref<128xi32, #tpu.memory_space<vmem>>
    %dma_wait3A_442 = arith.constant 0 : i32
    %dma_wait3A_443 = arith.constant 0 : i32
    %dma_wait3A_444 = tpu.memref_slice %arg5[%dma_wait3A_442, %dma_wait3A_443] : memref<2097152x16xf32, #tpu.memory_space<hbm>> -> memref<2097152x16xf32, #tpu.memory_space<hbm>>
    tpu.wait_indirect_dma semaphore(%arg9 : memref<!tpu.dma_semaphore, #tpu.memory_space<semaphore_mem>>) src(%dma_wait3A_438 : memref<128x16xf32, #tpu.memory_space<vmem>>) dst(%dma_wait3A_444 : memref<2097152x16xf32, #tpu.memory_space<hbm>>)
    return
  }
}

</mosaic_0001>

<sc_bundles>
// kernel: kernel.3.cloned.1.call-start
scs
__scs_entry_jumppad:
0x0: {  	(pc) =	sbr.rel $0x88, $3  }
0x1: {  	(tag) =	ssettag $0x0;
	lr =	simm.s32 $0x1  }
0x2: {  	[smem:$0x3F9F] =	sst lr;
	_ =	strace $0xD0000000  }
0x3: {  	_ = 	snop  }
0x4: {  	_ = 	snop  }
0x5: {  	_ = 	snop  }
0x6: {  	_ = 	snop  }
0x7: {  	_ = 	snop  }
__scs_overlays_trampoline_lowered:
0x8: {  	[smem:$0x3FAE] =	sst s0  }
0x9: {  	[smem:$0x3FAF] =	sst s1  }
0xa: {  	[smem:$0x3FB0] =	sst s2  }
0xb: {  	[smem:$0x3FB1] =	sst s3  }
0xc: {  	[smem:$0x3FB2] =	sst s4  }
0xd: {  	[smem:$0x3FB3] =	sst s5  }
0xe: {  	[smem:$0x3FB4] =	sst s6  }
0xf: {  	[smem:$0x3FB5] =	sst s7  }
0x10: {  	[smem:$0x3FB6] =	sst s8  }
0x11: {  	[smem:$0x3FB7] =	sst s9;
	s0 =	simm.s32 @!p0 $0x0  }
0x12: {  	s1 =	sld [smem:$0x3F9D];
	s0 =	simm.s32 @p0 $0x1  }
0x13: {  	[smem:$0x3FB8] =	sst s0;
	s0 =	simm.s32 @!p1 $0x0  }
0x14: {  	s2 =	sld [smem:$0x3F9C];
	s0 =	simm.s32 @p1 $0x1  }
0x15: {  	[smem:$0x3FB9] =	sst s0;
	s0 =	simm.s32 @!p2 $0x0  }
0x16: {  	s3 =	sld [smem:$0x3FDB];
	s0 =	simm.s32 @p2 $0x1  }
0x17: {  	s4 =	simm.s32 $0x1BF5;
	[smem:$0x3FBB] =	sst s0  }
0x18: {  	s0 =	sld [smem:$0x3F9E];
	_ =	swait.ge [sflag:s4], $0x0  }
0x19: {  	s7 =	sld [smem:$0x3F9F]  }
0x1a: {  	s8 =	sadd.s32 $0xFFFFE003, lr  }
0x1b: {  	s9 =	sadd.s32 $0xFFFFFEF7, lr;
	s5 =	simm.s32 $0xFFFFFFFF;
	p2 =	slt.u32 s8, $0xFFFFF086  }
0x1c: {  	p1 =	slt.u32 s9, $0xF7A;
	s5 =	simm.s32 @!p2 $0x0  }
0x1d: {  	s5 =	simm.s32 @p1 $0x1;
	p0 =	seq.s32 s7, s2  }
0x1e: {  	s7 =	smul.u32 @!p0 $0xF7A, s2;
	p2 =	seq.s32 @!p0 s5, $0x0  }
0x1f: {  	s9 =	smul.u32 $0xF7A, s1;
	s8 =	simm.s32 @!p0 $0x1BF5;
	p2 =	por !p2, p0  }
0x20: {  	[sflag:s8] =	ssyncset.s32 @!p0 $0xFFFFF086;
	s6 =	sadd.s32 @!p0 s3, s7;
	s7 =	simm.s32 @!p0 $0x108  }
0x21: {  	s3 =	sadd.s32 s3, s9;
	s6 =	sadd.s32 @!p0 $0x88, s6;
	s7 =	simm.s32 @p2 $0x1082  }
0x22: {  	[simem:s7], [sflag:s8] =	dma.local @!p0 [hbm:s6], $0xF7A  }
0x23: {  	s9 =	sor.u32 $0xD0000000, s2;
	s6 =	simm.s32 $0x108;
	_ =	swait.ge @!p0 [sflag:s8], $0x0  }
0x24: {  	s3 =	sadd.s32 $0x88, s3;
	s6 =	simm.s32 @!p1 $0x1082;
	[sflag:s4] =	ssyncset.s32 $0xFFFFF086  }
0x25: {  	[simem:s6], [sflag:s4] =	dma.local [hbm:s3], $0xF7A  }
0x26: {  	[smem:$0x3F9F] =	sst s1;
	(tag) =	ssettag s2;
	_ =	strace s9  }
0x27: {  	s1 =	sld [smem:$0x3FAF]  }
0x28: {  	s2 =	sld [smem:$0x3FB0]  }
0x29: {  	s4 =	sld [smem:$0x3FB2]  }
0x2a: {  	p0 =	seq.s32 s5, $0x0;
	s5 =	sld [smem:$0x3FB3]  }
0x2b: {  	s6 =	sld [smem:$0x3FB4]  }
0x2c: {  	s7 =	sld [smem:$0x3FB5]  }
0x2d: {  	s3 =	simm.s32 $0x108;
	s8 =	sld [smem:$0x3FB6]  }
0x2e: {  	s3 =	simm.s32 @!p0 $0x1082;
	s9 =	sld [smem:$0x3FB7]  }
0x2f: {  	lr =	sadd.s32 s0, s3;
	s0 =	sld [smem:$0x3FAE]  }
0x30: {  	s3 =	sld [smem:$0x3FB1]  }
0x31: {  	[smem:$0x3FBA] =	sst s10  }
0x32: {  	s10 =	sld [smem:$0x3FB8];
	_ =	sdelay $0x3  }
0x33: {  	p0 =	seq.s32 s10, $0x1;
	s10 =	sld [smem:$0x3FBA];
	_ =	sdelay $0x3  }
0x34: {  	[smem:$0x3FBA] =	sst s10  }
0x35: {  	s10 =	sld [smem:$0x3FB9];
	_ =	sdelay $0x3  }
0x36: {  	p1 =	seq.s32 s10, $0x1;
	s10 =	sld [smem:$0x3FBA];
	_ =	sdelay $0x3  }
0x37: {  	[smem:$0x3FBA] =	sst s10  }
0x38: {  	s10 =	sld [smem:$0x3FBB]  }
0x39: {  	_ = 	snop;
	(pc) =	sbr.ind lr, $3  }
0x3a: {  	_ = 	snop  }
0x3b: {  	_ = 	snop  }
0x3c: {  	p2 =	seq.s32 s10, $0x1;
	s10 =	sld [smem:$0x3FBA]  }
0x3d: {  	_ =	shalt  }
0x3e: {  	_ =	shalt  }
0x3f: {  	_ =	shalt  }
0x40: {  	_ =	shalt  }
0x41: {  	_ =	shalt  }
0x42: {  	_ =	shalt  }
0x43: {  	_ =	shalt  }
0x44: {  	_ =	shalt  }
0x45: {  	_ =	shalt  }
0x46: {  	_ =	shalt  }
0x47: {  	_ =	shalt  }
0x48: {  	_ =	shalt  }
0x49: {  	_ =	shalt  }
0x4a: {  	_ =	shalt  }
0x4b: {  	_ =	shalt  }
0x4c: {  	_ =	shalt  }
0x4d: {  	_ =	shalt  }
0x4e: {  	_ =	shalt  }
0x4f: {  	_ =	shalt  }
0x50: {  	_ =	shalt  }
0x51: {  	_ =	shalt  }
0x52: {  	_ =	shalt  }
0x53: {  	_ =	shalt  }
0x54: {  	_ =	shalt  }
0x55: {  	_ =	shalt  }
0x56: {  	_ =	shalt  }
0x57: {  	_ =	shalt  }
0x58: {  	_ =	shalt  }
0x59: {  	_ =	shalt  }
0x5a: {  	_ =	shalt  }
0x5b: {  	_ =	shalt  }
0x5c: {  	_ =	shalt  }
0x5d: {  	_ =	shalt  }
0x5e: {  	_ =	shalt  }
0x5f: {  	_ =	shalt  }
0x60: {  	_ =	shalt  }
0x61: {  	_ =	shalt  }
0x62: {  	_ =	shalt  }
0x63: {  	_ =	shalt  }
0x64: {  	_ =	shalt  }
0x65: {  	_ =	shalt  }
0x66: {  	_ =	shalt  }
0x67: {  	_ =	shalt  }
0x68: {  	_ =	shalt  }
0x69: {  	_ =	shalt  }
0x6a: {  	_ =	shalt  }
0x6b: {  	_ =	shalt  }
0x6c: {  	_ =	shalt  }
0x6d: {  	_ =	shalt  }
0x6e: {  	_ =	shalt  }
0x6f: {  	_ =	shalt  }
0x70: {  	_ =	shalt  }
0x71: {  	_ =	shalt  }
0x72: {  	_ =	shalt  }
0x73: {  	_ =	shalt  }
0x74: {  	_ =	shalt  }
0x75: {  	_ =	shalt  }
0x76: {  	_ =	shalt  }
0x77: {  	_ =	shalt  }
0x78: {  	_ =	shalt  }
0x79: {  	_ =	shalt  }
0x7a: {  	_ =	shalt  }
0x7b: {  	_ =	shalt  }
0x7c: {  	_ =	shalt  }
0x7d: {  	_ =	shalt  }
0x7e: {  	_ =	shalt  }
0x7f: {  	_ =	shalt  }
0x80: {  	_ =	shalt  }
0x81: {  	_ =	shalt  }
0x82: {  	_ =	shalt  }
0x83: {  	_ =	shalt  }
0x84: {  	_ =	shalt  }
0x85: {  	_ =	shalt  }
0x86: {  	_ =	shalt  }
0x87: {  	_ =	shalt  }
.Lfunc_end0:
.L_simem_size_0:
called_computation.1_lowered:
.L_overlay_start_0:
0x88: {  	s2 =	sld [smem:$0x3FD9]  }
0x89: {  	s3 =	sld [smem:$0x3FFE];
	_ =	sdelay $0x1  }
0x8a: {  	s1 =	srdreg.scid  }
0x8b: {  	s0 =	sand.u32 $0x1, s1  }
0x8c: {  	s17 =	sshll.u32 s0, $0xA;
	s2 =	sadd.s32 s3, s2  }
0x8d: {  	s2 =	sadd.s32 s2, s17  }
0x8e: {  	[smem:$0x3FC6] =	sst s2  }
0x8f: {  	_ = 	snop  }
0x90: {  	s2 =	sld [smem:$0x3FC8]  }
0x91: {  	s18 =	sld [smem:$0x3FD0];
	(tm) =	ssettm $0x1  }
0x92: {  	s4 =	sld [smem:$0x3FFB];
	_ =	sdelay $0x3  }
0x93: {  	_ =	strace s4  }
0x94: {  	s4 =	sld [smem:$0x3FFC];
	_ =	sdelay $0x3  }
0x95: {  	_ =	strace s4  }
0x96: {  	s4 =	sld [smem:$0x3FFD];
	_ =	sdelay $0x3  }
0x97: {  	_ =	strace s4  }
0x98: {  	_ =	strace $0x8FFFFFFF  }
0x99: {  	s19 =	sld [smem:$0x3FDB];
	_ =	sdelay $0x1  }
0x9a: {  	s5 =	simm.s32 $_scs_section_size  }
0x9b: {  	s6 =	simm.s32 $_size__tile_overlayer_lowered;
	s7 =	simm.s32 $_tile_overlayer_lowered  }
0x9c: {  	s22 =	simm.s32 $0x1BFF;
	s21 =	sshll.u32 s7, $0x1;
	s4 =	sadd.s32 s5, s19  }
0x9d: {  	s8 =	simm.s32 $0x0;
	s20 =	sshll.u32 s6, $0x1;
	s6 =	sadd.s32 s21, s4  }
0x9e: {  	[timem:s8], [sflag:s22] =	dma.local [hbm:s6], s20  }
0x9f: {  	_ =	swait.ge [sflag:s22], s20  }
0xa0: {  	s5 =	ssub.s32 $0x0, s20;
	[sflag:s22] =	ssyncset.done $0x0  }
0xa1: {  	[sflag:s22] =	ssyncadd.s32 s5;
	_ =	sdelay $0x1  }
0xa2: {  	s23 =	simm.s32 $0x1B8B  }
0xa3: {  	_ =	swait.ge [sflag:s23], $0x1  }
0xa4: {  	[sflag:s23] =	ssyncset.done $0x0  }
0xa5: {  	s25 =	simm.s32 $0x1B8E;
	s24 =	sld [smem:$0x3FFE];
	[sflag:s23] =	ssyncadd.s32 $0xFFFFFFFF  }
0xa6: {  	s26 =	simm.s32 $execute0_lowered;
	[smem:$0x3FD2] =	sst s25  }
0xa7: {  	s6 =	sshll.u32 s26, $0x1;
	_ =	strace $0x80000049;
	[dreg:$0x1] =	wrdreg $0xFFFFFFFF  }
0xa8: {  	s28 =	simm.s32 $_size_execute0_lowered;
	s4 =	sadd.s32 s4, s6;
	[dreg:$0x0] =	wrdreg $0x0  }
0xa9: {  	s6 =	sshll.u32 s28, $0x1;
	[dreg:$0x2] =	wrdreg s4  }
0xaa: {  	[dreg:$0x3] =	wrdreg s6  }
0xab: {  	[dreg:$0x4] =	wrdreg $0xC0  }
0xac: {  	_ =	task [dreg:s8], $0x5FFFF  }
0xad: {  	[dreg:$0x1] =	wrdreg $0xFFFFFFFF  }
0xae: {  	[dreg:$0x0] =	wrdreg $0x60  }
0xaf: {  	[dreg:$0x2] =	wrdreg s18  }
0xb0: {  	[dreg:$0x3] =	wrdreg s2  }
0xb1: {  	[dreg:$0x4] =	wrdreg s24  }
0xb2: {  	[dreg:$0x5] =	wrdreg $0x9  }
0xb3: {  	_ =	task.clear_ibuf [dreg:s8], $0x6FFFF;
	_ =	strace $0x90000049  }
0xb4: {  	s29 =	simm.s32 $0x9;
	_ =	strace $0x8000004B  }
0xb5: {  	_ =	swait.ge [sflag:s29], $0x1  }
0xb6: {  	[sflag:s29] =	ssyncadd.s32 $0xFFFFFFFF  }
0xb7: {  	_ =	strace $0x9000004B  }
0xb8: {  	_ =	sfence  }
0xb9: {  	s30 =	sld [smem:$0x0];
	_ =	sdelay $0x2  }
0xba: {  	s31 =	sshll.u32 s1, $0xD;
	s1 =	sshrl.u32 s1, $0x2  }
0xbb: {  	s3 =	sand.u32 $0x4000, s31;
	s1 =	sadd.s32 s1, s30  }
0xbc: {  	s0 =	sor.u32 s3, s0;
	s1 =	sshll.u32 s1, $0x11  }
0xbd: {  	s0 =	sor.u32 s1, s0  }
0xbe: {  	s0 =	sadd.s32 $0x8F2B, s0  }
0xbf: {  	[sflag:s0] =	ssyncadd.remote.s32 $0x1  }
0xc0: {  	_ =	sfence.sel $0xFFFF  }
0xc1: {  	[dreg:$0x0] =	wrdreg $0xFFFFFFFF;
	(pc) =	sbr.abs _section_cstart, $3  }
0xc2: {  	[dreg:$0x1] =	wrdreg $0xFFFFFFFF  }
0xc3: {  	_ =	task.clear_ibuf [dreg:s8], $0x2FFFF;
	_ =	strace $0x9FFFFFFF  }
0xc4: {  	(tm) =	ssettm $0x7FFFFFFF  }
0xc5: {  	_ =	shalt  }
tec
execute0_lowered:
.L_overlay_start_1:
0x0: {  	(tag) =	ssettag $0x1  }
0x1: {  	s1 =	srdreg.scid  }
0x2: {  	s0 =	stileid.u32;
	s4 =	sand.u32 $0x1, s1  }
0x3: {  	s21 =	sshll.u32 s0, $0x9;
	s2 =	sshll.u32 s4, $0x8  }
0x4: {  	s6 =	sor.u32 s2, s21  }
0x5: {  	v0 =	vlaneseq.u32;
	v1 =	vmov s6;
	s1 =	sor.u32 $0x10, s6  }
0x6: {  	v16 =	vmul.u32 $0x100, v0;
	s2 =	sor.u32 $0x20, s6;
	s3 =	sor.u32 $0x30, s6;
	s22 =	sor.u32 $0x40, s6;
	v1 =	vshll.u32 v1, $0x8;
	v2 =	vmov s1  }
0x7: {  	s23 =	sor.u32 $0x50, s6;
	s5 =	sor.u32 $0x60, s6;
	s8 =	sor.u32 $0x70, s6;
	v3 =	vmov s2;
	v4 =	vmov s3;
	v5 =	vmov s22  }
0x8: {  	s9 =	sor.u32 $0x80, s6;
	s10 =	sor.u32 $0x90, s6;
	s26 =	sor.u32 $0xA0, s6;
	v6 =	vmov s23;
	v7 =	vmov s5;
	v8 =	vmov s8  }
0x9: {  	s28 =	sor.u32 $0xB0, s6;
	s29 =	sor.u32 $0xC0, s6;
	s30 =	sor.u32 $0xD0, s6;
	v9 =	vmov s9;
	v10 =	vmov s10;
	v11 =	vmov s26  }
0xa: {  	s12 =	sshrl.u32 s6, $0x3;
	s31 =	sor.u32 $0xE0, s6;
	s6 =	sor.u32 $0xF0, s6;
	v12 =	vmov s28;
	v13 =	vmov s29;
	v14 =	vmov s30  }
0xb: {  	v15 =	vmov s31;
	v17 =	vmov s6;
	v1 =	vor.u32 v16, v1  }
0xc: {  	v2 =	vshll.u32 v2, $0x8;
	v3 =	vshll.u32 v3, $0x8;
	v4 =	vshll.u32 v4, $0x8  }
0xd: {  	v5 =	vshll.u32 v5, $0x8;
	v6 =	vshll.u32 v6, $0x8;
	v7 =	vshll.u32 v7, $0x8  }
0xe: {  	s7 =	rddreg [dreg:$0x1];
	v8 =	vshll.u32 v8, $0x8;
	v9 =	vshll.u32 v9, $0x8;
	v10 =	vshll.u32 v10, $0x8  }
0xf: {  	s24 =	rddreg [dreg:$0x2];
	s13 =	simm.s32 $0xA00;
	v11 =	vshll.u32 v11, $0x8;
	v12 =	vshll.u32 v12, $0x8;
	v13 =	vshll.u32 v13, $0x8  }
0x10: {  	s14 =	simm.s32 $0x0;
	s25 =	ssub.s32 $0x2, s4;
	s1 =	rddreg [dreg:$0x0];
	v14 =	vshll.u32 v14, $0x8;
	v15 =	vshll.u32 v15, $0x8;
	v17 =	vshll.u32 v17, $0x8  }
0x11: {  	s4 =	sadd.s32 $0xA00, s24;
	s11 =	sshrl.u32 s25, $0x1;
	s2 =	rddreg [dreg:$0x3];
	v2 =	vor.u32 v16, v2;
	v3 =	vor.u32 v16, v3;
	v4 =	vor.u32 v16, v4  }
0x12: {  	s3 =	simm.s32 $0x0;
	s8 =	ssub.s32 s25, s11;
	s5 =	sadd.s32 s7, s12;
	v5 =	vor.u32 v16, v5;
	v6 =	vor.u32 v16, v6;
	v7 =	vor.u32 v16, v7  }
0x13: {  	s7 =	simm.s32 $0x2;
	s9 =	simm.s32 $0x100;
	s10 =	simm.s32 $0x200;
	v8 =	vor.u32 v16, v8;
	v9 =	vor.u32 v16, v9;
	v10 =	vor.u32 v16, v10  }
0x14: {  	s11 =	simm.s32 $0x180;
	s12 =	simm.s32 $0x1;
	[smem:$0x7FF] =	sst s3;
	v11 =	vor.u32 v16, v11;
	v12 =	vor.u32 v16, v12;
	v13 =	vor.u32 v16, v13  }
0x15: {  	s6 =	smax.u32 s8, $0x1;
	s8 =	simm.s32 $0x80;
	_ =	strace $0x8000004A;
	v14 =	vor.u32 v16, v14;
	v15 =	vor.u32 v16, v15;
	v16 =	vor.u32 v16, v17  }
.LBB2_1:
0x16: {  	[tilespmem:s3], [sflag:$0x2] =	stream.linear.gather [hbm4b:s5+s3], $0x100, $0x38;
	[tilespmem:$0x1200] =	vst v63  }
0x17: {  	_ =	swait.ge [sflag:s7], $0x100  }
0x18: {  	[sflag:s7] =	ssyncset.done $0x0  }
0x19: {  	[sflag:s7] =	ssyncadd.s32 $0xFFFFFF00  }
0x1a: {  	v17 =	vld [tilespmem:$0x0]  }
0x1b: {  	v18 =	vld [tilespmem:$0x10]  }
0x1c: {  	v19 =	vld [tilespmem:$0x20]  }
0x1d: {  	v20 =	vld [tilespmem:$0x30]  }
0x1e: {  	v21 =	vld [tilespmem:$0x40]  }
0x1f: {  	v22 =	vld [tilespmem:$0x50];
	v17 =	vshra.s32 v17, $0x4  }
0x20: {  	v23 =	vld [tilespmem:$0x60];
	v18 =	vshra.s32 v18, $0x4;
	v17 =	vadd.s32 v1, v17  }
0x21: {  	[tilespmem:$0x100] =	vst v17;
	v17 =	vadd.s32 v2, v18;
	v18 =	vshra.s32 v19, $0x4;
	v19 =	vld [tilespmem:$0x70]  }
0x22: {  	v51 =	vld [tilespmem:$0x80];
	[tilespmem:$0x110] =	vst v17;
	v17 =	vadd.s32 v3, v18;
	v18 =	vshra.s32 v20, $0x4  }
0x23: {  	v52 =	vld [tilespmem:$0x90];
	[tilespmem:$0x120] =	vst v17;
	v17 =	vadd.s32 v4, v18;
	v18 =	vshra.s32 v21, $0x4  }
0x24: {  	v53 =	vld [tilespmem:$0xA0];
	[tilespmem:$0x130] =	vst v17;
	v17 =	vadd.s32 v5, v18;
	v18 =	vshra.s32 v22, $0x4  }
0x25: {  	v54 =	vld [tilespmem:$0xB0];
	[tilespmem:$0x140] =	vst v17;
	v17 =	vadd.s32 v6, v18;
	v18 =	vshra.s32 v23, $0x4  }
0x26: {  	[tilespmem:$0x150] =	vst v17;
	v17 =	vadd.s32 v7, v18;
	v18 =	vshra.s32 v19, $0x4;
	v19 =	vld [tilespmem:$0xC0]  }
0x27: {  	v55 =	vld [tilespmem:$0xD0];
	[tilespmem:$0x160] =	vst v17;
	v17 =	vadd.s32 v8, v18;
	v18 =	vshra.s32 v51, $0x4  }
0x28: {  	v56 =	vld [tilespmem:$0xE0];
	[tilespmem:$0x170] =	vst v17;
	v17 =	vadd.s32 v9, v18;
	v18 =	vshra.s32 v52, $0x4  }
0x29: {  	v57 =	vld [tilespmem:$0xF0];
	[tilespmem:$0x180] =	vst v17;
	v17 =	vadd.s32 v10, v18;
	v18 =	vshra.s32 v53, $0x4  }
0x2a: {  	[tilespmem:$0x190] =	vst v17;
	v17 =	vadd.s32 v11, v18;
	v18 =	vshra.s32 v54, $0x4  }
0x2b: {  	[tilespmem:$0x1A0] =	vst v17;
	v17 =	vadd.s32 v12, v18;
	v18 =	vshra.s32 v19, $0x4  }
0x2c: {  	[tilespmem:$0x1B0] =	vst v17;
	v17 =	vadd.s32 v13, v18;
	v18 =	vshra.s32 v55, $0x4  }
0x2d: {  	[tilespmem:$0x1C0] =	vst v17;
	v17 =	vadd.s32 v14, v18;
	v18 =	vshra.s32 v56, $0x4  }
0x2e: {  	[tilespmem:$0x1D0] =	vst v17;
	v17 =	vadd.s32 v15, v18;
	v18 =	vshra.s32 v57, $0x4  }
0x2f: {  	[tilespmem:$0x1E0] =	vst v17;
	v17 =	vadd.s32 v16, v18  }
0x30: {  	[tilespmem:$0x1F0] =	vst v17  }
0x31: {  	[tilespmem:s10], [sflag:$0x1] =	stream.indirect.gather [hbm4b:s1+s8], $0x10, s9, s8, $0xb8;
	[tilespmem:$0x1200] =	vst v63  }
0x32: {  	_ = 	snop  }
0x33: {  	[tilespmem:s13], [sflag:$0x1] =	stream.indirect.gather [hbm4b:s1+s8], $0x10, s11, s8, $0xb8;
	[tilespmem:$0x1200] =	vst v63  }
0x34: {  	_ =	swait.ge [sflag:s12], $0x800  }
0x35: {  	[sflag:s12] =	ssyncset.done $0x0  }
0x36: {  	[sflag:s12] =	ssyncadd.s32 $0xFFFFF800  }
0x37: {  	_ =	swait.ge [sflag:s12], $0x800  }
0x38: {  	[sflag:s12] =	ssyncset.done $0x0  }
0x39: {  	s15 =	simm.s32 $0x0;
	[sflag:s12] =	ssyncadd.s32 $0xFFFFF800  }
0x3a: {  	v17 =	vld [tilespmem:s15+$0x80];
	_ =	sdelay $0x4  }
0x3b: {  	(v2sf) =	vpush v17, $0xB  }
0x3c: {  	(v2sf) =	vpush v17, $0xA  }
0x3d: {  	(v2sf) =	vpush v17, $0x9  }
0x3e: {  	(v2sf) =	vpush v17, $0x8  }
0x3f: {  	(v2sf) =	vpush v17, $0x7;
	_ =	sdelay $0x1  }
0x40: {  	(v2sf) =	vpush v17, $0x6  }
0x41: {  	(v2sf) =	vpush v17, $0x5  }
0x42: {  	(v2sf) =	vpush v17, $0x4;
	_ =	sdelay $0x1  }
0x43: {  	(v2sf) =	vpush v17, $0x3  }
0x44: {  	(v2sf) =	vpush v17, $0x2  }
0x45: {  	(v2sf) =	vpush v17, $0x1  }
0x46: {  	v59 =	vld [tilespmem:s15+$0x0];
	(v2sf) =	vpush v17, $0x0  }
0x47: {  	v18 =	vld [tilespmem:s13+$0xB0];
	(v2sf) =	vpush v17, $0xC  }
0x48: {  	s16 =	spop (v2sf);
	(v2sf) =	vpush v17, $0xD  }
0x49: {  	v19 =	vld [tilespmem:s13+$0xA0];
	s17 =	spop (v2sf);
	(v2sf) =	vpush v17, $0xE;
	s16 =	sand.u32 $0xF, s16  }
0x4a: {  	v58 =	vld [tilespmem:s13+$0x90];
	s18 =	spop (v2sf);
	(v2sf) =	vpush v17, $0xF;
	s20 =	sand.u32 $0xF, s17;
	v17 =	vmov s16  }
0x4b: {  	v60 =	vld [tilespmem:s13+$0x80];
	s21 =	sand.u32 $0xF, s18;
	s22 =	spop (v2sf);
	v61 =	vmov s20;
	vm0 =	vgt.u32 v17, v0;
	(v2sf) =	vpush v59, $0xB  }
0x4c: {  	s23 =	sand.u32 $0xF, s22;
	v17 =	vmov s21;
	s24 =	spop (v2sf);
	vm1 =	vgt.u32 v61, v0;
	v18 =	vnsel vm0, $0x0, v18  }
0x4d: {  	v24 =	vld [tilespmem:s13+$0x70];
	(v2sf) =	vpush v59, $0xA;
	s16 =	sand.u32 $0xF, s24;
	v62 =	vmov s23;
	vm10 =	vgt.u32 v17, v0  }
0x4e: {  	v25 =	vld [tilespmem:s13+$0x60];
	v17 =	vnsel vm1, $0x0, v19;
	s25 =	spop (v2sf);
	(v2sf) =	vpush v59, $0x9;
	v19 =	vmov s16  }
0x4f: {  	v63 =	vld [tilespmem:s13+$0x50];
	s15 =	sand.u32 $0xF, s25;
	vm11 =	vgt.u32 v62, v0;
	v20 =	vnsel vm10, $0x0, v58;
	s26 =	spop (v2sf);
	(v2sf) =	vpush v59, $0x8  }
0x50: {  	v26 =	vmov s15;
	vm12 =	vgt.u32 v19, v0;
	s28 =	sand.u32 $0xF, s26;
	v22 =	vnsel vm11, $0x0, v60;
	s29 =	spop (v2sf)  }
0x51: {  	v19 =	vld [tilespmem:s13+$0x40];
	(v2sf) =	vpush v59, $0x7;
	vm13 =	vgt.u32 v26, v0;
	s16 =	sand.u32 $0xF, s29;
	v28 =	vmov s28  }
0x52: {  	[tilespmem:s13+$0xB0] =	vst v18;
	v18 =	vld [tilespmem:s13+$0x30];
	v24 =	vnsel vm12, $0x0, v24;
	s30 =	spop (v2sf);
	vm14 =	vgt.u32 v28, v0;
	v29 =	vmov s16  }
0x53: {  	v30 =	vld [tilespmem:s13+$0x20];
	[tilespmem:s13+$0xA0] =	vst v17;
	v17 =	vnsel vm13, $0x0, v25;
	s15 =	sand.u32 $0xF, s30;
	s31 =	spop (v2sf);
	(v2sf) =	vpush v59, $0x6;
	vm15 =	vgt.u32 v29, v0  }
0x54: {  	[tilespmem:s13+$0x90] =	vst v20;
	s16 =	sand.u32 $0xF, s31;
	v31 =	vnsel vm14, $0x0, v63;
	v32 =	vmov s15;
	(v2sf) =	vpush v59, $0x5  }
0x55: {  	v33 =	vld [tilespmem:s13+$0x10];
	[tilespmem:s13+$0x80] =	vst v22;
	s17 =	spop (v2sf);
	v34 =	vmov s16;
	(v2sf) =	vpush v59, $0x4;
	vm4 =	vgt.u32 v32, v0  }
0x56: {  	v35 =	vld [tilespmem:s13+$0x0];
	[tilespmem:s13+$0x70] =	vst v24;
	s15 =	sand.u32 $0xF, s17;
	s18 =	spop (v2sf);
	v19 =	vnsel vm15, $0x0, v19;
	vm5 =	vgt.u32 v34, v0;
	(v2sf) =	vpush v59, $0x3  }
0x57: {  	v36 =	vld [tilespmem:s13+$0xC0];
	[tilespmem:s13+$0x60] =	vst v17;
	s16 =	sand.u32 $0xF, s18;
	v17 =	vnsel vm4, $0x0, v18;
	v18 =	vmov s15;
	(v2sf) =	vpush v59, $0x2  }
0x58: {  	[tilespmem:s13+$0x50] =	vst v31;
	s19 =	spop (v2sf);
	v37 =	vnsel vm5, $0x0, v30;
	v38 =	vmov s16;
	(v2sf) =	vpush v59, $0x1  }
0x59: {  	[tilespmem:s13+$0x40] =	vst v19;
	s15 =	sand.u32 $0xF, s19;
	vm6 =	vgt.u32 v18, v0;
	v18 =	vld [tilespmem:s13+$0xD0];
	vm7 =	vgt.u32 v38, v0;
	(v2sf) =	vpush v59, $0x0  }
0x5a: {  	v39 =	vld [tilespmem:s13+$0xE0];
	[tilespmem:s13+$0x30] =	vst v17;
	v17 =	vnsel vm6, $0x0, v33;
	v19 =	vmov s15;
	s20 =	spop (v2sf);
	(v2sf) =	vpush v59, $0xC  }
0x5b: {  	[tilespmem:s13+$0x20] =	vst v37;
	v40 =	vnsel vm7, $0x0, v35;
	vm8 =	vgt.u32 v19, v0;
	v19 =	vld [tilespmem:s13+$0xF0];
	s21 =	sand.u32 $0xF, s20;
	s22 =	spop (v2sf);
	(v2sf) =	vpush v59, $0xD  }
0x5c: {  	v41 =	vld [tilespmem:s13+$0xFFFFF8B0];
	[tilespmem:s13+$0x10] =	vst v17;
	v23 =	vnsel vm8, $0x0, v36;
	s16 =	sand.u32 $0xF, s22;
	s23 =	spop (v2sf);
	v17 =	vmov s21;
	(v2sf) =	vpush v59, $0xE  }
0x5d: {  	v42 =	vld [tilespmem:s13+$0xFFFFF8A0];
	[tilespmem:s13+$0x0] =	vst v40;
	s24 =	sand.u32 $0xF, s23;
	vm9 =	vgt.u32 v17, v0;
	v17 =	vmov s16;
	s25 =	spop (v2sf);
	(v2sf) =	vpush v59, $0xF  }
0x5e: {  	v43 =	vld [tilespmem:s13+$0xFFFFF890];
	[tilespmem:s13+$0xC0] =	vst v23;
	v18 =	vnsel vm9, $0x0, v18;
	vm10 =	vgt.u32 v17, v0;
	v17 =	vmov s24;
	s26 =	sand.u32 $0xF, s25;
	s28 =	spop (v2sf)  }
0x5f: {  	[tilespmem:s13+$0xD0] =	vst v18;
	v18 =	vnsel vm10, $0x0, v39;
	vm11 =	vgt.u32 v17, v0;
	v17 =	vld [tilespmem:s13+$0xFFFFF880];
	s16 =	sand.u32 $0xF, s28;
	v44 =	vmov s26;
	s29 =	spop (v2sf)  }
0x60: {  	[tilespmem:s13+$0xE0] =	vst v18;
	v18 =	vnsel vm11, $0x0, v19;
	v19 =	vld [tilespmem:s13+$0xFFFFF870];
	s15 =	sand.u32 $0xF, s29;
	v45 =	vmov s16;
	vm12 =	vgt.u32 v44, v0;
	s30 =	spop (v2sf)  }
0x61: {  	[tilespmem:s13+$0xF0] =	vst v18;
	v18 =	vld [tilespmem:s13+$0xFFFFF860];
	s16 =	sand.u32 $0xF, s30;
	v46 =	vmov s15;
	vm13 =	vgt.u32 v45, v0;
	v47 =	vnsel vm12, $0x0, v41;
	s31 =	spop (v2sf)  }
0x62: {  	v48 =	vld [tilespmem:s13+$0xFFFFF850];
	s15 =	sand.u32 $0xF, s31;
	v49 =	vmov s16;
	vm14 =	vgt.u32 v46, v0;
	v20 =	vnsel vm13, $0x0, v42;
	[tilespmem:s13+$0xFFFFF8B0] =	vst v47;
	s17 =	spop (v2sf)  }
0x63: {  	v50 =	vld [tilespmem:s13+$0xFFFFF840];
	v51 =	vmov s15;
	vm15 =	vgt.u32 v49, v0;
	v21 =	vnsel vm14, $0x0, v43;
	[tilespmem:s13+$0xFFFFF8A0] =	vst v20;
	s16 =	sand.u32 $0xF, s17;
	s18 =	spop (v2sf)  }
0x64: {  	v52 =	vld [tilespmem:s13+$0xFFFFF830];
	vm4 =	vgt.u32 v51, v0;
	v17 =	vnsel vm15, $0x0, v17;
	[tilespmem:s13+$0xFFFFF890] =	vst v21;
	s15 =	sand.u32 $0xF, s18;
	v53 =	vmov s16;
	s19 =	spop (v2sf)  }
0x65: {  	v54 =	vld [tilespmem:s13+$0xFFFFF820];
	v19 =	vnsel vm4, $0x0, v19;
	[tilespmem:s13+$0xFFFFF880] =	vst v17;
	s16 =	sand.u32 $0xF, s19;
	v55 =	vmov s15;
	vm5 =	vgt.u32 v53, v0;
	s20 =	spop (v2sf)  }
0x66: {  	v17 =	vld [tilespmem:s13+$0xFFFFF810];
	[tilespmem:s13+$0xFFFFF870] =	vst v19;
	s15 =	sand.u32 $0xF, s20;
	v56 =	vmov s16;
	vm6 =	vgt.u32 v55, v0;
	v18 =	vnsel vm5, $0x0, v18;
	s21 =	spop (v2sf)  }
0x67: {  	v19 =	vld [tilespmem:s13+$0xFFFFF800];
	s16 =	sand.u32 $0xF, s21;
	v57 =	vmov s15;
	vm7 =	vgt.u32 v56, v0;
	v24 =	vnsel vm6, $0x0, v48;
	[tilespmem:s13+$0xFFFFF860] =	vst v18;
	s22 =	spop (v2sf)  }
0x68: {  	v58 =	vld [tilespmem:s13+$0xFFFFF8C0];
	s15 =	sand.u32 $0xF, s22;
	v18 =	vmov s16;
	vm8 =	vgt.u32 v57, v0;
	v22 =	vnsel vm7, $0x0, v50;
	[tilespmem:s13+$0xFFFFF850] =	vst v24;
	s23 =	spop (v2sf)  }
0x69: {  	v60 =	vld [tilespmem:s13+$0xFFFFF8D0];
	s16 =	sand.u32 $0xF, s23;
	v59 =	vmov s15;
	vm9 =	vgt.u32 v18, v0;
	v18 =	vnsel vm8, $0x0, v52;
	[tilespmem:s13+$0xFFFFF840] =	vst v22;
	s24 =	spop (v2sf)  }
0x6a: {  	v61 =	vmov s16;
	vm10 =	vgt.u32 v59, v0;
	v21 =	vnsel vm9, $0x0, v54;
	[tilespmem:s13+$0xFFFFF830] =	vst v18;
	s15 =	sand.u32 $0xF, s24;
	v18 =	vld [tilespmem:s13+$0xFFFFF8E0];
	s25 =	spop (v2sf)  }
0x6b: {  	v63 =	vld [tilespmem:s13+$0xFFFFF8F0];
	vm11 =	vgt.u32 v61, v0;
	v17 =	vnsel vm10, $0x0, v17;
	[tilespmem:s13+$0xFFFFF820] =	vst v21;
	v62 =	vmov s15;
	s26 =	sand.u32 $0xF, s25;
	s28 =	spop (v2sf)  }
0x6c: {  	v19 =	vnsel vm11, $0x0, v19;
	[tilespmem:s13+$0xFFFFF810] =	vst v17;
	vm12 =	vgt.u32 v62, v0;
	v17 =	vmov s26;
	s29 =	sand.u32 $0xF, s28;
	s30 =	spop (v2sf)  }
0x6d: {  	[tilespmem:s13+$0xFFFFF800] =	vst v19;
	v19 =	vnsel vm12, $0x0, v58;
	vm13 =	vgt.u32 v17, v0;
	v17 =	vmov s29;
	s31 =	sand.u32 $0xF, s30  }
0x6e: {  	[tilespmem:s13+$0xFFFFF8C0] =	vst v19;
	v19 =	vnsel vm13, $0x0, v60;
	vm14 =	vgt.u32 v17, v0;
	v17 =	vmov s31  }
0x6f: {  	[tilespmem:s13+$0xFFFFF8D0] =	vst v19;
	v18 =	vnsel vm14, $0x0, v18;
	vm15 =	vgt.u32 v17, v0  }
0x70: {  	[tilespmem:s13+$0xFFFFF8E0] =	vst v18;
	v17 =	vnsel vm15, $0x0, v63  }
0x71: {  	s17 =	simm.s32 $0x10;
	s16 =	simm.s32 $0x80;
	s15 =	simm.s32 $0xA00;
	[tilespmem:s13+$0xFFFFF8F0] =	vst v17  }
.LBB2_2:
0x72: {  	p0 =	sne.s32 s16, $0x1C0;
	v17 =	vld [tilespmem:s17+$0x80];
	_ =	sdelay $0x4  }
0x73: {  	(v2sf) =	vpush v17, $0xB  }
0x74: {  	(v2sf) =	vpush v17, $0xA  }
0x75: {  	(v2sf) =	vpush v17, $0x9  }
0x76: {  	(v2sf) =	vpush v17, $0x8  }
0x77: {  	(v2sf) =	vpush v17, $0x7  }
0x78: {  	(v2sf) =	vpush v17, $0x6  }
0x79: {  	(v2sf) =	vpush v17, $0x5  }
0x7a: {  	(v2sf) =	vpush v17, $0x4  }
0x7b: {  	(v2sf) =	vpush v17, $0x3  }
0x7c: {  	(v2sf) =	vpush v17, $0x2  }
0x7d: {  	(v2sf) =	vpush v17, $0x1  }
0x7e: {  	(v2sf) =	vpush v17, $0x0  }
0x7f: {  	s15 =	sadd.s32 $0x100, s15;
	(v2sf) =	vpush v17, $0xC  }
0x80: {  	v18 =	vld [tilespmem:s15+$0x50];
	(v2sf) =	vpush v17, $0xD  }
0x81: {  	v19 =	vld [tilespmem:s15+$0xB0];
	(v2sf) =	vpush v17, $0xE  }
0x82: {  	v20 =	vld [tilespmem:s15+$0xA0];
	s18 =	spop (v2sf);
	(v2sf) =	vpush v17, $0xF  }
0x83: {  	v21 =	vld [tilespmem:s15+$0x90];
	s18 =	sand.u32 $0xF, s18;
	s19 =	spop (v2sf)  }
0x84: {  	v22 =	vld [tilespmem:s15+$0x80];
	s19 =	sand.u32 $0xF, s19;
	v17 =	vmov s18;
	s18 =	spop (v2sf)  }
0x85: {  	v23 =	vld [tilespmem:s15+$0x70];
	s18 =	sand.u32 $0xF, s18;
	v24 =	vmov s19;
	vm0 =	vgt.u32 v17, v0;
	s19 =	spop (v2sf)  }
0x86: {  	v25 =	vld [tilespmem:s15+$0x60];
	s19 =	sand.u32 $0xF, s19;
	v26 =	vmov s18;
	vm1 =	vgt.u32 v24, v0;
	v19 =	vnsel vm0, $0x0, v19;
	s18 =	spop (v2sf)  }
0x87: {  	v17 =	vld [tilespmem:s17+$0x0];
	s17 =	sand.u32 $0xF, s18;
	v24 =	vmov s19;
	vm0 =	vgt.u32 v26, v0;
	v20 =	vnsel vm1, $0x0, v20;
	[tilespmem:s15+$0xB0] =	vst v19;
	s18 =	spop (v2sf)  }
0x88: {  	v19 =	vld [tilespmem:s15+$0x40];
	s18 =	sand.u32 $0xF, s18;
	v26 =	vmov s17;
	vm1 =	vgt.u32 v24, v0;
	v21 =	vnsel vm0, $0x0, v21;
	[tilespmem:s15+$0xA0] =	vst v20;
	s17 =	spop (v2sf)  }
0x89: {  	s17 =	sand.u32 $0xF, s17;
	v20 =	vmov s18;
	vm0 =	vgt.u32 v26, v0;
	v22 =	vnsel vm1, $0x0, v22;
	[tilespmem:s15+$0x90] =	vst v21;
	s18 =	spop (v2sf)  }
0x8a: {  	v21 =	vld [tilespmem:s15+$0x30];
	s18 =	sand.u32 $0xF, s18;
	v24 =	vmov s17;
	vm1 =	vgt.u32 v20, v0;
	v20 =	vnsel vm0, $0x0, v23;
	[tilespmem:s15+$0x80] =	vst v22;
	s17 =	spop (v2sf)  }
0x8b: {  	v22 =	vld [tilespmem:s15+$0x20];
	s17 =	sand.u32 $0xF, s17;
	v23 =	vmov s18;
	vm0 =	vgt.u32 v24, v0;
	v24 =	vnsel vm1, $0x0, v25;
	[tilespmem:s15+$0x70] =	vst v20;
	s18 =	spop (v2sf)  }
0x8c: {  	s18 =	sand.u32 $0xF, s18;
	vm1 =	vgt.u32 v23, v0;
	v18 =	vnsel vm0, $0x0, v18;
	[tilespmem:s15+$0x60] =	vst v24;
	s19 =	spop (v2sf);
	(v2sf) =	vpush v17, $0xB  }
0x8d: {  	v23 =	vmov s17;
	s19 =	sand.u32 $0xF, s19;
	v20 =	vld [tilespmem:s15+$0x10];
	v19 =	vnsel vm1, $0x0, v19;
	[tilespmem:s15+$0x50] =	vst v18;
	s17 =	spop (v2sf);
	(v2sf) =	vpush v17, $0xA  }
0x8e: {  	v24 =	vmov s18;
	vm0 =	vgt.u32 v23, v0;
	s17 =	sand.u32 $0xF, s17;
	v18 =	vld [tilespmem:s15+$0x0];
	[tilespmem:s15+$0x40] =	vst v19;
	(v2sf) =	vpush v17, $0x9;
	s18 =	spop (v2sf)  }
0x8f: {  	vm1 =	vgt.u32 v24, v0;
	v19 =	vnsel vm0, $0x0, v21;
	s18 =	sand.u32 $0xF, s18;
	(v2sf) =	vpush v17, $0x8;
	s20 =	spop (v2sf)  }
0x90: {  	v21 =	vmov s19;
	v22 =	vnsel vm1, $0x0, v22;
	[tilespmem:s15+$0x30] =	vst v19;
	v19 =	vld [tilespmem:s15+$0xC0];
	s19 =	sand.u32 $0xF, s20;
	(v2sf) =	vpush v17, $0x7;
	s20 =	spop (v2sf)  }
0x91: {  	v23 =	vmov s17;
	vm0 =	vgt.u32 v21, v0;
	[tilespmem:s15+$0x20] =	vst v22;
	v21 =	vld [tilespmem:s15+$0xD0];
	s17 =	sand.u32 $0xF, s20;
	(v2sf) =	vpush v17, $0x6;
	s20 =	spop (v2sf)  }
0x92: {  	vm1 =	vgt.u32 v23, v0;
	v20 =	vnsel vm0, $0x0, v20;
	s20 =	sand.u32 $0xF, s20;
	(v2sf) =	vpush v17, $0x5  }
0x93: {  	v18 =	vnsel vm1, $0x0, v18;
	[tilespmem:s15+$0x10] =	vst v20;
	v20 =	vmov s18;
	v22 =	vld [tilespmem:s15+$0xE0];
	(v2sf) =	vpush v17, $0x4  }
0x94: {  	[tilespmem:s15+$0x0] =	vst v18;
	vm0 =	vgt.u32 v20, v0;
	v18 =	vmov s19;
	v20 =	vld [tilespmem:s15+$0xF0];
	(v2sf) =	vpush v17, $0x3  }
0x95: {  	v19 =	vnsel vm0, $0x0, v19;
	vm0 =	vgt.u32 v18, v0;
	(v2sf) =	vpush v17, $0x2  }
0x96: {  	[tilespmem:s15+$0xC0] =	vst v19;
	v18 =	vnsel vm0, $0x0, v21;
	v19 =	vmov s17;
	(v2sf) =	vpush v17, $0x1  }
0x97: {  	[tilespmem:s15+$0xD0] =	vst v18;
	vm0 =	vgt.u32 v19, v0;
	v18 =	vmov s20;
	(v2sf) =	vpush v17, $0x0  }
0x98: {  	v19 =	vnsel vm0, $0x0, v22;
	vm0 =	vgt.u32 v18, v0;
	(v2sf) =	vpush v17, $0xC  }
0x99: {  	[tilespmem:s15+$0xE0] =	vst v19;
	v18 =	vnsel vm0, $0x0, v20;
	(v2sf) =	vpush v17, $0xD  }
0x9a: {  	v19 =	vld [tilespmem:s15+$0xFFFFF8B0];
	[tilespmem:s15+$0xF0] =	vst v18;
	(v2sf) =	vpush v17, $0xE  }
0x9b: {  	v18 =	vld [tilespmem:s15+$0xFFFFF8A0];
	s17 =	spop (v2sf);
	(v2sf) =	vpush v17, $0xF  }
0x9c: {  	v17 =	vld [tilespmem:s15+$0xFFFFF890];
	s17 =	sand.u32 $0xF, s17;
	s18 =	spop (v2sf)  }
0x9d: {  	v20 =	vld [tilespmem:s15+$0xFFFFF880];
	s18 =	sand.u32 $0xF, s18;
	v21 =	vmov s17;
	s17 =	spop (v2sf)  }
0x9e: {  	v22 =	vld [tilespmem:s15+$0xFFFFF870];
	s17 =	sand.u32 $0xF, s17;
	v23 =	vmov s18;
	vm0 =	vgt.u32 v21, v0;
	s18 =	spop (v2sf)  }
0x9f: {  	v21 =	vld [tilespmem:s15+$0xFFFFF860];
	s18 =	sand.u32 $0xF, s18;
	v24 =	vmov s17;
	vm1 =	vgt.u32 v23, v0;
	v19 =	vnsel vm0, $0x0, v19;
	s17 =	spop (v2sf)  }
0xa0: {  	v23 =	vld [tilespmem:s15+$0xFFFFF850];
	s17 =	sand.u32 $0xF, s17;
	v25 =	vmov s18;
	vm0 =	vgt.u32 v24, v0;
	v18 =	vnsel vm1, $0x0, v18;
	[tilespmem:s15+$0xFFFFF8B0] =	vst v19;
	s18 =	spop (v2sf)  }
0xa1: {  	v19 =	vld [tilespmem:s15+$0xFFFFF840];
	s18 =	sand.u32 $0xF, s18;
	v24 =	vmov s17;
	vm1 =	vgt.u32 v25, v0;
	v17 =	vnsel vm0, $0x0, v17;
	[tilespmem:s15+$0xFFFFF8A0] =	vst v18;
	s17 =	spop (v2sf)  }
0xa2: {  	v18 =	vld [tilespmem:s15+$0xFFFFF830];
	s17 =	sand.u32 $0xF, s17;
	v25 =	vmov s18;
	vm0 =	vgt.u32 v24, v0;
	v20 =	vnsel vm1, $0x0, v20;
	[tilespmem:s15+$0xFFFFF890] =	vst v17;
	s18 =	spop (v2sf)  }
0xa3: {  	v17 =	vld [tilespmem:s15+$0xFFFFF820];
	s18 =	sand.u32 $0xF, s18;
	v24 =	vmov s17;
	vm1 =	vgt.u32 v25, v0;
	v22 =	vnsel vm0, $0x0, v22;
	[tilespmem:s15+$0xFFFFF880] =	vst v20;
	s17 =	spop (v2sf)  }
0xa4: {  	v20 =	vld [tilespmem:s15+$0xFFFFF810];
	s17 =	sand.u32 $0xF, s17;
	v25 =	vmov s18;
	vm0 =	vgt.u32 v24, v0;
	v21 =	vnsel vm1, $0x0, v21;
	[tilespmem:s15+$0xFFFFF870] =	vst v22;
	s18 =	spop (v2sf)  }
0xa5: {  	v22 =	vld [tilespmem:s15+$0xFFFFF800];
	s18 =	sand.u32 $0xF, s18;
	v24 =	vmov s17;
	vm1 =	vgt.u32 v25, v0;
	v23 =	vnsel vm0, $0x0, v23;
	[tilespmem:s15+$0xFFFFF860] =	vst v21;
	s17 =	spop (v2sf)  }
0xa6: {  	s17 =	sand.u32 $0xF, s17;
	v21 =	vmov s18;
	vm0 =	vgt.u32 v24, v0;
	v19 =	vnsel vm1, $0x0, v19;
	[tilespmem:s15+$0xFFFFF850] =	vst v23;
	v23 =	vld [tilespmem:s15+$0xFFFFF8C0];
	s18 =	spop (v2sf)  }
0xa7: {  	s18 =	sand.u32 $0xF, s18;
	v24 =	vmov s17;
	vm1 =	vgt.u32 v21, v0;
	v18 =	vnsel vm0, $0x0, v18;
	[tilespmem:s15+$0xFFFFF840] =	vst v19;
	v19 =	vld [tilespmem:s15+$0xFFFFF8D0];
	s17 =	spop (v2sf)  }
0xa8: {  	v21 =	vmov s18;
	vm0 =	vgt.u32 v24, v0;
	v17 =	vnsel vm1, $0x0, v17;
	[tilespmem:s15+$0xFFFFF830] =	vst v18;
	s17 =	sand.u32 $0xF, s17;
	v18 =	vld [tilespmem:s15+$0xFFFFF8E0];
	s18 =	spop (v2sf)  }
0xa9: {  	vm1 =	vgt.u32 v21, v0;
	v20 =	vnsel vm0, $0x0, v20;
	[tilespmem:s15+$0xFFFFF820] =	vst v17;
	v17 =	vmov s17;
	s17 =	sand.u32 $0xF, s18;
	v21 =	vld [tilespmem:s15+$0xFFFFF8F0];
	s18 =	spop (v2sf)  }
0xaa: {  	v22 =	vnsel vm1, $0x0, v22;
	[tilespmem:s15+$0xFFFFF810] =	vst v20;
	vm0 =	vgt.u32 v17, v0;
	v17 =	vmov s17;
	s17 =	sand.u32 $0xF, s18;
	s18 =	spop (v2sf)  }
.Ltmp0:
0xab: {  	[tilespmem:s15+$0xFFFFF800] =	vst v22;
	v20 =	vnsel vm0, $0x0, v23;
	vm0 =	vgt.u32 v17, v0;
	v17 =	vmov s17;
	s17 =	sand.u32 $0xF, s18;
	(pc) =	sbr.rel @p0 .LBB2_2-.Ltmp0, $4  }
0xac: {  	[tilespmem:s15+$0xFFFFF8C0] =	vst v20;
	v19 =	vnsel vm0, $0x0, v19;
	vm0 =	vgt.u32 v17, v0;
	v17 =	vmov s17  }
0xad: {  	[tilespmem:s15+$0xFFFFF8D0] =	vst v19;
	v18 =	vnsel vm0, $0x0, v18;
	vm0 =	vgt.u32 v17, v0  }
0xae: {  	[tilespmem:s15+$0xFFFFF8E0] =	vst v18;
	v17 =	vnsel vm0, $0x0, v21  }
0xaf: {  	s17 =	sshra.s32 s16, $0x2;
	s16 =	sadd.s32 $0x40, s16;
	[tilespmem:s15+$0xFFFFF8F0] =	vst v17  }
0xb0: {  	v17 =	vld [tilespmem:s17+$0x80];
	_ =	sdelay $0x4  }
0xb1: {  	(v2sf) =	vpush v17, $0xB  }
0xb2: {  	(v2sf) =	vpush v17, $0xA  }
0xb3: {  	(v2sf) =	vpush v17, $0x9  }
0xb4: {  	(v2sf) =	vpush v17, $0x8  }
0xb5: {  	(v2sf) =	vpush v17, $0x7;
	_ =	sdelay $0x1  }
0xb6: {  	(v2sf) =	vpush v17, $0x6  }
0xb7: {  	(v2sf) =	vpush v17, $0x5  }
0xb8: {  	(v2sf) =	vpush v17, $0x4;
	_ =	sdelay $0x1  }
0xb9: {  	(v2sf) =	vpush v17, $0x3  }
0xba: {  	(v2sf) =	vpush v17, $0x2  }
0xbb: {  	(v2sf) =	vpush v17, $0x1  }
0xbc: {  	s15 =	sadd.s32 $0x100, s15;
	v21 =	vld [tilespmem:s17+$0x0];
	(v2sf) =	vpush v17, $0x0  }
0xbd: {  	v18 =	vld [tilespmem:s15+$0xB0];
	(v2sf) =	vpush v17, $0xC  }
0xbe: {  	s16 =	spop (v2sf);
	(v2sf) =	vpush v17, $0xD  }
0xbf: {  	v19 =	vld [tilespmem:s15+$0xA0];
	s18 =	spop (v2sf);
	(v2sf) =	vpush v17, $0xE;
	s16 =	sand.u32 $0xF, s16  }
0xc0: {  	v20 =	vld [tilespmem:s15+$0x90];
	s19 =	spop (v2sf);
	(v2sf) =	vpush v17, $0xF;
	s30 =	sand.u32 $0xF, s18;
	v17 =	vmov s16  }
0xc1: {  	v22 =	vld [tilespmem:s15+$0x80];
	s31 =	sand.u32 $0xF, s19;
	s19 =	spop (v2sf);
	v23 =	vmov s30;
	vm0 =	vgt.u32 v17, v0;
	(v2sf) =	vpush v21, $0xB  }
0xc2: {  	s20 =	sand.u32 $0xF, s19;
	v17 =	vmov s31;
	s21 =	spop (v2sf);
	vm1 =	vgt.u32 v23, v0;
	v18 =	vnsel vm0, $0x0, v18  }
0xc3: {  	v24 =	vld [tilespmem:s15+$0x70];
	(v2sf) =	vpush v21, $0xA;
	s16 =	sand.u32 $0xF, s21;
	v62 =	vmov s20;
	vm10 =	vgt.u32 v17, v0  }
0xc4: {  	v25 =	vld [tilespmem:s15+$0x60];
	v17 =	vnsel vm1, $0x0, v19;
	s22 =	spop (v2sf);
	(v2sf) =	vpush v21, $0x9;
	v19 =	vmov s16  }
0xc5: {  	v63 =	vld [tilespmem:s15+$0x50];
	s23 =	sand.u32 $0xF, s22;
	vm11 =	vgt.u32 v62, v0;
	v20 =	vnsel vm10, $0x0, v20;
	s24 =	spop (v2sf);
	(v2sf) =	vpush v21, $0x8  }
0xc6: {  	v26 =	vmov s23;
	vm12 =	vgt.u32 v19, v0;
	s25 =	sand.u32 $0xF, s24;
	v22 =	vnsel vm11, $0x0, v22;
	s26 =	spop (v2sf)  }
0xc7: {  	v19 =	vld [tilespmem:s15+$0x40];
	(v2sf) =	vpush v21, $0x7;
	vm13 =	vgt.u32 v26, v0;
	s17 =	sand.u32 $0xF, s26;
	v28 =	vmov s25  }
0xc8: {  	[tilespmem:s15+$0xB0] =	vst v18;
	v18 =	vld [tilespmem:s15+$0x30];
	v24 =	vnsel vm12, $0x0, v24;
	s28 =	spop (v2sf);
	vm14 =	vgt.u32 v28, v0;
	v29 =	vmov s17  }
0xc9: {  	v30 =	vld [tilespmem:s15+$0x20];
	[tilespmem:s15+$0xA0] =	vst v17;
	v17 =	vnsel vm13, $0x0, v25;
	s16 =	sand.u32 $0xF, s28;
	s29 =	spop (v2sf);
	(v2sf) =	vpush v21, $0x6;
	vm15 =	vgt.u32 v29, v0  }
0xca: {  	[tilespmem:s15+$0x90] =	vst v20;
	s17 =	sand.u32 $0xF, s29;
	v31 =	vnsel vm14, $0x0, v63;
	v32 =	vmov s16;
	(v2sf) =	vpush v21, $0x5  }
0xcb: {  	v33 =	vld [tilespmem:s15+$0x10];
	[tilespmem:s15+$0x80] =	vst v22;
	s30 =	spop (v2sf);
	v34 =	vmov s17;
	(v2sf) =	vpush v21, $0x4;
	vm4 =	vgt.u32 v32, v0  }
0xcc: {  	v35 =	vld [tilespmem:s15+$0x0];
	[tilespmem:s15+$0x70] =	vst v24;
	s16 =	sand.u32 $0xF, s30;
	s31 =	spop (v2sf);
	v19 =	vnsel vm15, $0x0, v19;
	vm5 =	vgt.u32 v34, v0;
	(v2sf) =	vpush v21, $0x3  }
0xcd: {  	v36 =	vld [tilespmem:s15+$0xC0];
	[tilespmem:s15+$0x60] =	vst v17;
	s17 =	sand.u32 $0xF, s31;
	v17 =	vnsel vm4, $0x0, v18;
	v18 =	vmov s16;
	(v2sf) =	vpush v21, $0x2  }
0xce: {  	[tilespmem:s15+$0x50] =	vst v31;
	s18 =	spop (v2sf);
	v37 =	vnsel vm5, $0x0, v30;
	v38 =	vmov s17;
	(v2sf) =	vpush v21, $0x1  }
0xcf: {  	[tilespmem:s15+$0x40] =	vst v19;
	s16 =	sand.u32 $0xF, s18;
	vm6 =	vgt.u32 v18, v0;
	v18 =	vld [tilespmem:s15+$0xD0];
	vm7 =	vgt.u32 v38, v0;
	(v2sf) =	vpush v21, $0x0  }
0xd0: {  	v39 =	vld [tilespmem:s15+$0xE0];
	[tilespmem:s15+$0x30] =	vst v17;
	v17 =	vnsel vm6, $0x0, v33;
	v19 =	vmov s16;
	s19 =	spop (v2sf);
	(v2sf) =	vpush v21, $0xC  }
0xd1: {  	[tilespmem:s15+$0x20] =	vst v37;
	v40 =	vnsel vm7, $0x0, v35;
	vm8 =	vgt.u32 v19, v0;
	v19 =	vld [tilespmem:s15+$0xF0];
	s20 =	sand.u32 $0xF, s19;
	s21 =	spop (v2sf);
	(v2sf) =	vpush v21, $0xD  }
0xd2: {  	v41 =	vld [tilespmem:s15+$0xFFFFF8B0];
	[tilespmem:s15+$0x10] =	vst v17;
	v23 =	vnsel vm8, $0x0, v36;
	s17 =	sand.u32 $0xF, s21;
	s22 =	spop (v2sf);
	v17 =	vmov s20;
	(v2sf) =	vpush v21, $0xE  }
0xd3: {  	v42 =	vld [tilespmem:s15+$0xFFFFF8A0];
	[tilespmem:s15+$0x0] =	vst v40;
	s23 =	sand.u32 $0xF, s22;
	vm9 =	vgt.u32 v17, v0;
	v17 =	vmov s17;
	s24 =	spop (v2sf);
	(v2sf) =	vpush v21, $0xF  }
0xd4: {  	v43 =	vld [tilespmem:s15+$0xFFFFF890];
	[tilespmem:s15+$0xC0] =	vst v23;
	v18 =	vnsel vm9, $0x0, v18;
	vm10 =	vgt.u32 v17, v0;
	v17 =	vmov s23;
	s25 =	sand.u32 $0xF, s24;
	s26 =	spop (v2sf)  }
0xd5: {  	[tilespmem:s15+$0xD0] =	vst v18;
	v18 =	vnsel vm10, $0x0, v39;
	vm11 =	vgt.u32 v17, v0;
	v17 =	vld [tilespmem:s15+$0xFFFFF880];
	s17 =	sand.u32 $0xF, s26;
	v44 =	vmov s25;
	s28 =	spop (v2sf)  }
0xd6: {  	[tilespmem:s15+$0xE0] =	vst v18;
	v18 =	vnsel vm11, $0x0, v19;
	v19 =	vld [tilespmem:s15+$0xFFFFF870];
	s16 =	sand.u32 $0xF, s28;
	v45 =	vmov s17;
	vm12 =	vgt.u32 v44, v0;
	s29 =	spop (v2sf)  }
0xd7: {  	[tilespmem:s15+$0xF0] =	vst v18;
	v18 =	vld [tilespmem:s15+$0xFFFFF860];
	s17 =	sand.u32 $0xF, s29;
	v46 =	vmov s16;
	vm13 =	vgt.u32 v45, v0;
	v47 =	vnsel vm12, $0x0, v41;
	s30 =	spop (v2sf)  }
0xd8: {  	v48 =	vld [tilespmem:s15+$0xFFFFF850];
	s16 =	sand.u32 $0xF, s30;
	v49 =	vmov s17;
	vm14 =	vgt.u32 v46, v0;
	v20 =	vnsel vm13, $0x0, v42;
	[tilespmem:s15+$0xFFFFF8B0] =	vst v47;
	s31 =	spop (v2sf)  }
0xd9: {  	v50 =	vld [tilespmem:s15+$0xFFFFF840];
	v51 =	vmov s16;
	vm15 =	vgt.u32 v49, v0;
	v21 =	vnsel vm14, $0x0, v43;
	[tilespmem:s15+$0xFFFFF8A0] =	vst v20;
	s17 =	sand.u32 $0xF, s31;
	s18 =	spop (v2sf)  }
0xda: {  	v52 =	vld [tilespmem:s15+$0xFFFFF830];
	vm4 =	vgt.u32 v51, v0;
	v17 =	vnsel vm15, $0x0, v17;
	[tilespmem:s15+$0xFFFFF890] =	vst v21;
	s16 =	sand.u32 $0xF, s18;
	v53 =	vmov s17;
	s19 =	spop (v2sf)  }
0xdb: {  	v54 =	vld [tilespmem:s15+$0xFFFFF820];
	v19 =	vnsel vm4, $0x0, v19;
	[tilespmem:s15+$0xFFFFF880] =	vst v17;
	s17 =	sand.u32 $0xF, s19;
	v55 =	vmov s16;
	vm5 =	vgt.u32 v53, v0;
	s20 =	spop (v2sf)  }
0xdc: {  	v17 =	vld [tilespmem:s15+$0xFFFFF810];
	[tilespmem:s15+$0xFFFFF870] =	vst v19;
	s16 =	sand.u32 $0xF, s20;
	v56 =	vmov s17;
	vm6 =	vgt.u32 v55, v0;
	v18 =	vnsel vm5, $0x0, v18;
	s21 =	spop (v2sf)  }
0xdd: {  	v19 =	vld [tilespmem:s15+$0xFFFFF800];
	s17 =	sand.u32 $0xF, s21;
	v57 =	vmov s16;
	vm7 =	vgt.u32 v56, v0;
	v24 =	vnsel vm6, $0x0, v48;
	[tilespmem:s15+$0xFFFFF860] =	vst v18;
	s22 =	spop (v2sf)  }
0xde: {  	v58 =	vld [tilespmem:s15+$0xFFFFF8C0];
	s16 =	sand.u32 $0xF, s22;
	v18 =	vmov s17;
	vm8 =	vgt.u32 v57, v0;
	v22 =	vnsel vm7, $0x0, v50;
	[tilespmem:s15+$0xFFFFF850] =	vst v24;
	s23 =	spop (v2sf)  }
0xdf: {  	v60 =	vld [tilespmem:s15+$0xFFFFF8D0];
	s17 =	sand.u32 $0xF, s23;
	v59 =	vmov s16;
	vm9 =	vgt.u32 v18, v0;
	v18 =	vnsel vm8, $0x0, v52;
	[tilespmem:s15+$0xFFFFF840] =	vst v22;
	s24 =	spop (v2sf)  }
0xe0: {  	v61 =	vmov s17;
	vm10 =	vgt.u32 v59, v0;
	v21 =	vnsel vm9, $0x0, v54;
	[tilespmem:s15+$0xFFFFF830] =	vst v18;
	s16 =	sand.u32 $0xF, s24;
	v18 =	vld [tilespmem:s15+$0xFFFFF8E0];
	s25 =	spop (v2sf)  }
0xe1: {  	v63 =	vld [tilespmem:s15+$0xFFFFF8F0];
	vm11 =	vgt.u32 v61, v0;
	v17 =	vnsel vm10, $0x0, v17;
	[tilespmem:s15+$0xFFFFF820] =	vst v21;
	v62 =	vmov s16;
	s26 =	sand.u32 $0xF, s25;
	s28 =	spop (v2sf)  }
0xe2: {  	v19 =	vnsel vm11, $0x0, v19;
	[tilespmem:s15+$0xFFFFF810] =	vst v17;
	vm12 =	vgt.u32 v62, v0;
	v17 =	vmov s26;
	s29 =	sand.u32 $0xF, s28;
	s30 =	spop (v2sf)  }
0xe3: {  	[tilespmem:s15+$0xFFFFF800] =	vst v19;
	v19 =	vnsel vm12, $0x0, v58;
	vm13 =	vgt.u32 v17, v0;
	v17 =	vmov s29;
	s31 =	sand.u32 $0xF, s30  }
0xe4: {  	[tilespmem:s15+$0xFFFFF8C0] =	vst v19;
	v19 =	vnsel vm13, $0x0, v60;
	vm14 =	vgt.u32 v17, v0;
	v17 =	vmov s31  }
0xe5: {  	[tilespmem:s15+$0xFFFFF8D0] =	vst v19;
	v18 =	vnsel vm14, $0x0, v18;
	vm15 =	vgt.u32 v17, v0  }
0xe6: {  	[tilespmem:s15+$0xFFFFF8E0] =	vst v18;
	v17 =	vnsel vm15, $0x0, v63  }
0xe7: {  	[tilespmem:s15+$0xFFFFF8F0] =	vst v17  }
0xe8: {  	[hbm4b:s4+s8] =	stream.indirect.scatter [tilespmem:s10], [sflag:$0x1], $0x10, s9, s8, $0xb8;
	[tilespmem:$0x1200] =	vst v63  }
0xe9: {  	s14 =	sadd.s32 $0x1, s14  }
0xea: {  	[hbm4b:s4+s8] =	stream.indirect.scatter [tilespmem:s13], [sflag:$0x1], $0x10, s11, s8, $0xb8;
	[tilespmem:$0x1200] =	vst v63  }
0xeb: {  	p0 =	sne.s32 s14, s6;
	_ =	swait.ge [sflag:s12], $0x800  }
.Ltmp1:
0xec: {  	[sflag:s12] =	ssyncset.done $0x0;
	(pc) =	sbr.rel @p0 .LBB2_1-.Ltmp1, $4  }
0xed: {  	[sflag:s12] =	ssyncadd.s32 $0xFFFFF800  }
0xee: {  	_ =	swait.ge [sflag:s12], $0x800  }
0xef: {  	[sflag:s12] =	ssyncset.done $0x0  }
0xf0: {  	[sflag:s12] =	ssyncadd.s32 $0xFFFFF800  }
0xf1: {  	_ =	sfence.sel $0x180000  }
0xf2: {  	[bflag:$0x0] =	sbarrier.arrive $0xFFFF  }
0xf3: {  	p0 =	sne.s32 s0, $0x0;
	_ =	strace $0x9000004A  }
0xf4: {  	s0 =	sadd.s32 @!p0 $0x100000, s2;
	[bflag:$0x2] =	sbarrier.arrive $0xFFFF  }
0xf5: {  	[sflag:s0] =	ssyncadd.tile.s32 @!p0 $0x1;
	_ =	shalt  }
.Lfunc_end2:
_tile_overlayer_lowered:
.L_overlay_start_2:
0xf6: {  	(tag) =	ssettag $0x2  }
0xf7: {  	s0 =	rddreg [dreg:$0x0];
	s2 =	stileid.u32  }
0xf8: {  	s1 =	rddreg [dreg:$0x1];
	p0 =	sne.s32 s2, $0x0  }
0xf9: {  	s3 =	rddreg [dreg:$0x2];
	[bflag:$0x3] =	sbarrier.arrive $0xFFFF;
	s2 =	simm.s32 @!p0 $0x1C02  }
0xfa: {  	[timem:s3], [sflag:s2] =	dma.local @!p0 [hbm:s0], s1  }
0xfb: {  	s0 =	simm.s32 @!p0 $0x2  }
0xfc: {  	_ =	swait.ge @!p0 [sflag:s0], s1  }
0xfd: {  	s1 =	ssub.s32 @!p0 $0x0, s1;
	[sflag:s0] =	ssyncset.done @!p0 $0x0  }
0xfe: {  	[sflag:s0] =	ssyncadd.s32 @!p0 s1  }
0xff: {  	[bflag:$0x3] =	sbarrier.arrive $0xFFFF  }
0x100: {  	_ =	shalt  }

// kernel: sparse-core-data-format-call.cloned.1.call-start
scs
called_computation_lowered:
.L_overlay_start_0:
0x0: {  	s2 =	sld [smem:$0x3FD9]  }
0x1: {  	s3 =	sld [smem:$0x3FFE];
	_ =	sdelay $0x1  }
0x2: {  	s1 =	srdreg.scid  }
0x3: {  	s0 =	sand.u32 $0x1, s1  }
0x4: {  	s19 =	sshll.u32 s0, $0xA;
	s2 =	sadd.s32 s3, s2  }
0x5: {  	s2 =	sadd.s32 s2, s19  }
0x6: {  	[smem:$0x3FC6] =	sst s2  }
0x7: {  	_ = 	snop  }
0x8: {  	s2 =	sld [smem:$0x3FC9]  }
0x9: {  	s20 =	sld [smem:$0x3FD0];
	(tm) =	ssettm $0x1  }
0xa: {  	s4 =	sld [smem:$0x3FFB];
	_ =	sdelay $0x3  }
0xb: {  	_ =	strace s4  }
0xc: {  	s4 =	sld [smem:$0x3FFC];
	_ =	sdelay $0x3  }
0xd: {  	_ =	strace s4  }
0xe: {  	s4 =	sld [smem:$0x3FFD];
	_ =	sdelay $0x3  }
0xf: {  	_ =	strace s4  }
0x10: {  	_ =	strace $0x8FFFFFFF  }
0x11: {  	s21 =	sld [smem:$0x3FDB];
	_ =	sdelay $0x1  }
0x12: {  	s5 =	simm.s32 $_scs_section_size  }
0x13: {  	s6 =	simm.s32 $_size__tile_overlayer_lowered;
	s7 =	simm.s32 $_tile_overlayer_lowered  }
0x14: {  	s24 =	simm.s32 $0x1BFF;
	s23 =	sshll.u32 s7, $0x1;
	s4 =	sadd.s32 s5, s21  }
0x15: {  	s8 =	simm.s32 $0x0;
	s22 =	sshll.u32 s6, $0x1;
	s6 =	sadd.s32 s23, s4  }
0x16: {  	[timem:s8], [sflag:s24] =	dma.local [hbm:s6], s22  }
0x17: {  	_ =	swait.ge [sflag:s24], s22  }
0x18: {  	s5 =	ssub.s32 $0x0, s22;
	[sflag:s24] =	ssyncset.done $0x0  }
0x19: {  	[sflag:s24] =	ssyncadd.s32 s5;
	_ =	sdelay $0x1  }
0x1a: {  	s25 =	simm.s32 $0x1B8B  }
0x1b: {  	_ =	swait.ge [sflag:s25], $0x1  }
0x1c: {  	[sflag:s25] =	ssyncset.done $0x0  }
0x1d: {  	s26 =	simm.s32 $0x1B8E;
	[sflag:s25] =	ssyncadd.s32 $0xFFFFFFFF  }
0x1e: {  	s27 =	simm.s32 $execute0_lowered;
	[smem:$0x3FD2] =	sst s26  }
0x1f: {  	s5 =	sshll.u32 s27, $0x1;
	_ =	strace $0x80000046;
	[dreg:$0x1] =	wrdreg $0xFFFFFFFF  }
0x20: {  	s28 =	simm.s32 $_size_execute0_lowered;
	s4 =	sadd.s32 s4, s5;
	[dreg:$0x0] =	wrdreg $0x0  }
0x21: {  	s5 =	sshll.u32 s28, $0x1;
	[dreg:$0x2] =	wrdreg s4  }
0x22: {  	[dreg:$0x3] =	wrdreg s5  }
0x23: {  	[dreg:$0x4] =	wrdreg $0xC0  }
0x24: {  	_ =	task [dreg:s8], $0x5FFFF  }
0x25: {  	[dreg:$0x1] =	wrdreg $0xFFFFFFFF  }
0x26: {  	[dreg:$0x0] =	wrdreg $0x60  }
0x27: {  	[dreg:$0x2] =	wrdreg s2  }
0x28: {  	[dreg:$0x3] =	wrdreg s20  }
0x29: {  	[dreg:$0x4] =	wrdreg $0x9  }
0x2a: {  	_ =	task.clear_ibuf [dreg:s8], $0x5FFFF;
	_ =	strace $0x90000046  }
0x2b: {  	s29 =	simm.s32 $0x9;
	_ =	strace $0x80000048  }
0x2c: {  	_ =	swait.ge [sflag:s29], $0x1  }
0x2d: {  	[sflag:s29] =	ssyncadd.s32 $0xFFFFFFFF  }
0x2e: {  	_ =	strace $0x90000048  }
0x2f: {  	_ =	sfence  }
0x30: {  	s30 =	sld [smem:$0x0];
	_ =	sdelay $0x2  }
0x31: {  	s31 =	sshll.u32 s1, $0xD;
	s1 =	sshrl.u32 s1, $0x2  }
0x32: {  	s3 =	sand.u32 $0x4000, s31;
	s1 =	sadd.s32 s1, s30  }
0x33: {  	s0 =	sor.u32 s3, s0;
	s1 =	sshll.u32 s1, $0x11  }
0x34: {  	s0 =	sor.u32 s1, s0  }
0x35: {  	s0 =	sadd.s32 $0x8F2B, s0  }
0x36: {  	[sflag:s0] =	ssyncadd.remote.s32 $0x1  }
0x37: {  	_ =	sfence.sel $0xFFFF  }
0x38: {  	[dreg:$0x0] =	wrdreg $0xFFFFFFFF;
	(pc) =	sbr.abs _section_cstart, $3  }
0x39: {  	[dreg:$0x1] =	wrdreg $0xFFFFFFFF  }
0x3a: {  	_ =	task.clear_ibuf [dreg:s8], $0x2FFFF;
	_ =	strace $0x9FFFFFFF  }
0x3b: {  	(tm) =	ssettm $0x7FFFFFFF  }
tec
execute0_lowered:
.L_overlay_start_1:
0x0: {  	(tag) =	ssettag $0x1  }
0x1: {  	s2 =	rddreg [dreg:$0x0]  }
0x2: {  	s3 =	rddreg [dreg:$0x1]  }
0x3: {  	s0 =	rddreg [dreg:$0x2];
	_ =	strace $0x80000047  }
0x4: {  	s4 =	srdreg.scid;
	s1 =	stileid.u32;
	s6 =	simm.s32 $0x2  }
.Ltmp0:
0x5: {  	s11 =	simm.s32 $0x0;
	p0 =	por $0x0, $0x0;
	(pc) =	sbr.rel .LBB1_1-.Ltmp0, $4  }
0x6: {  	s7 =	simm.s32 $0x1000;
	s12 =	simm.s32 $0x0;
	s5 =	sshll.u32 s4, $0x4  }
0x7: {  	s9 =	simm.s32 $0x0;
	s4 =	simm.s32 $0x1;
	s5 =	sand.u32 $0x10, s5  }
0x8: {  	s8 =	simm.s32 $0x0;
	[sflag:s4] =	ssyncpa.u1 $0x0;
	s5 =	sor.u32 s1, s5  }
0x9: {  	[sflag:s6] =	ssyncpa.u1 $0x0;
	s6 =	simm.s32 $0x800;
	s10 =	smov.u32 s5  }
.LBB1_7:
0xa: {  	s13 =	sadd.s32 $0x10, s9  }
0xb: {  	s11 =	sadd.s32 $0x20, s10;
	s15 =	smov.u32 s10;
	p2 =	sgt.s32 s13, $0x1F  }
0xc: {  	p1 =	slt.u32 s8, $0x2;
	s15 =	smov.u32 @p2 s11  }
0xd: {  	s8 =	sadd.s32 $0x1, s8;
	s13 =	simm.s32 @p2 $0x0;
	p2 =	sgt.s32 s15, $0x3FF  }
0xe: {  	s15 =	smov.u32 @p2 s5;
	p2 =	sne.s32 s8, $0x42  }
.Ltmp1:
0xf: {  	_ = 	snop;
	(pc) =	sbr.rel @!p2 .LBB1_8-.Ltmp1, $4  }
0x10: {  	s14 =	simm.s32 @!p1 $0x2  }
0x11: {  	s12 =	smov.u32 s10;
	_ =	swait.ge @!p1 [sflag:s14], $0x4000  }
0x12: {  	p0 =	por !p0, !p0;
	s11 =	smov.u32 s9;
	[sflag:s14] =	ssyncset.done @!p1 $0x0  }
0x13: {  	s9 =	smov.u32 s13;
	[sflag:s14] =	ssyncadd.s32 @!p1 $0xFFFFC000;
	s10 =	smov.u32 s15  }
.LBB1_1:
0x14: {  	p1 =	sgt.u32 s8, $0x3F  }
0x15: {  	s13 =	sxor.u32 @!p1 $0xFFFFFFFF, s8;
	s14 =	sshll.u32 @!p1 s10, $0xC  }
0x16: {  	s15 =	sshll.u32 @!p1 s9, $0x7;
	s13 =	sshll.u32 @!p1 s13, $0xE;
	s14 =	sadd.s32 @!p1 s2, s14  }
0x17: {  	s13 =	sand.u32 @!p1 $0x4000, s13;
	s14 =	sadd.s32 @!p1 s15, s14;
	s15 =	simm.s32 @!p1 $0x0  }
0x18: {  	[tilespmem:s13], [sflag:$0x1] =	stream.linear.gather @!p1 [hbm4b:s14+s15], $0x4000, $0x38;
	[tilespmem:$0x10000] =	vst v63  }
0x19: {  	p1 =	seq.s32 s8, $0x0  }
0x1a: {  	p2 =	seq.s32 @!p1 s8, $0x41  }
0x1b: {  	p1 =	por p1, p2  }
.Ltmp2:
0x1c: {  	_ = 	snop;
	(pc) =	sbr.rel @p1 .LBB1_7-.Ltmp2, $1  }
0x1d: {  	_ =	sdelay $0x3  }
0x1e: {  	s13 =	simm.s32 $0x1;
	_ =	swait.ge [sflag:s4], $0x4000;
	s16 =	sshll.u32 s8, $0xE  }
0x1f: {  	s13 =	simm.s32 @!p0 $0x0;
	[sflag:s4] =	ssyncset.done $0x0;
	s31 =	sand.u32 $0x4000, s16  }
0x20: {  	s16 =	simm.s32 $0x0;
	s14 =	sshll.u32 s13, $0xE;
	[sflag:s4] =	ssyncadd.s32 $0xFFFFC000  }
0x21: {  	s13 =	sor.u32 $0x8040, s14;
	s15 =	sor.u32 $0x40, s14;
	s14 =	sor.u32 $0x8000, s31  }
.LBB1_3:
0x22: {  	v0 =	vmov s15;
	_ =	sdelay $0x3  }
0x23: {  	s18 =	simm.s32 $0x0  }
0x24: {  	v6 =	vld.idx.msk [tilespmem:v0+s18+$0x30 ss:$0x1], $0xffff  }
0x25: {  	v7 =	vld.idx.msk [tilespmem:v0+s18+$0xFFFFFFC0 ss:$0x1], $0xffff  }
0x26: {  	v5 =	vld.idx.msk [tilespmem:v0+s18+$0xFFFFFFD0 ss:$0x1], $0xffff  }
0x27: {  	v4 =	vld.idx.msk [tilespmem:v0+s18+$0xFFFFFFE0 ss:$0x1], $0xffff  }
0x28: {  	v3 =	vld.idx.msk [tilespmem:v0+s18+$0xFFFFFFF0 ss:$0x1], $0xffff  }
0x29: {  	v1 =	vld.idx.msk [tilespmem:v0+s18+$0x0 ss:$0x1], $0xffff  }
0x2a: {  	v2 =	vld.idx.msk [tilespmem:v0+s18+$0x10 ss:$0x1], $0xffff;
	[tilespmem:s13+$0x30] =	vst v6  }
0x2b: {  	s17 =	simm.s32 $0x80;
	s19 =	simm.s32 $0x400;
	[tilespmem:s13+$0xFFFFFFC0] =	vst v7;
	v6 =	vld.idx.msk [tilespmem:v0+s18+$0x20 ss:$0x1], $0xffff;
	s18 =	smov.u32 s13  }
.LBB1_4:
0x2c: {  	p1 =	sne.s32 s19, $0xE00;
	v7 =	vld.idx.msk [tilespmem:v0+s17+$0x30 ss:$0x1], $0xffff;
	[tilespmem:s18+$0xFFFFFFD0] =	vst v5  }
0x2d: {  	v8 =	vld.idx.msk [tilespmem:v0+s17+$0xFFFFFFC0 ss:$0x1], $0xffff;
	[tilespmem:s18+$0xFFFFFFE0] =	vst v4  }
0x2e: {  	v5 =	vld.idx.msk [tilespmem:v0+s17+$0xFFFFFFD0 ss:$0x1], $0xffff;
	[tilespmem:s18+$0xFFFFFFF0] =	vst v3  }
.Ltmp3:
0x2f: {  	v4 =	vld.idx.msk [tilespmem:v0+s17+$0xFFFFFFE0 ss:$0x1], $0xffff;
	[tilespmem:s18+$0x0] =	vst v1;
	(pc) =	sbr.rel @p1 .LBB1_4-.Ltmp3, $4  }
0x30: {  	v3 =	vld.idx.msk [tilespmem:v0+s17+$0xFFFFFFF0 ss:$0x1], $0xffff;
	[tilespmem:s18+$0x10] =	vst v2  }
0x31: {  	v1 =	vld.idx.msk [tilespmem:v0+s17+$0x0 ss:$0x1], $0xffff;
	[tilespmem:s18+$0x20] =	vst v6;
	s18 =	sadd.s32 $0x800, s18  }
0x32: {  	v2 =	vld.idx.msk [tilespmem:v0+s17+$0x10 ss:$0x1], $0xffff;
	[tilespmem:s18+$0x30] =	vst v7  }
0x33: {  	[tilespmem:s18+$0xFFFFFFC0] =	vst v8;
	v6 =	vld.idx.msk [tilespmem:v0+s17+$0x20 ss:$0x1], $0xffff;
	s17 =	sshra.s32 s19, $0x2;
	s19 =	sadd.s32 $0x200, s19  }
0x34: {  	_ =	sdelay $0x2  }
0x35: {  	[tilespmem:s18+$0xFFFFFFD0] =	vst v5  }
0x36: {  	v56 =	vld.idx.msk [tilespmem:v0+s17+$0x30 ss:$0x1], $0xffff;
	[tilespmem:s18+$0xFFFFFFE0] =	vst v4  }
0x37: {  	v57 =	vld.idx.msk [tilespmem:v0+s17+$0xFFFFFFC0 ss:$0x1], $0xffff;
	[tilespmem:s18+$0xFFFFFFF0] =	vst v3  }
0x38: {  	v58 =	vld.idx.msk [tilespmem:v0+s17+$0xFFFFFFD0 ss:$0x1], $0xffff;
	[tilespmem:s18+$0x0] =	vst v1  }
0x39: {  	v59 =	vld.idx.msk [tilespmem:v0+s17+$0xFFFFFFE0 ss:$0x1], $0xffff;
	[tilespmem:s18+$0x10] =	vst v2  }
0x3a: {  	v60 =	vld.idx.msk [tilespmem:v0+s17+$0xFFFFFFF0 ss:$0x1], $0xffff;
	s31 =	sadd.s32 $0x800, s18;
	[tilespmem:s18+$0x20] =	vst v6  }
0x3b: {  	v61 =	vld.idx.msk [tilespmem:v0+s17+$0x0 ss:$0x1], $0xffff;
	[tilespmem:s31+$0x30] =	vst v56  }
0x3c: {  	v62 =	vld.idx.msk [tilespmem:v0+s17+$0x10 ss:$0x1], $0xffff;
	s16 =	sadd.s32 $0x1, s16;
	[tilespmem:s31+$0xFFFFFFC0] =	vst v57  }
0x3d: {  	v63 =	vld.idx.msk [tilespmem:v0+s17+$0x20 ss:$0x1], $0xffff;
	p1 =	sne.s32 s16, $0x10;
	[tilespmem:s31+$0xFFFFFFD0] =	vst v58  }
.Ltmp4:
0x3e: {  	[tilespmem:s31+$0xFFFFFFE0] =	vst v59;
	(pc) =	sbr.rel @p1 .LBB1_3-.Ltmp4, $4  }
0x3f: {  	[tilespmem:s31+$0xFFFFFFF0] =	vst v60  }
0x40: {  	[tilespmem:s31+$0x0] =	vst v61  }
0x41: {  	[tilespmem:s31+$0x10] =	vst v62  }
0x42: {  	s13 =	sadd.s32 $0x80, s13;
	s15 =	sadd.s32 $0x400, s15;
	[tilespmem:s31+$0x20] =	vst v63  }
.Ltmp5:
0x43: {  	(pc) =	sbr.rel .LBB1_7-.Ltmp5, $4  }
0x44: {  	s12 =	sshll.u32 s12, $0xC;
	s11 =	sshll.u32 s11, $0x4  }
0x45: {  	s11 =	sand.u32 $0x1F0, s11;
	s12 =	sadd.s32 s3, s12  }
0x46: {  	s11 =	sadd.s32 s11, s12  }
0x47: {  	[hbm4b:s11+s6] =	stream.strided.scatter [tilespmem:s14], [sflag:$0x2], $0x4000, s7, s6, $0x38;
	[tilespmem:$0x10000] =	vst v63  }
.LBB1_8:
0x48: {  	_ =	sfence.sel $0x180000  }
0x49: {  	s2 =	simm.s32 $0x1;
	[bflag:$0x0] =	sbarrier.arrive $0xFFFF  }
0x4a: {  	s31 =	simm.s32 $0x2;
	[sflag:s2] =	ssyncpa.u1 $0x1  }
0x4b: {  	[sflag:s31] =	ssyncpa.u1 $0x1  }
0x4c: {  	p0 =	sne.s32 s1, $0x0;
	_ =	strace $0x90000047  }
0x4d: {  	s0 =	sadd.s32 @!p0 $0x100000, s0;
	[bflag:$0x2] =	sbarrier.arrive $0xFFFF  }
0x4e: {  	[sflag:s0] =	ssyncadd.tile.s32 @!p0 $0x1;
	_ =	shalt  }
.Lfunc_end1:
_tile_overlayer_lowered:
.L_overlay_start_2:
0x4f: {  	(tag) =	ssettag $0x2  }
0x50: {  	s0 =	rddreg [dreg:$0x0];
	s2 =	stileid.u32  }
0x51: {  	s1 =	rddreg [dreg:$0x1];
	p0 =	sne.s32 s2, $0x0  }
0x52: {  	s3 =	rddreg [dreg:$0x2];
	[bflag:$0x3] =	sbarrier.arrive $0xFFFF;
	s2 =	simm.s32 @!p0 $0x1C01  }
0x53: {  	[timem:s3], [sflag:s2] =	dma.local @!p0 [hbm:s0], s1  }
0x54: {  	s0 =	simm.s32 @!p0 $0x1  }
0x55: {  	_ =	swait.ge @!p0 [sflag:s0], s1  }
0x56: {  	s1 =	ssub.s32 @!p0 $0x0, s1;
	[sflag:s0] =	ssyncset.done @!p0 $0x0  }
0x57: {  	[sflag:s0] =	ssyncadd.s32 @!p0 s1  }
0x58: {  	[bflag:$0x3] =	sbarrier.arrive $0xFFFF  }
0x59: {  	_ =	shalt  }

</sc_bundles>
